<compile_context>
chip_gen: v7x
topology: tpu7x:2x2x1
jax: 0.10.2.dev20260603
libtpu: 0.0.44.dev20260713+nightly
codegen_flags: <defaults>
</compile_context>

<pallas_src>
import functools

import jax
import jax.numpy as jnp
from jax import lax
from jax.experimental import pallas as pl
from jax.experimental.pallas import tpu as pltpu
from jax.experimental.pallas import tpu_sc as plsc

B, C, H, W = 8, 3, 152, 152
HW = H * W
CHW = C * HW
K = 50
KPAD = 64
NQ = 4
NCHUNK = CHW // NQ
COLLEN = NCHUNK // 16
NGROUPS = (COLLEN + 15) // 16
NSCAN = (NGROUPS + 15) // 16
NCH = 8
CLIP_LO = 0.0001
CLIP_HI = 1.0 - 0.0001



def _nms_body(x_ref, o_ref):
    x = x_ref[...]
    s = 1.0 / (1.0 + jnp.exp(-x))
    s = jnp.clip(s, CLIP_LO, CLIP_HI)
    negh = jnp.full((B, C, 1, W), -1.0, s.dtype)
    up = jnp.concatenate([s[:, :, 1:, :], negh], axis=2)
    dn = jnp.concatenate([negh, s[:, :, :-1, :]], axis=2)
    m = jnp.maximum(jnp.maximum(s, up), dn)
    negw = jnp.full((B, C, H, 1), -1.0, s.dtype)
    lf = jnp.concatenate([m[:, :, :, 1:], negw], axis=3)
    rt = jnp.concatenate([negw, m[:, :, :, :-1]], axis=3)
    m = jnp.maximum(jnp.maximum(m, lf), rt)
    o_ref[...] = jnp.where(m == s, s, 0.0)


_nms_call = pl.pallas_call(
    _nms_body,
    out_shape=jax.ShapeDtypeStruct((B, C, H, W), jnp.float32),
    grid=(1,),
    in_specs=[pl.BlockSpec((B, C, H, W), lambda i: (0, 0, 0, 0))],
    out_specs=pl.BlockSpec((B, C, H, W), lambda i: (0, 0, 0, 0)),
)



def _sigmoid_clip(x):
    s = 1.0 / (1.0 + jnp.exp(-x))
    return jnp.clip(s, CLIP_LO, CLIP_HI)


def _sc_body(scores_hbm, xy_hbm, rot_hbm, z_hbm, dim_hbm, out_hbm,
             arr, gm, lsc, lgi, shsc, shgi, csc, cgi, gidxb, gfeat, det, sem):
    c = lax.axis_index("c")
    s = lax.axis_index("s")
    b = c * (B // 2) + s // NQ
    q = s % NQ
    iota = lax.iota(jnp.int32, 16)
    neg1 = jnp.full((16,), -1.0, jnp.float32)
    big = jnp.full((16,), 1 << 30, jnp.int32)
    lane0 = iota == 0

    pltpu.sync_copy(scores_hbm.at[pl.ds(b * CHW + q * NCHUNK, NCHUNK)], arr)

    for v in range(KPAD // 16):
        lsc[pl.ds(v * 16, 16)] = neg1
        lgi[pl.ds(v * 16, 16)] = jnp.zeros((16,), jnp.int32)

    col_base = iota * COLLEN
    nchunk_m1 = jnp.full((16,), NCHUNK - 1, jnp.int32)
    collen_v = jnp.full((16,), COLLEN, jnp.int32)

    def grp_body(g, M):
        gb = col_base + g * 16
        acc = neg1
        for j in range(16):
            v = plsc.load_gather(arr, [gb + j])
            acc = jnp.maximum(acc, v)
        gm[pl.ds(g * 16, 16)] = acc
        return jnp.maximum(M, acc)

    M = lax.fori_loop(0, NGROUPS - 1, grp_body, neg1)
    gb = col_base + (NGROUPS - 1) * 16
    acc = neg1
    for j in range(COLLEN - (NGROUPS - 1) * 16):
        v = plsc.load_gather(arr, [gb + j])
        acc = jnp.maximum(acc, v)
    gm[pl.ds((NGROUPS - 1) * 16, 16)] = acc
    M = jnp.maximum(M, acc)

    def extract_body(i, M):
        m = jnp.max(M)
        mv = jnp.broadcast_to(m, (16,))
        l0v = plsc.all_reduce_ffs(M == mv)

        mink = big
        max2 = neg1
        cnt = jnp.zeros((16,), jnp.int32)
        one_i = jnp.full((16,), 1, jnp.int32)
        zero_i = jnp.zeros((16,), jnp.int32)
        for u in range(NSCAN):
            kk = iota + u * 16
            gidx = jnp.minimum(kk, NGROUPS - 1) * 16 + l0v
            v = plsc.load_gather(gm, [gidx])
            valid = kk < NGROUPS
            hit = (v == mv) & valid
            mink = jnp.minimum(mink, jnp.where(hit, kk, big))
            max2 = jnp.maximum(max2, jnp.where(hit | ~valid, neg1, v))
            cnt = cnt + jnp.where(hit, one_i, zero_i)
        k0 = jnp.min(mink)
        k0v = jnp.broadcast_to(k0, (16,))
        ndup = jnp.sum(cnt)

        tt = k0v * 16 + iota
        eidx = jnp.minimum(l0v * COLLEN + tt, nchunk_m1)
        v = plsc.load_gather(arr, [eidx])
        hit = (v == mv) & (tt < collen_v)
        j0v = plsc.all_reduce_ffs(hit)
        posv = l0v * COLLEN + k0v * 16 + j0v

        iv = jnp.broadcast_to(i, (16,))
        plsc.store_scatter(lsc, [iv], mv, mask=lane0)
        plsc.store_scatter(lgi, [iv], q * NCHUNK + posv, mask=lane0)

        plsc.store_scatter(arr, [posv], neg1, mask=lane0)
        v2 = plsc.load_gather(arr, [eidx])
        v2 = jnp.where(tt < collen_v, v2, neg1)
        gnv = jnp.broadcast_to(jnp.max(v2), (16,))
        plsc.store_scatter(gm, [k0v * 16 + l0v], gnv, mask=lane0)

        cmv = jnp.maximum(jnp.broadcast_to(jnp.max(max2), (16,)), gnv)
        cmv = jnp.where(jnp.broadcast_to(ndup >= 2, (16,)), mv, cmv)
        return jnp.where(iota == l0v, cmv, M)

    lax.fori_loop(0, K, extract_body, M)

    pltpu.sync_copy(lsc, shsc.at[pl.ds(s * KPAD, KPAD)])
    pltpu.sync_copy(lgi, shgi.at[pl.ds(s * KPAD, KPAD)])
    plsc.subcore_barrier()

    @pl.when(q == 0)
    def _leader():
        for j in range(NQ):
            pltpu.sync_copy(shsc.at[pl.ds((s + j) * KPAD, KPAD)],
                            csc.at[pl.ds(j * KPAD, KPAD)])
            pltpu.sync_copy(shgi.at[pl.ds((s + j) * KPAD, KPAD)],
                            cgi.at[pl.ds(j * KPAD, KPAD)])

        def merge_body(i, heads):
            hpos = iota * KPAD + heads
            v = plsc.load_gather(csc, [jnp.minimum(hpos, NQ * KPAD - 1)])
            v = jnp.where(iota < jnp.full((16,), NQ, jnp.int32), v, neg1)
            mx = jnp.max(v)
            mxv = jnp.broadcast_to(mx, (16,))
            j0 = jnp.min(jnp.where(v == mxv, iota, big))
            j0v = jnp.broadcast_to(j0, (16,))
            h0 = jnp.min(jnp.where(iota == j0v, heads, big))
            posv = j0v * KPAD + jnp.broadcast_to(h0, (16,))

            gv = plsc.load_gather(cgi, [posv])
            iv = jnp.broadcast_to(i, (16,))
            plsc.store_scatter(lsc, [iv], mxv, mask=lane0)
            plsc.store_scatter(lgi, [iv], gv, mask=lane0)
            return jnp.where(iota == j0v, heads + 1, heads)

        lax.fori_loop(0, K, merge_body, jnp.zeros((16,), jnp.int32))

        srcs = [(xy_hbm, 2, 0), (xy_hbm, 2, 1), (rot_hbm, 2, 0), (rot_hbm, 2, 1),
                (z_hbm, 1, 0), (dim_hbm, 3, 0), (dim_hbm, 3, 1), (dim_hbm, 3, 2)]
        for v in range(KPAD // 16):
            g_v = lgi[pl.ds(v * 16, 16)]
            hw_v = g_v % HW
            for ch, (_, nch, cin) in enumerate(srcs):
                gidxb[pl.ds(ch * KPAD + v * 16, 16)] = (b * nch + cin) * HW + hw_v

        copies = [pltpu.async_copy(ref.at[gidxb.at[pl.ds(ch * KPAD, KPAD)]],
                                   gfeat.at[pl.ds(ch * KPAD, KPAD)], sem)
                  for ch, (ref, _, _) in enumerate(srcs)]
        for cp in copies:
            cp.wait()

        for v in range(KPAD // 16):
            lanes = iota + v * 16
            ok = lanes < K
            sc_v = lsc[pl.ds(v * 16, 16)]
            g_v = lgi[pl.ds(v * 16, 16)]
            cls_v = (g_v // HW).astype(jnp.float32)
            hw_v = g_v % HW
            row_v = (hw_v // W).astype(jnp.float32)
            col_v = (hw_v % W).astype(jnp.float32)
            offx = _sigmoid_clip(gfeat[pl.ds(0 * KPAD + v * 16, 16)])
            offy = _sigmoid_clip(gfeat[pl.ds(1 * KPAD + v * 16, 16)])
            cols = [sc_v, col_v + offx, row_v + offy,
                    gfeat[pl.ds(4 * KPAD + v * 16, 16)],
                    gfeat[pl.ds(5 * KPAD + v * 16, 16)],
                    gfeat[pl.ds(6 * KPAD + v * 16, 16)],
                    gfeat[pl.ds(7 * KPAD + v * 16, 16)],
                    gfeat[pl.ds(2 * KPAD + v * 16, 16)],
                    gfeat[pl.ds(3 * KPAD + v * 16, 16)],
                    cls_v]
            for cc, val in enumerate(cols):
                plsc.store_scatter(det, [lanes * 10 + cc], val, mask=ok)

        pltpu.sync_copy(det, out_hbm.at[pl.ds(b * 512, 512)])


_sc_call = functools.partial(
    pl.kernel,
    out_type=jax.ShapeDtypeStruct((B * 512,), jnp.float32),
    mesh=plsc.VectorSubcoreMesh(core_axis_name="c", subcore_axis_name="s",
                                num_cores=2, num_subcores=16),
    compiler_params=pltpu.CompilerParams(needs_layout_passes=False),
    scratch_types=[
        pltpu.VMEM((NCHUNK,), jnp.float32),
        pltpu.VMEM((NGROUPS * 16,), jnp.float32),
        pltpu.VMEM((KPAD,), jnp.float32),
        pltpu.VMEM((KPAD,), jnp.int32),
        pltpu.VMEM_SHARED((16 * KPAD,), jnp.float32),
        pltpu.VMEM_SHARED((16 * KPAD,), jnp.int32),
        pltpu.VMEM((NQ * KPAD,), jnp.float32),
        pltpu.VMEM((NQ * KPAD,), jnp.int32),
        pltpu.VMEM((NCH * KPAD,), jnp.int32),
        pltpu.VMEM((NCH * KPAD,), jnp.float32),
        pltpu.VMEM((512,), jnp.float32),
        pltpu.SemaphoreType.DMA,
    ],
)(_sc_body)


def kernel(cls_preds, xy_preds, rot_preds, z_preds, dim_preds, K_arg):
    scores = _nms_call(cls_preds).reshape(B * CHW)
    det = _sc_call(scores, xy_preds.reshape(-1), rot_preds.reshape(-1),
                   z_preds.reshape(-1), dim_preds.reshape(-1))
    out = det.reshape(B, 512)[:, :K * 10].reshape(B, K, 10)
    one = jnp.asarray(K_arg // K_arg, dtype=out.dtype)
    return out * one

# --- scband reference (transcript-rebuilt; emitter-appended) ---
"""Pipeline reference for scband-anchor-free-single-v2-35407710388836 (READ-ONLY COPY).

The authoritative reference and input builder live on the scoring server;
editing this copy changes nothing except your own understanding.
"""

import jax, jax.numpy as jnp
import numpy as np


def _sigmoid(x):
    return jnp.clip(jax.nn.sigmoid(x), 0.0001, 1 - 0.0001)


def _nms(heat, kernel=3):
    hmax = jax.lax.reduce_window(heat, -jnp.inf, jax.lax.max,
                                 (1, 1, kernel, kernel), (1, 1, 1, 1), 'SAME')
    keep = (hmax == heat).astype(heat.dtype)
    return heat * keep


def _topk(scores, K):
    B, C, H, W = scores.shape
    topk_scores, topk_inds = jax.lax.top_k(scores.reshape(B, C, H * W), K)
    topk_inds = topk_inds % (H * W)
    topk_row = (topk_inds // W).astype(jnp.float32)
    topk_col = (topk_inds % W).astype(jnp.float32)
    topk_score, topk_ind = jax.lax.top_k(topk_scores.reshape(B, C * K), K)
    topk_clses = (topk_ind // K).astype(jnp.int32)
    topk_inds_g = jnp.take_along_axis(topk_inds.reshape(B, C * K), topk_ind, axis=1)
    topk_row_g = jnp.take_along_axis(topk_row.reshape(B, C * K), topk_ind, axis=1)
    topk_col_g = jnp.take_along_axis(topk_col.reshape(B, C * K), topk_ind, axis=1)
    return topk_score, topk_inds_g, topk_clses, topk_row_g, topk_col_g


def _transpose_and_gather_feat(feat, ind):
    B, Cc, H, W = feat.shape
    feat = feat.transpose(0, 2, 3, 1).reshape(B, H * W, Cc)
    K = ind.shape[1]
    idx = jnp.broadcast_to(ind[:, :, None], (B, K, Cc))
    return jnp.take_along_axis(feat, idx, axis=1)


def decode(hm_cen, cen_offset, direction, z_coor, dim, K):
    B = hm_cen.shape[0]
    hm_cen = _nms(hm_cen)
    scores, inds, clses, row, col = _topk(hm_cen, K)
    off = _transpose_and_gather_feat(cen_offset, inds).reshape(B, K, 2)
    col = col.reshape(B, K, 1) + off[:, :, 0:1]
    row = row.reshape(B, K, 1) + off[:, :, 1:2]
    direction = _transpose_and_gather_feat(direction, inds).reshape(B, K, 2)
    z_coor = _transpose_and_gather_feat(z_coor, inds).reshape(B, K, 1)
    dim = _transpose_and_gather_feat(dim, inds).reshape(B, K, 3)
    clses = clses.reshape(B, K, 1).astype(jnp.float32)
    scores = scores.reshape(B, K, 1)
    detections = jnp.concatenate([scores, col, row, z_coor, dim, direction, clses], axis=2)
    return detections


def setup_inputs(seed: int = 0) -> dict:
    key = jax.random.key(seed)
    ks = jax.random.split(key, 5)
    B, H, W = 8, 152, 152
    return {
        'cls_preds': jax.random.normal(ks[0], (B, 3, H, W), dtype=jnp.float32),
        'xy_preds': jax.random.normal(ks[1], (B, 2, H, W), dtype=jnp.float32),
        'rot_preds': jax.random.normal(ks[2], (B, 2, H, W), dtype=jnp.float32),
        'z_preds': jax.random.normal(ks[3], (B, 1, H, W), dtype=jnp.float32),
        'dim_preds': jax.random.normal(ks[4], (B, 3, H, W), dtype=jnp.float32),
        'K': 50,
    }


def reference(cls_preds, xy_preds, rot_preds, z_preds, dim_preds, K):
    hm = _sigmoid(cls_preds)
    off = _sigmoid(xy_preds)
    detections = decode(hm, off, rot_preds, z_preds, dim_preds, 50)
    one = jnp.asarray(K // K, dtype=detections.dtype)
    return detections * one

if __name__ == "__main__":
    import jax
    _d = setup_inputs()
    print(jax.jit(kernel)(*tuple(_d.values())))

</pallas_src>

<mosaic_0001>
#map = affine_map<(d0, d1) -> (0)>
module attributes {stable_mosaic.version = 14 : i64} {
  func.func @_sc_body(%arg0: i32, %arg1: i32, %arg2: memref<554496xf32, #tpu.memory_space<hbm>>, %arg3: memref<369664xf32, #tpu.memory_space<hbm>>, %arg4: memref<369664xf32, #tpu.memory_space<hbm>>, %arg5: memref<184832xf32, #tpu.memory_space<hbm>>, %arg6: memref<554496xf32, #tpu.memory_space<hbm>>, %arg7: memref<4096xf32, #tpu.memory_space<hbm>>, %arg8: memref<17328xf32, #tpu.memory_space<vmem>>, %arg9: memref<1088xf32, #tpu.memory_space<vmem>>, %arg10: memref<64xf32, #tpu.memory_space<vmem>>, %arg11: memref<64xi32, #tpu.memory_space<vmem>>, %arg12: memref<1024xf32, #tpu.memory_space<vmem_shared>>, %arg13: memref<1024xi32, #tpu.memory_space<vmem_shared>>, %arg14: memref<256xf32, #tpu.memory_space<vmem>>, %arg15: memref<256xi32, #tpu.memory_space<vmem>>, %arg16: memref<512xi32, #tpu.memory_space<vmem>>, %arg17: memref<512xf32, #tpu.memory_space<vmem>>, %arg18: memref<512xf32, #tpu.memory_space<vmem>>, %arg19: memref<!tpu.dma_semaphore, #tpu.memory_space<semaphore_mem>>) attributes {dimension_semantics = [#tpu.dimension_semantics<core_parallel>, #tpu.dimension_semantics<subcore_parallel>], iteration_bounds = array<i64: 2, 16>, scalar_prefetch = 0 : i64, scratch_operands = 12 : i64, tpu.core_type = #tpu.core_type<sc_vector_subcore>, window_params = [{transform_indices = #map}, {transform_indices = #map}, {transform_indices = #map}, {transform_indices = #map}, {transform_indices = #map}, {transform_indices = #map}]} {
    %mul3A = arith.constant 4 : i32
    %mul3A_0 = arith.muli %arg0, %mul3A : i32
    %jit3A = arith.constant 4 : i32
    %div3A = arith.divsi %arg1, %jit3A : i32
    %sign3A = arith.constant 0 : i32
    %sign3A_1 = arith.cmpi sgt, %arg1, %sign3A : i32
    %sign3A_2 = arith.extui %sign3A_1 : i1 to i32
    %sign3A_3 = arith.constant 0 : i32
    %sign3A_4 = arith.cmpi slt, %arg1, %sign3A_3 : i32
    %sign3A_5 = arith.extui %sign3A_4 : i1 to i32
    %sign3A_6 = arith.subi %sign3A_2, %sign3A_5 : i32
    %sign3A_7 = arith.constant 0 : i32
    %sign3A_8 = arith.cmpi sgt, %jit3A, %sign3A_7 : i32
    %sign3A_9 = arith.extui %sign3A_8 : i1 to i32
    %sign3A_10 = arith.constant 0 : i32
    %sign3A_11 = arith.cmpi slt, %jit3A, %sign3A_10 : i32
    %sign3A_12 = arith.extui %sign3A_11 : i1 to i32
    %sign3A_13 = arith.subi %sign3A_9, %sign3A_12 : i32
    %ne3A = arith.cmpi ne, %sign3A_6, %sign3A_13 : i32
    %rem3A = arith.remsi %arg1, %jit3A : i32
    %ne3A_14 = arith.constant 0 : i32
    %ne3A_15 = arith.cmpi ne, %rem3A, %ne3A_14 : i32
    %and3A = arith.andi %ne3A, %ne3A_15 : i1
    %sub3A = arith.constant 1 : i32
    %sub3A_16 = arith.subi %div3A, %sub3A : i32
    %select_n3A = arith.select %and3A, %sub3A_16, %div3A : i32
    %add3A = arith.addi %mul3A_0, %select_n3A : i32
    %jit3A_17 = arith.constant 4 : i32
    %eq3A = arith.constant 0 : i32
    %eq3A_18 = arith.cmpi eq, %jit3A_17, %eq3A : i32
    %jit3A_19 = arith.constant 1 : i32
    %select_n3A_20 = arith.select %eq3A_18, %jit3A_19, %jit3A_17 : i32
    %rem3A_21 = arith.remsi %arg1, %select_n3A_20 : i32
    %ne3A_22 = arith.constant 0 : i32
    %ne3A_23 = arith.cmpi ne, %rem3A_21, %ne3A_22 : i32
    %lt3A = arith.constant 0 : i32
    %lt3A_24 = arith.cmpi slt, %rem3A_21, %lt3A : i32
    %lt3A_25 = arith.constant 0 : i32
    %lt3A_26 = arith.cmpi slt, %select_n3A_20, %lt3A_25 : i32
    %ne3A_27 = arith.xori %lt3A_24, %lt3A_26 : i1
    %and3A_28 = arith.andi %ne3A_27, %ne3A_23 : i1
    %add3A_29 = arith.addi %rem3A_21, %select_n3A_20 : i32
    %select_n3A_30 = arith.select %and3A_28, %add3A_29, %rem3A_21 : i32
    %iota3A = tpu.iota {dimensions = array<i32: 0>} : vector<16xi32>
    %broadcast_in_dim3A = arith.constant -1.000000e+00 : f32
    %broadcast_in_dim3A_31 = vector.broadcast %broadcast_in_dim3A : f32 to vector<16xf32>
    %broadcast_in_dim3A_32 = arith.constant 1073741824 : i32
    %broadcast_in_dim3A_33 = vector.broadcast %broadcast_in_dim3A_32 : i32 to vector<16xi32>
    %eq3A_34 = arith.constant 0 : i32
    %eq3A_35 = vector.broadcast %eq3A_34 : i32 to vector<16xi32>
    %eq3A_36 = arith.cmpi eq, %iota3A, %eq3A_35 : vector<16xi32>
    %mul3A_37 = arith.constant 69312 : i32
    %mul3A_38 = arith.muli %add3A, %mul3A_37 : i32
    %mul3A_39 = arith.constant 17328 : i32
    %mul3A_40 = arith.muli %select_n3A_30, %mul3A_39 : i32
    %add3A_41 = arith.addi %mul3A_38, %mul3A_40 : i32
    "tpu.region"() ({
      %run_scoped3A = tpu.sem_alloc : memref<!tpu.dma_semaphore, #tpu.memory_space<semaphore_mem>>
      %dma_start3A = tpu.memref_slice %arg2[%add3A_41] : memref<554496xf32, #tpu.memory_space<hbm>> -> memref<17328xf32, #tpu.memory_space<hbm>>
      %dma_start3A_149 = tpu.memref_slice %arg2[%add3A_41] : memref<554496xf32, #tpu.memory_space<hbm>> -> memref<17328xf32, #tpu.memory_space<hbm>>
      tpu.enqueue_dma source(%dma_start3A_149 : memref<17328xf32, #tpu.memory_space<hbm>>) target(%arg8 : memref<17328xf32, #tpu.memory_space<vmem>>) target_semaphore(%run_scoped3A : memref<!tpu.dma_semaphore, #tpu.memory_space<semaphore_mem>>)
      %dma_wait3A = tpu.memref_slice %arg2[%add3A_41] : memref<554496xf32, #tpu.memory_space<hbm>> -> memref<17328xf32, #tpu.memory_space<hbm>>
      %dma_wait3A_150 = tpu.memref_slice %arg2[%add3A_41] : memref<554496xf32, #tpu.memory_space<hbm>> -> memref<17328xf32, #tpu.memory_space<hbm>>
      tpu.wait_dma2 semaphore(%run_scoped3A : memref<!tpu.dma_semaphore, #tpu.memory_space<semaphore_mem>>) src(%dma_wait3A_150 : memref<17328xf32, #tpu.memory_space<hbm>>) dst(%arg8 : memref<17328xf32, #tpu.memory_space<vmem>>)
      tpu.yield
    }) : () -> ()
    %swap3A = arith.constant 0 : index
    %swap3A_42 = tpu.vector_load %arg10[%swap3A] {strides = array<i32>} : memref<64xf32, #tpu.memory_space<vmem>>, vector<16xf32>,
    tpu.vector_store %arg10[%swap3A], %broadcast_in_dim3A_31 {strides = array<i32>} : memref<64xf32, #tpu.memory_space<vmem>>, vector<16xf32>,
    %broadcast_in_dim3A_43 = arith.constant 0 : i32
    %broadcast_in_dim3A_44 = vector.broadcast %broadcast_in_dim3A_43 : i32 to vector<16xi32>
    %swap3A_45 = arith.constant 0 : index
    %swap3A_46 = tpu.vector_load %arg11[%swap3A_45] {strides = array<i32>} : memref<64xi32, #tpu.memory_space<vmem>>, vector<16xi32>,
    tpu.vector_store %arg11[%swap3A_45], %broadcast_in_dim3A_44 {strides = array<i32>} : memref<64xi32, #tpu.memory_space<vmem>>, vector<16xi32>,
    %swap3A_47 = arith.constant 16 : index
    %swap3A_48 = tpu.vector_load %arg10[%swap3A_47] {strides = array<i32>} : memref<64xf32, #tpu.memory_space<vmem>>, vector<16xf32>,
    tpu.vector_store %arg10[%swap3A_47], %broadcast_in_dim3A_31 {strides = array<i32>} : memref<64xf32, #tpu.memory_space<vmem>>, vector<16xf32>,
    %broadcast_in_dim3A_49 = arith.constant 0 : i32
    %broadcast_in_dim3A_50 = vector.broadcast %broadcast_in_dim3A_49 : i32 to vector<16xi32>
    %swap3A_51 = arith.constant 16 : index
    %swap3A_52 = tpu.vector_load %arg11[%swap3A_51] {strides = array<i32>} : memref<64xi32, #tpu.memory_space<vmem>>, vector<16xi32>,
    tpu.vector_store %arg11[%swap3A_51], %broadcast_in_dim3A_50 {strides = array<i32>} : memref<64xi32, #tpu.memory_space<vmem>>, vector<16xi32>,
    %swap3A_53 = arith.constant 32 : index
    %swap3A_54 = tpu.vector_load %arg10[%swap3A_53] {strides = array<i32>} : memref<64xf32, #tpu.memory_space<vmem>>, vector<16xf32>,
    tpu.vector_store %arg10[%swap3A_53], %broadcast_in_dim3A_31 {strides = array<i32>} : memref<64xf32, #tpu.memory_space<vmem>>, vector<16xf32>,
    %broadcast_in_dim3A_55 = arith.constant 0 : i32
    %broadcast_in_dim3A_56 = vector.broadcast %broadcast_in_dim3A_55 : i32 to vector<16xi32>
    %swap3A_57 = arith.constant 32 : index
    %swap3A_58 = tpu.vector_load %arg11[%swap3A_57] {strides = array<i32>} : memref<64xi32, #tpu.memory_space<vmem>>, vector<16xi32>,
    tpu.vector_store %arg11[%swap3A_57], %broadcast_in_dim3A_56 {strides = array<i32>} : memref<64xi32, #tpu.memory_space<vmem>>, vector<16xi32>,
    %swap3A_59 = arith.constant 48 : index
    %swap3A_60 = tpu.vector_load %arg10[%swap3A_59] {strides = array<i32>} : memref<64xf32, #tpu.memory_space<vmem>>, vector<16xf32>,
    tpu.vector_store %arg10[%swap3A_59], %broadcast_in_dim3A_31 {strides = array<i32>} : memref<64xf32, #tpu.memory_space<vmem>>, vector<16xf32>,
    %broadcast_in_dim3A_61 = arith.constant 0 : i32
    %broadcast_in_dim3A_62 = vector.broadcast %broadcast_in_dim3A_61 : i32 to vector<16xi32>
    %swap3A_63 = arith.constant 48 : index
    %swap3A_64 = tpu.vector_load %arg11[%swap3A_63] {strides = array<i32>} : memref<64xi32, #tpu.memory_space<vmem>>, vector<16xi32>,
    tpu.vector_store %arg11[%swap3A_63], %broadcast_in_dim3A_62 {strides = array<i32>} : memref<64xi32, #tpu.memory_space<vmem>>, vector<16xi32>,
    %mul3A_65 = arith.constant 1083 : i32
    %mul3A_66 = vector.broadcast %mul3A_65 : i32 to vector<16xi32>
    %mul3A_67 = arith.muli %iota3A, %mul3A_66 : vector<16xi32>
    %broadcast_in_dim3A_68 = arith.constant 17327 : i32
    %broadcast_in_dim3A_69 = vector.broadcast %broadcast_in_dim3A_68 : i32 to vector<16xi32>
    %broadcast_in_dim3A_70 = arith.constant 1083 : i32
    %broadcast_in_dim3A_71 = vector.broadcast %broadcast_in_dim3A_70 : i32 to vector<16xi32>
    %scan3A = arith.constant 0 : i32
    %scan3A_72 = arith.constant 67 : i32
    %scan3A_73 = arith.addi %scan3A, %scan3A_72 : i32
    %scan3A_74 = arith.constant 1 : i32
    %scan3A_75 = scf.for %scan3A_149 = %scan3A to %scan3A_73 step %scan3A_74 iter_args(%scan3A_150 = %broadcast_in_dim3A_31) -> (vector<16xf32>)  : i32 {
      %mul3A_151 = arith.constant 16 : i32
      %mul3A_152 = arith.muli %scan3A_149, %mul3A_151 : i32
      %add3A_153 = vector.broadcast %mul3A_152 : i32 to vector<16xi32>
      %add3A_154 = arith.addi %mul3A_67, %add3A_153 : vector<16xi32>
      %add3A_155 = arith.constant 0 : i32
      %add3A_156 = vector.broadcast %add3A_155 : i32 to vector<16xi32>
      %add3A_157 = arith.addi %add3A_154, %add3A_156 : vector<16xi32>
      %gather3A_158 = tpu.vector_load_idx %arg8[%add3A_157] : memref<17328xf32, #tpu.memory_space<vmem>>[vector<16xi32>], vector<16xf32>,
      %max3A_159 = arith.maximumf %broadcast_in_dim3A_31, %gather3A_158 : vector<16xf32>
      %add3A_160 = arith.constant 1 : i32
      %add3A_161 = vector.broadcast %add3A_160 : i32 to vector<16xi32>
      %add3A_162 = arith.addi %add3A_154, %add3A_161 : vector<16xi32>
      %gather3A_163 = tpu.vector_load_idx %arg8[%add3A_162] : memref<17328xf32, #tpu.memory_space<vmem>>[vector<16xi32>], vector<16xf32>,
      %max3A_164 = arith.maximumf %max3A_159, %gather3A_163 : vector<16xf32>
      %add3A_165 = arith.constant 2 : i32
      %add3A_166 = vector.broadcast %add3A_165 : i32 to vector<16xi32>
      %add3A_167 = arith.addi %add3A_154, %add3A_166 : vector<16xi32>
      %gather3A_168 = tpu.vector_load_idx %arg8[%add3A_167] : memref<17328xf32, #tpu.memory_space<vmem>>[vector<16xi32>], vector<16xf32>,
      %max3A_169 = arith.maximumf %max3A_164, %gather3A_168 : vector<16xf32>
      %add3A_170 = arith.constant 3 : i32
      %add3A_171 = vector.broadcast %add3A_170 : i32 to vector<16xi32>
      %add3A_172 = arith.addi %add3A_154, %add3A_171 : vector<16xi32>
      %gather3A_173 = tpu.vector_load_idx %arg8[%add3A_172] : memref<17328xf32, #tpu.memory_space<vmem>>[vector<16xi32>], vector<16xf32>,
      %max3A_174 = arith.maximumf %max3A_169, %gather3A_173 : vector<16xf32>
      %add3A_175 = arith.constant 4 : i32
      %add3A_176 = vector.broadcast %add3A_175 : i32 to vector<16xi32>
      %add3A_177 = arith.addi %add3A_154, %add3A_176 : vector<16xi32>
      %gather3A_178 = tpu.vector_load_idx %arg8[%add3A_177] : memref<17328xf32, #tpu.memory_space<vmem>>[vector<16xi32>], vector<16xf32>,
      %max3A_179 = arith.maximumf %max3A_174, %gather3A_178 : vector<16xf32>
      %add3A_180 = arith.constant 5 : i32
      %add3A_181 = vector.broadcast %add3A_180 : i32 to vector<16xi32>
      %add3A_182 = arith.addi %add3A_154, %add3A_181 : vector<16xi32>
      %gather3A_183 = tpu.vector_load_idx %arg8[%add3A_182] : memref<17328xf32, #tpu.memory_space<vmem>>[vector<16xi32>], vector<16xf32>,
      %max3A_184 = arith.maximumf %max3A_179, %gather3A_183 : vector<16xf32>
      %add3A_185 = arith.constant 6 : i32
      %add3A_186 = vector.broadcast %add3A_185 : i32 to vector<16xi32>
      %add3A_187 = arith.addi %add3A_154, %add3A_186 : vector<16xi32>
      %gather3A_188 = tpu.vector_load_idx %arg8[%add3A_187] : memref<17328xf32, #tpu.memory_space<vmem>>[vector<16xi32>], vector<16xf32>,
      %max3A_189 = arith.maximumf %max3A_184, %gather3A_188 : vector<16xf32>
      %add3A_190 = arith.constant 7 : i32
      %add3A_191 = vector.broadcast %add3A_190 : i32 to vector<16xi32>
      %add3A_192 = arith.addi %add3A_154, %add3A_191 : vector<16xi32>
      %gather3A_193 = tpu.vector_load_idx %arg8[%add3A_192] : memref<17328xf32, #tpu.memory_space<vmem>>[vector<16xi32>], vector<16xf32>,
      %max3A_194 = arith.maximumf %max3A_189, %gather3A_193 : vector<16xf32>
      %add3A_195 = arith.constant 8 : i32
      %add3A_196 = vector.broadcast %add3A_195 : i32 to vector<16xi32>
      %add3A_197 = arith.addi %add3A_154, %add3A_196 : vector<16xi32>
      %gather3A_198 = tpu.vector_load_idx %arg8[%add3A_197] : memref<17328xf32, #tpu.memory_space<vmem>>[vector<16xi32>], vector<16xf32>,
      %max3A_199 = arith.maximumf %max3A_194, %gather3A_198 : vector<16xf32>
      %add3A_200 = arith.constant 9 : i32
      %add3A_201 = vector.broadcast %add3A_200 : i32 to vector<16xi32>
      %add3A_202 = arith.addi %add3A_154, %add3A_201 : vector<16xi32>
      %gather3A_203 = tpu.vector_load_idx %arg8[%add3A_202] : memref<17328xf32, #tpu.memory_space<vmem>>[vector<16xi32>], vector<16xf32>,
      %max3A_204 = arith.maximumf %max3A_199, %gather3A_203 : vector<16xf32>
      %add3A_205 = arith.constant 10 : i32
      %add3A_206 = vector.broadcast %add3A_205 : i32 to vector<16xi32>
      %add3A_207 = arith.addi %add3A_154, %add3A_206 : vector<16xi32>
      %gather3A_208 = tpu.vector_load_idx %arg8[%add3A_207] : memref<17328xf32, #tpu.memory_space<vmem>>[vector<16xi32>], vector<16xf32>,
      %max3A_209 = arith.maximumf %max3A_204, %gather3A_208 : vector<16xf32>
      %add3A_210 = arith.constant 11 : i32
      %add3A_211 = vector.broadcast %add3A_210 : i32 to vector<16xi32>
      %add3A_212 = arith.addi %add3A_154, %add3A_211 : vector<16xi32>
      %gather3A_213 = tpu.vector_load_idx %arg8[%add3A_212] : memref<17328xf32, #tpu.memory_space<vmem>>[vector<16xi32>], vector<16xf32>,
      %max3A_214 = arith.maximumf %max3A_209, %gather3A_213 : vector<16xf32>
      %add3A_215 = arith.constant 12 : i32
      %add3A_216 = vector.broadcast %add3A_215 : i32 to vector<16xi32>
      %add3A_217 = arith.addi %add3A_154, %add3A_216 : vector<16xi32>
      %gather3A_218 = tpu.vector_load_idx %arg8[%add3A_217] : memref<17328xf32, #tpu.memory_space<vmem>>[vector<16xi32>], vector<16xf32>,
      %max3A_219 = arith.maximumf %max3A_214, %gather3A_218 : vector<16xf32>
      %add3A_220 = arith.constant 13 : i32
      %add3A_221 = vector.broadcast %add3A_220 : i32 to vector<16xi32>
      %add3A_222 = arith.addi %add3A_154, %add3A_221 : vector<16xi32>
      %gather3A_223 = tpu.vector_load_idx %arg8[%add3A_222] : memref<17328xf32, #tpu.memory_space<vmem>>[vector<16xi32>], vector<16xf32>,
      %max3A_224 = arith.maximumf %max3A_219, %gather3A_223 : vector<16xf32>
      %add3A_225 = arith.constant 14 : i32
      %add3A_226 = vector.broadcast %add3A_225 : i32 to vector<16xi32>
      %add3A_227 = arith.addi %add3A_154, %add3A_226 : vector<16xi32>
      %gather3A_228 = tpu.vector_load_idx %arg8[%add3A_227] : memref<17328xf32, #tpu.memory_space<vmem>>[vector<16xi32>], vector<16xf32>,
      %max3A_229 = arith.maximumf %max3A_224, %gather3A_228 : vector<16xf32>
      %add3A_230 = arith.constant 15 : i32
      %add3A_231 = vector.broadcast %add3A_230 : i32 to vector<16xi32>
      %add3A_232 = arith.addi %add3A_154, %add3A_231 : vector<16xi32>
      %gather3A_233 = tpu.vector_load_idx %arg8[%add3A_232] : memref<17328xf32, #tpu.memory_space<vmem>>[vector<16xi32>], vector<16xf32>,
      %max3A_234 = arith.maximumf %max3A_229, %gather3A_233 : vector<16xf32>
      %mul3A_235 = arith.constant 16 : i32
      %mul3A_236 = arith.muli %scan3A_149, %mul3A_235 : i32
      %swap3A_237 = arith.index_cast %mul3A_236 : i32 to index
      %swap3A_238 = tpu.vector_load %arg9[%swap3A_237] {strides = array<i32>} : memref<1088xf32, #tpu.memory_space<vmem>>, vector<16xf32>,
      tpu.vector_store %arg9[%swap3A_237], %max3A_234 {strides = array<i32>} : memref<1088xf32, #tpu.memory_space<vmem>>, vector<16xf32>,
      %max3A_239 = arith.maximumf %scan3A_150, %max3A_234 : vector<16xf32>
      scf.yield %max3A_239 : vector<16xf32>
    }
    %scan3A_76 = arith.constant 67 : i32
    %add3A_77 = arith.constant 1072 : i32
    %add3A_78 = vector.broadcast %add3A_77 : i32 to vector<16xi32>
    %add3A_79 = arith.addi %mul3A_67, %add3A_78 : vector<16xi32>
    %add3A_80 = arith.constant 0 : i32
    %add3A_81 = vector.broadcast %add3A_80 : i32 to vector<16xi32>
    %add3A_82 = arith.addi %add3A_79, %add3A_81 : vector<16xi32>
    %gather3A = tpu.vector_load_idx %arg8[%add3A_82] : memref<17328xf32, #tpu.memory_space<vmem>>[vector<16xi32>], vector<16xf32>,
    %max3A = arith.maximumf %broadcast_in_dim3A_31, %gather3A : vector<16xf32>
    %add3A_83 = arith.constant 1 : i32
    %add3A_84 = vector.broadcast %add3A_83 : i32 to vector<16xi32>
    %add3A_85 = arith.addi %add3A_79, %add3A_84 : vector<16xi32>
    %gather3A_86 = tpu.vector_load_idx %arg8[%add3A_85] : memref<17328xf32, #tpu.memory_space<vmem>>[vector<16xi32>], vector<16xf32>,
    %max3A_87 = arith.maximumf %max3A, %gather3A_86 : vector<16xf32>
    %add3A_88 = arith.constant 2 : i32
    %add3A_89 = vector.broadcast %add3A_88 : i32 to vector<16xi32>
    %add3A_90 = arith.addi %add3A_79, %add3A_89 : vector<16xi32>
    %gather3A_91 = tpu.vector_load_idx %arg8[%add3A_90] : memref<17328xf32, #tpu.memory_space<vmem>>[vector<16xi32>], vector<16xf32>,
    %max3A_92 = arith.maximumf %max3A_87, %gather3A_91 : vector<16xf32>
    %add3A_93 = arith.constant 3 : i32
    %add3A_94 = vector.broadcast %add3A_93 : i32 to vector<16xi32>
    %add3A_95 = arith.addi %add3A_79, %add3A_94 : vector<16xi32>
    %gather3A_96 = tpu.vector_load_idx %arg8[%add3A_95] : memref<17328xf32, #tpu.memory_space<vmem>>[vector<16xi32>], vector<16xf32>,
    %max3A_97 = arith.maximumf %max3A_92, %gather3A_96 : vector<16xf32>
    %add3A_98 = arith.constant 4 : i32
    %add3A_99 = vector.broadcast %add3A_98 : i32 to vector<16xi32>
    %add3A_100 = arith.addi %add3A_79, %add3A_99 : vector<16xi32>
    %gather3A_101 = tpu.vector_load_idx %arg8[%add3A_100] : memref<17328xf32, #tpu.memory_space<vmem>>[vector<16xi32>], vector<16xf32>,
    %max3A_102 = arith.maximumf %max3A_97, %gather3A_101 : vector<16xf32>
    %add3A_103 = arith.constant 5 : i32
    %add3A_104 = vector.broadcast %add3A_103 : i32 to vector<16xi32>
    %add3A_105 = arith.addi %add3A_79, %add3A_104 : vector<16xi32>
    %gather3A_106 = tpu.vector_load_idx %arg8[%add3A_105] : memref<17328xf32, #tpu.memory_space<vmem>>[vector<16xi32>], vector<16xf32>,
    %max3A_107 = arith.maximumf %max3A_102, %gather3A_106 : vector<16xf32>
    %add3A_108 = arith.constant 6 : i32
    %add3A_109 = vector.broadcast %add3A_108 : i32 to vector<16xi32>
    %add3A_110 = arith.addi %add3A_79, %add3A_109 : vector<16xi32>
    %gather3A_111 = tpu.vector_load_idx %arg8[%add3A_110] : memref<17328xf32, #tpu.memory_space<vmem>>[vector<16xi32>], vector<16xf32>,
    %max3A_112 = arith.maximumf %max3A_107, %gather3A_111 : vector<16xf32>
    %add3A_113 = arith.constant 7 : i32
    %add3A_114 = vector.broadcast %add3A_113 : i32 to vector<16xi32>
    %add3A_115 = arith.addi %add3A_79, %add3A_114 : vector<16xi32>
    %gather3A_116 = tpu.vector_load_idx %arg8[%add3A_115] : memref<17328xf32, #tpu.memory_space<vmem>>[vector<16xi32>], vector<16xf32>,
    %max3A_117 = arith.maximumf %max3A_112, %gather3A_116 : vector<16xf32>
    %add3A_118 = arith.constant 8 : i32
    %add3A_119 = vector.broadcast %add3A_118 : i32 to vector<16xi32>
    %add3A_120 = arith.addi %add3A_79, %add3A_119 : vector<16xi32>
    %gather3A_121 = tpu.vector_load_idx %arg8[%add3A_120] : memref<17328xf32, #tpu.memory_space<vmem>>[vector<16xi32>], vector<16xf32>,
    %max3A_122 = arith.maximumf %max3A_117, %gather3A_121 : vector<16xf32>
    %add3A_123 = arith.constant 9 : i32
    %add3A_124 = vector.broadcast %add3A_123 : i32 to vector<16xi32>
    %add3A_125 = arith.addi %add3A_79, %add3A_124 : vector<16xi32>
    %gather3A_126 = tpu.vector_load_idx %arg8[%add3A_125] : memref<17328xf32, #tpu.memory_space<vmem>>[vector<16xi32>], vector<16xf32>,
    %max3A_127 = arith.maximumf %max3A_122, %gather3A_126 : vector<16xf32>
    %add3A_128 = arith.constant 10 : i32
    %add3A_129 = vector.broadcast %add3A_128 : i32 to vector<16xi32>
    %add3A_130 = arith.addi %add3A_79, %add3A_129 : vector<16xi32>
    %gather3A_131 = tpu.vector_load_idx %arg8[%add3A_130] : memref<17328xf32, #tpu.memory_space<vmem>>[vector<16xi32>], vector<16xf32>,
    %max3A_132 = arith.maximumf %max3A_127, %gather3A_131 : vector<16xf32>
    %swap3A_133 = arith.constant 1072 : index
    %swap3A_134 = tpu.vector_load %arg9[%swap3A_133] {strides = array<i32>} : memref<1088xf32, #tpu.memory_space<vmem>>, vector<16xf32>,
    tpu.vector_store %arg9[%swap3A_133], %max3A_132 {strides = array<i32>} : memref<1088xf32, #tpu.memory_space<vmem>>, vector<16xf32>,
    %max3A_135 = arith.maximumf %scan3A_75, %max3A_132 : vector<16xf32>
    %scan3A_136 = arith.constant 0 : i32
    %scan3A_137 = arith.constant 50 : i32
    %scan3A_138 = arith.addi %scan3A_136, %scan3A_137 : i32
    %scan3A_139 = arith.constant 1 : i32
    %scan3A_140 = scf.for %scan3A_149 = %scan3A_136 to %scan3A_138 step %scan3A_139 iter_args(%scan3A_150 = %max3A_135) -> (vector<16xf32>)  : i32 {
      %reduce_max3A = arith.constant true
      %reduce_max3A_151 = vector.broadcast %reduce_max3A : i1 to vector<16xi1>
      %reduce_max3A_152 = tpu.scan <max>, %scan3A_150 masked %reduce_max3A_151 : vector<16xf32>, vector<16xi1> -> vector<16xf32>
      %reduce_max3A_153 = vector.extract %reduce_max3A_152[15] : f32 from vector<16xf32>
      %broadcast_in_dim3A_154 = vector.broadcast %reduce_max3A_153 : f32 to vector<16xf32>
      %eq3A_155 = arith.cmpf oeq, %scan3A_150, %broadcast_in_dim3A_154 : vector<16xf32>
      %all_reduce_ffs3A = tpu.all_reduce %eq3A_155 {dim = 0 : i64, kind = #tpu.reduction_kind<find_first_set>} : vector<16xi1> -> vector<16xi32>
      %broadcast_in_dim3A_156 = arith.constant 0 : i32
      %broadcast_in_dim3A_157 = vector.broadcast %broadcast_in_dim3A_156 : i32 to vector<16xi32>
      %broadcast_in_dim3A_158 = arith.constant 1 : i32
      %broadcast_in_dim3A_159 = vector.broadcast %broadcast_in_dim3A_158 : i32 to vector<16xi32>
      %broadcast_in_dim3A_160 = arith.constant 0 : i32
      %broadcast_in_dim3A_161 = vector.broadcast %broadcast_in_dim3A_160 : i32 to vector<16xi32>
      %add3A_162 = arith.constant 0 : i32
      %add3A_163 = vector.broadcast %add3A_162 : i32 to vector<16xi32>
      %add3A_164 = arith.addi %iota3A, %add3A_163 : vector<16xi32>
      %min3A = arith.constant 67 : i32
      %min3A_165 = vector.broadcast %min3A : i32 to vector<16xi32>
      %min3A_166 = arith.minsi %add3A_164, %min3A_165 : vector<16xi32>
      %mul3A_167 = arith.constant 16 : i32
      %mul3A_168 = vector.broadcast %mul3A_167 : i32 to vector<16xi32>
      %mul3A_169 = arith.muli %min3A_166, %mul3A_168 : vector<16xi32>
      %add3A_170 = arith.addi %mul3A_169, %all_reduce_ffs3A : vector<16xi32>
      %gather3A_171 = tpu.vector_load_idx %arg9[%add3A_170] : memref<1088xf32, #tpu.memory_space<vmem>>[vector<16xi32>], vector<16xf32>,
      %lt3A_172 = arith.constant 68 : i32
      %lt3A_173 = vector.broadcast %lt3A_172 : i32 to vector<16xi32>
      %lt3A_174 = arith.cmpi slt, %add3A_164, %lt3A_173 : vector<16xi32>
      %eq3A_175 = arith.cmpf oeq, %gather3A_171, %broadcast_in_dim3A_154 : vector<16xf32>
      %and3A_176 = arith.andi %eq3A_175, %lt3A_174 : vector<16xi1>
      %select_n3A_177 = arith.select %and3A_176, %add3A_164, %broadcast_in_dim3A_33 : vector<16xi1>, vector<16xi32>
      %min3A_178 = arith.minsi %broadcast_in_dim3A_33, %select_n3A_177 : vector<16xi32>
      %not3A = arith.constant dense<true> : vector<16xi1>
      %not3A_179 = arith.xori %lt3A_174, %not3A : vector<16xi1>
      %or3A = arith.ori %and3A_176, %not3A_179 : vector<16xi1>
      %select_n3A_180 = arith.select %or3A, %broadcast_in_dim3A_31, %gather3A_171 : vector<16xi1>, vector<16xf32>
      %max3A_181 = arith.maximumf %broadcast_in_dim3A_31, %select_n3A_180 : vector<16xf32>
      %select_n3A_182 = arith.select %and3A_176, %broadcast_in_dim3A_159, %broadcast_in_dim3A_161 : vector<16xi1>, vector<16xi32>
      %add3A_183 = arith.addi %broadcast_in_dim3A_157, %select_n3A_182 : vector<16xi32>
      %add3A_184 = arith.constant 16 : i32
      %add3A_185 = vector.broadcast %add3A_184 : i32 to vector<16xi32>
      %add3A_186 = arith.addi %iota3A, %add3A_185 : vector<16xi32>
      %min3A_187 = arith.constant 67 : i32
      %min3A_188 = vector.broadcast %min3A_187 : i32 to vector<16xi32>
      %min3A_189 = arith.minsi %add3A_186, %min3A_188 : vector<16xi32>
      %mul3A_190 = arith.constant 16 : i32
      %mul3A_191 = vector.broadcast %mul3A_190 : i32 to vector<16xi32>
      %mul3A_192 = arith.muli %min3A_189, %mul3A_191 : vector<16xi32>
      %add3A_193 = arith.addi %mul3A_192, %all_reduce_ffs3A : vector<16xi32>
      %gather3A_194 = tpu.vector_load_idx %arg9[%add3A_193] : memref<1088xf32, #tpu.memory_space<vmem>>[vector<16xi32>], vector<16xf32>,
      %lt3A_195 = arith.constant 68 : i32
      %lt3A_196 = vector.broadcast %lt3A_195 : i32 to vector<16xi32>
      %lt3A_197 = arith.cmpi slt, %add3A_186, %lt3A_196 : vector<16xi32>
      %eq3A_198 = arith.cmpf oeq, %gather3A_194, %broadcast_in_dim3A_154 : vector<16xf32>
      %and3A_199 = arith.andi %eq3A_198, %lt3A_197 : vector<16xi1>
      %select_n3A_200 = arith.select %and3A_199, %add3A_186, %broadcast_in_dim3A_33 : vector<16xi1>, vector<16xi32>
      %min3A_201 = arith.minsi %min3A_178, %select_n3A_200 : vector<16xi32>
      %not3A_202 = arith.constant dense<true> : vector<16xi1>
      %not3A_203 = arith.xori %lt3A_197, %not3A_202 : vector<16xi1>
      %or3A_204 = arith.ori %and3A_199, %not3A_203 : vector<16xi1>
      %select_n3A_205 = arith.select %or3A_204, %broadcast_in_dim3A_31, %gather3A_194 : vector<16xi1>, vector<16xf32>
      %max3A_206 = arith.maximumf %max3A_181, %select_n3A_205 : vector<16xf32>
      %select_n3A_207 = arith.select %and3A_199, %broadcast_in_dim3A_159, %broadcast_in_dim3A_161 : vector<16xi1>, vector<16xi32>
      %add3A_208 = arith.addi %add3A_183, %select_n3A_207 : vector<16xi32>
      %add3A_209 = arith.constant 32 : i32
      %add3A_210 = vector.broadcast %add3A_209 : i32 to vector<16xi32>
      %add3A_211 = arith.addi %iota3A, %add3A_210 : vector<16xi32>
      %min3A_212 = arith.constant 67 : i32
      %min3A_213 = vector.broadcast %min3A_212 : i32 to vector<16xi32>
      %min3A_214 = arith.minsi %add3A_211, %min3A_213 : vector<16xi32>
      %mul3A_215 = arith.constant 16 : i32
      %mul3A_216 = vector.broadcast %mul3A_215 : i32 to vector<16xi32>
      %mul3A_217 = arith.muli %min3A_214, %mul3A_216 : vector<16xi32>
      %add3A_218 = arith.addi %mul3A_217, %all_reduce_ffs3A : vector<16xi32>
      %gather3A_219 = tpu.vector_load_idx %arg9[%add3A_218] : memref<1088xf32, #tpu.memory_space<vmem>>[vector<16xi32>], vector<16xf32>,
      %lt3A_220 = arith.constant 68 : i32
      %lt3A_221 = vector.broadcast %lt3A_220 : i32 to vector<16xi32>
      %lt3A_222 = arith.cmpi slt, %add3A_211, %lt3A_221 : vector<16xi32>
      %eq3A_223 = arith.cmpf oeq, %gather3A_219, %broadcast_in_dim3A_154 : vector<16xf32>
      %and3A_224 = arith.andi %eq3A_223, %lt3A_222 : vector<16xi1>
      %select_n3A_225 = arith.select %and3A_224, %add3A_211, %broadcast_in_dim3A_33 : vector<16xi1>, vector<16xi32>
      %min3A_226 = arith.minsi %min3A_201, %select_n3A_225 : vector<16xi32>
      %not3A_227 = arith.constant dense<true> : vector<16xi1>
      %not3A_228 = arith.xori %lt3A_222, %not3A_227 : vector<16xi1>
      %or3A_229 = arith.ori %and3A_224, %not3A_228 : vector<16xi1>
      %select_n3A_230 = arith.select %or3A_229, %broadcast_in_dim3A_31, %gather3A_219 : vector<16xi1>, vector<16xf32>
      %max3A_231 = arith.maximumf %max3A_206, %select_n3A_230 : vector<16xf32>
      %select_n3A_232 = arith.select %and3A_224, %broadcast_in_dim3A_159, %broadcast_in_dim3A_161 : vector<16xi1>, vector<16xi32>
      %add3A_233 = arith.addi %add3A_208, %select_n3A_232 : vector<16xi32>
      %add3A_234 = arith.constant 48 : i32
      %add3A_235 = vector.broadcast %add3A_234 : i32 to vector<16xi32>
      %add3A_236 = arith.addi %iota3A, %add3A_235 : vector<16xi32>
      %min3A_237 = arith.constant 67 : i32
      %min3A_238 = vector.broadcast %min3A_237 : i32 to vector<16xi32>
      %min3A_239 = arith.minsi %add3A_236, %min3A_238 : vector<16xi32>
      %mul3A_240 = arith.constant 16 : i32
      %mul3A_241 = vector.broadcast %mul3A_240 : i32 to vector<16xi32>
      %mul3A_242 = arith.muli %min3A_239, %mul3A_241 : vector<16xi32>
      %add3A_243 = arith.addi %mul3A_242, %all_reduce_ffs3A : vector<16xi32>
      %gather3A_244 = tpu.vector_load_idx %arg9[%add3A_243] : memref<1088xf32, #tpu.memory_space<vmem>>[vector<16xi32>], vector<16xf32>,
      %lt3A_245 = arith.constant 68 : i32
      %lt3A_246 = vector.broadcast %lt3A_245 : i32 to vector<16xi32>
      %lt3A_247 = arith.cmpi slt, %add3A_236, %lt3A_246 : vector<16xi32>
      %eq3A_248 = arith.cmpf oeq, %gather3A_244, %broadcast_in_dim3A_154 : vector<16xf32>
      %and3A_249 = arith.andi %eq3A_248, %lt3A_247 : vector<16xi1>
      %select_n3A_250 = arith.select %and3A_249, %add3A_236, %broadcast_in_dim3A_33 : vector<16xi1>, vector<16xi32>
      %min3A_251 = arith.minsi %min3A_226, %select_n3A_250 : vector<16xi32>
      %not3A_252 = arith.constant dense<true> : vector<16xi1>
      %not3A_253 = arith.xori %lt3A_247, %not3A_252 : vector<16xi1>
      %or3A_254 = arith.ori %and3A_249, %not3A_253 : vector<16xi1>
      %select_n3A_255 = arith.select %or3A_254, %broadcast_in_dim3A_31, %gather3A_244 : vector<16xi1>, vector<16xf32>
      %max3A_256 = arith.maximumf %max3A_231, %select_n3A_255 : vector<16xf32>
      %select_n3A_257 = arith.select %and3A_249, %broadcast_in_dim3A_159, %broadcast_in_dim3A_161 : vector<16xi1>, vector<16xi32>
      %add3A_258 = arith.addi %add3A_233, %select_n3A_257 : vector<16xi32>
      %add3A_259 = arith.constant 64 : i32
      %add3A_260 = vector.broadcast %add3A_259 : i32 to vector<16xi32>
      %add3A_261 = arith.addi %iota3A, %add3A_260 : vector<16xi32>
      %min3A_262 = arith.constant 67 : i32
      %min3A_263 = vector.broadcast %min3A_262 : i32 to vector<16xi32>
      %min3A_264 = arith.minsi %add3A_261, %min3A_263 : vector<16xi32>
      %mul3A_265 = arith.constant 16 : i32
      %mul3A_266 = vector.broadcast %mul3A_265 : i32 to vector<16xi32>
      %mul3A_267 = arith.muli %min3A_264, %mul3A_266 : vector<16xi32>
      %add3A_268 = arith.addi %mul3A_267, %all_reduce_ffs3A : vector<16xi32>
      %gather3A_269 = tpu.vector_load_idx %arg9[%add3A_268] : memref<1088xf32, #tpu.memory_space<vmem>>[vector<16xi32>], vector<16xf32>,
      %lt3A_270 = arith.constant 68 : i32
      %lt3A_271 = vector.broadcast %lt3A_270 : i32 to vector<16xi32>
      %lt3A_272 = arith.cmpi slt, %add3A_261, %lt3A_271 : vector<16xi32>
      %eq3A_273 = arith.cmpf oeq, %gather3A_269, %broadcast_in_dim3A_154 : vector<16xf32>
      %and3A_274 = arith.andi %eq3A_273, %lt3A_272 : vector<16xi1>
      %select_n3A_275 = arith.select %and3A_274, %add3A_261, %broadcast_in_dim3A_33 : vector<16xi1>, vector<16xi32>
      %min3A_276 = arith.minsi %min3A_251, %select_n3A_275 : vector<16xi32>
      %not3A_277 = arith.constant dense<true> : vector<16xi1>
      %not3A_278 = arith.xori %lt3A_272, %not3A_277 : vector<16xi1>
      %or3A_279 = arith.ori %and3A_274, %not3A_278 : vector<16xi1>
      %select_n3A_280 = arith.select %or3A_279, %broadcast_in_dim3A_31, %gather3A_269 : vector<16xi1>, vector<16xf32>
      %max3A_281 = arith.maximumf %max3A_256, %select_n3A_280 : vector<16xf32>
      %select_n3A_282 = arith.select %and3A_274, %broadcast_in_dim3A_159, %broadcast_in_dim3A_161 : vector<16xi1>, vector<16xi32>
      %add3A_283 = arith.addi %add3A_258, %select_n3A_282 : vector<16xi32>
      %reduce_min3A = arith.constant true
      %reduce_min3A_284 = vector.broadcast %reduce_min3A : i1 to vector<16xi1>
      %reduce_min3A_285 = arith.constant -2147483648 : i32
      %reduce_min3A_286 = vector.broadcast %reduce_min3A_285 : i32 to vector<16xi32>
      %reduce_min3A_287 = arith.xori %min3A_276, %reduce_min3A_286 : vector<16xi32>
      %reduce_min3A_288 = tpu.scan <min>, %reduce_min3A_287 masked %reduce_min3A_284 : vector<16xi32>, vector<16xi1> -> vector<16xi32>
      %reduce_min3A_289 = arith.xori %reduce_min3A_288, %reduce_min3A_286 : vector<16xi32>
      %reduce_min3A_290 = vector.extract %reduce_min3A_289[15] : i32 from vector<16xi32>
      %broadcast_in_dim3A_291 = vector.broadcast %reduce_min3A_290 : i32 to vector<16xi32>
      %reduce_sum3A = arith.constant true
      %reduce_sum3A_292 = vector.broadcast %reduce_sum3A : i1 to vector<16xi1>
      %reduce_sum3A_293 = tpu.scan <sum>, %add3A_283 masked %reduce_sum3A_292 : vector<16xi32>, vector<16xi1> -> vector<16xi32>
      %reduce_sum3A_294 = vector.extract %reduce_sum3A_293[15] : i32 from vector<16xi32>
      %mul3A_295 = arith.constant 16 : i32
      %mul3A_296 = vector.broadcast %mul3A_295 : i32 to vector<16xi32>
      %mul3A_297 = arith.muli %broadcast_in_dim3A_291, %mul3A_296 : vector<16xi32>
      %add3A_298 = arith.addi %mul3A_297, %iota3A : vector<16xi32>
      %mul3A_299 = arith.constant 1083 : i32
      %mul3A_300 = vector.broadcast %mul3A_299 : i32 to vector<16xi32>
      %mul3A_301 = arith.muli %all_reduce_ffs3A, %mul3A_300 : vector<16xi32>
      %add3A_302 = arith.addi %mul3A_301, %add3A_298 : vector<16xi32>
      %min3A_303 = arith.minsi %add3A_302, %broadcast_in_dim3A_69 : vector<16xi32>
      %gather3A_304 = tpu.vector_load_idx %arg8[%min3A_303] : memref<17328xf32, #tpu.memory_space<vmem>>[vector<16xi32>], vector<16xf32>,
      %eq3A_305 = arith.cmpf oeq, %gather3A_304, %broadcast_in_dim3A_154 : vector<16xf32>
      %lt3A_306 = arith.cmpi slt, %add3A_298, %broadcast_in_dim3A_71 : vector<16xi32>
      %and3A_307 = arith.andi %eq3A_305, %lt3A_306 : vector<16xi1>
      %all_reduce_ffs3A_308 = tpu.all_reduce %and3A_307 {dim = 0 : i64, kind = #tpu.reduction_kind<find_first_set>} : vector<16xi1> -> vector<16xi32>
      %mul3A_309 = arith.constant 1083 : i32
      %mul3A_310 = vector.broadcast %mul3A_309 : i32 to vector<16xi32>
      %mul3A_311 = arith.muli %all_reduce_ffs3A, %mul3A_310 : vector<16xi32>
      %mul3A_312 = arith.constant 16 : i32
      %mul3A_313 = vector.broadcast %mul3A_312 : i32 to vector<16xi32>
      %mul3A_314 = arith.muli %broadcast_in_dim3A_291, %mul3A_313 : vector<16xi32>
      %add3A_315 = arith.addi %mul3A_311, %mul3A_314 : vector<16xi32>
      %add3A_316 = arith.addi %add3A_315, %all_reduce_ffs3A_308 : vector<16xi32>
      %broadcast_in_dim3A_317 = vector.broadcast %scan3A_149 : i32 to vector<16xi32>
      tpu.vector_store_idx %arg10[%broadcast_in_dim3A_317], %broadcast_in_dim3A_154 masked %eq3A_36 : memref<64xf32, #tpu.memory_space<vmem>>[vector<16xi32>], vector<16xf32>, vector<16xi1>
      %mul3A_318 = arith.constant 17328 : i32
      %mul3A_319 = arith.muli %select_n3A_30, %mul3A_318 : i32
      %add3A_320 = vector.broadcast %mul3A_319 : i32 to vector<16xi32>
      %add3A_321 = arith.addi %add3A_320, %add3A_316 : vector<16xi32>
      tpu.vector_store_idx %arg11[%broadcast_in_dim3A_317], %add3A_321 masked %eq3A_36 : memref<64xi32, #tpu.memory_space<vmem>>[vector<16xi32>], vector<16xi32>, vector<16xi1>
      tpu.vector_store_idx %arg8[%add3A_316], %broadcast_in_dim3A_31 masked %eq3A_36 : memref<17328xf32, #tpu.memory_space<vmem>>[vector<16xi32>], vector<16xf32>, vector<16xi1>
      %gather3A_322 = tpu.vector_load_idx %arg8[%min3A_303] : memref<17328xf32, #tpu.memory_space<vmem>>[vector<16xi32>], vector<16xf32>,
      %lt3A_323 = arith.cmpi slt, %add3A_298, %broadcast_in_dim3A_71 : vector<16xi32>
      %select_n3A_324 = arith.select %lt3A_323, %gather3A_322, %broadcast_in_dim3A_31 : vector<16xi1>, vector<16xf32>
      %reduce_max3A_325 = arith.constant true
      %reduce_max3A_326 = vector.broadcast %reduce_max3A_325 : i1 to vector<16xi1>
      %reduce_max3A_327 = tpu.scan <max>, %select_n3A_324 masked %reduce_max3A_326 : vector<16xf32>, vector<16xi1> -> vector<16xf32>
      %reduce_max3A_328 = vector.extract %reduce_max3A_327[15] : f32 from vector<16xf32>
      %broadcast_in_dim3A_329 = vector.broadcast %reduce_max3A_328 : f32 to vector<16xf32>
      %mul3A_330 = arith.constant 16 : i32
      %mul3A_331 = vector.broadcast %mul3A_330 : i32 to vector<16xi32>
      %mul3A_332 = arith.muli %broadcast_in_dim3A_291, %mul3A_331 : vector<16xi32>
      %add3A_333 = arith.addi %mul3A_332, %all_reduce_ffs3A : vector<16xi32>
      tpu.vector_store_idx %arg9[%add3A_333], %broadcast_in_dim3A_329 masked %eq3A_36 : memref<1088xf32, #tpu.memory_space<vmem>>[vector<16xi32>], vector<16xf32>, vector<16xi1>
      %reduce_max3A_334 = arith.constant true
      %reduce_max3A_335 = vector.broadcast %reduce_max3A_334 : i1 to vector<16xi1>
      %reduce_max3A_336 = tpu.scan <max>, %max3A_281 masked %reduce_max3A_335 : vector<16xf32>, vector<16xi1> -> vector<16xf32>
      %reduce_max3A_337 = vector.extract %reduce_max3A_336[15] : f32 from vector<16xf32>
      %broadcast_in_dim3A_338 = vector.broadcast %reduce_max3A_337 : f32 to vector<16xf32>
      %max3A_339 = arith.maximumf %broadcast_in_dim3A_338, %broadcast_in_dim3A_329 : vector<16xf32>
      %ge3A = arith.constant 2 : i32
      %ge3A_340 = arith.cmpi sge, %reduce_sum3A_294, %ge3A : i32
      %broadcast_in_dim3A_341 = vector.broadcast %ge3A_340 : i1 to vector<16xi1>
      %select_n3A_342 = arith.select %broadcast_in_dim3A_341, %broadcast_in_dim3A_154, %max3A_339 : vector<16xi1>, vector<16xf32>
      %eq3A_343 = arith.cmpi eq, %iota3A, %all_reduce_ffs3A : vector<16xi32>
      %select_n3A_344 = arith.select %eq3A_343, %select_n3A_342, %scan3A_150 : vector<16xi1>, vector<16xf32>
      scf.yield %select_n3A_344 : vector<16xf32>
    }
    %scan3A_141 = arith.constant 50 : i32
    %mul3A_142 = arith.constant 64 : i32
    %mul3A_143 = arith.muli %arg1, %mul3A_142 : i32
    "tpu.region"() ({
      %run_scoped3A = tpu.sem_alloc : memref<!tpu.dma_semaphore, #tpu.memory_space<semaphore_mem>>
      %dma_start3A = tpu.memref_slice %arg12[%mul3A_143] : memref<1024xf32, #tpu.memory_space<vmem_shared>> -> memref<64xf32, #tpu.memory_space<vmem_shared>>
      %dma_start3A_149 = tpu.memref_slice %arg12[%mul3A_143] : memref<1024xf32, #tpu.memory_space<vmem_shared>> -> memref<64xf32, #tpu.memory_space<vmem_shared>>
      tpu.enqueue_dma source(%arg10 : memref<64xf32, #tpu.memory_space<vmem>>) target(%dma_start3A_149 : memref<64xf32, #tpu.memory_space<vmem_shared>>) target_semaphore(%run_scoped3A : memref<!tpu.dma_semaphore, #tpu.memory_space<semaphore_mem>>)
      %dma_wait3A = tpu.memref_slice %arg12[%mul3A_143] : memref<1024xf32, #tpu.memory_space<vmem_shared>> -> memref<64xf32, #tpu.memory_space<vmem_shared>>
      %dma_wait3A_150 = tpu.memref_slice %arg12[%mul3A_143] : memref<1024xf32, #tpu.memory_space<vmem_shared>> -> memref<64xf32, #tpu.memory_space<vmem_shared>>
      tpu.wait_dma2 semaphore(%run_scoped3A : memref<!tpu.dma_semaphore, #tpu.memory_space<semaphore_mem>>) src(%arg10 : memref<64xf32, #tpu.memory_space<vmem>>) dst(%dma_wait3A_150 : memref<64xf32, #tpu.memory_space<vmem_shared>>)
      tpu.yield
    }) : () -> ()
    %mul3A_144 = arith.constant 64 : i32
    %mul3A_145 = arith.muli %arg1, %mul3A_144 : i32
    "tpu.region"() ({
      %run_scoped3A = tpu.sem_alloc : memref<!tpu.dma_semaphore, #tpu.memory_space<semaphore_mem>>
      %dma_start3A = tpu.memref_slice %arg13[%mul3A_145] : memref<1024xi32, #tpu.memory_space<vmem_shared>> -> memref<64xi32, #tpu.memory_space<vmem_shared>>
      %dma_start3A_149 = tpu.memref_slice %arg13[%mul3A_145] : memref<1024xi32, #tpu.memory_space<vmem_shared>> -> memref<64xi32, #tpu.memory_space<vmem_shared>>
      tpu.enqueue_dma source(%arg11 : memref<64xi32, #tpu.memory_space<vmem>>) target(%dma_start3A_149 : memref<64xi32, #tpu.memory_space<vmem_shared>>) target_semaphore(%run_scoped3A : memref<!tpu.dma_semaphore, #tpu.memory_space<semaphore_mem>>)
      %dma_wait3A = tpu.memref_slice %arg13[%mul3A_145] : memref<1024xi32, #tpu.memory_space<vmem_shared>> -> memref<64xi32, #tpu.memory_space<vmem_shared>>
      %dma_wait3A_150 = tpu.memref_slice %arg13[%mul3A_145] : memref<1024xi32, #tpu.memory_space<vmem_shared>> -> memref<64xi32, #tpu.memory_space<vmem_shared>>
      tpu.wait_dma2 semaphore(%run_scoped3A : memref<!tpu.dma_semaphore, #tpu.memory_space<semaphore_mem>>) src(%arg11 : memref<64xi32, #tpu.memory_space<vmem>>) dst(%dma_wait3A_150 : memref<64xi32, #tpu.memory_space<vmem_shared>>)
      tpu.yield
    }) : () -> ()
    %barrier3A = arith.constant 0 : index
    tpu.barrier barrier_id(%barrier3A)
    %eq3A_146 = arith.constant 0 : i32
    %eq3A_147 = arith.cmpi eq, %select_n3A_30, %eq3A_146 : i32
    %convert_element_type3A = arith.extui %eq3A_147 : i1 to i32
    %cond3A = arith.constant 0 : i32
    %cond3A_148 = arith.cmpi ne, %convert_element_type3A, %cond3A : i32
    scf.if %cond3A_148 {
      %add3A_149 = arith.constant 0 : i32
      %add3A_150 = arith.addi %arg1, %add3A_149 : i32
      %mul3A_151 = arith.constant 64 : i32
      %mul3A_152 = arith.muli %add3A_150, %mul3A_151 : i32
      "tpu.region"() ({
        %run_scoped3A = tpu.sem_alloc : memref<!tpu.dma_semaphore, #tpu.memory_space<semaphore_mem>>
        %dma_start3A_1613 = arith.constant 0 : i32
        %dma_start3A_1614 = tpu.memref_slice %arg14[%dma_start3A_1613] : memref<256xf32, #tpu.memory_space<vmem>> -> memref<64xf32, #tpu.memory_space<vmem>>
        %dma_start3A_1615 = tpu.memref_slice %arg12[%mul3A_152] : memref<1024xf32, #tpu.memory_space<vmem_shared>> -> memref<64xf32, #tpu.memory_space<vmem_shared>>
        %dma_start3A_1616 = arith.constant 0 : i32
        %dma_start3A_1617 = tpu.memref_slice %arg14[%dma_start3A_1616] : memref<256xf32, #tpu.memory_space<vmem>> -> memref<64xf32, #tpu.memory_space<vmem>>
        %dma_start3A_1618 = tpu.memref_slice %arg12[%mul3A_152] : memref<1024xf32, #tpu.memory_space<vmem_shared>> -> memref<64xf32, #tpu.memory_space<vmem_shared>>
        tpu.enqueue_dma source(%dma_start3A_1618 : memref<64xf32, #tpu.memory_space<vmem_shared>>) target(%dma_start3A_1617 : memref<64xf32, #tpu.memory_space<vmem>>) target_semaphore(%run_scoped3A : memref<!tpu.dma_semaphore, #tpu.memory_space<semaphore_mem>>)
        %dma_wait3A_1619 = arith.constant 0 : i32
        %dma_wait3A_1620 = tpu.memref_slice %arg14[%dma_wait3A_1619] : memref<256xf32, #tpu.memory_space<vmem>> -> memref<64xf32, #tpu.memory_space<vmem>>
        %dma_wait3A_1621 = tpu.memref_slice %arg12[%mul3A_152] : memref<1024xf32, #tpu.memory_space<vmem_shared>> -> memref<64xf32, #tpu.memory_space<vmem_shared>>
        %dma_wait3A_1622 = arith.constant 0 : i32
        %dma_wait3A_1623 = tpu.memref_slice %arg14[%dma_wait3A_1622] : memref<256xf32, #tpu.memory_space<vmem>> -> memref<64xf32, #tpu.memory_space<vmem>>
        %dma_wait3A_1624 = tpu.memref_slice %arg12[%mul3A_152] : memref<1024xf32, #tpu.memory_space<vmem_shared>> -> memref<64xf32, #tpu.memory_space<vmem_shared>>
        tpu.wait_dma2 semaphore(%run_scoped3A : memref<!tpu.dma_semaphore, #tpu.memory_space<semaphore_mem>>) src(%dma_wait3A_1624 : memref<64xf32, #tpu.memory_space<vmem_shared>>) dst(%dma_wait3A_1623 : memref<64xf32, #tpu.memory_space<vmem>>)
        tpu.yield
      }) : () -> ()
      %add3A_153 = arith.constant 0 : i32
      %add3A_154 = arith.addi %arg1, %add3A_153 : i32
      %mul3A_155 = arith.constant 64 : i32
      %mul3A_156 = arith.muli %add3A_154, %mul3A_155 : i32
      "tpu.region"() ({
        %run_scoped3A = tpu.sem_alloc : memref<!tpu.dma_semaphore, #tpu.memory_space<semaphore_mem>>
        %dma_start3A_1613 = arith.constant 0 : i32
        %dma_start3A_1614 = tpu.memref_slice %arg15[%dma_start3A_1613] : memref<256xi32, #tpu.memory_space<vmem>> -> memref<64xi32, #tpu.memory_space<vmem>>
        %dma_start3A_1615 = tpu.memref_slice %arg13[%mul3A_156] : memref<1024xi32, #tpu.memory_space<vmem_shared>> -> memref<64xi32, #tpu.memory_space<vmem_shared>>
        %dma_start3A_1616 = arith.constant 0 : i32
        %dma_start3A_1617 = tpu.memref_slice %arg15[%dma_start3A_1616] : memref<256xi32, #tpu.memory_space<vmem>> -> memref<64xi32, #tpu.memory_space<vmem>>
        %dma_start3A_1618 = tpu.memref_slice %arg13[%mul3A_156] : memref<1024xi32, #tpu.memory_space<vmem_shared>> -> memref<64xi32, #tpu.memory_space<vmem_shared>>
        tpu.enqueue_dma source(%dma_start3A_1618 : memref<64xi32, #tpu.memory_space<vmem_shared>>) target(%dma_start3A_1617 : memref<64xi32, #tpu.memory_space<vmem>>) target_semaphore(%run_scoped3A : memref<!tpu.dma_semaphore, #tpu.memory_space<semaphore_mem>>)
        %dma_wait3A_1619 = arith.constant 0 : i32
        %dma_wait3A_1620 = tpu.memref_slice %arg15[%dma_wait3A_1619] : memref<256xi32, #tpu.memory_space<vmem>> -> memref<64xi32, #tpu.memory_space<vmem>>
        %dma_wait3A_1621 = tpu.memref_slice %arg13[%mul3A_156] : memref<1024xi32, #tpu.memory_space<vmem_shared>> -> memref<64xi32, #tpu.memory_space<vmem_shared>>
        %dma_wait3A_1622 = arith.constant 0 : i32
        %dma_wait3A_1623 = tpu.memref_slice %arg15[%dma_wait3A_1622] : memref<256xi32, #tpu.memory_space<vmem>> -> memref<64xi32, #tpu.memory_space<vmem>>
        %dma_wait3A_1624 = tpu.memref_slice %arg13[%mul3A_156] : memref<1024xi32, #tpu.memory_space<vmem_shared>> -> memref<64xi32, #tpu.memory_space<vmem_shared>>
        tpu.wait_dma2 semaphore(%run_scoped3A : memref<!tpu.dma_semaphore, #tpu.memory_space<semaphore_mem>>) src(%dma_wait3A_1624 : memref<64xi32, #tpu.memory_space<vmem_shared>>) dst(%dma_wait3A_1623 : memref<64xi32, #tpu.memory_space<vmem>>)
        tpu.yield
      }) : () -> ()
      %add3A_157 = arith.constant 1 : i32
      %add3A_158 = arith.addi %arg1, %add3A_157 : i32
      %mul3A_159 = arith.constant 64 : i32
      %mul3A_160 = arith.muli %add3A_158, %mul3A_159 : i32
      "tpu.region"() ({
        %run_scoped3A = tpu.sem_alloc : memref<!tpu.dma_semaphore, #tpu.memory_space<semaphore_mem>>
        %dma_start3A_1613 = arith.constant 64 : i32
        %dma_start3A_1614 = tpu.memref_slice %arg14[%dma_start3A_1613] : memref<256xf32, #tpu.memory_space<vmem>> -> memref<64xf32, #tpu.memory_space<vmem>>
        %dma_start3A_1615 = tpu.memref_slice %arg12[%mul3A_160] : memref<1024xf32, #tpu.memory_space<vmem_shared>> -> memref<64xf32, #tpu.memory_space<vmem_shared>>
        %dma_start3A_1616 = arith.constant 64 : i32
        %dma_start3A_1617 = tpu.memref_slice %arg14[%dma_start3A_1616] : memref<256xf32, #tpu.memory_space<vmem>> -> memref<64xf32, #tpu.memory_space<vmem>>
        %dma_start3A_1618 = tpu.memref_slice %arg12[%mul3A_160] : memref<1024xf32, #tpu.memory_space<vmem_shared>> -> memref<64xf32, #tpu.memory_space<vmem_shared>>
        tpu.enqueue_dma source(%dma_start3A_1618 : memref<64xf32, #tpu.memory_space<vmem_shared>>) target(%dma_start3A_1617 : memref<64xf32, #tpu.memory_space<vmem>>) target_semaphore(%run_scoped3A : memref<!tpu.dma_semaphore, #tpu.memory_space<semaphore_mem>>)
        %dma_wait3A_1619 = arith.constant 64 : i32
        %dma_wait3A_1620 = tpu.memref_slice %arg14[%dma_wait3A_1619] : memref<256xf32, #tpu.memory_space<vmem>> -> memref<64xf32, #tpu.memory_space<vmem>>
        %dma_wait3A_1621 = tpu.memref_slice %arg12[%mul3A_160] : memref<1024xf32, #tpu.memory_space<vmem_shared>> -> memref<64xf32, #tpu.memory_space<vmem_shared>>
        %dma_wait3A_1622 = arith.constant 64 : i32
        %dma_wait3A_1623 = tpu.memref_slice %arg14[%dma_wait3A_1622] : memref<256xf32, #tpu.memory_space<vmem>> -> memref<64xf32, #tpu.memory_space<vmem>>
        %dma_wait3A_1624 = tpu.memref_slice %arg12[%mul3A_160] : memref<1024xf32, #tpu.memory_space<vmem_shared>> -> memref<64xf32, #tpu.memory_space<vmem_shared>>
        tpu.wait_dma2 semaphore(%run_scoped3A : memref<!tpu.dma_semaphore, #tpu.memory_space<semaphore_mem>>) src(%dma_wait3A_1624 : memref<64xf32, #tpu.memory_space<vmem_shared>>) dst(%dma_wait3A_1623 : memref<64xf32, #tpu.memory_space<vmem>>)
        tpu.yield
      }) : () -> ()
      %add3A_161 = arith.constant 1 : i32
      %add3A_162 = arith.addi %arg1, %add3A_161 : i32
      %mul3A_163 = arith.constant 64 : i32
      %mul3A_164 = arith.muli %add3A_162, %mul3A_163 : i32
      "tpu.region"() ({
        %run_scoped3A = tpu.sem_alloc : memref<!tpu.dma_semaphore, #tpu.memory_space<semaphore_mem>>
        %dma_start3A_1613 = arith.constant 64 : i32
        %dma_start3A_1614 = tpu.memref_slice %arg15[%dma_start3A_1613] : memref<256xi32, #tpu.memory_space<vmem>> -> memref<64xi32, #tpu.memory_space<vmem>>
        %dma_start3A_1615 = tpu.memref_slice %arg13[%mul3A_164] : memref<1024xi32, #tpu.memory_space<vmem_shared>> -> memref<64xi32, #tpu.memory_space<vmem_shared>>
        %dma_start3A_1616 = arith.constant 64 : i32
        %dma_start3A_1617 = tpu.memref_slice %arg15[%dma_start3A_1616] : memref<256xi32, #tpu.memory_space<vmem>> -> memref<64xi32, #tpu.memory_space<vmem>>
        %dma_start3A_1618 = tpu.memref_slice %arg13[%mul3A_164] : memref<1024xi32, #tpu.memory_space<vmem_shared>> -> memref<64xi32, #tpu.memory_space<vmem_shared>>
        tpu.enqueue_dma source(%dma_start3A_1618 : memref<64xi32, #tpu.memory_space<vmem_shared>>) target(%dma_start3A_1617 : memref<64xi32, #tpu.memory_space<vmem>>) target_semaphore(%run_scoped3A : memref<!tpu.dma_semaphore, #tpu.memory_space<semaphore_mem>>)
        %dma_wait3A_1619 = arith.constant 64 : i32
        %dma_wait3A_1620 = tpu.memref_slice %arg15[%dma_wait3A_1619] : memref<256xi32, #tpu.memory_space<vmem>> -> memref<64xi32, #tpu.memory_space<vmem>>
        %dma_wait3A_1621 = tpu.memref_slice %arg13[%mul3A_164] : memref<1024xi32, #tpu.memory_space<vmem_shared>> -> memref<64xi32, #tpu.memory_space<vmem_shared>>
        %dma_wait3A_1622 = arith.constant 64 : i32
        %dma_wait3A_1623 = tpu.memref_slice %arg15[%dma_wait3A_1622] : memref<256xi32, #tpu.memory_space<vmem>> -> memref<64xi32, #tpu.memory_space<vmem>>
        %dma_wait3A_1624 = tpu.memref_slice %arg13[%mul3A_164] : memref<1024xi32, #tpu.memory_space<vmem_shared>> -> memref<64xi32, #tpu.memory_space<vmem_shared>>
        tpu.wait_dma2 semaphore(%run_scoped3A : memref<!tpu.dma_semaphore, #tpu.memory_space<semaphore_mem>>) src(%dma_wait3A_1624 : memref<64xi32, #tpu.memory_space<vmem_shared>>) dst(%dma_wait3A_1623 : memref<64xi32, #tpu.memory_space<vmem>>)
        tpu.yield
      }) : () -> ()
      %add3A_165 = arith.constant 2 : i32
      %add3A_166 = arith.addi %arg1, %add3A_165 : i32
      %mul3A_167 = arith.constant 64 : i32
      %mul3A_168 = arith.muli %add3A_166, %mul3A_167 : i32
      "tpu.region"() ({
        %run_scoped3A = tpu.sem_alloc : memref<!tpu.dma_semaphore, #tpu.memory_space<semaphore_mem>>
        %dma_start3A_1613 = arith.constant 128 : i32
        %dma_start3A_1614 = tpu.memref_slice %arg14[%dma_start3A_1613] : memref<256xf32, #tpu.memory_space<vmem>> -> memref<64xf32, #tpu.memory_space<vmem>>
        %dma_start3A_1615 = tpu.memref_slice %arg12[%mul3A_168] : memref<1024xf32, #tpu.memory_space<vmem_shared>> -> memref<64xf32, #tpu.memory_space<vmem_shared>>
        %dma_start3A_1616 = arith.constant 128 : i32
        %dma_start3A_1617 = tpu.memref_slice %arg14[%dma_start3A_1616] : memref<256xf32, #tpu.memory_space<vmem>> -> memref<64xf32, #tpu.memory_space<vmem>>
        %dma_start3A_1618 = tpu.memref_slice %arg12[%mul3A_168] : memref<1024xf32, #tpu.memory_space<vmem_shared>> -> memref<64xf32, #tpu.memory_space<vmem_shared>>
        tpu.enqueue_dma source(%dma_start3A_1618 : memref<64xf32, #tpu.memory_space<vmem_shared>>) target(%dma_start3A_1617 : memref<64xf32, #tpu.memory_space<vmem>>) target_semaphore(%run_scoped3A : memref<!tpu.dma_semaphore, #tpu.memory_space<semaphore_mem>>)
        %dma_wait3A_1619 = arith.constant 128 : i32
        %dma_wait3A_1620 = tpu.memref_slice %arg14[%dma_wait3A_1619] : memref<256xf32, #tpu.memory_space<vmem>> -> memref<64xf32, #tpu.memory_space<vmem>>
        %dma_wait3A_1621 = tpu.memref_slice %arg12[%mul3A_168] : memref<1024xf32, #tpu.memory_space<vmem_shared>> -> memref<64xf32, #tpu.memory_space<vmem_shared>>
        %dma_wait3A_1622 = arith.constant 128 : i32
        %dma_wait3A_1623 = tpu.memref_slice %arg14[%dma_wait3A_1622] : memref<256xf32, #tpu.memory_space<vmem>> -> memref<64xf32, #tpu.memory_space<vmem>>
        %dma_wait3A_1624 = tpu.memref_slice %arg12[%mul3A_168] : memref<1024xf32, #tpu.memory_space<vmem_shared>> -> memref<64xf32, #tpu.memory_space<vmem_shared>>
        tpu.wait_dma2 semaphore(%run_scoped3A : memref<!tpu.dma_semaphore, #tpu.memory_space<semaphore_mem>>) src(%dma_wait3A_1624 : memref<64xf32, #tpu.memory_space<vmem_shared>>) dst(%dma_wait3A_1623 : memref<64xf32, #tpu.memory_space<vmem>>)
        tpu.yield
      }) : () -> ()
      %add3A_169 = arith.constant 2 : i32
      %add3A_170 = arith.addi %arg1, %add3A_169 : i32
      %mul3A_171 = arith.constant 64 : i32
      %mul3A_172 = arith.muli %add3A_170, %mul3A_171 : i32
      "tpu.region"() ({
        %run_scoped3A = tpu.sem_alloc : memref<!tpu.dma_semaphore, #tpu.memory_space<semaphore_mem>>
        %dma_start3A_1613 = arith.constant 128 : i32
        %dma_start3A_1614 = tpu.memref_slice %arg15[%dma_start3A_1613] : memref<256xi32, #tpu.memory_space<vmem>> -> memref<64xi32, #tpu.memory_space<vmem>>
        %dma_start3A_1615 = tpu.memref_slice %arg13[%mul3A_172] : memref<1024xi32, #tpu.memory_space<vmem_shared>> -> memref<64xi32, #tpu.memory_space<vmem_shared>>
        %dma_start3A_1616 = arith.constant 128 : i32
        %dma_start3A_1617 = tpu.memref_slice %arg15[%dma_start3A_1616] : memref<256xi32, #tpu.memory_space<vmem>> -> memref<64xi32, #tpu.memory_space<vmem>>
        %dma_start3A_1618 = tpu.memref_slice %arg13[%mul3A_172] : memref<1024xi32, #tpu.memory_space<vmem_shared>> -> memref<64xi32, #tpu.memory_space<vmem_shared>>
        tpu.enqueue_dma source(%dma_start3A_1618 : memref<64xi32, #tpu.memory_space<vmem_shared>>) target(%dma_start3A_1617 : memref<64xi32, #tpu.memory_space<vmem>>) target_semaphore(%run_scoped3A : memref<!tpu.dma_semaphore, #tpu.memory_space<semaphore_mem>>)
        %dma_wait3A_1619 = arith.constant 128 : i32
        %dma_wait3A_1620 = tpu.memref_slice %arg15[%dma_wait3A_1619] : memref<256xi32, #tpu.memory_space<vmem>> -> memref<64xi32, #tpu.memory_space<vmem>>
        %dma_wait3A_1621 = tpu.memref_slice %arg13[%mul3A_172] : memref<1024xi32, #tpu.memory_space<vmem_shared>> -> memref<64xi32, #tpu.memory_space<vmem_shared>>
        %dma_wait3A_1622 = arith.constant 128 : i32
        %dma_wait3A_1623 = tpu.memref_slice %arg15[%dma_wait3A_1622] : memref<256xi32, #tpu.memory_space<vmem>> -> memref<64xi32, #tpu.memory_space<vmem>>
        %dma_wait3A_1624 = tpu.memref_slice %arg13[%mul3A_172] : memref<1024xi32, #tpu.memory_space<vmem_shared>> -> memref<64xi32, #tpu.memory_space<vmem_shared>>
        tpu.wait_dma2 semaphore(%run_scoped3A : memref<!tpu.dma_semaphore, #tpu.memory_space<semaphore_mem>>) src(%dma_wait3A_1624 : memref<64xi32, #tpu.memory_space<vmem_shared>>) dst(%dma_wait3A_1623 : memref<64xi32, #tpu.memory_space<vmem>>)
        tpu.yield
      }) : () -> ()
      %add3A_173 = arith.constant 3 : i32
      %add3A_174 = arith.addi %arg1, %add3A_173 : i32
      %mul3A_175 = arith.constant 64 : i32
      %mul3A_176 = arith.muli %add3A_174, %mul3A_175 : i32
      "tpu.region"() ({
        %run_scoped3A = tpu.sem_alloc : memref<!tpu.dma_semaphore, #tpu.memory_space<semaphore_mem>>
        %dma_start3A_1613 = arith.constant 192 : i32
        %dma_start3A_1614 = tpu.memref_slice %arg14[%dma_start3A_1613] : memref<256xf32, #tpu.memory_space<vmem>> -> memref<64xf32, #tpu.memory_space<vmem>>
        %dma_start3A_1615 = tpu.memref_slice %arg12[%mul3A_176] : memref<1024xf32, #tpu.memory_space<vmem_shared>> -> memref<64xf32, #tpu.memory_space<vmem_shared>>
        %dma_start3A_1616 = arith.constant 192 : i32
        %dma_start3A_1617 = tpu.memref_slice %arg14[%dma_start3A_1616] : memref<256xf32, #tpu.memory_space<vmem>> -> memref<64xf32, #tpu.memory_space<vmem>>
        %dma_start3A_1618 = tpu.memref_slice %arg12[%mul3A_176] : memref<1024xf32, #tpu.memory_space<vmem_shared>> -> memref<64xf32, #tpu.memory_space<vmem_shared>>
        tpu.enqueue_dma source(%dma_start3A_1618 : memref<64xf32, #tpu.memory_space<vmem_shared>>) target(%dma_start3A_1617 : memref<64xf32, #tpu.memory_space<vmem>>) target_semaphore(%run_scoped3A : memref<!tpu.dma_semaphore, #tpu.memory_space<semaphore_mem>>)
        %dma_wait3A_1619 = arith.constant 192 : i32
        %dma_wait3A_1620 = tpu.memref_slice %arg14[%dma_wait3A_1619] : memref<256xf32, #tpu.memory_space<vmem>> -> memref<64xf32, #tpu.memory_space<vmem>>
        %dma_wait3A_1621 = tpu.memref_slice %arg12[%mul3A_176] : memref<1024xf32, #tpu.memory_space<vmem_shared>> -> memref<64xf32, #tpu.memory_space<vmem_shared>>
        %dma_wait3A_1622 = arith.constant 192 : i32
        %dma_wait3A_1623 = tpu.memref_slice %arg14[%dma_wait3A_1622] : memref<256xf32, #tpu.memory_space<vmem>> -> memref<64xf32, #tpu.memory_space<vmem>>
        %dma_wait3A_1624 = tpu.memref_slice %arg12[%mul3A_176] : memref<1024xf32, #tpu.memory_space<vmem_shared>> -> memref<64xf32, #tpu.memory_space<vmem_shared>>
        tpu.wait_dma2 semaphore(%run_scoped3A : memref<!tpu.dma_semaphore, #tpu.memory_space<semaphore_mem>>) src(%dma_wait3A_1624 : memref<64xf32, #tpu.memory_space<vmem_shared>>) dst(%dma_wait3A_1623 : memref<64xf32, #tpu.memory_space<vmem>>)
        tpu.yield
      }) : () -> ()
      %add3A_177 = arith.constant 3 : i32
      %add3A_178 = arith.addi %arg1, %add3A_177 : i32
      %mul3A_179 = arith.constant 64 : i32
      %mul3A_180 = arith.muli %add3A_178, %mul3A_179 : i32
      "tpu.region"() ({
        %run_scoped3A = tpu.sem_alloc : memref<!tpu.dma_semaphore, #tpu.memory_space<semaphore_mem>>
        %dma_start3A_1613 = arith.constant 192 : i32
        %dma_start3A_1614 = tpu.memref_slice %arg15[%dma_start3A_1613] : memref<256xi32, #tpu.memory_space<vmem>> -> memref<64xi32, #tpu.memory_space<vmem>>
        %dma_start3A_1615 = tpu.memref_slice %arg13[%mul3A_180] : memref<1024xi32, #tpu.memory_space<vmem_shared>> -> memref<64xi32, #tpu.memory_space<vmem_shared>>
        %dma_start3A_1616 = arith.constant 192 : i32
        %dma_start3A_1617 = tpu.memref_slice %arg15[%dma_start3A_1616] : memref<256xi32, #tpu.memory_space<vmem>> -> memref<64xi32, #tpu.memory_space<vmem>>
        %dma_start3A_1618 = tpu.memref_slice %arg13[%mul3A_180] : memref<1024xi32, #tpu.memory_space<vmem_shared>> -> memref<64xi32, #tpu.memory_space<vmem_shared>>
        tpu.enqueue_dma source(%dma_start3A_1618 : memref<64xi32, #tpu.memory_space<vmem_shared>>) target(%dma_start3A_1617 : memref<64xi32, #tpu.memory_space<vmem>>) target_semaphore(%run_scoped3A : memref<!tpu.dma_semaphore, #tpu.memory_space<semaphore_mem>>)
        %dma_wait3A_1619 = arith.constant 192 : i32
        %dma_wait3A_1620 = tpu.memref_slice %arg15[%dma_wait3A_1619] : memref<256xi32, #tpu.memory_space<vmem>> -> memref<64xi32, #tpu.memory_space<vmem>>
        %dma_wait3A_1621 = tpu.memref_slice %arg13[%mul3A_180] : memref<1024xi32, #tpu.memory_space<vmem_shared>> -> memref<64xi32, #tpu.memory_space<vmem_shared>>
        %dma_wait3A_1622 = arith.constant 192 : i32
        %dma_wait3A_1623 = tpu.memref_slice %arg15[%dma_wait3A_1622] : memref<256xi32, #tpu.memory_space<vmem>> -> memref<64xi32, #tpu.memory_space<vmem>>
        %dma_wait3A_1624 = tpu.memref_slice %arg13[%mul3A_180] : memref<1024xi32, #tpu.memory_space<vmem_shared>> -> memref<64xi32, #tpu.memory_space<vmem_shared>>
        tpu.wait_dma2 semaphore(%run_scoped3A : memref<!tpu.dma_semaphore, #tpu.memory_space<semaphore_mem>>) src(%dma_wait3A_1624 : memref<64xi32, #tpu.memory_space<vmem_shared>>) dst(%dma_wait3A_1623 : memref<64xi32, #tpu.memory_space<vmem>>)
        tpu.yield
      }) : () -> ()
      %broadcast_in_dim3A_181 = arith.constant 0 : i32
      %broadcast_in_dim3A_182 = vector.broadcast %broadcast_in_dim3A_181 : i32 to vector<16xi32>
      %scan3A_183 = arith.constant 0 : i32
      %scan3A_184 = arith.constant 50 : i32
      %scan3A_185 = arith.addi %scan3A_183, %scan3A_184 : i32
      %scan3A_186 = arith.constant 1 : i32
      %scan3A_187 = scf.for %scan3A_1613 = %scan3A_183 to %scan3A_185 step %scan3A_186 iter_args(%scan3A_1614 = %broadcast_in_dim3A_182) -> (vector<16xi32>)  : i32 {
        %mul3A_1615 = arith.constant 64 : i32
        %mul3A_1616 = vector.broadcast %mul3A_1615 : i32 to vector<16xi32>
        %mul3A_1617 = arith.muli %iota3A, %mul3A_1616 : vector<16xi32>
        %add3A_1618 = arith.addi %mul3A_1617, %scan3A_1614 : vector<16xi32>
        %min3A_1619 = arith.constant 255 : i32
        %min3A_1620 = vector.broadcast %min3A_1619 : i32 to vector<16xi32>
        %min3A_1621 = arith.minsi %add3A_1618, %min3A_1620 : vector<16xi32>
        %gather3A_1622 = tpu.vector_load_idx %arg14[%min3A_1621] : memref<256xf32, #tpu.memory_space<vmem>>[vector<16xi32>], vector<16xf32>,
        %broadcast_in_dim3A_1623 = arith.constant 4 : i32
        %broadcast_in_dim3A_1624 = vector.broadcast %broadcast_in_dim3A_1623 : i32 to vector<16xi32>
        %lt3A_1625 = arith.cmpi slt, %iota3A, %broadcast_in_dim3A_1624 : vector<16xi32>
        %select_n3A_1626 = arith.select %lt3A_1625, %gather3A_1622, %broadcast_in_dim3A_31 : vector<16xi1>, vector<16xf32>
        %reduce_max3A = arith.constant true
        %reduce_max3A_1627 = vector.broadcast %reduce_max3A : i1 to vector<16xi1>
        %reduce_max3A_1628 = tpu.scan <max>, %select_n3A_1626 masked %reduce_max3A_1627 : vector<16xf32>, vector<16xi1> -> vector<16xf32>
        %reduce_max3A_1629 = vector.extract %reduce_max3A_1628[15] : f32 from vector<16xf32>
        %broadcast_in_dim3A_1630 = vector.broadcast %reduce_max3A_1629 : f32 to vector<16xf32>
        %eq3A_1631 = arith.cmpf oeq, %select_n3A_1626, %broadcast_in_dim3A_1630 : vector<16xf32>
        %select_n3A_1632 = arith.select %eq3A_1631, %iota3A, %broadcast_in_dim3A_33 : vector<16xi1>, vector<16xi32>
        %reduce_min3A = arith.constant true
        %reduce_min3A_1633 = vector.broadcast %reduce_min3A : i1 to vector<16xi1>
        %reduce_min3A_1634 = arith.constant -2147483648 : i32
        %reduce_min3A_1635 = vector.broadcast %reduce_min3A_1634 : i32 to vector<16xi32>
        %reduce_min3A_1636 = arith.xori %select_n3A_1632, %reduce_min3A_1635 : vector<16xi32>
        %reduce_min3A_1637 = tpu.scan <min>, %reduce_min3A_1636 masked %reduce_min3A_1633 : vector<16xi32>, vector<16xi1> -> vector<16xi32>
        %reduce_min3A_1638 = arith.xori %reduce_min3A_1637, %reduce_min3A_1635 : vector<16xi32>
        %reduce_min3A_1639 = vector.extract %reduce_min3A_1638[15] : i32 from vector<16xi32>
        %broadcast_in_dim3A_1640 = vector.broadcast %reduce_min3A_1639 : i32 to vector<16xi32>
        %eq3A_1641 = arith.cmpi eq, %iota3A, %broadcast_in_dim3A_1640 : vector<16xi32>
        %select_n3A_1642 = arith.select %eq3A_1641, %scan3A_1614, %broadcast_in_dim3A_33 : vector<16xi1>, vector<16xi32>
        %reduce_min3A_1643 = arith.constant true
        %reduce_min3A_1644 = vector.broadcast %reduce_min3A_1643 : i1 to vector<16xi1>
        %reduce_min3A_1645 = arith.constant -2147483648 : i32
        %reduce_min3A_1646 = vector.broadcast %reduce_min3A_1645 : i32 to vector<16xi32>
        %reduce_min3A_1647 = arith.xori %select_n3A_1642, %reduce_min3A_1646 : vector<16xi32>
        %reduce_min3A_1648 = tpu.scan <min>, %reduce_min3A_1647 masked %reduce_min3A_1644 : vector<16xi32>, vector<16xi1> -> vector<16xi32>
        %reduce_min3A_1649 = arith.xori %reduce_min3A_1648, %reduce_min3A_1646 : vector<16xi32>
        %reduce_min3A_1650 = vector.extract %reduce_min3A_1649[15] : i32 from vector<16xi32>
        %mul3A_1651 = arith.constant 64 : i32
        %mul3A_1652 = vector.broadcast %mul3A_1651 : i32 to vector<16xi32>
        %mul3A_1653 = arith.muli %broadcast_in_dim3A_1640, %mul3A_1652 : vector<16xi32>
        %broadcast_in_dim3A_1654 = vector.broadcast %reduce_min3A_1650 : i32 to vector<16xi32>
        %add3A_1655 = arith.addi %mul3A_1653, %broadcast_in_dim3A_1654 : vector<16xi32>
        %gather3A_1656 = tpu.vector_load_idx %arg15[%add3A_1655] : memref<256xi32, #tpu.memory_space<vmem>>[vector<16xi32>], vector<16xi32>,
        %broadcast_in_dim3A_1657 = vector.broadcast %scan3A_1613 : i32 to vector<16xi32>
        tpu.vector_store_idx %arg10[%broadcast_in_dim3A_1657], %broadcast_in_dim3A_1630 masked %eq3A_36 : memref<64xf32, #tpu.memory_space<vmem>>[vector<16xi32>], vector<16xf32>, vector<16xi1>
        tpu.vector_store_idx %arg11[%broadcast_in_dim3A_1657], %gather3A_1656 masked %eq3A_36 : memref<64xi32, #tpu.memory_space<vmem>>[vector<16xi32>], vector<16xi32>, vector<16xi1>
        %eq3A_1658 = arith.cmpi eq, %iota3A, %broadcast_in_dim3A_1640 : vector<16xi32>
        %add3A_1659 = arith.constant 1 : i32
        %add3A_1660 = vector.broadcast %add3A_1659 : i32 to vector<16xi32>
        %add3A_1661 = arith.addi %scan3A_1614, %add3A_1660 : vector<16xi32>
        %select_n3A_1662 = arith.select %eq3A_1658, %add3A_1661, %scan3A_1614 : vector<16xi1>, vector<16xi32>
        scf.yield %select_n3A_1662 : vector<16xi32>
      }
      %scan3A_188 = arith.constant 50 : i32
      %get3A = arith.constant 0 : index
      %get3A_189 = tpu.vector_load %arg11[%get3A] {strides = array<i32>} : memref<64xi32, #tpu.memory_space<vmem>>, vector<16xi32>,
      %jit3A_190 = arith.constant 23104 : i32
      %eq3A_191 = arith.constant 0 : i32
      %eq3A_192 = arith.cmpi eq, %jit3A_190, %eq3A_191 : i32
      %jit3A_193 = arith.constant 1 : i32
      %select_n3A_194 = arith.select %eq3A_192, %jit3A_193, %jit3A_190 : i32
      %rem3A_195 = vector.broadcast %select_n3A_194 : i32 to vector<16xi32>
      %rem3A_196 = arith.remsi %get3A_189, %rem3A_195 : vector<16xi32>
      %ne3A_197 = arith.constant 0 : i32
      %ne3A_198 = vector.broadcast %ne3A_197 : i32 to vector<16xi32>
      %ne3A_199 = arith.cmpi ne, %rem3A_196, %ne3A_198 : vector<16xi32>
      %lt3A_200 = arith.constant 0 : i32
      %lt3A_201 = vector.broadcast %lt3A_200 : i32 to vector<16xi32>
      %lt3A_202 = arith.cmpi slt, %rem3A_196, %lt3A_201 : vector<16xi32>
      %lt3A_203 = arith.constant 0 : i32
      %lt3A_204 = arith.cmpi slt, %select_n3A_194, %lt3A_203 : i32
      %ne3A_205 = vector.broadcast %lt3A_204 : i1 to vector<16xi1>
      %ne3A_206 = vector.broadcast %ne3A_205 : vector<16xi1> to vector<16xi1>
      %ne3A_207 = arith.xori %lt3A_202, %ne3A_206 : vector<16xi1>
      %and3A_208 = arith.andi %ne3A_207, %ne3A_199 : vector<16xi1>
      %add3A_209 = vector.broadcast %select_n3A_194 : i32 to vector<16xi32>
      %add3A_210 = arith.addi %rem3A_196, %add3A_209 : vector<16xi32>
      %select_n3A_211 = arith.select %and3A_208, %add3A_210, %rem3A_196 : vector<16xi1>, vector<16xi32>
      %mul3A_212 = arith.constant 2 : i32
      %mul3A_213 = arith.muli %add3A, %mul3A_212 : i32
      %add3A_214 = arith.constant 0 : i32
      %add3A_215 = arith.addi %mul3A_213, %add3A_214 : i32
      %mul3A_216 = arith.constant 23104 : i32
      %mul3A_217 = arith.muli %add3A_215, %mul3A_216 : i32
      %add3A_218 = vector.broadcast %mul3A_217 : i32 to vector<16xi32>
      %add3A_219 = arith.addi %add3A_218, %select_n3A_211 : vector<16xi32>
      %swap3A_220 = arith.constant 0 : index
      %swap3A_221 = tpu.vector_load %arg16[%swap3A_220] {strides = array<i32>} : memref<512xi32, #tpu.memory_space<vmem>>, vector<16xi32>,
      tpu.vector_store %arg16[%swap3A_220], %add3A_219 {strides = array<i32>} : memref<512xi32, #tpu.memory_space<vmem>>, vector<16xi32>,
      %mul3A_222 = arith.constant 2 : i32
      %mul3A_223 = arith.muli %add3A, %mul3A_222 : i32
      %add3A_224 = arith.constant 1 : i32
      %add3A_225 = arith.addi %mul3A_223, %add3A_224 : i32
      %mul3A_226 = arith.constant 23104 : i32
      %mul3A_227 = arith.muli %add3A_225, %mul3A_226 : i32
      %add3A_228 = vector.broadcast %mul3A_227 : i32 to vector<16xi32>
      %add3A_229 = arith.addi %add3A_228, %select_n3A_211 : vector<16xi32>
      %swap3A_230 = arith.constant 64 : index
      %swap3A_231 = tpu.vector_load %arg16[%swap3A_230] {strides = array<i32>} : memref<512xi32, #tpu.memory_space<vmem>>, vector<16xi32>,
      tpu.vector_store %arg16[%swap3A_230], %add3A_229 {strides = array<i32>} : memref<512xi32, #tpu.memory_space<vmem>>, vector<16xi32>,
      %mul3A_232 = arith.constant 2 : i32
      %mul3A_233 = arith.muli %add3A, %mul3A_232 : i32
      %add3A_234 = arith.constant 0 : i32
      %add3A_235 = arith.addi %mul3A_233, %add3A_234 : i32
      %mul3A_236 = arith.constant 23104 : i32
      %mul3A_237 = arith.muli %add3A_235, %mul3A_236 : i32
      %add3A_238 = vector.broadcast %mul3A_237 : i32 to vector<16xi32>
      %add3A_239 = arith.addi %add3A_238, %select_n3A_211 : vector<16xi32>
      %swap3A_240 = arith.constant 128 : index
      %swap3A_241 = tpu.vector_load %arg16[%swap3A_240] {strides = array<i32>} : memref<512xi32, #tpu.memory_space<vmem>>, vector<16xi32>,
      tpu.vector_store %arg16[%swap3A_240], %add3A_239 {strides = array<i32>} : memref<512xi32, #tpu.memory_space<vmem>>, vector<16xi32>,
      %mul3A_242 = arith.constant 2 : i32
      %mul3A_243 = arith.muli %add3A, %mul3A_242 : i32
      %add3A_244 = arith.constant 1 : i32
      %add3A_245 = arith.addi %mul3A_243, %add3A_244 : i32
      %mul3A_246 = arith.constant 23104 : i32
      %mul3A_247 = arith.muli %add3A_245, %mul3A_246 : i32
      %add3A_248 = vector.broadcast %mul3A_247 : i32 to vector<16xi32>
      %add3A_249 = arith.addi %add3A_248, %select_n3A_211 : vector<16xi32>
      %swap3A_250 = arith.constant 192 : index
      %swap3A_251 = tpu.vector_load %arg16[%swap3A_250] {strides = array<i32>} : memref<512xi32, #tpu.memory_space<vmem>>, vector<16xi32>,
      tpu.vector_store %arg16[%swap3A_250], %add3A_249 {strides = array<i32>} : memref<512xi32, #tpu.memory_space<vmem>>, vector<16xi32>,
      %mul3A_252 = arith.constant 1 : i32
      %mul3A_253 = arith.muli %add3A, %mul3A_252 : i32
      %add3A_254 = arith.constant 0 : i32
      %add3A_255 = arith.addi %mul3A_253, %add3A_254 : i32
      %mul3A_256 = arith.constant 23104 : i32
      %mul3A_257 = arith.muli %add3A_255, %mul3A_256 : i32
      %add3A_258 = vector.broadcast %mul3A_257 : i32 to vector<16xi32>
      %add3A_259 = arith.addi %add3A_258, %select_n3A_211 : vector<16xi32>
      %swap3A_260 = arith.constant 256 : index
      %swap3A_261 = tpu.vector_load %arg16[%swap3A_260] {strides = array<i32>} : memref<512xi32, #tpu.memory_space<vmem>>, vector<16xi32>,
      tpu.vector_store %arg16[%swap3A_260], %add3A_259 {strides = array<i32>} : memref<512xi32, #tpu.memory_space<vmem>>, vector<16xi32>,
      %mul3A_262 = arith.constant 3 : i32
      %mul3A_263 = arith.muli %add3A, %mul3A_262 : i32
      %add3A_264 = arith.constant 0 : i32
      %add3A_265 = arith.addi %mul3A_263, %add3A_264 : i32
      %mul3A_266 = arith.constant 23104 : i32
      %mul3A_267 = arith.muli %add3A_265, %mul3A_266 : i32
      %add3A_268 = vector.broadcast %mul3A_267 : i32 to vector<16xi32>
      %add3A_269 = arith.addi %add3A_268, %select_n3A_211 : vector<16xi32>
      %swap3A_270 = arith.constant 320 : index
      %swap3A_271 = tpu.vector_load %arg16[%swap3A_270] {strides = array<i32>} : memref<512xi32, #tpu.memory_space<vmem>>, vector<16xi32>,
      tpu.vector_store %arg16[%swap3A_270], %add3A_269 {strides = array<i32>} : memref<512xi32, #tpu.memory_space<vmem>>, vector<16xi32>,
      %mul3A_272 = arith.constant 3 : i32
      %mul3A_273 = arith.muli %add3A, %mul3A_272 : i32
      %add3A_274 = arith.constant 1 : i32
      %add3A_275 = arith.addi %mul3A_273, %add3A_274 : i32
      %mul3A_276 = arith.constant 23104 : i32
      %mul3A_277 = arith.muli %add3A_275, %mul3A_276 : i32
      %add3A_278 = vector.broadcast %mul3A_277 : i32 to vector<16xi32>
      %add3A_279 = arith.addi %add3A_278, %select_n3A_211 : vector<16xi32>
      %swap3A_280 = arith.constant 384 : index
      %swap3A_281 = tpu.vector_load %arg16[%swap3A_280] {strides = array<i32>} : memref<512xi32, #tpu.memory_space<vmem>>, vector<16xi32>,
      tpu.vector_store %arg16[%swap3A_280], %add3A_279 {strides = array<i32>} : memref<512xi32, #tpu.memory_space<vmem>>, vector<16xi32>,
      %mul3A_282 = arith.constant 3 : i32
      %mul3A_283 = arith.muli %add3A, %mul3A_282 : i32
      %add3A_284 = arith.constant 2 : i32
      %add3A_285 = arith.addi %mul3A_283, %add3A_284 : i32
      %mul3A_286 = arith.constant 23104 : i32
      %mul3A_287 = arith.muli %add3A_285, %mul3A_286 : i32
      %add3A_288 = vector.broadcast %mul3A_287 : i32 to vector<16xi32>
      %add3A_289 = arith.addi %add3A_288, %select_n3A_211 : vector<16xi32>
      %swap3A_290 = arith.constant 448 : index
      %swap3A_291 = tpu.vector_load %arg16[%swap3A_290] {strides = array<i32>} : memref<512xi32, #tpu.memory_space<vmem>>, vector<16xi32>,
      tpu.vector_store %arg16[%swap3A_290], %add3A_289 {strides = array<i32>} : memref<512xi32, #tpu.memory_space<vmem>>, vector<16xi32>,
      %get3A_292 = arith.constant 16 : index
      %get3A_293 = tpu.vector_load %arg11[%get3A_292] {strides = array<i32>} : memref<64xi32, #tpu.memory_space<vmem>>, vector<16xi32>,
      %jit3A_294 = arith.constant 23104 : i32
      %eq3A_295 = arith.constant 0 : i32
      %eq3A_296 = arith.cmpi eq, %jit3A_294, %eq3A_295 : i32
      %jit3A_297 = arith.constant 1 : i32
      %select_n3A_298 = arith.select %eq3A_296, %jit3A_297, %jit3A_294 : i32
      %rem3A_299 = vector.broadcast %select_n3A_298 : i32 to vector<16xi32>
      %rem3A_300 = arith.remsi %get3A_293, %rem3A_299 : vector<16xi32>
      %ne3A_301 = arith.constant 0 : i32
      %ne3A_302 = vector.broadcast %ne3A_301 : i32 to vector<16xi32>
      %ne3A_303 = arith.cmpi ne, %rem3A_300, %ne3A_302 : vector<16xi32>
      %lt3A_304 = arith.constant 0 : i32
      %lt3A_305 = vector.broadcast %lt3A_304 : i32 to vector<16xi32>
      %lt3A_306 = arith.cmpi slt, %rem3A_300, %lt3A_305 : vector<16xi32>
      %lt3A_307 = arith.constant 0 : i32
      %lt3A_308 = arith.cmpi slt, %select_n3A_298, %lt3A_307 : i32
      %ne3A_309 = vector.broadcast %lt3A_308 : i1 to vector<16xi1>
      %ne3A_310 = vector.broadcast %ne3A_309 : vector<16xi1> to vector<16xi1>
      %ne3A_311 = arith.xori %lt3A_306, %ne3A_310 : vector<16xi1>
      %and3A_312 = arith.andi %ne3A_311, %ne3A_303 : vector<16xi1>
      %add3A_313 = vector.broadcast %select_n3A_298 : i32 to vector<16xi32>
      %add3A_314 = arith.addi %rem3A_300, %add3A_313 : vector<16xi32>
      %select_n3A_315 = arith.select %and3A_312, %add3A_314, %rem3A_300 : vector<16xi1>, vector<16xi32>
      %mul3A_316 = arith.constant 2 : i32
      %mul3A_317 = arith.muli %add3A, %mul3A_316 : i32
      %add3A_318 = arith.constant 0 : i32
      %add3A_319 = arith.addi %mul3A_317, %add3A_318 : i32
      %mul3A_320 = arith.constant 23104 : i32
      %mul3A_321 = arith.muli %add3A_319, %mul3A_320 : i32
      %add3A_322 = vector.broadcast %mul3A_321 : i32 to vector<16xi32>
      %add3A_323 = arith.addi %add3A_322, %select_n3A_315 : vector<16xi32>
      %swap3A_324 = arith.constant 16 : index
      %swap3A_325 = tpu.vector_load %arg16[%swap3A_324] {strides = array<i32>} : memref<512xi32, #tpu.memory_space<vmem>>, vector<16xi32>,
      tpu.vector_store %arg16[%swap3A_324], %add3A_323 {strides = array<i32>} : memref<512xi32, #tpu.memory_space<vmem>>, vector<16xi32>,
      %mul3A_326 = arith.constant 2 : i32
      %mul3A_327 = arith.muli %add3A, %mul3A_326 : i32
      %add3A_328 = arith.constant 1 : i32
      %add3A_329 = arith.addi %mul3A_327, %add3A_328 : i32
      %mul3A_330 = arith.constant 23104 : i32
      %mul3A_331 = arith.muli %add3A_329, %mul3A_330 : i32
      %add3A_332 = vector.broadcast %mul3A_331 : i32 to vector<16xi32>
      %add3A_333 = arith.addi %add3A_332, %select_n3A_315 : vector<16xi32>
      %swap3A_334 = arith.constant 80 : index
      %swap3A_335 = tpu.vector_load %arg16[%swap3A_334] {strides = array<i32>} : memref<512xi32, #tpu.memory_space<vmem>>, vector<16xi32>,
      tpu.vector_store %arg16[%swap3A_334], %add3A_333 {strides = array<i32>} : memref<512xi32, #tpu.memory_space<vmem>>, vector<16xi32>,
      %mul3A_336 = arith.constant 2 : i32
      %mul3A_337 = arith.muli %add3A, %mul3A_336 : i32
      %add3A_338 = arith.constant 0 : i32
      %add3A_339 = arith.addi %mul3A_337, %add3A_338 : i32
      %mul3A_340 = arith.constant 23104 : i32
      %mul3A_341 = arith.muli %add3A_339, %mul3A_340 : i32
      %add3A_342 = vector.broadcast %mul3A_341 : i32 to vector<16xi32>
      %add3A_343 = arith.addi %add3A_342, %select_n3A_315 : vector<16xi32>
      %swap3A_344 = arith.constant 144 : index
      %swap3A_345 = tpu.vector_load %arg16[%swap3A_344] {strides = array<i32>} : memref<512xi32, #tpu.memory_space<vmem>>, vector<16xi32>,
      tpu.vector_store %arg16[%swap3A_344], %add3A_343 {strides = array<i32>} : memref<512xi32, #tpu.memory_space<vmem>>, vector<16xi32>,
      %mul3A_346 = arith.constant 2 : i32
      %mul3A_347 = arith.muli %add3A, %mul3A_346 : i32
      %add3A_348 = arith.constant 1 : i32
      %add3A_349 = arith.addi %mul3A_347, %add3A_348 : i32
      %mul3A_350 = arith.constant 23104 : i32
      %mul3A_351 = arith.muli %add3A_349, %mul3A_350 : i32
      %add3A_352 = vector.broadcast %mul3A_351 : i32 to vector<16xi32>
      %add3A_353 = arith.addi %add3A_352, %select_n3A_315 : vector<16xi32>
      %swap3A_354 = arith.constant 208 : index
      %swap3A_355 = tpu.vector_load %arg16[%swap3A_354] {strides = array<i32>} : memref<512xi32, #tpu.memory_space<vmem>>, vector<16xi32>,
      tpu.vector_store %arg16[%swap3A_354], %add3A_353 {strides = array<i32>} : memref<512xi32, #tpu.memory_space<vmem>>, vector<16xi32>,
      %mul3A_356 = arith.constant 1 : i32
      %mul3A_357 = arith.muli %add3A, %mul3A_356 : i32
      %add3A_358 = arith.constant 0 : i32
      %add3A_359 = arith.addi %mul3A_357, %add3A_358 : i32
      %mul3A_360 = arith.constant 23104 : i32
      %mul3A_361 = arith.muli %add3A_359, %mul3A_360 : i32
      %add3A_362 = vector.broadcast %mul3A_361 : i32 to vector<16xi32>
      %add3A_363 = arith.addi %add3A_362, %select_n3A_315 : vector<16xi32>
      %swap3A_364 = arith.constant 272 : index
      %swap3A_365 = tpu.vector_load %arg16[%swap3A_364] {strides = array<i32>} : memref<512xi32, #tpu.memory_space<vmem>>, vector<16xi32>,
      tpu.vector_store %arg16[%swap3A_364], %add3A_363 {strides = array<i32>} : memref<512xi32, #tpu.memory_space<vmem>>, vector<16xi32>,
      %mul3A_366 = arith.constant 3 : i32
      %mul3A_367 = arith.muli %add3A, %mul3A_366 : i32
      %add3A_368 = arith.constant 0 : i32
      %add3A_369 = arith.addi %mul3A_367, %add3A_368 : i32
      %mul3A_370 = arith.constant 23104 : i32
      %mul3A_371 = arith.muli %add3A_369, %mul3A_370 : i32
      %add3A_372 = vector.broadcast %mul3A_371 : i32 to vector<16xi32>
      %add3A_373 = arith.addi %add3A_372, %select_n3A_315 : vector<16xi32>
      %swap3A_374 = arith.constant 336 : index
      %swap3A_375 = tpu.vector_load %arg16[%swap3A_374] {strides = array<i32>} : memref<512xi32, #tpu.memory_space<vmem>>, vector<16xi32>,
      tpu.vector_store %arg16[%swap3A_374], %add3A_373 {strides = array<i32>} : memref<512xi32, #tpu.memory_space<vmem>>, vector<16xi32>,
      %mul3A_376 = arith.constant 3 : i32
      %mul3A_377 = arith.muli %add3A, %mul3A_376 : i32
      %add3A_378 = arith.constant 1 : i32
      %add3A_379 = arith.addi %mul3A_377, %add3A_378 : i32
      %mul3A_380 = arith.constant 23104 : i32
      %mul3A_381 = arith.muli %add3A_379, %mul3A_380 : i32
      %add3A_382 = vector.broadcast %mul3A_381 : i32 to vector<16xi32>
      %add3A_383 = arith.addi %add3A_382, %select_n3A_315 : vector<16xi32>
      %swap3A_384 = arith.constant 400 : index
      %swap3A_385 = tpu.vector_load %arg16[%swap3A_384] {strides = array<i32>} : memref<512xi32, #tpu.memory_space<vmem>>, vector<16xi32>,
      tpu.vector_store %arg16[%swap3A_384], %add3A_383 {strides = array<i32>} : memref<512xi32, #tpu.memory_space<vmem>>, vector<16xi32>,
      %mul3A_386 = arith.constant 3 : i32
      %mul3A_387 = arith.muli %add3A, %mul3A_386 : i32
      %add3A_388 = arith.constant 2 : i32
      %add3A_389 = arith.addi %mul3A_387, %add3A_388 : i32
      %mul3A_390 = arith.constant 23104 : i32
      %mul3A_391 = arith.muli %add3A_389, %mul3A_390 : i32
      %add3A_392 = vector.broadcast %mul3A_391 : i32 to vector<16xi32>
      %add3A_393 = arith.addi %add3A_392, %select_n3A_315 : vector<16xi32>
      %swap3A_394 = arith.constant 464 : index
      %swap3A_395 = tpu.vector_load %arg16[%swap3A_394] {strides = array<i32>} : memref<512xi32, #tpu.memory_space<vmem>>, vector<16xi32>,
      tpu.vector_store %arg16[%swap3A_394], %add3A_393 {strides = array<i32>} : memref<512xi32, #tpu.memory_space<vmem>>, vector<16xi32>,
      %get3A_396 = arith.constant 32 : index
      %get3A_397 = tpu.vector_load %arg11[%get3A_396] {strides = array<i32>} : memref<64xi32, #tpu.memory_space<vmem>>, vector<16xi32>,
      %jit3A_398 = arith.constant 23104 : i32
      %eq3A_399 = arith.constant 0 : i32
      %eq3A_400 = arith.cmpi eq, %jit3A_398, %eq3A_399 : i32
      %jit3A_401 = arith.constant 1 : i32
      %select_n3A_402 = arith.select %eq3A_400, %jit3A_401, %jit3A_398 : i32
      %rem3A_403 = vector.broadcast %select_n3A_402 : i32 to vector<16xi32>
      %rem3A_404 = arith.remsi %get3A_397, %rem3A_403 : vector<16xi32>
      %ne3A_405 = arith.constant 0 : i32
      %ne3A_406 = vector.broadcast %ne3A_405 : i32 to vector<16xi32>
      %ne3A_407 = arith.cmpi ne, %rem3A_404, %ne3A_406 : vector<16xi32>
      %lt3A_408 = arith.constant 0 : i32
      %lt3A_409 = vector.broadcast %lt3A_408 : i32 to vector<16xi32>
      %lt3A_410 = arith.cmpi slt, %rem3A_404, %lt3A_409 : vector<16xi32>
      %lt3A_411 = arith.constant 0 : i32
      %lt3A_412 = arith.cmpi slt, %select_n3A_402, %lt3A_411 : i32
      %ne3A_413 = vector.broadcast %lt3A_412 : i1 to vector<16xi1>
      %ne3A_414 = vector.broadcast %ne3A_413 : vector<16xi1> to vector<16xi1>
      %ne3A_415 = arith.xori %lt3A_410, %ne3A_414 : vector<16xi1>
      %and3A_416 = arith.andi %ne3A_415, %ne3A_407 : vector<16xi1>
      %add3A_417 = vector.broadcast %select_n3A_402 : i32 to vector<16xi32>
      %add3A_418 = arith.addi %rem3A_404, %add3A_417 : vector<16xi32>
      %select_n3A_419 = arith.select %and3A_416, %add3A_418, %rem3A_404 : vector<16xi1>, vector<16xi32>
      %mul3A_420 = arith.constant 2 : i32
      %mul3A_421 = arith.muli %add3A, %mul3A_420 : i32
      %add3A_422 = arith.constant 0 : i32
      %add3A_423 = arith.addi %mul3A_421, %add3A_422 : i32
      %mul3A_424 = arith.constant 23104 : i32
      %mul3A_425 = arith.muli %add3A_423, %mul3A_424 : i32
      %add3A_426 = vector.broadcast %mul3A_425 : i32 to vector<16xi32>
      %add3A_427 = arith.addi %add3A_426, %select_n3A_419 : vector<16xi32>
      %swap3A_428 = arith.constant 32 : index
      %swap3A_429 = tpu.vector_load %arg16[%swap3A_428] {strides = array<i32>} : memref<512xi32, #tpu.memory_space<vmem>>, vector<16xi32>,
      tpu.vector_store %arg16[%swap3A_428], %add3A_427 {strides = array<i32>} : memref<512xi32, #tpu.memory_space<vmem>>, vector<16xi32>,
      %mul3A_430 = arith.constant 2 : i32
      %mul3A_431 = arith.muli %add3A, %mul3A_430 : i32
      %add3A_432 = arith.constant 1 : i32
      %add3A_433 = arith.addi %mul3A_431, %add3A_432 : i32
      %mul3A_434 = arith.constant 23104 : i32
      %mul3A_435 = arith.muli %add3A_433, %mul3A_434 : i32
      %add3A_436 = vector.broadcast %mul3A_435 : i32 to vector<16xi32>
      %add3A_437 = arith.addi %add3A_436, %select_n3A_419 : vector<16xi32>
      %swap3A_438 = arith.constant 96 : index
      %swap3A_439 = tpu.vector_load %arg16[%swap3A_438] {strides = array<i32>} : memref<512xi32, #tpu.memory_space<vmem>>, vector<16xi32>,
      tpu.vector_store %arg16[%swap3A_438], %add3A_437 {strides = array<i32>} : memref<512xi32, #tpu.memory_space<vmem>>, vector<16xi32>,
      %mul3A_440 = arith.constant 2 : i32
      %mul3A_441 = arith.muli %add3A, %mul3A_440 : i32
      %add3A_442 = arith.constant 0 : i32
      %add3A_443 = arith.addi %mul3A_441, %add3A_442 : i32
      %mul3A_444 = arith.constant 23104 : i32
      %mul3A_445 = arith.muli %add3A_443, %mul3A_444 : i32
      %add3A_446 = vector.broadcast %mul3A_445 : i32 to vector<16xi32>
      %add3A_447 = arith.addi %add3A_446, %select_n3A_419 : vector<16xi32>
      %swap3A_448 = arith.constant 160 : index
      %swap3A_449 = tpu.vector_load %arg16[%swap3A_448] {strides = array<i32>} : memref<512xi32, #tpu.memory_space<vmem>>, vector<16xi32>,
      tpu.vector_store %arg16[%swap3A_448], %add3A_447 {strides = array<i32>} : memref<512xi32, #tpu.memory_space<vmem>>, vector<16xi32>,
      %mul3A_450 = arith.constant 2 : i32
      %mul3A_451 = arith.muli %add3A, %mul3A_450 : i32
      %add3A_452 = arith.constant 1 : i32
      %add3A_453 = arith.addi %mul3A_451, %add3A_452 : i32
      %mul3A_454 = arith.constant 23104 : i32
      %mul3A_455 = arith.muli %add3A_453, %mul3A_454 : i32
      %add3A_456 = vector.broadcast %mul3A_455 : i32 to vector<16xi32>
      %add3A_457 = arith.addi %add3A_456, %select_n3A_419 : vector<16xi32>
      %swap3A_458 = arith.constant 224 : index
      %swap3A_459 = tpu.vector_load %arg16[%swap3A_458] {strides = array<i32>} : memref<512xi32, #tpu.memory_space<vmem>>, vector<16xi32>,
      tpu.vector_store %arg16[%swap3A_458], %add3A_457 {strides = array<i32>} : memref<512xi32, #tpu.memory_space<vmem>>, vector<16xi32>,
      %mul3A_460 = arith.constant 1 : i32
      %mul3A_461 = arith.muli %add3A, %mul3A_460 : i32
      %add3A_462 = arith.constant 0 : i32
      %add3A_463 = arith.addi %mul3A_461, %add3A_462 : i32
      %mul3A_464 = arith.constant 23104 : i32
      %mul3A_465 = arith.muli %add3A_463, %mul3A_464 : i32
      %add3A_466 = vector.broadcast %mul3A_465 : i32 to vector<16xi32>
      %add3A_467 = arith.addi %add3A_466, %select_n3A_419 : vector<16xi32>
      %swap3A_468 = arith.constant 288 : index
      %swap3A_469 = tpu.vector_load %arg16[%swap3A_468] {strides = array<i32>} : memref<512xi32, #tpu.memory_space<vmem>>, vector<16xi32>,
      tpu.vector_store %arg16[%swap3A_468], %add3A_467 {strides = array<i32>} : memref<512xi32, #tpu.memory_space<vmem>>, vector<16xi32>,
      %mul3A_470 = arith.constant 3 : i32
      %mul3A_471 = arith.muli %add3A, %mul3A_470 : i32
      %add3A_472 = arith.constant 0 : i32
      %add3A_473 = arith.addi %mul3A_471, %add3A_472 : i32
      %mul3A_474 = arith.constant 23104 : i32
      %mul3A_475 = arith.muli %add3A_473, %mul3A_474 : i32
      %add3A_476 = vector.broadcast %mul3A_475 : i32 to vector<16xi32>
      %add3A_477 = arith.addi %add3A_476, %select_n3A_419 : vector<16xi32>
      %swap3A_478 = arith.constant 352 : index
      %swap3A_479 = tpu.vector_load %arg16[%swap3A_478] {strides = array<i32>} : memref<512xi32, #tpu.memory_space<vmem>>, vector<16xi32>,
      tpu.vector_store %arg16[%swap3A_478], %add3A_477 {strides = array<i32>} : memref<512xi32, #tpu.memory_space<vmem>>, vector<16xi32>,
      %mul3A_480 = arith.constant 3 : i32
      %mul3A_481 = arith.muli %add3A, %mul3A_480 : i32
      %add3A_482 = arith.constant 1 : i32
      %add3A_483 = arith.addi %mul3A_481, %add3A_482 : i32
      %mul3A_484 = arith.constant 23104 : i32
      %mul3A_485 = arith.muli %add3A_483, %mul3A_484 : i32
      %add3A_486 = vector.broadcast %mul3A_485 : i32 to vector<16xi32>
      %add3A_487 = arith.addi %add3A_486, %select_n3A_419 : vector<16xi32>
      %swap3A_488 = arith.constant 416 : index
      %swap3A_489 = tpu.vector_load %arg16[%swap3A_488] {strides = array<i32>} : memref<512xi32, #tpu.memory_space<vmem>>, vector<16xi32>,
      tpu.vector_store %arg16[%swap3A_488], %add3A_487 {strides = array<i32>} : memref<512xi32, #tpu.memory_space<vmem>>, vector<16xi32>,
      %mul3A_490 = arith.constant 3 : i32
      %mul3A_491 = arith.muli %add3A, %mul3A_490 : i32
      %add3A_492 = arith.constant 2 : i32
      %add3A_493 = arith.addi %mul3A_491, %add3A_492 : i32
      %mul3A_494 = arith.constant 23104 : i32
      %mul3A_495 = arith.muli %add3A_493, %mul3A_494 : i32
      %add3A_496 = vector.broadcast %mul3A_495 : i32 to vector<16xi32>
      %add3A_497 = arith.addi %add3A_496, %select_n3A_419 : vector<16xi32>
      %swap3A_498 = arith.constant 480 : index
      %swap3A_499 = tpu.vector_load %arg16[%swap3A_498] {strides = array<i32>} : memref<512xi32, #tpu.memory_space<vmem>>, vector<16xi32>,
      tpu.vector_store %arg16[%swap3A_498], %add3A_497 {strides = array<i32>} : memref<512xi32, #tpu.memory_space<vmem>>, vector<16xi32>,
      %get3A_500 = arith.constant 48 : index
      %get3A_501 = tpu.vector_load %arg11[%get3A_500] {strides = array<i32>} : memref<64xi32, #tpu.memory_space<vmem>>, vector<16xi32>,
      %jit3A_502 = arith.constant 23104 : i32
      %eq3A_503 = arith.constant 0 : i32
      %eq3A_504 = arith.cmpi eq, %jit3A_502, %eq3A_503 : i32
      %jit3A_505 = arith.constant 1 : i32
      %select_n3A_506 = arith.select %eq3A_504, %jit3A_505, %jit3A_502 : i32
      %rem3A_507 = vector.broadcast %select_n3A_506 : i32 to vector<16xi32>
      %rem3A_508 = arith.remsi %get3A_501, %rem3A_507 : vector<16xi32>
      %ne3A_509 = arith.constant 0 : i32
      %ne3A_510 = vector.broadcast %ne3A_509 : i32 to vector<16xi32>
      %ne3A_511 = arith.cmpi ne, %rem3A_508, %ne3A_510 : vector<16xi32>
      %lt3A_512 = arith.constant 0 : i32
      %lt3A_513 = vector.broadcast %lt3A_512 : i32 to vector<16xi32>
      %lt3A_514 = arith.cmpi slt, %rem3A_508, %lt3A_513 : vector<16xi32>
      %lt3A_515 = arith.constant 0 : i32
      %lt3A_516 = arith.cmpi slt, %select_n3A_506, %lt3A_515 : i32
      %ne3A_517 = vector.broadcast %lt3A_516 : i1 to vector<16xi1>
      %ne3A_518 = vector.broadcast %ne3A_517 : vector<16xi1> to vector<16xi1>
      %ne3A_519 = arith.xori %lt3A_514, %ne3A_518 : vector<16xi1>
      %and3A_520 = arith.andi %ne3A_519, %ne3A_511 : vector<16xi1>
      %add3A_521 = vector.broadcast %select_n3A_506 : i32 to vector<16xi32>
      %add3A_522 = arith.addi %rem3A_508, %add3A_521 : vector<16xi32>
      %select_n3A_523 = arith.select %and3A_520, %add3A_522, %rem3A_508 : vector<16xi1>, vector<16xi32>
      %mul3A_524 = arith.constant 2 : i32
      %mul3A_525 = arith.muli %add3A, %mul3A_524 : i32
      %add3A_526 = arith.constant 0 : i32
      %add3A_527 = arith.addi %mul3A_525, %add3A_526 : i32
      %mul3A_528 = arith.constant 23104 : i32
      %mul3A_529 = arith.muli %add3A_527, %mul3A_528 : i32
      %add3A_530 = vector.broadcast %mul3A_529 : i32 to vector<16xi32>
      %add3A_531 = arith.addi %add3A_530, %select_n3A_523 : vector<16xi32>
      %swap3A_532 = arith.constant 48 : index
      %swap3A_533 = tpu.vector_load %arg16[%swap3A_532] {strides = array<i32>} : memref<512xi32, #tpu.memory_space<vmem>>, vector<16xi32>,
      tpu.vector_store %arg16[%swap3A_532], %add3A_531 {strides = array<i32>} : memref<512xi32, #tpu.memory_space<vmem>>, vector<16xi32>,
      %mul3A_534 = arith.constant 2 : i32
      %mul3A_535 = arith.muli %add3A, %mul3A_534 : i32
      %add3A_536 = arith.constant 1 : i32
      %add3A_537 = arith.addi %mul3A_535, %add3A_536 : i32
      %mul3A_538 = arith.constant 23104 : i32
      %mul3A_539 = arith.muli %add3A_537, %mul3A_538 : i32
      %add3A_540 = vector.broadcast %mul3A_539 : i32 to vector<16xi32>
      %add3A_541 = arith.addi %add3A_540, %select_n3A_523 : vector<16xi32>
      %swap3A_542 = arith.constant 112 : index
      %swap3A_543 = tpu.vector_load %arg16[%swap3A_542] {strides = array<i32>} : memref<512xi32, #tpu.memory_space<vmem>>, vector<16xi32>,
      tpu.vector_store %arg16[%swap3A_542], %add3A_541 {strides = array<i32>} : memref<512xi32, #tpu.memory_space<vmem>>, vector<16xi32>,
      %mul3A_544 = arith.constant 2 : i32
      %mul3A_545 = arith.muli %add3A, %mul3A_544 : i32
      %add3A_546 = arith.constant 0 : i32
      %add3A_547 = arith.addi %mul3A_545, %add3A_546 : i32
      %mul3A_548 = arith.constant 23104 : i32
      %mul3A_549 = arith.muli %add3A_547, %mul3A_548 : i32
      %add3A_550 = vector.broadcast %mul3A_549 : i32 to vector<16xi32>
      %add3A_551 = arith.addi %add3A_550, %select_n3A_523 : vector<16xi32>
      %swap3A_552 = arith.constant 176 : index
      %swap3A_553 = tpu.vector_load %arg16[%swap3A_552] {strides = array<i32>} : memref<512xi32, #tpu.memory_space<vmem>>, vector<16xi32>,
      tpu.vector_store %arg16[%swap3A_552], %add3A_551 {strides = array<i32>} : memref<512xi32, #tpu.memory_space<vmem>>, vector<16xi32>,
      %mul3A_554 = arith.constant 2 : i32
      %mul3A_555 = arith.muli %add3A, %mul3A_554 : i32
      %add3A_556 = arith.constant 1 : i32
      %add3A_557 = arith.addi %mul3A_555, %add3A_556 : i32
      %mul3A_558 = arith.constant 23104 : i32
      %mul3A_559 = arith.muli %add3A_557, %mul3A_558 : i32
      %add3A_560 = vector.broadcast %mul3A_559 : i32 to vector<16xi32>
      %add3A_561 = arith.addi %add3A_560, %select_n3A_523 : vector<16xi32>
      %swap3A_562 = arith.constant 240 : index
      %swap3A_563 = tpu.vector_load %arg16[%swap3A_562] {strides = array<i32>} : memref<512xi32, #tpu.memory_space<vmem>>, vector<16xi32>,
      tpu.vector_store %arg16[%swap3A_562], %add3A_561 {strides = array<i32>} : memref<512xi32, #tpu.memory_space<vmem>>, vector<16xi32>,
      %mul3A_564 = arith.constant 1 : i32
      %mul3A_565 = arith.muli %add3A, %mul3A_564 : i32
      %add3A_566 = arith.constant 0 : i32
      %add3A_567 = arith.addi %mul3A_565, %add3A_566 : i32
      %mul3A_568 = arith.constant 23104 : i32
      %mul3A_569 = arith.muli %add3A_567, %mul3A_568 : i32
      %add3A_570 = vector.broadcast %mul3A_569 : i32 to vector<16xi32>
      %add3A_571 = arith.addi %add3A_570, %select_n3A_523 : vector<16xi32>
      %swap3A_572 = arith.constant 304 : index
      %swap3A_573 = tpu.vector_load %arg16[%swap3A_572] {strides = array<i32>} : memref<512xi32, #tpu.memory_space<vmem>>, vector<16xi32>,
      tpu.vector_store %arg16[%swap3A_572], %add3A_571 {strides = array<i32>} : memref<512xi32, #tpu.memory_space<vmem>>, vector<16xi32>,
      %mul3A_574 = arith.constant 3 : i32
      %mul3A_575 = arith.muli %add3A, %mul3A_574 : i32
      %add3A_576 = arith.constant 0 : i32
      %add3A_577 = arith.addi %mul3A_575, %add3A_576 : i32
      %mul3A_578 = arith.constant 23104 : i32
      %mul3A_579 = arith.muli %add3A_577, %mul3A_578 : i32
      %add3A_580 = vector.broadcast %mul3A_579 : i32 to vector<16xi32>
      %add3A_581 = arith.addi %add3A_580, %select_n3A_523 : vector<16xi32>
      %swap3A_582 = arith.constant 368 : index
      %swap3A_583 = tpu.vector_load %arg16[%swap3A_582] {strides = array<i32>} : memref<512xi32, #tpu.memory_space<vmem>>, vector<16xi32>,
      tpu.vector_store %arg16[%swap3A_582], %add3A_581 {strides = array<i32>} : memref<512xi32, #tpu.memory_space<vmem>>, vector<16xi32>,
      %mul3A_584 = arith.constant 3 : i32
      %mul3A_585 = arith.muli %add3A, %mul3A_584 : i32
      %add3A_586 = arith.constant 1 : i32
      %add3A_587 = arith.addi %mul3A_585, %add3A_586 : i32
      %mul3A_588 = arith.constant 23104 : i32
      %mul3A_589 = arith.muli %add3A_587, %mul3A_588 : i32
      %add3A_590 = vector.broadcast %mul3A_589 : i32 to vector<16xi32>
      %add3A_591 = arith.addi %add3A_590, %select_n3A_523 : vector<16xi32>
      %swap3A_592 = arith.constant 432 : index
      %swap3A_593 = tpu.vector_load %arg16[%swap3A_592] {strides = array<i32>} : memref<512xi32, #tpu.memory_space<vmem>>, vector<16xi32>,
      tpu.vector_store %arg16[%swap3A_592], %add3A_591 {strides = array<i32>} : memref<512xi32, #tpu.memory_space<vmem>>, vector<16xi32>,
      %mul3A_594 = arith.constant 3 : i32
      %mul3A_595 = arith.muli %add3A, %mul3A_594 : i32
      %add3A_596 = arith.constant 2 : i32
      %add3A_597 = arith.addi %mul3A_595, %add3A_596 : i32
      %mul3A_598 = arith.constant 23104 : i32
      %mul3A_599 = arith.muli %add3A_597, %mul3A_598 : i32
      %add3A_600 = vector.broadcast %mul3A_599 : i32 to vector<16xi32>
      %add3A_601 = arith.addi %add3A_600, %select_n3A_523 : vector<16xi32>
      %swap3A_602 = arith.constant 496 : index
      %swap3A_603 = tpu.vector_load %arg16[%swap3A_602] {strides = array<i32>} : memref<512xi32, #tpu.memory_space<vmem>>, vector<16xi32>,
      tpu.vector_store %arg16[%swap3A_602], %add3A_601 {strides = array<i32>} : memref<512xi32, #tpu.memory_space<vmem>>, vector<16xi32>,
      %dma_start3A = arith.constant 0 : i32
      %dma_start3A_604 = tpu.memref_slice %arg17[%dma_start3A] : memref<512xf32, #tpu.memory_space<vmem>> -> memref<64xf32, #tpu.memory_space<vmem>>
      %dma_start3A_605 = arith.constant 0 : i32
      %dma_start3A_606 = tpu.memref_slice %arg16[%dma_start3A_605] : memref<512xi32, #tpu.memory_space<vmem>> -> memref<64xi32, #tpu.memory_space<vmem>>
      %dma_start3A_607 = arith.constant 0 : i32
      %dma_start3A_608 = tpu.memref_slice %arg3[%dma_start3A_607] : memref<369664xf32, #tpu.memory_space<hbm>> -> memref<369664xf32, #tpu.memory_space<hbm>>
      tpu.enqueue_indirect_dma source(%dma_start3A_608 : memref<369664xf32, #tpu.memory_space<hbm>>) target(%dma_start3A_604 : memref<64xf32, #tpu.memory_space<vmem>>) offsets(%dma_start3A_606 : memref<64xi32, #tpu.memory_space<vmem>>) semaphore(%arg19 : memref<!tpu.dma_semaphore, #tpu.memory_space<semaphore_mem>>)
      %dma_start3A_609 = arith.constant 64 : i32
      %dma_start3A_610 = tpu.memref_slice %arg17[%dma_start3A_609] : memref<512xf32, #tpu.memory_space<vmem>> -> memref<64xf32, #tpu.memory_space<vmem>>
      %dma_start3A_611 = arith.constant 64 : i32
      %dma_start3A_612 = tpu.memref_slice %arg16[%dma_start3A_611] : memref<512xi32, #tpu.memory_space<vmem>> -> memref<64xi32, #tpu.memory_space<vmem>>
      %dma_start3A_613 = arith.constant 0 : i32
      %dma_start3A_614 = tpu.memref_slice %arg3[%dma_start3A_613] : memref<369664xf32, #tpu.memory_space<hbm>> -> memref<369664xf32, #tpu.memory_space<hbm>>
      tpu.enqueue_indirect_dma source(%dma_start3A_614 : memref<369664xf32, #tpu.memory_space<hbm>>) target(%dma_start3A_610 : memref<64xf32, #tpu.memory_space<vmem>>) offsets(%dma_start3A_612 : memref<64xi32, #tpu.memory_space<vmem>>) semaphore(%arg19 : memref<!tpu.dma_semaphore, #tpu.memory_space<semaphore_mem>>)
      %dma_start3A_615 = arith.constant 128 : i32
      %dma_start3A_616 = tpu.memref_slice %arg17[%dma_start3A_615] : memref<512xf32, #tpu.memory_space<vmem>> -> memref<64xf32, #tpu.memory_space<vmem>>
      %dma_start3A_617 = arith.constant 128 : i32
      %dma_start3A_618 = tpu.memref_slice %arg16[%dma_start3A_617] : memref<512xi32, #tpu.memory_space<vmem>> -> memref<64xi32, #tpu.memory_space<vmem>>
      %dma_start3A_619 = arith.constant 0 : i32
      %dma_start3A_620 = tpu.memref_slice %arg4[%dma_start3A_619] : memref<369664xf32, #tpu.memory_space<hbm>> -> memref<369664xf32, #tpu.memory_space<hbm>>
      tpu.enqueue_indirect_dma source(%dma_start3A_620 : memref<369664xf32, #tpu.memory_space<hbm>>) target(%dma_start3A_616 : memref<64xf32, #tpu.memory_space<vmem>>) offsets(%dma_start3A_618 : memref<64xi32, #tpu.memory_space<vmem>>) semaphore(%arg19 : memref<!tpu.dma_semaphore, #tpu.memory_space<semaphore_mem>>)
      %dma_start3A_621 = arith.constant 192 : i32
      %dma_start3A_622 = tpu.memref_slice %arg17[%dma_start3A_621] : memref<512xf32, #tpu.memory_space<vmem>> -> memref<64xf32, #tpu.memory_space<vmem>>
      %dma_start3A_623 = arith.constant 192 : i32
      %dma_start3A_624 = tpu.memref_slice %arg16[%dma_start3A_623] : memref<512xi32, #tpu.memory_space<vmem>> -> memref<64xi32, #tpu.memory_space<vmem>>
      %dma_start3A_625 = arith.constant 0 : i32
      %dma_start3A_626 = tpu.memref_slice %arg4[%dma_start3A_625] : memref<369664xf32, #tpu.memory_space<hbm>> -> memref<369664xf32, #tpu.memory_space<hbm>>
      tpu.enqueue_indirect_dma source(%dma_start3A_626 : memref<369664xf32, #tpu.memory_space<hbm>>) target(%dma_start3A_622 : memref<64xf32, #tpu.memory_space<vmem>>) offsets(%dma_start3A_624 : memref<64xi32, #tpu.memory_space<vmem>>) semaphore(%arg19 : memref<!tpu.dma_semaphore, #tpu.memory_space<semaphore_mem>>)
      %dma_start3A_627 = arith.constant 256 : i32
      %dma_start3A_628 = tpu.memref_slice %arg17[%dma_start3A_627] : memref<512xf32, #tpu.memory_space<vmem>> -> memref<64xf32, #tpu.memory_space<vmem>>
      %dma_start3A_629 = arith.constant 256 : i32
      %dma_start3A_630 = tpu.memref_slice %arg16[%dma_start3A_629] : memref<512xi32, #tpu.memory_space<vmem>> -> memref<64xi32, #tpu.memory_space<vmem>>
      %dma_start3A_631 = arith.constant 0 : i32
      %dma_start3A_632 = tpu.memref_slice %arg5[%dma_start3A_631] : memref<184832xf32, #tpu.memory_space<hbm>> -> memref<184832xf32, #tpu.memory_space<hbm>>
      tpu.enqueue_indirect_dma source(%dma_start3A_632 : memref<184832xf32, #tpu.memory_space<hbm>>) target(%dma_start3A_628 : memref<64xf32, #tpu.memory_space<vmem>>) offsets(%dma_start3A_630 : memref<64xi32, #tpu.memory_space<vmem>>) semaphore(%arg19 : memref<!tpu.dma_semaphore, #tpu.memory_space<semaphore_mem>>)
      %dma_start3A_633 = arith.constant 320 : i32
      %dma_start3A_634 = tpu.memref_slice %arg17[%dma_start3A_633] : memref<512xf32, #tpu.memory_space<vmem>> -> memref<64xf32, #tpu.memory_space<vmem>>
      %dma_start3A_635 = arith.constant 320 : i32
      %dma_start3A_636 = tpu.memref_slice %arg16[%dma_start3A_635] : memref<512xi32, #tpu.memory_space<vmem>> -> memref<64xi32, #tpu.memory_space<vmem>>
      %dma_start3A_637 = arith.constant 0 : i32
      %dma_start3A_638 = tpu.memref_slice %arg6[%dma_start3A_637] : memref<554496xf32, #tpu.memory_space<hbm>> -> memref<554496xf32, #tpu.memory_space<hbm>>
      tpu.enqueue_indirect_dma source(%dma_start3A_638 : memref<554496xf32, #tpu.memory_space<hbm>>) target(%dma_start3A_634 : memref<64xf32, #tpu.memory_space<vmem>>) offsets(%dma_start3A_636 : memref<64xi32, #tpu.memory_space<vmem>>) semaphore(%arg19 : memref<!tpu.dma_semaphore, #tpu.memory_space<semaphore_mem>>)
      %dma_start3A_639 = arith.constant 384 : i32
      %dma_start3A_640 = tpu.memref_slice %arg17[%dma_start3A_639] : memref<512xf32, #tpu.memory_space<vmem>> -> memref<64xf32, #tpu.memory_space<vmem>>
      %dma_start3A_641 = arith.constant 384 : i32
      %dma_start3A_642 = tpu.memref_slice %arg16[%dma_start3A_641] : memref<512xi32, #tpu.memory_space<vmem>> -> memref<64xi32, #tpu.memory_space<vmem>>
      %dma_start3A_643 = arith.constant 0 : i32
      %dma_start3A_644 = tpu.memref_slice %arg6[%dma_start3A_643] : memref<554496xf32, #tpu.memory_space<hbm>> -> memref<554496xf32, #tpu.memory_space<hbm>>
      tpu.enqueue_indirect_dma source(%dma_start3A_644 : memref<554496xf32, #tpu.memory_space<hbm>>) target(%dma_start3A_640 : memref<64xf32, #tpu.memory_space<vmem>>) offsets(%dma_start3A_642 : memref<64xi32, #tpu.memory_space<vmem>>) semaphore(%arg19 : memref<!tpu.dma_semaphore, #tpu.memory_space<semaphore_mem>>)
      %dma_start3A_645 = arith.constant 448 : i32
      %dma_start3A_646 = tpu.memref_slice %arg17[%dma_start3A_645] : memref<512xf32, #tpu.memory_space<vmem>> -> memref<64xf32, #tpu.memory_space<vmem>>
      %dma_start3A_647 = arith.constant 448 : i32
      %dma_start3A_648 = tpu.memref_slice %arg16[%dma_start3A_647] : memref<512xi32, #tpu.memory_space<vmem>> -> memref<64xi32, #tpu.memory_space<vmem>>
      %dma_start3A_649 = arith.constant 0 : i32
      %dma_start3A_650 = tpu.memref_slice %arg6[%dma_start3A_649] : memref<554496xf32, #tpu.memory_space<hbm>> -> memref<554496xf32, #tpu.memory_space<hbm>>
      tpu.enqueue_indirect_dma source(%dma_start3A_650 : memref<554496xf32, #tpu.memory_space<hbm>>) target(%dma_start3A_646 : memref<64xf32, #tpu.memory_space<vmem>>) offsets(%dma_start3A_648 : memref<64xi32, #tpu.memory_space<vmem>>) semaphore(%arg19 : memref<!tpu.dma_semaphore, #tpu.memory_space<semaphore_mem>>)
      %dma_wait3A = arith.constant 0 : i32
      %dma_wait3A_651 = tpu.memref_slice %arg17[%dma_wait3A] : memref<512xf32, #tpu.memory_space<vmem>> -> memref<64xf32, #tpu.memory_space<vmem>>
      %dma_wait3A_652 = arith.constant 0 : i32
      %dma_wait3A_653 = tpu.memref_slice %arg16[%dma_wait3A_652] : memref<512xi32, #tpu.memory_space<vmem>> -> memref<64xi32, #tpu.memory_space<vmem>>
      %dma_wait3A_654 = arith.constant 0 : i32
      %dma_wait3A_655 = tpu.memref_slice %arg3[%dma_wait3A_654] : memref<369664xf32, #tpu.memory_space<hbm>> -> memref<369664xf32, #tpu.memory_space<hbm>>
      tpu.wait_indirect_dma semaphore(%arg19 : memref<!tpu.dma_semaphore, #tpu.memory_space<semaphore_mem>>) src(%dma_wait3A_655 : memref<369664xf32, #tpu.memory_space<hbm>>) dst(%dma_wait3A_651 : memref<64xf32, #tpu.memory_space<vmem>>)
      %dma_wait3A_656 = arith.constant 64 : i32
      %dma_wait3A_657 = tpu.memref_slice %arg17[%dma_wait3A_656] : memref<512xf32, #tpu.memory_space<vmem>> -> memref<64xf32, #tpu.memory_space<vmem>>
      %dma_wait3A_658 = arith.constant 64 : i32
      %dma_wait3A_659 = tpu.memref_slice %arg16[%dma_wait3A_658] : memref<512xi32, #tpu.memory_space<vmem>> -> memref<64xi32, #tpu.memory_space<vmem>>
      %dma_wait3A_660 = arith.constant 0 : i32
      %dma_wait3A_661 = tpu.memref_slice %arg3[%dma_wait3A_660] : memref<369664xf32, #tpu.memory_space<hbm>> -> memref<369664xf32, #tpu.memory_space<hbm>>
      tpu.wait_indirect_dma semaphore(%arg19 : memref<!tpu.dma_semaphore, #tpu.memory_space<semaphore_mem>>) src(%dma_wait3A_661 : memref<369664xf32, #tpu.memory_space<hbm>>) dst(%dma_wait3A_657 : memref<64xf32, #tpu.memory_space<vmem>>)
      %dma_wait3A_662 = arith.constant 128 : i32
      %dma_wait3A_663 = tpu.memref_slice %arg17[%dma_wait3A_662] : memref<512xf32, #tpu.memory_space<vmem>> -> memref<64xf32, #tpu.memory_space<vmem>>
      %dma_wait3A_664 = arith.constant 128 : i32
      %dma_wait3A_665 = tpu.memref_slice %arg16[%dma_wait3A_664] : memref<512xi32, #tpu.memory_space<vmem>> -> memref<64xi32, #tpu.memory_space<vmem>>
      %dma_wait3A_666 = arith.constant 0 : i32
      %dma_wait3A_667 = tpu.memref_slice %arg4[%dma_wait3A_666] : memref<369664xf32, #tpu.memory_space<hbm>> -> memref<369664xf32, #tpu.memory_space<hbm>>
      tpu.wait_indirect_dma semaphore(%arg19 : memref<!tpu.dma_semaphore, #tpu.memory_space<semaphore_mem>>) src(%dma_wait3A_667 : memref<369664xf32, #tpu.memory_space<hbm>>) dst(%dma_wait3A_663 : memref<64xf32, #tpu.memory_space<vmem>>)
      %dma_wait3A_668 = arith.constant 192 : i32
      %dma_wait3A_669 = tpu.memref_slice %arg17[%dma_wait3A_668] : memref<512xf32, #tpu.memory_space<vmem>> -> memref<64xf32, #tpu.memory_space<vmem>>
      %dma_wait3A_670 = arith.constant 192 : i32
      %dma_wait3A_671 = tpu.memref_slice %arg16[%dma_wait3A_670] : memref<512xi32, #tpu.memory_space<vmem>> -> memref<64xi32, #tpu.memory_space<vmem>>
      %dma_wait3A_672 = arith.constant 0 : i32
      %dma_wait3A_673 = tpu.memref_slice %arg4[%dma_wait3A_672] : memref<369664xf32, #tpu.memory_space<hbm>> -> memref<369664xf32, #tpu.memory_space<hbm>>
      tpu.wait_indirect_dma semaphore(%arg19 : memref<!tpu.dma_semaphore, #tpu.memory_space<semaphore_mem>>) src(%dma_wait3A_673 : memref<369664xf32, #tpu.memory_space<hbm>>) dst(%dma_wait3A_669 : memref<64xf32, #tpu.memory_space<vmem>>)
      %dma_wait3A_674 = arith.constant 256 : i32
      %dma_wait3A_675 = tpu.memref_slice %arg17[%dma_wait3A_674] : memref<512xf32, #tpu.memory_space<vmem>> -> memref<64xf32, #tpu.memory_space<vmem>>
      %dma_wait3A_676 = arith.constant 256 : i32
      %dma_wait3A_677 = tpu.memref_slice %arg16[%dma_wait3A_676] : memref<512xi32, #tpu.memory_space<vmem>> -> memref<64xi32, #tpu.memory_space<vmem>>
      %dma_wait3A_678 = arith.constant 0 : i32
      %dma_wait3A_679 = tpu.memref_slice %arg5[%dma_wait3A_678] : memref<184832xf32, #tpu.memory_space<hbm>> -> memref<184832xf32, #tpu.memory_space<hbm>>
      tpu.wait_indirect_dma semaphore(%arg19 : memref<!tpu.dma_semaphore, #tpu.memory_space<semaphore_mem>>) src(%dma_wait3A_679 : memref<184832xf32, #tpu.memory_space<hbm>>) dst(%dma_wait3A_675 : memref<64xf32, #tpu.memory_space<vmem>>)
      %dma_wait3A_680 = arith.constant 320 : i32
      %dma_wait3A_681 = tpu.memref_slice %arg17[%dma_wait3A_680] : memref<512xf32, #tpu.memory_space<vmem>> -> memref<64xf32, #tpu.memory_space<vmem>>
      %dma_wait3A_682 = arith.constant 320 : i32
      %dma_wait3A_683 = tpu.memref_slice %arg16[%dma_wait3A_682] : memref<512xi32, #tpu.memory_space<vmem>> -> memref<64xi32, #tpu.memory_space<vmem>>
      %dma_wait3A_684 = arith.constant 0 : i32
      %dma_wait3A_685 = tpu.memref_slice %arg6[%dma_wait3A_684] : memref<554496xf32, #tpu.memory_space<hbm>> -> memref<554496xf32, #tpu.memory_space<hbm>>
      tpu.wait_indirect_dma semaphore(%arg19 : memref<!tpu.dma_semaphore, #tpu.memory_space<semaphore_mem>>) src(%dma_wait3A_685 : memref<554496xf32, #tpu.memory_space<hbm>>) dst(%dma_wait3A_681 : memref<64xf32, #tpu.memory_space<vmem>>)
      %dma_wait3A_686 = arith.constant 384 : i32
      %dma_wait3A_687 = tpu.memref_slice %arg17[%dma_wait3A_686] : memref<512xf32, #tpu.memory_space<vmem>> -> memref<64xf32, #tpu.memory_space<vmem>>
      %dma_wait3A_688 = arith.constant 384 : i32
      %dma_wait3A_689 = tpu.memref_slice %arg16[%dma_wait3A_688] : memref<512xi32, #tpu.memory_space<vmem>> -> memref<64xi32, #tpu.memory_space<vmem>>
      %dma_wait3A_690 = arith.constant 0 : i32
      %dma_wait3A_691 = tpu.memref_slice %arg6[%dma_wait3A_690] : memref<554496xf32, #tpu.memory_space<hbm>> -> memref<554496xf32, #tpu.memory_space<hbm>>
      tpu.wait_indirect_dma semaphore(%arg19 : memref<!tpu.dma_semaphore, #tpu.memory_space<semaphore_mem>>) src(%dma_wait3A_691 : memref<554496xf32, #tpu.memory_space<hbm>>) dst(%dma_wait3A_687 : memref<64xf32, #tpu.memory_space<vmem>>)
      %dma_wait3A_692 = arith.constant 448 : i32
      %dma_wait3A_693 = tpu.memref_slice %arg17[%dma_wait3A_692] : memref<512xf32, #tpu.memory_space<vmem>> -> memref<64xf32, #tpu.memory_space<vmem>>
      %dma_wait3A_694 = arith.constant 448 : i32
      %dma_wait3A_695 = tpu.memref_slice %arg16[%dma_wait3A_694] : memref<512xi32, #tpu.memory_space<vmem>> -> memref<64xi32, #tpu.memory_space<vmem>>
      %dma_wait3A_696 = arith.constant 0 : i32
      %dma_wait3A_697 = tpu.memref_slice %arg6[%dma_wait3A_696] : memref<554496xf32, #tpu.memory_space<hbm>> -> memref<554496xf32, #tpu.memory_space<hbm>>
      tpu.wait_indirect_dma semaphore(%arg19 : memref<!tpu.dma_semaphore, #tpu.memory_space<semaphore_mem>>) src(%dma_wait3A_697 : memref<554496xf32, #tpu.memory_space<hbm>>) dst(%dma_wait3A_693 : memref<64xf32, #tpu.memory_space<vmem>>)
      %add3A_698 = arith.constant 0 : i32
      %add3A_699 = vector.broadcast %add3A_698 : i32 to vector<16xi32>
      %add3A_700 = arith.addi %iota3A, %add3A_699 : vector<16xi32>
      %lt3A_701 = arith.constant 50 : i32
      %lt3A_702 = vector.broadcast %lt3A_701 : i32 to vector<16xi32>
      %lt3A_703 = arith.cmpi slt, %add3A_700, %lt3A_702 : vector<16xi32>
      %get3A_704 = arith.constant 0 : index
      %get3A_705 = tpu.vector_load %arg10[%get3A_704] {strides = array<i32>} : memref<64xf32, #tpu.memory_space<vmem>>, vector<16xf32>,
      %get3A_706 = arith.constant 0 : index
      %get3A_707 = tpu.vector_load %arg11[%get3A_706] {strides = array<i32>} : memref<64xi32, #tpu.memory_space<vmem>>, vector<16xi32>,
      %jit3A_708 = arith.constant 23104 : i32
      %div3A_709 = vector.broadcast %jit3A_708 : i32 to vector<16xi32>
      %div3A_710 = arith.divsi %get3A_707, %div3A_709 : vector<16xi32>
      %sign3A_711 = arith.constant 0 : i32
      %sign3A_712 = vector.broadcast %sign3A_711 : i32 to vector<16xi32>
      %sign3A_713 = arith.cmpi sgt, %get3A_707, %sign3A_712 : vector<16xi32>
      %sign3A_714 = arith.extui %sign3A_713 : vector<16xi1> to vector<16xi32>
      %sign3A_715 = arith.constant 0 : i32
      %sign3A_716 = vector.broadcast %sign3A_715 : i32 to vector<16xi32>
      %sign3A_717 = arith.cmpi slt, %get3A_707, %sign3A_716 : vector<16xi32>
      %sign3A_718 = arith.extui %sign3A_717 : vector<16xi1> to vector<16xi32>
      %sign3A_719 = arith.subi %sign3A_714, %sign3A_718 : vector<16xi32>
      %sign3A_720 = arith.constant 0 : i32
      %sign3A_721 = arith.cmpi sgt, %jit3A_708, %sign3A_720 : i32
      %sign3A_722 = arith.extui %sign3A_721 : i1 to i32
      %sign3A_723 = arith.constant 0 : i32
      %sign3A_724 = arith.cmpi slt, %jit3A_708, %sign3A_723 : i32
      %sign3A_725 = arith.extui %sign3A_724 : i1 to i32
      %sign3A_726 = arith.subi %sign3A_722, %sign3A_725 : i32
      %ne3A_727 = vector.broadcast %sign3A_726 : i32 to vector<16xi32>
      %ne3A_728 = arith.cmpi ne, %sign3A_719, %ne3A_727 : vector<16xi32>
      %rem3A_729 = vector.broadcast %jit3A_708 : i32 to vector<16xi32>
      %rem3A_730 = arith.remsi %get3A_707, %rem3A_729 : vector<16xi32>
      %ne3A_731 = arith.constant 0 : i32
      %ne3A_732 = vector.broadcast %ne3A_731 : i32 to vector<16xi32>
      %ne3A_733 = arith.cmpi ne, %rem3A_730, %ne3A_732 : vector<16xi32>
      %and3A_734 = arith.andi %ne3A_728, %ne3A_733 : vector<16xi1>
      %sub3A_735 = arith.constant 1 : i32
      %sub3A_736 = vector.broadcast %sub3A_735 : i32 to vector<16xi32>
      %sub3A_737 = arith.subi %div3A_710, %sub3A_736 : vector<16xi32>
      %select_n3A_738 = arith.select %and3A_734, %sub3A_737, %div3A_710 : vector<16xi1>, vector<16xi32>
      %convert_element_type3A_739 = arith.sitofp %select_n3A_738 : vector<16xi32> to vector<16xf32>
      %jit3A_740 = arith.constant 23104 : i32
      %eq3A_741 = arith.constant 0 : i32
      %eq3A_742 = arith.cmpi eq, %jit3A_740, %eq3A_741 : i32
      %jit3A_743 = arith.constant 1 : i32
      %select_n3A_744 = arith.select %eq3A_742, %jit3A_743, %jit3A_740 : i32
      %rem3A_745 = vector.broadcast %select_n3A_744 : i32 to vector<16xi32>
      %rem3A_746 = arith.remsi %get3A_707, %rem3A_745 : vector<16xi32>
      %ne3A_747 = arith.constant 0 : i32
      %ne3A_748 = vector.broadcast %ne3A_747 : i32 to vector<16xi32>
      %ne3A_749 = arith.cmpi ne, %rem3A_746, %ne3A_748 : vector<16xi32>
      %lt3A_750 = arith.constant 0 : i32
      %lt3A_751 = vector.broadcast %lt3A_750 : i32 to vector<16xi32>
      %lt3A_752 = arith.cmpi slt, %rem3A_746, %lt3A_751 : vector<16xi32>
      %lt3A_753 = arith.constant 0 : i32
      %lt3A_754 = arith.cmpi slt, %select_n3A_744, %lt3A_753 : i32
      %ne3A_755 = vector.broadcast %lt3A_754 : i1 to vector<16xi1>
      %ne3A_756 = vector.broadcast %ne3A_755 : vector<16xi1> to vector<16xi1>
      %ne3A_757 = arith.xori %lt3A_752, %ne3A_756 : vector<16xi1>
      %and3A_758 = arith.andi %ne3A_757, %ne3A_749 : vector<16xi1>
      %add3A_759 = vector.broadcast %select_n3A_744 : i32 to vector<16xi32>
      %add3A_760 = arith.addi %rem3A_746, %add3A_759 : vector<16xi32>
      %select_n3A_761 = arith.select %and3A_758, %add3A_760, %rem3A_746 : vector<16xi1>, vector<16xi32>
      %jit3A_762 = arith.constant 152 : i32
      %div3A_763 = vector.broadcast %jit3A_762 : i32 to vector<16xi32>
      %div3A_764 = arith.divsi %select_n3A_761, %div3A_763 : vector<16xi32>
      %sign3A_765 = arith.constant 0 : i32
      %sign3A_766 = vector.broadcast %sign3A_765 : i32 to vector<16xi32>
      %sign3A_767 = arith.cmpi sgt, %select_n3A_761, %sign3A_766 : vector<16xi32>
      %sign3A_768 = arith.extui %sign3A_767 : vector<16xi1> to vector<16xi32>
      %sign3A_769 = arith.constant 0 : i32
      %sign3A_770 = vector.broadcast %sign3A_769 : i32 to vector<16xi32>
      %sign3A_771 = arith.cmpi slt, %select_n3A_761, %sign3A_770 : vector<16xi32>
      %sign3A_772 = arith.extui %sign3A_771 : vector<16xi1> to vector<16xi32>
      %sign3A_773 = arith.subi %sign3A_768, %sign3A_772 : vector<16xi32>
      %sign3A_774 = arith.constant 0 : i32
      %sign3A_775 = arith.cmpi sgt, %jit3A_762, %sign3A_774 : i32
      %sign3A_776 = arith.extui %sign3A_775 : i1 to i32
      %sign3A_777 = arith.constant 0 : i32
      %sign3A_778 = arith.cmpi slt, %jit3A_762, %sign3A_777 : i32
      %sign3A_779 = arith.extui %sign3A_778 : i1 to i32
      %sign3A_780 = arith.subi %sign3A_776, %sign3A_779 : i32
      %ne3A_781 = vector.broadcast %sign3A_780 : i32 to vector<16xi32>
      %ne3A_782 = arith.cmpi ne, %sign3A_773, %ne3A_781 : vector<16xi32>
      %rem3A_783 = vector.broadcast %jit3A_762 : i32 to vector<16xi32>
      %rem3A_784 = arith.remsi %select_n3A_761, %rem3A_783 : vector<16xi32>
      %ne3A_785 = arith.constant 0 : i32
      %ne3A_786 = vector.broadcast %ne3A_785 : i32 to vector<16xi32>
      %ne3A_787 = arith.cmpi ne, %rem3A_784, %ne3A_786 : vector<16xi32>
      %and3A_788 = arith.andi %ne3A_782, %ne3A_787 : vector<16xi1>
      %sub3A_789 = arith.constant 1 : i32
      %sub3A_790 = vector.broadcast %sub3A_789 : i32 to vector<16xi32>
      %sub3A_791 = arith.subi %div3A_764, %sub3A_790 : vector<16xi32>
      %select_n3A_792 = arith.select %and3A_788, %sub3A_791, %div3A_764 : vector<16xi1>, vector<16xi32>
      %convert_element_type3A_793 = arith.sitofp %select_n3A_792 : vector<16xi32> to vector<16xf32>
      %jit3A_794 = arith.constant 152 : i32
      %eq3A_795 = arith.constant 0 : i32
      %eq3A_796 = arith.cmpi eq, %jit3A_794, %eq3A_795 : i32
      %jit3A_797 = arith.constant 1 : i32
      %select_n3A_798 = arith.select %eq3A_796, %jit3A_797, %jit3A_794 : i32
      %rem3A_799 = vector.broadcast %select_n3A_798 : i32 to vector<16xi32>
      %rem3A_800 = arith.remsi %select_n3A_761, %rem3A_799 : vector<16xi32>
      %ne3A_801 = arith.constant 0 : i32
      %ne3A_802 = vector.broadcast %ne3A_801 : i32 to vector<16xi32>
      %ne3A_803 = arith.cmpi ne, %rem3A_800, %ne3A_802 : vector<16xi32>
      %lt3A_804 = arith.constant 0 : i32
      %lt3A_805 = vector.broadcast %lt3A_804 : i32 to vector<16xi32>
      %lt3A_806 = arith.cmpi slt, %rem3A_800, %lt3A_805 : vector<16xi32>
      %lt3A_807 = arith.constant 0 : i32
      %lt3A_808 = arith.cmpi slt, %select_n3A_798, %lt3A_807 : i32
      %ne3A_809 = vector.broadcast %lt3A_808 : i1 to vector<16xi1>
      %ne3A_810 = vector.broadcast %ne3A_809 : vector<16xi1> to vector<16xi1>
      %ne3A_811 = arith.xori %lt3A_806, %ne3A_810 : vector<16xi1>
      %and3A_812 = arith.andi %ne3A_811, %ne3A_803 : vector<16xi1>
      %add3A_813 = vector.broadcast %select_n3A_798 : i32 to vector<16xi32>
      %add3A_814 = arith.addi %rem3A_800, %add3A_813 : vector<16xi32>
      %select_n3A_815 = arith.select %and3A_812, %add3A_814, %rem3A_800 : vector<16xi1>, vector<16xi32>
      %convert_element_type3A_816 = arith.sitofp %select_n3A_815 : vector<16xi32> to vector<16xf32>
      %get3A_817 = arith.constant 0 : index
      %get3A_818 = tpu.vector_load %arg17[%get3A_817] {strides = array<i32>} : memref<512xf32, #tpu.memory_space<vmem>>, vector<16xf32>,
      %neg3A = arith.constant 0.000000e+00 : f32
      %neg3A_819 = vector.broadcast %neg3A : f32 to vector<16xf32>
      %neg3A_820 = arith.subf %neg3A_819, %get3A_818 : vector<16xf32>
      %exp3A = math.exp %neg3A_820 : vector<16xf32>
      %add3A_821 = arith.constant 1.000000e+00 : f32
      %add3A_822 = vector.broadcast %add3A_821 : f32 to vector<16xf32>
      %add3A_823 = arith.addf %add3A_822, %exp3A : vector<16xf32>
      %div3A_824 = arith.constant 1.000000e+00 : f32
      %div3A_825 = vector.broadcast %div3A_824 : f32 to vector<16xf32>
      %div3A_826 = arith.divf %div3A_825, %add3A_823 : vector<16xf32>
      %jit3A_827 = arith.constant 9.99999974E-5 : f32
      %jit3A_828 = arith.constant 0.999899983 : f32
      %max3A_829 = vector.broadcast %jit3A_827 : f32 to vector<16xf32>
      %max3A_830 = arith.maximumf %max3A_829, %div3A_826 : vector<16xf32>
      %min3A = vector.broadcast %jit3A_828 : f32 to vector<16xf32>
      %min3A_831 = arith.minimumf %min3A, %max3A_830 : vector<16xf32>
      %get3A_832 = arith.constant 64 : index
      %get3A_833 = tpu.vector_load %arg17[%get3A_832] {strides = array<i32>} : memref<512xf32, #tpu.memory_space<vmem>>, vector<16xf32>,
      %neg3A_834 = arith.constant 0.000000e+00 : f32
      %neg3A_835 = vector.broadcast %neg3A_834 : f32 to vector<16xf32>
      %neg3A_836 = arith.subf %neg3A_835, %get3A_833 : vector<16xf32>
      %exp3A_837 = math.exp %neg3A_836 : vector<16xf32>
      %add3A_838 = arith.constant 1.000000e+00 : f32
      %add3A_839 = vector.broadcast %add3A_838 : f32 to vector<16xf32>
      %add3A_840 = arith.addf %add3A_839, %exp3A_837 : vector<16xf32>
      %div3A_841 = arith.constant 1.000000e+00 : f32
      %div3A_842 = vector.broadcast %div3A_841 : f32 to vector<16xf32>
      %div3A_843 = arith.divf %div3A_842, %add3A_840 : vector<16xf32>
      %jit3A_844 = arith.constant 9.99999974E-5 : f32
      %jit3A_845 = arith.constant 0.999899983 : f32
      %max3A_846 = vector.broadcast %jit3A_844 : f32 to vector<16xf32>
      %max3A_847 = arith.maximumf %max3A_846, %div3A_843 : vector<16xf32>
      %min3A_848 = vector.broadcast %jit3A_845 : f32 to vector<16xf32>
      %min3A_849 = arith.minimumf %min3A_848, %max3A_847 : vector<16xf32>
      %add3A_850 = arith.addf %convert_element_type3A_816, %min3A_831 : vector<16xf32>
      %add3A_851 = arith.addf %convert_element_type3A_793, %min3A_849 : vector<16xf32>
      %get3A_852 = arith.constant 256 : index
      %get3A_853 = tpu.vector_load %arg17[%get3A_852] {strides = array<i32>} : memref<512xf32, #tpu.memory_space<vmem>>, vector<16xf32>,
      %get3A_854 = arith.constant 320 : index
      %get3A_855 = tpu.vector_load %arg17[%get3A_854] {strides = array<i32>} : memref<512xf32, #tpu.memory_space<vmem>>, vector<16xf32>,
      %get3A_856 = arith.constant 384 : index
      %get3A_857 = tpu.vector_load %arg17[%get3A_856] {strides = array<i32>} : memref<512xf32, #tpu.memory_space<vmem>>, vector<16xf32>,
      %get3A_858 = arith.constant 448 : index
      %get3A_859 = tpu.vector_load %arg17[%get3A_858] {strides = array<i32>} : memref<512xf32, #tpu.memory_space<vmem>>, vector<16xf32>,
      %get3A_860 = arith.constant 128 : index
      %get3A_861 = tpu.vector_load %arg17[%get3A_860] {strides = array<i32>} : memref<512xf32, #tpu.memory_space<vmem>>, vector<16xf32>,
      %get3A_862 = arith.constant 192 : index
      %get3A_863 = tpu.vector_load %arg17[%get3A_862] {strides = array<i32>} : memref<512xf32, #tpu.memory_space<vmem>>, vector<16xf32>,
      %mul3A_864 = arith.constant 10 : i32
      %mul3A_865 = vector.broadcast %mul3A_864 : i32 to vector<16xi32>
      %mul3A_866 = arith.muli %add3A_700, %mul3A_865 : vector<16xi32>
      %add3A_867 = arith.constant 0 : i32
      %add3A_868 = vector.broadcast %add3A_867 : i32 to vector<16xi32>
      %add3A_869 = arith.addi %mul3A_866, %add3A_868 : vector<16xi32>
      tpu.vector_store_idx %arg18[%add3A_869], %get3A_705 masked %lt3A_703 : memref<512xf32, #tpu.memory_space<vmem>>[vector<16xi32>], vector<16xf32>, vector<16xi1>
      %mul3A_870 = arith.constant 10 : i32
      %mul3A_871 = vector.broadcast %mul3A_870 : i32 to vector<16xi32>
      %mul3A_872 = arith.muli %add3A_700, %mul3A_871 : vector<16xi32>
      %add3A_873 = arith.constant 1 : i32
      %add3A_874 = vector.broadcast %add3A_873 : i32 to vector<16xi32>
      %add3A_875 = arith.addi %mul3A_872, %add3A_874 : vector<16xi32>
      tpu.vector_store_idx %arg18[%add3A_875], %add3A_850 masked %lt3A_703 : memref<512xf32, #tpu.memory_space<vmem>>[vector<16xi32>], vector<16xf32>, vector<16xi1>
      %mul3A_876 = arith.constant 10 : i32
      %mul3A_877 = vector.broadcast %mul3A_876 : i32 to vector<16xi32>
      %mul3A_878 = arith.muli %add3A_700, %mul3A_877 : vector<16xi32>
      %add3A_879 = arith.constant 2 : i32
      %add3A_880 = vector.broadcast %add3A_879 : i32 to vector<16xi32>
      %add3A_881 = arith.addi %mul3A_878, %add3A_880 : vector<16xi32>
      tpu.vector_store_idx %arg18[%add3A_881], %add3A_851 masked %lt3A_703 : memref<512xf32, #tpu.memory_space<vmem>>[vector<16xi32>], vector<16xf32>, vector<16xi1>
      %mul3A_882 = arith.constant 10 : i32
      %mul3A_883 = vector.broadcast %mul3A_882 : i32 to vector<16xi32>
      %mul3A_884 = arith.muli %add3A_700, %mul3A_883 : vector<16xi32>
      %add3A_885 = arith.constant 3 : i32
      %add3A_886 = vector.broadcast %add3A_885 : i32 to vector<16xi32>
      %add3A_887 = arith.addi %mul3A_884, %add3A_886 : vector<16xi32>
      tpu.vector_store_idx %arg18[%add3A_887], %get3A_853 masked %lt3A_703 : memref<512xf32, #tpu.memory_space<vmem>>[vector<16xi32>], vector<16xf32>, vector<16xi1>
      %mul3A_888 = arith.constant 10 : i32
      %mul3A_889 = vector.broadcast %mul3A_888 : i32 to vector<16xi32>
      %mul3A_890 = arith.muli %add3A_700, %mul3A_889 : vector<16xi32>
      %add3A_891 = arith.constant 4 : i32
      %add3A_892 = vector.broadcast %add3A_891 : i32 to vector<16xi32>
      %add3A_893 = arith.addi %mul3A_890, %add3A_892 : vector<16xi32>
      tpu.vector_store_idx %arg18[%add3A_893], %get3A_855 masked %lt3A_703 : memref<512xf32, #tpu.memory_space<vmem>>[vector<16xi32>], vector<16xf32>, vector<16xi1>
      %mul3A_894 = arith.constant 10 : i32
      %mul3A_895 = vector.broadcast %mul3A_894 : i32 to vector<16xi32>
      %mul3A_896 = arith.muli %add3A_700, %mul3A_895 : vector<16xi32>
      %add3A_897 = arith.constant 5 : i32
      %add3A_898 = vector.broadcast %add3A_897 : i32 to vector<16xi32>
      %add3A_899 = arith.addi %mul3A_896, %add3A_898 : vector<16xi32>
      tpu.vector_store_idx %arg18[%add3A_899], %get3A_857 masked %lt3A_703 : memref<512xf32, #tpu.memory_space<vmem>>[vector<16xi32>], vector<16xf32>, vector<16xi1>
      %mul3A_900 = arith.constant 10 : i32
      %mul3A_901 = vector.broadcast %mul3A_900 : i32 to vector<16xi32>
      %mul3A_902 = arith.muli %add3A_700, %mul3A_901 : vector<16xi32>
      %add3A_903 = arith.constant 6 : i32
      %add3A_904 = vector.broadcast %add3A_903 : i32 to vector<16xi32>
      %add3A_905 = arith.addi %mul3A_902, %add3A_904 : vector<16xi32>
      tpu.vector_store_idx %arg18[%add3A_905], %get3A_859 masked %lt3A_703 : memref<512xf32, #tpu.memory_space<vmem>>[vector<16xi32>], vector<16xf32>, vector<16xi1>
      %mul3A_906 = arith.constant 10 : i32
      %mul3A_907 = vector.broadcast %mul3A_906 : i32 to vector<16xi32>
      %mul3A_908 = arith.muli %add3A_700, %mul3A_907 : vector<16xi32>
      %add3A_909 = arith.constant 7 : i32
      %add3A_910 = vector.broadcast %add3A_909 : i32 to vector<16xi32>
      %add3A_911 = arith.addi %mul3A_908, %add3A_910 : vector<16xi32>
      tpu.vector_store_idx %arg18[%add3A_911], %get3A_861 masked %lt3A_703 : memref<512xf32, #tpu.memory_space<vmem>>[vector<16xi32>], vector<16xf32>, vector<16xi1>
      %mul3A_912 = arith.constant 10 : i32
      %mul3A_913 = vector.broadcast %mul3A_912 : i32 to vector<16xi32>
      %mul3A_914 = arith.muli %add3A_700, %mul3A_913 : vector<16xi32>
      %add3A_915 = arith.constant 8 : i32
      %add3A_916 = vector.broadcast %add3A_915 : i32 to vector<16xi32>
      %add3A_917 = arith.addi %mul3A_914, %add3A_916 : vector<16xi32>
      tpu.vector_store_idx %arg18[%add3A_917], %get3A_863 masked %lt3A_703 : memref<512xf32, #tpu.memory_space<vmem>>[vector<16xi32>], vector<16xf32>, vector<16xi1>
      %mul3A_918 = arith.constant 10 : i32
      %mul3A_919 = vector.broadcast %mul3A_918 : i32 to vector<16xi32>
      %mul3A_920 = arith.muli %add3A_700, %mul3A_919 : vector<16xi32>
      %add3A_921 = arith.constant 9 : i32
      %add3A_922 = vector.broadcast %add3A_921 : i32 to vector<16xi32>
      %add3A_923 = arith.addi %mul3A_920, %add3A_922 : vector<16xi32>
      tpu.vector_store_idx %arg18[%add3A_923], %convert_element_type3A_739 masked %lt3A_703 : memref<512xf32, #tpu.memory_space<vmem>>[vector<16xi32>], vector<16xf32>, vector<16xi1>
      %add3A_924 = arith.constant 16 : i32
      %add3A_925 = vector.broadcast %add3A_924 : i32 to vector<16xi32>
      %add3A_926 = arith.addi %iota3A, %add3A_925 : vector<16xi32>
      %lt3A_927 = arith.constant 50 : i32
      %lt3A_928 = vector.broadcast %lt3A_927 : i32 to vector<16xi32>
      %lt3A_929 = arith.cmpi slt, %add3A_926, %lt3A_928 : vector<16xi32>
      %get3A_930 = arith.constant 16 : index
      %get3A_931 = tpu.vector_load %arg10[%get3A_930] {strides = array<i32>} : memref<64xf32, #tpu.memory_space<vmem>>, vector<16xf32>,
      %get3A_932 = arith.constant 16 : index
      %get3A_933 = tpu.vector_load %arg11[%get3A_932] {strides = array<i32>} : memref<64xi32, #tpu.memory_space<vmem>>, vector<16xi32>,
      %jit3A_934 = arith.constant 23104 : i32
      %div3A_935 = vector.broadcast %jit3A_934 : i32 to vector<16xi32>
      %div3A_936 = arith.divsi %get3A_933, %div3A_935 : vector<16xi32>
      %sign3A_937 = arith.constant 0 : i32
      %sign3A_938 = vector.broadcast %sign3A_937 : i32 to vector<16xi32>
      %sign3A_939 = arith.cmpi sgt, %get3A_933, %sign3A_938 : vector<16xi32>
      %sign3A_940 = arith.extui %sign3A_939 : vector<16xi1> to vector<16xi32>
      %sign3A_941 = arith.constant 0 : i32
      %sign3A_942 = vector.broadcast %sign3A_941 : i32 to vector<16xi32>
      %sign3A_943 = arith.cmpi slt, %get3A_933, %sign3A_942 : vector<16xi32>
      %sign3A_944 = arith.extui %sign3A_943 : vector<16xi1> to vector<16xi32>
      %sign3A_945 = arith.subi %sign3A_940, %sign3A_944 : vector<16xi32>
      %sign3A_946 = arith.constant 0 : i32
      %sign3A_947 = arith.cmpi sgt, %jit3A_934, %sign3A_946 : i32
      %sign3A_948 = arith.extui %sign3A_947 : i1 to i32
      %sign3A_949 = arith.constant 0 : i32
      %sign3A_950 = arith.cmpi slt, %jit3A_934, %sign3A_949 : i32
      %sign3A_951 = arith.extui %sign3A_950 : i1 to i32
      %sign3A_952 = arith.subi %sign3A_948, %sign3A_951 : i32
      %ne3A_953 = vector.broadcast %sign3A_952 : i32 to vector<16xi32>
      %ne3A_954 = arith.cmpi ne, %sign3A_945, %ne3A_953 : vector<16xi32>
      %rem3A_955 = vector.broadcast %jit3A_934 : i32 to vector<16xi32>
      %rem3A_956 = arith.remsi %get3A_933, %rem3A_955 : vector<16xi32>
      %ne3A_957 = arith.constant 0 : i32
      %ne3A_958 = vector.broadcast %ne3A_957 : i32 to vector<16xi32>
      %ne3A_959 = arith.cmpi ne, %rem3A_956, %ne3A_958 : vector<16xi32>
      %and3A_960 = arith.andi %ne3A_954, %ne3A_959 : vector<16xi1>
      %sub3A_961 = arith.constant 1 : i32
      %sub3A_962 = vector.broadcast %sub3A_961 : i32 to vector<16xi32>
      %sub3A_963 = arith.subi %div3A_936, %sub3A_962 : vector<16xi32>
      %select_n3A_964 = arith.select %and3A_960, %sub3A_963, %div3A_936 : vector<16xi1>, vector<16xi32>
      %convert_element_type3A_965 = arith.sitofp %select_n3A_964 : vector<16xi32> to vector<16xf32>
      %jit3A_966 = arith.constant 23104 : i32
      %eq3A_967 = arith.constant 0 : i32
      %eq3A_968 = arith.cmpi eq, %jit3A_966, %eq3A_967 : i32
      %jit3A_969 = arith.constant 1 : i32
      %select_n3A_970 = arith.select %eq3A_968, %jit3A_969, %jit3A_966 : i32
      %rem3A_971 = vector.broadcast %select_n3A_970 : i32 to vector<16xi32>
      %rem3A_972 = arith.remsi %get3A_933, %rem3A_971 : vector<16xi32>
      %ne3A_973 = arith.constant 0 : i32
      %ne3A_974 = vector.broadcast %ne3A_973 : i32 to vector<16xi32>
      %ne3A_975 = arith.cmpi ne, %rem3A_972, %ne3A_974 : vector<16xi32>
      %lt3A_976 = arith.constant 0 : i32
      %lt3A_977 = vector.broadcast %lt3A_976 : i32 to vector<16xi32>
      %lt3A_978 = arith.cmpi slt, %rem3A_972, %lt3A_977 : vector<16xi32>
      %lt3A_979 = arith.constant 0 : i32
      %lt3A_980 = arith.cmpi slt, %select_n3A_970, %lt3A_979 : i32
      %ne3A_981 = vector.broadcast %lt3A_980 : i1 to vector<16xi1>
      %ne3A_982 = vector.broadcast %ne3A_981 : vector<16xi1> to vector<16xi1>
      %ne3A_983 = arith.xori %lt3A_978, %ne3A_982 : vector<16xi1>
      %and3A_984 = arith.andi %ne3A_983, %ne3A_975 : vector<16xi1>
      %add3A_985 = vector.broadcast %select_n3A_970 : i32 to vector<16xi32>
      %add3A_986 = arith.addi %rem3A_972, %add3A_985 : vector<16xi32>
      %select_n3A_987 = arith.select %and3A_984, %add3A_986, %rem3A_972 : vector<16xi1>, vector<16xi32>
      %jit3A_988 = arith.constant 152 : i32
      %div3A_989 = vector.broadcast %jit3A_988 : i32 to vector<16xi32>
      %div3A_990 = arith.divsi %select_n3A_987, %div3A_989 : vector<16xi32>
      %sign3A_991 = arith.constant 0 : i32
      %sign3A_992 = vector.broadcast %sign3A_991 : i32 to vector<16xi32>
      %sign3A_993 = arith.cmpi sgt, %select_n3A_987, %sign3A_992 : vector<16xi32>
      %sign3A_994 = arith.extui %sign3A_993 : vector<16xi1> to vector<16xi32>
      %sign3A_995 = arith.constant 0 : i32
      %sign3A_996 = vector.broadcast %sign3A_995 : i32 to vector<16xi32>
      %sign3A_997 = arith.cmpi slt, %select_n3A_987, %sign3A_996 : vector<16xi32>
      %sign3A_998 = arith.extui %sign3A_997 : vector<16xi1> to vector<16xi32>
      %sign3A_999 = arith.subi %sign3A_994, %sign3A_998 : vector<16xi32>
      %sign3A_1000 = arith.constant 0 : i32
      %sign3A_1001 = arith.cmpi sgt, %jit3A_988, %sign3A_1000 : i32
      %sign3A_1002 = arith.extui %sign3A_1001 : i1 to i32
      %sign3A_1003 = arith.constant 0 : i32
      %sign3A_1004 = arith.cmpi slt, %jit3A_988, %sign3A_1003 : i32
      %sign3A_1005 = arith.extui %sign3A_1004 : i1 to i32
      %sign3A_1006 = arith.subi %sign3A_1002, %sign3A_1005 : i32
      %ne3A_1007 = vector.broadcast %sign3A_1006 : i32 to vector<16xi32>
      %ne3A_1008 = arith.cmpi ne, %sign3A_999, %ne3A_1007 : vector<16xi32>
      %rem3A_1009 = vector.broadcast %jit3A_988 : i32 to vector<16xi32>
      %rem3A_1010 = arith.remsi %select_n3A_987, %rem3A_1009 : vector<16xi32>
      %ne3A_1011 = arith.constant 0 : i32
      %ne3A_1012 = vector.broadcast %ne3A_1011 : i32 to vector<16xi32>
      %ne3A_1013 = arith.cmpi ne, %rem3A_1010, %ne3A_1012 : vector<16xi32>
      %and3A_1014 = arith.andi %ne3A_1008, %ne3A_1013 : vector<16xi1>
      %sub3A_1015 = arith.constant 1 : i32
      %sub3A_1016 = vector.broadcast %sub3A_1015 : i32 to vector<16xi32>
      %sub3A_1017 = arith.subi %div3A_990, %sub3A_1016 : vector<16xi32>
      %select_n3A_1018 = arith.select %and3A_1014, %sub3A_1017, %div3A_990 : vector<16xi1>, vector<16xi32>
      %convert_element_type3A_1019 = arith.sitofp %select_n3A_1018 : vector<16xi32> to vector<16xf32>
      %jit3A_1020 = arith.constant 152 : i32
      %eq3A_1021 = arith.constant 0 : i32
      %eq3A_1022 = arith.cmpi eq, %jit3A_1020, %eq3A_1021 : i32
      %jit3A_1023 = arith.constant 1 : i32
      %select_n3A_1024 = arith.select %eq3A_1022, %jit3A_1023, %jit3A_1020 : i32
      %rem3A_1025 = vector.broadcast %select_n3A_1024 : i32 to vector<16xi32>
      %rem3A_1026 = arith.remsi %select_n3A_987, %rem3A_1025 : vector<16xi32>
      %ne3A_1027 = arith.constant 0 : i32
      %ne3A_1028 = vector.broadcast %ne3A_1027 : i32 to vector<16xi32>
      %ne3A_1029 = arith.cmpi ne, %rem3A_1026, %ne3A_1028 : vector<16xi32>
      %lt3A_1030 = arith.constant 0 : i32
      %lt3A_1031 = vector.broadcast %lt3A_1030 : i32 to vector<16xi32>
      %lt3A_1032 = arith.cmpi slt, %rem3A_1026, %lt3A_1031 : vector<16xi32>
      %lt3A_1033 = arith.constant 0 : i32
      %lt3A_1034 = arith.cmpi slt, %select_n3A_1024, %lt3A_1033 : i32
      %ne3A_1035 = vector.broadcast %lt3A_1034 : i1 to vector<16xi1>
      %ne3A_1036 = vector.broadcast %ne3A_1035 : vector<16xi1> to vector<16xi1>
      %ne3A_1037 = arith.xori %lt3A_1032, %ne3A_1036 : vector<16xi1>
      %and3A_1038 = arith.andi %ne3A_1037, %ne3A_1029 : vector<16xi1>
      %add3A_1039 = vector.broadcast %select_n3A_1024 : i32 to vector<16xi32>
      %add3A_1040 = arith.addi %rem3A_1026, %add3A_1039 : vector<16xi32>
      %select_n3A_1041 = arith.select %and3A_1038, %add3A_1040, %rem3A_1026 : vector<16xi1>, vector<16xi32>
      %convert_element_type3A_1042 = arith.sitofp %select_n3A_1041 : vector<16xi32> to vector<16xf32>
      %get3A_1043 = arith.constant 16 : index
      %get3A_1044 = tpu.vector_load %arg17[%get3A_1043] {strides = array<i32>} : memref<512xf32, #tpu.memory_space<vmem>>, vector<16xf32>,
      %neg3A_1045 = arith.constant 0.000000e+00 : f32
      %neg3A_1046 = vector.broadcast %neg3A_1045 : f32 to vector<16xf32>
      %neg3A_1047 = arith.subf %neg3A_1046, %get3A_1044 : vector<16xf32>
      %exp3A_1048 = math.exp %neg3A_1047 : vector<16xf32>
      %add3A_1049 = arith.constant 1.000000e+00 : f32
      %add3A_1050 = vector.broadcast %add3A_1049 : f32 to vector<16xf32>
      %add3A_1051 = arith.addf %add3A_1050, %exp3A_1048 : vector<16xf32>
      %div3A_1052 = arith.constant 1.000000e+00 : f32
      %div3A_1053 = vector.broadcast %div3A_1052 : f32 to vector<16xf32>
      %div3A_1054 = arith.divf %div3A_1053, %add3A_1051 : vector<16xf32>
      %jit3A_1055 = arith.constant 9.99999974E-5 : f32
      %jit3A_1056 = arith.constant 0.999899983 : f32
      %max3A_1057 = vector.broadcast %jit3A_1055 : f32 to vector<16xf32>
      %max3A_1058 = arith.maximumf %max3A_1057, %div3A_1054 : vector<16xf32>
      %min3A_1059 = vector.broadcast %jit3A_1056 : f32 to vector<16xf32>
      %min3A_1060 = arith.minimumf %min3A_1059, %max3A_1058 : vector<16xf32>
      %get3A_1061 = arith.constant 80 : index
      %get3A_1062 = tpu.vector_load %arg17[%get3A_1061] {strides = array<i32>} : memref<512xf32, #tpu.memory_space<vmem>>, vector<16xf32>,
      %neg3A_1063 = arith.constant 0.000000e+00 : f32
      %neg3A_1064 = vector.broadcast %neg3A_1063 : f32 to vector<16xf32>
      %neg3A_1065 = arith.subf %neg3A_1064, %get3A_1062 : vector<16xf32>
      %exp3A_1066 = math.exp %neg3A_1065 : vector<16xf32>
      %add3A_1067 = arith.constant 1.000000e+00 : f32
      %add3A_1068 = vector.broadcast %add3A_1067 : f32 to vector<16xf32>
      %add3A_1069 = arith.addf %add3A_1068, %exp3A_1066 : vector<16xf32>
      %div3A_1070 = arith.constant 1.000000e+00 : f32
      %div3A_1071 = vector.broadcast %div3A_1070 : f32 to vector<16xf32>
      %div3A_1072 = arith.divf %div3A_1071, %add3A_1069 : vector<16xf32>
      %jit3A_1073 = arith.constant 9.99999974E-5 : f32
      %jit3A_1074 = arith.constant 0.999899983 : f32
      %max3A_1075 = vector.broadcast %jit3A_1073 : f32 to vector<16xf32>
      %max3A_1076 = arith.maximumf %max3A_1075, %div3A_1072 : vector<16xf32>
      %min3A_1077 = vector.broadcast %jit3A_1074 : f32 to vector<16xf32>
      %min3A_1078 = arith.minimumf %min3A_1077, %max3A_1076 : vector<16xf32>
      %add3A_1079 = arith.addf %convert_element_type3A_1042, %min3A_1060 : vector<16xf32>
      %add3A_1080 = arith.addf %convert_element_type3A_1019, %min3A_1078 : vector<16xf32>
      %get3A_1081 = arith.constant 272 : index
      %get3A_1082 = tpu.vector_load %arg17[%get3A_1081] {strides = array<i32>} : memref<512xf32, #tpu.memory_space<vmem>>, vector<16xf32>,
      %get3A_1083 = arith.constant 336 : index
      %get3A_1084 = tpu.vector_load %arg17[%get3A_1083] {strides = array<i32>} : memref<512xf32, #tpu.memory_space<vmem>>, vector<16xf32>,
      %get3A_1085 = arith.constant 400 : index
      %get3A_1086 = tpu.vector_load %arg17[%get3A_1085] {strides = array<i32>} : memref<512xf32, #tpu.memory_space<vmem>>, vector<16xf32>,
      %get3A_1087 = arith.constant 464 : index
      %get3A_1088 = tpu.vector_load %arg17[%get3A_1087] {strides = array<i32>} : memref<512xf32, #tpu.memory_space<vmem>>, vector<16xf32>,
      %get3A_1089 = arith.constant 144 : index
      %get3A_1090 = tpu.vector_load %arg17[%get3A_1089] {strides = array<i32>} : memref<512xf32, #tpu.memory_space<vmem>>, vector<16xf32>,
      %get3A_1091 = arith.constant 208 : index
      %get3A_1092 = tpu.vector_load %arg17[%get3A_1091] {strides = array<i32>} : memref<512xf32, #tpu.memory_space<vmem>>, vector<16xf32>,
      %mul3A_1093 = arith.constant 10 : i32
      %mul3A_1094 = vector.broadcast %mul3A_1093 : i32 to vector<16xi32>
      %mul3A_1095 = arith.muli %add3A_926, %mul3A_1094 : vector<16xi32>
      %add3A_1096 = arith.constant 0 : i32
      %add3A_1097 = vector.broadcast %add3A_1096 : i32 to vector<16xi32>
      %add3A_1098 = arith.addi %mul3A_1095, %add3A_1097 : vector<16xi32>
      tpu.vector_store_idx %arg18[%add3A_1098], %get3A_931 masked %lt3A_929 : memref<512xf32, #tpu.memory_space<vmem>>[vector<16xi32>], vector<16xf32>, vector<16xi1>
      %mul3A_1099 = arith.constant 10 : i32
      %mul3A_1100 = vector.broadcast %mul3A_1099 : i32 to vector<16xi32>
      %mul3A_1101 = arith.muli %add3A_926, %mul3A_1100 : vector<16xi32>
      %add3A_1102 = arith.constant 1 : i32
      %add3A_1103 = vector.broadcast %add3A_1102 : i32 to vector<16xi32>
      %add3A_1104 = arith.addi %mul3A_1101, %add3A_1103 : vector<16xi32>
      tpu.vector_store_idx %arg18[%add3A_1104], %add3A_1079 masked %lt3A_929 : memref<512xf32, #tpu.memory_space<vmem>>[vector<16xi32>], vector<16xf32>, vector<16xi1>
      %mul3A_1105 = arith.constant 10 : i32
      %mul3A_1106 = vector.broadcast %mul3A_1105 : i32 to vector<16xi32>
      %mul3A_1107 = arith.muli %add3A_926, %mul3A_1106 : vector<16xi32>
      %add3A_1108 = arith.constant 2 : i32
      %add3A_1109 = vector.broadcast %add3A_1108 : i32 to vector<16xi32>
      %add3A_1110 = arith.addi %mul3A_1107, %add3A_1109 : vector<16xi32>
      tpu.vector_store_idx %arg18[%add3A_1110], %add3A_1080 masked %lt3A_929 : memref<512xf32, #tpu.memory_space<vmem>>[vector<16xi32>], vector<16xf32>, vector<16xi1>
      %mul3A_1111 = arith.constant 10 : i32
      %mul3A_1112 = vector.broadcast %mul3A_1111 : i32 to vector<16xi32>
      %mul3A_1113 = arith.muli %add3A_926, %mul3A_1112 : vector<16xi32>
      %add3A_1114 = arith.constant 3 : i32
      %add3A_1115 = vector.broadcast %add3A_1114 : i32 to vector<16xi32>
      %add3A_1116 = arith.addi %mul3A_1113, %add3A_1115 : vector<16xi32>
      tpu.vector_store_idx %arg18[%add3A_1116], %get3A_1082 masked %lt3A_929 : memref<512xf32, #tpu.memory_space<vmem>>[vector<16xi32>], vector<16xf32>, vector<16xi1>
      %mul3A_1117 = arith.constant 10 : i32
      %mul3A_1118 = vector.broadcast %mul3A_1117 : i32 to vector<16xi32>
      %mul3A_1119 = arith.muli %add3A_926, %mul3A_1118 : vector<16xi32>
      %add3A_1120 = arith.constant 4 : i32
      %add3A_1121 = vector.broadcast %add3A_1120 : i32 to vector<16xi32>
      %add3A_1122 = arith.addi %mul3A_1119, %add3A_1121 : vector<16xi32>
      tpu.vector_store_idx %arg18[%add3A_1122], %get3A_1084 masked %lt3A_929 : memref<512xf32, #tpu.memory_space<vmem>>[vector<16xi32>], vector<16xf32>, vector<16xi1>
      %mul3A_1123 = arith.constant 10 : i32
      %mul3A_1124 = vector.broadcast %mul3A_1123 : i32 to vector<16xi32>
      %mul3A_1125 = arith.muli %add3A_926, %mul3A_1124 : vector<16xi32>
      %add3A_1126 = arith.constant 5 : i32
      %add3A_1127 = vector.broadcast %add3A_1126 : i32 to vector<16xi32>
      %add3A_1128 = arith.addi %mul3A_1125, %add3A_1127 : vector<16xi32>
      tpu.vector_store_idx %arg18[%add3A_1128], %get3A_1086 masked %lt3A_929 : memref<512xf32, #tpu.memory_space<vmem>>[vector<16xi32>], vector<16xf32>, vector<16xi1>
      %mul3A_1129 = arith.constant 10 : i32
      %mul3A_1130 = vector.broadcast %mul3A_1129 : i32 to vector<16xi32>
      %mul3A_1131 = arith.muli %add3A_926, %mul3A_1130 : vector<16xi32>
      %add3A_1132 = arith.constant 6 : i32
      %add3A_1133 = vector.broadcast %add3A_1132 : i32 to vector<16xi32>
      %add3A_1134 = arith.addi %mul3A_1131, %add3A_1133 : vector<16xi32>
      tpu.vector_store_idx %arg18[%add3A_1134], %get3A_1088 masked %lt3A_929 : memref<512xf32, #tpu.memory_space<vmem>>[vector<16xi32>], vector<16xf32>, vector<16xi1>
      %mul3A_1135 = arith.constant 10 : i32
      %mul3A_1136 = vector.broadcast %mul3A_1135 : i32 to vector<16xi32>
      %mul3A_1137 = arith.muli %add3A_926, %mul3A_1136 : vector<16xi32>
      %add3A_1138 = arith.constant 7 : i32
      %add3A_1139 = vector.broadcast %add3A_1138 : i32 to vector<16xi32>
      %add3A_1140 = arith.addi %mul3A_1137, %add3A_1139 : vector<16xi32>
      tpu.vector_store_idx %arg18[%add3A_1140], %get3A_1090 masked %lt3A_929 : memref<512xf32, #tpu.memory_space<vmem>>[vector<16xi32>], vector<16xf32>, vector<16xi1>
      %mul3A_1141 = arith.constant 10 : i32
      %mul3A_1142 = vector.broadcast %mul3A_1141 : i32 to vector<16xi32>
      %mul3A_1143 = arith.muli %add3A_926, %mul3A_1142 : vector<16xi32>
      %add3A_1144 = arith.constant 8 : i32
      %add3A_1145 = vector.broadcast %add3A_1144 : i32 to vector<16xi32>
      %add3A_1146 = arith.addi %mul3A_1143, %add3A_1145 : vector<16xi32>
      tpu.vector_store_idx %arg18[%add3A_1146], %get3A_1092 masked %lt3A_929 : memref<512xf32, #tpu.memory_space<vmem>>[vector<16xi32>], vector<16xf32>, vector<16xi1>
      %mul3A_1147 = arith.constant 10 : i32
      %mul3A_1148 = vector.broadcast %mul3A_1147 : i32 to vector<16xi32>
      %mul3A_1149 = arith.muli %add3A_926, %mul3A_1148 : vector<16xi32>
      %add3A_1150 = arith.constant 9 : i32
      %add3A_1151 = vector.broadcast %add3A_1150 : i32 to vector<16xi32>
      %add3A_1152 = arith.addi %mul3A_1149, %add3A_1151 : vector<16xi32>
      tpu.vector_store_idx %arg18[%add3A_1152], %convert_element_type3A_965 masked %lt3A_929 : memref<512xf32, #tpu.memory_space<vmem>>[vector<16xi32>], vector<16xf32>, vector<16xi1>
      %add3A_1153 = arith.constant 32 : i32
      %add3A_1154 = vector.broadcast %add3A_1153 : i32 to vector<16xi32>
      %add3A_1155 = arith.addi %iota3A, %add3A_1154 : vector<16xi32>
      %lt3A_1156 = arith.constant 50 : i32
      %lt3A_1157 = vector.broadcast %lt3A_1156 : i32 to vector<16xi32>
      %lt3A_1158 = arith.cmpi slt, %add3A_1155, %lt3A_1157 : vector<16xi32>
      %get3A_1159 = arith.constant 32 : index
      %get3A_1160 = tpu.vector_load %arg10[%get3A_1159] {strides = array<i32>} : memref<64xf32, #tpu.memory_space<vmem>>, vector<16xf32>,
      %get3A_1161 = arith.constant 32 : index
      %get3A_1162 = tpu.vector_load %arg11[%get3A_1161] {strides = array<i32>} : memref<64xi32, #tpu.memory_space<vmem>>, vector<16xi32>,
      %jit3A_1163 = arith.constant 23104 : i32
      %div3A_1164 = vector.broadcast %jit3A_1163 : i32 to vector<16xi32>
      %div3A_1165 = arith.divsi %get3A_1162, %div3A_1164 : vector<16xi32>
      %sign3A_1166 = arith.constant 0 : i32
      %sign3A_1167 = vector.broadcast %sign3A_1166 : i32 to vector<16xi32>
      %sign3A_1168 = arith.cmpi sgt, %get3A_1162, %sign3A_1167 : vector<16xi32>
      %sign3A_1169 = arith.extui %sign3A_1168 : vector<16xi1> to vector<16xi32>
      %sign3A_1170 = arith.constant 0 : i32
      %sign3A_1171 = vector.broadcast %sign3A_1170 : i32 to vector<16xi32>
      %sign3A_1172 = arith.cmpi slt, %get3A_1162, %sign3A_1171 : vector<16xi32>
      %sign3A_1173 = arith.extui %sign3A_1172 : vector<16xi1> to vector<16xi32>
      %sign3A_1174 = arith.subi %sign3A_1169, %sign3A_1173 : vector<16xi32>
      %sign3A_1175 = arith.constant 0 : i32
      %sign3A_1176 = arith.cmpi sgt, %jit3A_1163, %sign3A_1175 : i32
      %sign3A_1177 = arith.extui %sign3A_1176 : i1 to i32
      %sign3A_1178 = arith.constant 0 : i32
      %sign3A_1179 = arith.cmpi slt, %jit3A_1163, %sign3A_1178 : i32
      %sign3A_1180 = arith.extui %sign3A_1179 : i1 to i32
      %sign3A_1181 = arith.subi %sign3A_1177, %sign3A_1180 : i32
      %ne3A_1182 = vector.broadcast %sign3A_1181 : i32 to vector<16xi32>
      %ne3A_1183 = arith.cmpi ne, %sign3A_1174, %ne3A_1182 : vector<16xi32>
      %rem3A_1184 = vector.broadcast %jit3A_1163 : i32 to vector<16xi32>
      %rem3A_1185 = arith.remsi %get3A_1162, %rem3A_1184 : vector<16xi32>
      %ne3A_1186 = arith.constant 0 : i32
      %ne3A_1187 = vector.broadcast %ne3A_1186 : i32 to vector<16xi32>
      %ne3A_1188 = arith.cmpi ne, %rem3A_1185, %ne3A_1187 : vector<16xi32>
      %and3A_1189 = arith.andi %ne3A_1183, %ne3A_1188 : vector<16xi1>
      %sub3A_1190 = arith.constant 1 : i32
      %sub3A_1191 = vector.broadcast %sub3A_1190 : i32 to vector<16xi32>
      %sub3A_1192 = arith.subi %div3A_1165, %sub3A_1191 : vector<16xi32>
      %select_n3A_1193 = arith.select %and3A_1189, %sub3A_1192, %div3A_1165 : vector<16xi1>, vector<16xi32>
      %convert_element_type3A_1194 = arith.sitofp %select_n3A_1193 : vector<16xi32> to vector<16xf32>
      %jit3A_1195 = arith.constant 23104 : i32
      %eq3A_1196 = arith.constant 0 : i32
      %eq3A_1197 = arith.cmpi eq, %jit3A_1195, %eq3A_1196 : i32
      %jit3A_1198 = arith.constant 1 : i32
      %select_n3A_1199 = arith.select %eq3A_1197, %jit3A_1198, %jit3A_1195 : i32
      %rem3A_1200 = vector.broadcast %select_n3A_1199 : i32 to vector<16xi32>
      %rem3A_1201 = arith.remsi %get3A_1162, %rem3A_1200 : vector<16xi32>
      %ne3A_1202 = arith.constant 0 : i32
      %ne3A_1203 = vector.broadcast %ne3A_1202 : i32 to vector<16xi32>
      %ne3A_1204 = arith.cmpi ne, %rem3A_1201, %ne3A_1203 : vector<16xi32>
      %lt3A_1205 = arith.constant 0 : i32
      %lt3A_1206 = vector.broadcast %lt3A_1205 : i32 to vector<16xi32>
      %lt3A_1207 = arith.cmpi slt, %rem3A_1201, %lt3A_1206 : vector<16xi32>
      %lt3A_1208 = arith.constant 0 : i32
      %lt3A_1209 = arith.cmpi slt, %select_n3A_1199, %lt3A_1208 : i32
      %ne3A_1210 = vector.broadcast %lt3A_1209 : i1 to vector<16xi1>
      %ne3A_1211 = vector.broadcast %ne3A_1210 : vector<16xi1> to vector<16xi1>
      %ne3A_1212 = arith.xori %lt3A_1207, %ne3A_1211 : vector<16xi1>
      %and3A_1213 = arith.andi %ne3A_1212, %ne3A_1204 : vector<16xi1>
      %add3A_1214 = vector.broadcast %select_n3A_1199 : i32 to vector<16xi32>
      %add3A_1215 = arith.addi %rem3A_1201, %add3A_1214 : vector<16xi32>
      %select_n3A_1216 = arith.select %and3A_1213, %add3A_1215, %rem3A_1201 : vector<16xi1>, vector<16xi32>
      %jit3A_1217 = arith.constant 152 : i32
      %div3A_1218 = vector.broadcast %jit3A_1217 : i32 to vector<16xi32>
      %div3A_1219 = arith.divsi %select_n3A_1216, %div3A_1218 : vector<16xi32>
      %sign3A_1220 = arith.constant 0 : i32
      %sign3A_1221 = vector.broadcast %sign3A_1220 : i32 to vector<16xi32>
      %sign3A_1222 = arith.cmpi sgt, %select_n3A_1216, %sign3A_1221 : vector<16xi32>
      %sign3A_1223 = arith.extui %sign3A_1222 : vector<16xi1> to vector<16xi32>
      %sign3A_1224 = arith.constant 0 : i32
      %sign3A_1225 = vector.broadcast %sign3A_1224 : i32 to vector<16xi32>
      %sign3A_1226 = arith.cmpi slt, %select_n3A_1216, %sign3A_1225 : vector<16xi32>
      %sign3A_1227 = arith.extui %sign3A_1226 : vector<16xi1> to vector<16xi32>
      %sign3A_1228 = arith.subi %sign3A_1223, %sign3A_1227 : vector<16xi32>
      %sign3A_1229 = arith.constant 0 : i32
      %sign3A_1230 = arith.cmpi sgt, %jit3A_1217, %sign3A_1229 : i32
      %sign3A_1231 = arith.extui %sign3A_1230 : i1 to i32
      %sign3A_1232 = arith.constant 0 : i32
      %sign3A_1233 = arith.cmpi slt, %jit3A_1217, %sign3A_1232 : i32
      %sign3A_1234 = arith.extui %sign3A_1233 : i1 to i32
      %sign3A_1235 = arith.subi %sign3A_1231, %sign3A_1234 : i32
      %ne3A_1236 = vector.broadcast %sign3A_1235 : i32 to vector<16xi32>
      %ne3A_1237 = arith.cmpi ne, %sign3A_1228, %ne3A_1236 : vector<16xi32>
      %rem3A_1238 = vector.broadcast %jit3A_1217 : i32 to vector<16xi32>
      %rem3A_1239 = arith.remsi %select_n3A_1216, %rem3A_1238 : vector<16xi32>
      %ne3A_1240 = arith.constant 0 : i32
      %ne3A_1241 = vector.broadcast %ne3A_1240 : i32 to vector<16xi32>
      %ne3A_1242 = arith.cmpi ne, %rem3A_1239, %ne3A_1241 : vector<16xi32>
      %and3A_1243 = arith.andi %ne3A_1237, %ne3A_1242 : vector<16xi1>
      %sub3A_1244 = arith.constant 1 : i32
      %sub3A_1245 = vector.broadcast %sub3A_1244 : i32 to vector<16xi32>
      %sub3A_1246 = arith.subi %div3A_1219, %sub3A_1245 : vector<16xi32>
      %select_n3A_1247 = arith.select %and3A_1243, %sub3A_1246, %div3A_1219 : vector<16xi1>, vector<16xi32>
      %convert_element_type3A_1248 = arith.sitofp %select_n3A_1247 : vector<16xi32> to vector<16xf32>
      %jit3A_1249 = arith.constant 152 : i32
      %eq3A_1250 = arith.constant 0 : i32
      %eq3A_1251 = arith.cmpi eq, %jit3A_1249, %eq3A_1250 : i32
      %jit3A_1252 = arith.constant 1 : i32
      %select_n3A_1253 = arith.select %eq3A_1251, %jit3A_1252, %jit3A_1249 : i32
      %rem3A_1254 = vector.broadcast %select_n3A_1253 : i32 to vector<16xi32>
      %rem3A_1255 = arith.remsi %select_n3A_1216, %rem3A_1254 : vector<16xi32>
      %ne3A_1256 = arith.constant 0 : i32
      %ne3A_1257 = vector.broadcast %ne3A_1256 : i32 to vector<16xi32>
      %ne3A_1258 = arith.cmpi ne, %rem3A_1255, %ne3A_1257 : vector<16xi32>
      %lt3A_1259 = arith.constant 0 : i32
      %lt3A_1260 = vector.broadcast %lt3A_1259 : i32 to vector<16xi32>
      %lt3A_1261 = arith.cmpi slt, %rem3A_1255, %lt3A_1260 : vector<16xi32>
      %lt3A_1262 = arith.constant 0 : i32
      %lt3A_1263 = arith.cmpi slt, %select_n3A_1253, %lt3A_1262 : i32
      %ne3A_1264 = vector.broadcast %lt3A_1263 : i1 to vector<16xi1>
      %ne3A_1265 = vector.broadcast %ne3A_1264 : vector<16xi1> to vector<16xi1>
      %ne3A_1266 = arith.xori %lt3A_1261, %ne3A_1265 : vector<16xi1>
      %and3A_1267 = arith.andi %ne3A_1266, %ne3A_1258 : vector<16xi1>
      %add3A_1268 = vector.broadcast %select_n3A_1253 : i32 to vector<16xi32>
      %add3A_1269 = arith.addi %rem3A_1255, %add3A_1268 : vector<16xi32>
      %select_n3A_1270 = arith.select %and3A_1267, %add3A_1269, %rem3A_1255 : vector<16xi1>, vector<16xi32>
      %convert_element_type3A_1271 = arith.sitofp %select_n3A_1270 : vector<16xi32> to vector<16xf32>
      %get3A_1272 = arith.constant 32 : index
      %get3A_1273 = tpu.vector_load %arg17[%get3A_1272] {strides = array<i32>} : memref<512xf32, #tpu.memory_space<vmem>>, vector<16xf32>,
      %neg3A_1274 = arith.constant 0.000000e+00 : f32
      %neg3A_1275 = vector.broadcast %neg3A_1274 : f32 to vector<16xf32>
      %neg3A_1276 = arith.subf %neg3A_1275, %get3A_1273 : vector<16xf32>
      %exp3A_1277 = math.exp %neg3A_1276 : vector<16xf32>
      %add3A_1278 = arith.constant 1.000000e+00 : f32
      %add3A_1279 = vector.broadcast %add3A_1278 : f32 to vector<16xf32>
      %add3A_1280 = arith.addf %add3A_1279, %exp3A_1277 : vector<16xf32>
      %div3A_1281 = arith.constant 1.000000e+00 : f32
      %div3A_1282 = vector.broadcast %div3A_1281 : f32 to vector<16xf32>
      %div3A_1283 = arith.divf %div3A_1282, %add3A_1280 : vector<16xf32>
      %jit3A_1284 = arith.constant 9.99999974E-5 : f32
      %jit3A_1285 = arith.constant 0.999899983 : f32
      %max3A_1286 = vector.broadcast %jit3A_1284 : f32 to vector<16xf32>
      %max3A_1287 = arith.maximumf %max3A_1286, %div3A_1283 : vector<16xf32>
      %min3A_1288 = vector.broadcast %jit3A_1285 : f32 to vector<16xf32>
      %min3A_1289 = arith.minimumf %min3A_1288, %max3A_1287 : vector<16xf32>
      %get3A_1290 = arith.constant 96 : index
      %get3A_1291 = tpu.vector_load %arg17[%get3A_1290] {strides = array<i32>} : memref<512xf32, #tpu.memory_space<vmem>>, vector<16xf32>,
      %neg3A_1292 = arith.constant 0.000000e+00 : f32
      %neg3A_1293 = vector.broadcast %neg3A_1292 : f32 to vector<16xf32>
      %neg3A_1294 = arith.subf %neg3A_1293, %get3A_1291 : vector<16xf32>
      %exp3A_1295 = math.exp %neg3A_1294 : vector<16xf32>
      %add3A_1296 = arith.constant 1.000000e+00 : f32
      %add3A_1297 = vector.broadcast %add3A_1296 : f32 to vector<16xf32>
      %add3A_1298 = arith.addf %add3A_1297, %exp3A_1295 : vector<16xf32>
      %div3A_1299 = arith.constant 1.000000e+00 : f32
      %div3A_1300 = vector.broadcast %div3A_1299 : f32 to vector<16xf32>
      %div3A_1301 = arith.divf %div3A_1300, %add3A_1298 : vector<16xf32>
      %jit3A_1302 = arith.constant 9.99999974E-5 : f32
      %jit3A_1303 = arith.constant 0.999899983 : f32
      %max3A_1304 = vector.broadcast %jit3A_1302 : f32 to vector<16xf32>
      %max3A_1305 = arith.maximumf %max3A_1304, %div3A_1301 : vector<16xf32>
      %min3A_1306 = vector.broadcast %jit3A_1303 : f32 to vector<16xf32>
      %min3A_1307 = arith.minimumf %min3A_1306, %max3A_1305 : vector<16xf32>
      %add3A_1308 = arith.addf %convert_element_type3A_1271, %min3A_1289 : vector<16xf32>
      %add3A_1309 = arith.addf %convert_element_type3A_1248, %min3A_1307 : vector<16xf32>
      %get3A_1310 = arith.constant 288 : index
      %get3A_1311 = tpu.vector_load %arg17[%get3A_1310] {strides = array<i32>} : memref<512xf32, #tpu.memory_space<vmem>>, vector<16xf32>,
      %get3A_1312 = arith.constant 352 : index
      %get3A_1313 = tpu.vector_load %arg17[%get3A_1312] {strides = array<i32>} : memref<512xf32, #tpu.memory_space<vmem>>, vector<16xf32>,
      %get3A_1314 = arith.constant 416 : index
      %get3A_1315 = tpu.vector_load %arg17[%get3A_1314] {strides = array<i32>} : memref<512xf32, #tpu.memory_space<vmem>>, vector<16xf32>,
      %get3A_1316 = arith.constant 480 : index
      %get3A_1317 = tpu.vector_load %arg17[%get3A_1316] {strides = array<i32>} : memref<512xf32, #tpu.memory_space<vmem>>, vector<16xf32>,
      %get3A_1318 = arith.constant 160 : index
      %get3A_1319 = tpu.vector_load %arg17[%get3A_1318] {strides = array<i32>} : memref<512xf32, #tpu.memory_space<vmem>>, vector<16xf32>,
      %get3A_1320 = arith.constant 224 : index
      %get3A_1321 = tpu.vector_load %arg17[%get3A_1320] {strides = array<i32>} : memref<512xf32, #tpu.memory_space<vmem>>, vector<16xf32>,
      %mul3A_1322 = arith.constant 10 : i32
      %mul3A_1323 = vector.broadcast %mul3A_1322 : i32 to vector<16xi32>
      %mul3A_1324 = arith.muli %add3A_1155, %mul3A_1323 : vector<16xi32>
      %add3A_1325 = arith.constant 0 : i32
      %add3A_1326 = vector.broadcast %add3A_1325 : i32 to vector<16xi32>
      %add3A_1327 = arith.addi %mul3A_1324, %add3A_1326 : vector<16xi32>
      tpu.vector_store_idx %arg18[%add3A_1327], %get3A_1160 masked %lt3A_1158 : memref<512xf32, #tpu.memory_space<vmem>>[vector<16xi32>], vector<16xf32>, vector<16xi1>
      %mul3A_1328 = arith.constant 10 : i32
      %mul3A_1329 = vector.broadcast %mul3A_1328 : i32 to vector<16xi32>
      %mul3A_1330 = arith.muli %add3A_1155, %mul3A_1329 : vector<16xi32>
      %add3A_1331 = arith.constant 1 : i32
      %add3A_1332 = vector.broadcast %add3A_1331 : i32 to vector<16xi32>
      %add3A_1333 = arith.addi %mul3A_1330, %add3A_1332 : vector<16xi32>
      tpu.vector_store_idx %arg18[%add3A_1333], %add3A_1308 masked %lt3A_1158 : memref<512xf32, #tpu.memory_space<vmem>>[vector<16xi32>], vector<16xf32>, vector<16xi1>
      %mul3A_1334 = arith.constant 10 : i32
      %mul3A_1335 = vector.broadcast %mul3A_1334 : i32 to vector<16xi32>
      %mul3A_1336 = arith.muli %add3A_1155, %mul3A_1335 : vector<16xi32>
      %add3A_1337 = arith.constant 2 : i32
      %add3A_1338 = vector.broadcast %add3A_1337 : i32 to vector<16xi32>
      %add3A_1339 = arith.addi %mul3A_1336, %add3A_1338 : vector<16xi32>
      tpu.vector_store_idx %arg18[%add3A_1339], %add3A_1309 masked %lt3A_1158 : memref<512xf32, #tpu.memory_space<vmem>>[vector<16xi32>], vector<16xf32>, vector<16xi1>
      %mul3A_1340 = arith.constant 10 : i32
      %mul3A_1341 = vector.broadcast %mul3A_1340 : i32 to vector<16xi32>
      %mul3A_1342 = arith.muli %add3A_1155, %mul3A_1341 : vector<16xi32>
      %add3A_1343 = arith.constant 3 : i32
      %add3A_1344 = vector.broadcast %add3A_1343 : i32 to vector<16xi32>
      %add3A_1345 = arith.addi %mul3A_1342, %add3A_1344 : vector<16xi32>
      tpu.vector_store_idx %arg18[%add3A_1345], %get3A_1311 masked %lt3A_1158 : memref<512xf32, #tpu.memory_space<vmem>>[vector<16xi32>], vector<16xf32>, vector<16xi1>
      %mul3A_1346 = arith.constant 10 : i32
      %mul3A_1347 = vector.broadcast %mul3A_1346 : i32 to vector<16xi32>
      %mul3A_1348 = arith.muli %add3A_1155, %mul3A_1347 : vector<16xi32>
      %add3A_1349 = arith.constant 4 : i32
      %add3A_1350 = vector.broadcast %add3A_1349 : i32 to vector<16xi32>
      %add3A_1351 = arith.addi %mul3A_1348, %add3A_1350 : vector<16xi32>
      tpu.vector_store_idx %arg18[%add3A_1351], %get3A_1313 masked %lt3A_1158 : memref<512xf32, #tpu.memory_space<vmem>>[vector<16xi32>], vector<16xf32>, vector<16xi1>
      %mul3A_1352 = arith.constant 10 : i32
      %mul3A_1353 = vector.broadcast %mul3A_1352 : i32 to vector<16xi32>
      %mul3A_1354 = arith.muli %add3A_1155, %mul3A_1353 : vector<16xi32>
      %add3A_1355 = arith.constant 5 : i32
      %add3A_1356 = vector.broadcast %add3A_1355 : i32 to vector<16xi32>
      %add3A_1357 = arith.addi %mul3A_1354, %add3A_1356 : vector<16xi32>
      tpu.vector_store_idx %arg18[%add3A_1357], %get3A_1315 masked %lt3A_1158 : memref<512xf32, #tpu.memory_space<vmem>>[vector<16xi32>], vector<16xf32>, vector<16xi1>
      %mul3A_1358 = arith.constant 10 : i32
      %mul3A_1359 = vector.broadcast %mul3A_1358 : i32 to vector<16xi32>
      %mul3A_1360 = arith.muli %add3A_1155, %mul3A_1359 : vector<16xi32>
      %add3A_1361 = arith.constant 6 : i32
      %add3A_1362 = vector.broadcast %add3A_1361 : i32 to vector<16xi32>
      %add3A_1363 = arith.addi %mul3A_1360, %add3A_1362 : vector<16xi32>
      tpu.vector_store_idx %arg18[%add3A_1363], %get3A_1317 masked %lt3A_1158 : memref<512xf32, #tpu.memory_space<vmem>>[vector<16xi32>], vector<16xf32>, vector<16xi1>
      %mul3A_1364 = arith.constant 10 : i32
      %mul3A_1365 = vector.broadcast %mul3A_1364 : i32 to vector<16xi32>
      %mul3A_1366 = arith.muli %add3A_1155, %mul3A_1365 : vector<16xi32>
      %add3A_1367 = arith.constant 7 : i32
      %add3A_1368 = vector.broadcast %add3A_1367 : i32 to vector<16xi32>
      %add3A_1369 = arith.addi %mul3A_1366, %add3A_1368 : vector<16xi32>
      tpu.vector_store_idx %arg18[%add3A_1369], %get3A_1319 masked %lt3A_1158 : memref<512xf32, #tpu.memory_space<vmem>>[vector<16xi32>], vector<16xf32>, vector<16xi1>
      %mul3A_1370 = arith.constant 10 : i32
      %mul3A_1371 = vector.broadcast %mul3A_1370 : i32 to vector<16xi32>
      %mul3A_1372 = arith.muli %add3A_1155, %mul3A_1371 : vector<16xi32>
      %add3A_1373 = arith.constant 8 : i32
      %add3A_1374 = vector.broadcast %add3A_1373 : i32 to vector<16xi32>
      %add3A_1375 = arith.addi %mul3A_1372, %add3A_1374 : vector<16xi32>
      tpu.vector_store_idx %arg18[%add3A_1375], %get3A_1321 masked %lt3A_1158 : memref<512xf32, #tpu.memory_space<vmem>>[vector<16xi32>], vector<16xf32>, vector<16xi1>
      %mul3A_1376 = arith.constant 10 : i32
      %mul3A_1377 = vector.broadcast %mul3A_1376 : i32 to vector<16xi32>
      %mul3A_1378 = arith.muli %add3A_1155, %mul3A_1377 : vector<16xi32>
      %add3A_1379 = arith.constant 9 : i32
      %add3A_1380 = vector.broadcast %add3A_1379 : i32 to vector<16xi32>
      %add3A_1381 = arith.addi %mul3A_1378, %add3A_1380 : vector<16xi32>
      tpu.vector_store_idx %arg18[%add3A_1381], %convert_element_type3A_1194 masked %lt3A_1158 : memref<512xf32, #tpu.memory_space<vmem>>[vector<16xi32>], vector<16xf32>, vector<16xi1>
      %add3A_1382 = arith.constant 48 : i32
      %add3A_1383 = vector.broadcast %add3A_1382 : i32 to vector<16xi32>
      %add3A_1384 = arith.addi %iota3A, %add3A_1383 : vector<16xi32>
      %lt3A_1385 = arith.constant 50 : i32
      %lt3A_1386 = vector.broadcast %lt3A_1385 : i32 to vector<16xi32>
      %lt3A_1387 = arith.cmpi slt, %add3A_1384, %lt3A_1386 : vector<16xi32>
      %get3A_1388 = arith.constant 48 : index
      %get3A_1389 = tpu.vector_load %arg10[%get3A_1388] {strides = array<i32>} : memref<64xf32, #tpu.memory_space<vmem>>, vector<16xf32>,
      %get3A_1390 = arith.constant 48 : index
      %get3A_1391 = tpu.vector_load %arg11[%get3A_1390] {strides = array<i32>} : memref<64xi32, #tpu.memory_space<vmem>>, vector<16xi32>,
      %jit3A_1392 = arith.constant 23104 : i32
      %div3A_1393 = vector.broadcast %jit3A_1392 : i32 to vector<16xi32>
      %div3A_1394 = arith.divsi %get3A_1391, %div3A_1393 : vector<16xi32>
      %sign3A_1395 = arith.constant 0 : i32
      %sign3A_1396 = vector.broadcast %sign3A_1395 : i32 to vector<16xi32>
      %sign3A_1397 = arith.cmpi sgt, %get3A_1391, %sign3A_1396 : vector<16xi32>
      %sign3A_1398 = arith.extui %sign3A_1397 : vector<16xi1> to vector<16xi32>
      %sign3A_1399 = arith.constant 0 : i32
      %sign3A_1400 = vector.broadcast %sign3A_1399 : i32 to vector<16xi32>
      %sign3A_1401 = arith.cmpi slt, %get3A_1391, %sign3A_1400 : vector<16xi32>
      %sign3A_1402 = arith.extui %sign3A_1401 : vector<16xi1> to vector<16xi32>
      %sign3A_1403 = arith.subi %sign3A_1398, %sign3A_1402 : vector<16xi32>
      %sign3A_1404 = arith.constant 0 : i32
      %sign3A_1405 = arith.cmpi sgt, %jit3A_1392, %sign3A_1404 : i32
      %sign3A_1406 = arith.extui %sign3A_1405 : i1 to i32
      %sign3A_1407 = arith.constant 0 : i32
      %sign3A_1408 = arith.cmpi slt, %jit3A_1392, %sign3A_1407 : i32
      %sign3A_1409 = arith.extui %sign3A_1408 : i1 to i32
      %sign3A_1410 = arith.subi %sign3A_1406, %sign3A_1409 : i32
      %ne3A_1411 = vector.broadcast %sign3A_1410 : i32 to vector<16xi32>
      %ne3A_1412 = arith.cmpi ne, %sign3A_1403, %ne3A_1411 : vector<16xi32>
      %rem3A_1413 = vector.broadcast %jit3A_1392 : i32 to vector<16xi32>
      %rem3A_1414 = arith.remsi %get3A_1391, %rem3A_1413 : vector<16xi32>
      %ne3A_1415 = arith.constant 0 : i32
      %ne3A_1416 = vector.broadcast %ne3A_1415 : i32 to vector<16xi32>
      %ne3A_1417 = arith.cmpi ne, %rem3A_1414, %ne3A_1416 : vector<16xi32>
      %and3A_1418 = arith.andi %ne3A_1412, %ne3A_1417 : vector<16xi1>
      %sub3A_1419 = arith.constant 1 : i32
      %sub3A_1420 = vector.broadcast %sub3A_1419 : i32 to vector<16xi32>
      %sub3A_1421 = arith.subi %div3A_1394, %sub3A_1420 : vector<16xi32>
      %select_n3A_1422 = arith.select %and3A_1418, %sub3A_1421, %div3A_1394 : vector<16xi1>, vector<16xi32>
      %convert_element_type3A_1423 = arith.sitofp %select_n3A_1422 : vector<16xi32> to vector<16xf32>
      %jit3A_1424 = arith.constant 23104 : i32
      %eq3A_1425 = arith.constant 0 : i32
      %eq3A_1426 = arith.cmpi eq, %jit3A_1424, %eq3A_1425 : i32
      %jit3A_1427 = arith.constant 1 : i32
      %select_n3A_1428 = arith.select %eq3A_1426, %jit3A_1427, %jit3A_1424 : i32
      %rem3A_1429 = vector.broadcast %select_n3A_1428 : i32 to vector<16xi32>
      %rem3A_1430 = arith.remsi %get3A_1391, %rem3A_1429 : vector<16xi32>
      %ne3A_1431 = arith.constant 0 : i32
      %ne3A_1432 = vector.broadcast %ne3A_1431 : i32 to vector<16xi32>
      %ne3A_1433 = arith.cmpi ne, %rem3A_1430, %ne3A_1432 : vector<16xi32>
      %lt3A_1434 = arith.constant 0 : i32
      %lt3A_1435 = vector.broadcast %lt3A_1434 : i32 to vector<16xi32>
      %lt3A_1436 = arith.cmpi slt, %rem3A_1430, %lt3A_1435 : vector<16xi32>
      %lt3A_1437 = arith.constant 0 : i32
      %lt3A_1438 = arith.cmpi slt, %select_n3A_1428, %lt3A_1437 : i32
      %ne3A_1439 = vector.broadcast %lt3A_1438 : i1 to vector<16xi1>
      %ne3A_1440 = vector.broadcast %ne3A_1439 : vector<16xi1> to vector<16xi1>
      %ne3A_1441 = arith.xori %lt3A_1436, %ne3A_1440 : vector<16xi1>
      %and3A_1442 = arith.andi %ne3A_1441, %ne3A_1433 : vector<16xi1>
      %add3A_1443 = vector.broadcast %select_n3A_1428 : i32 to vector<16xi32>
      %add3A_1444 = arith.addi %rem3A_1430, %add3A_1443 : vector<16xi32>
      %select_n3A_1445 = arith.select %and3A_1442, %add3A_1444, %rem3A_1430 : vector<16xi1>, vector<16xi32>
      %jit3A_1446 = arith.constant 152 : i32
      %div3A_1447 = vector.broadcast %jit3A_1446 : i32 to vector<16xi32>
      %div3A_1448 = arith.divsi %select_n3A_1445, %div3A_1447 : vector<16xi32>
      %sign3A_1449 = arith.constant 0 : i32
      %sign3A_1450 = vector.broadcast %sign3A_1449 : i32 to vector<16xi32>
      %sign3A_1451 = arith.cmpi sgt, %select_n3A_1445, %sign3A_1450 : vector<16xi32>
      %sign3A_1452 = arith.extui %sign3A_1451 : vector<16xi1> to vector<16xi32>
      %sign3A_1453 = arith.constant 0 : i32
      %sign3A_1454 = vector.broadcast %sign3A_1453 : i32 to vector<16xi32>
      %sign3A_1455 = arith.cmpi slt, %select_n3A_1445, %sign3A_1454 : vector<16xi32>
      %sign3A_1456 = arith.extui %sign3A_1455 : vector<16xi1> to vector<16xi32>
      %sign3A_1457 = arith.subi %sign3A_1452, %sign3A_1456 : vector<16xi32>
      %sign3A_1458 = arith.constant 0 : i32
      %sign3A_1459 = arith.cmpi sgt, %jit3A_1446, %sign3A_1458 : i32
      %sign3A_1460 = arith.extui %sign3A_1459 : i1 to i32
      %sign3A_1461 = arith.constant 0 : i32
      %sign3A_1462 = arith.cmpi slt, %jit3A_1446, %sign3A_1461 : i32
      %sign3A_1463 = arith.extui %sign3A_1462 : i1 to i32
      %sign3A_1464 = arith.subi %sign3A_1460, %sign3A_1463 : i32
      %ne3A_1465 = vector.broadcast %sign3A_1464 : i32 to vector<16xi32>
      %ne3A_1466 = arith.cmpi ne, %sign3A_1457, %ne3A_1465 : vector<16xi32>
      %rem3A_1467 = vector.broadcast %jit3A_1446 : i32 to vector<16xi32>
      %rem3A_1468 = arith.remsi %select_n3A_1445, %rem3A_1467 : vector<16xi32>
      %ne3A_1469 = arith.constant 0 : i32
      %ne3A_1470 = vector.broadcast %ne3A_1469 : i32 to vector<16xi32>
      %ne3A_1471 = arith.cmpi ne, %rem3A_1468, %ne3A_1470 : vector<16xi32>
      %and3A_1472 = arith.andi %ne3A_1466, %ne3A_1471 : vector<16xi1>
      %sub3A_1473 = arith.constant 1 : i32
      %sub3A_1474 = vector.broadcast %sub3A_1473 : i32 to vector<16xi32>
      %sub3A_1475 = arith.subi %div3A_1448, %sub3A_1474 : vector<16xi32>
      %select_n3A_1476 = arith.select %and3A_1472, %sub3A_1475, %div3A_1448 : vector<16xi1>, vector<16xi32>
      %convert_element_type3A_1477 = arith.sitofp %select_n3A_1476 : vector<16xi32> to vector<16xf32>
      %jit3A_1478 = arith.constant 152 : i32
      %eq3A_1479 = arith.constant 0 : i32
      %eq3A_1480 = arith.cmpi eq, %jit3A_1478, %eq3A_1479 : i32
      %jit3A_1481 = arith.constant 1 : i32
      %select_n3A_1482 = arith.select %eq3A_1480, %jit3A_1481, %jit3A_1478 : i32
      %rem3A_1483 = vector.broadcast %select_n3A_1482 : i32 to vector<16xi32>
      %rem3A_1484 = arith.remsi %select_n3A_1445, %rem3A_1483 : vector<16xi32>
      %ne3A_1485 = arith.constant 0 : i32
      %ne3A_1486 = vector.broadcast %ne3A_1485 : i32 to vector<16xi32>
      %ne3A_1487 = arith.cmpi ne, %rem3A_1484, %ne3A_1486 : vector<16xi32>
      %lt3A_1488 = arith.constant 0 : i32
      %lt3A_1489 = vector.broadcast %lt3A_1488 : i32 to vector<16xi32>
      %lt3A_1490 = arith.cmpi slt, %rem3A_1484, %lt3A_1489 : vector<16xi32>
      %lt3A_1491 = arith.constant 0 : i32
      %lt3A_1492 = arith.cmpi slt, %select_n3A_1482, %lt3A_1491 : i32
      %ne3A_1493 = vector.broadcast %lt3A_1492 : i1 to vector<16xi1>
      %ne3A_1494 = vector.broadcast %ne3A_1493 : vector<16xi1> to vector<16xi1>
      %ne3A_1495 = arith.xori %lt3A_1490, %ne3A_1494 : vector<16xi1>
      %and3A_1496 = arith.andi %ne3A_1495, %ne3A_1487 : vector<16xi1>
      %add3A_1497 = vector.broadcast %select_n3A_1482 : i32 to vector<16xi32>
      %add3A_1498 = arith.addi %rem3A_1484, %add3A_1497 : vector<16xi32>
      %select_n3A_1499 = arith.select %and3A_1496, %add3A_1498, %rem3A_1484 : vector<16xi1>, vector<16xi32>
      %convert_element_type3A_1500 = arith.sitofp %select_n3A_1499 : vector<16xi32> to vector<16xf32>
      %get3A_1501 = arith.constant 48 : index
      %get3A_1502 = tpu.vector_load %arg17[%get3A_1501] {strides = array<i32>} : memref<512xf32, #tpu.memory_space<vmem>>, vector<16xf32>,
      %neg3A_1503 = arith.constant 0.000000e+00 : f32
      %neg3A_1504 = vector.broadcast %neg3A_1503 : f32 to vector<16xf32>
      %neg3A_1505 = arith.subf %neg3A_1504, %get3A_1502 : vector<16xf32>
      %exp3A_1506 = math.exp %neg3A_1505 : vector<16xf32>
      %add3A_1507 = arith.constant 1.000000e+00 : f32
      %add3A_1508 = vector.broadcast %add3A_1507 : f32 to vector<16xf32>
      %add3A_1509 = arith.addf %add3A_1508, %exp3A_1506 : vector<16xf32>
      %div3A_1510 = arith.constant 1.000000e+00 : f32
      %div3A_1511 = vector.broadcast %div3A_1510 : f32 to vector<16xf32>
      %div3A_1512 = arith.divf %div3A_1511, %add3A_1509 : vector<16xf32>
      %jit3A_1513 = arith.constant 9.99999974E-5 : f32
      %jit3A_1514 = arith.constant 0.999899983 : f32
      %max3A_1515 = vector.broadcast %jit3A_1513 : f32 to vector<16xf32>
      %max3A_1516 = arith.maximumf %max3A_1515, %div3A_1512 : vector<16xf32>
      %min3A_1517 = vector.broadcast %jit3A_1514 : f32 to vector<16xf32>
      %min3A_1518 = arith.minimumf %min3A_1517, %max3A_1516 : vector<16xf32>
      %get3A_1519 = arith.constant 112 : index
      %get3A_1520 = tpu.vector_load %arg17[%get3A_1519] {strides = array<i32>} : memref<512xf32, #tpu.memory_space<vmem>>, vector<16xf32>,
      %neg3A_1521 = arith.constant 0.000000e+00 : f32
      %neg3A_1522 = vector.broadcast %neg3A_1521 : f32 to vector<16xf32>
      %neg3A_1523 = arith.subf %neg3A_1522, %get3A_1520 : vector<16xf32>
      %exp3A_1524 = math.exp %neg3A_1523 : vector<16xf32>
      %add3A_1525 = arith.constant 1.000000e+00 : f32
      %add3A_1526 = vector.broadcast %add3A_1525 : f32 to vector<16xf32>
      %add3A_1527 = arith.addf %add3A_1526, %exp3A_1524 : vector<16xf32>
      %div3A_1528 = arith.constant 1.000000e+00 : f32
      %div3A_1529 = vector.broadcast %div3A_1528 : f32 to vector<16xf32>
      %div3A_1530 = arith.divf %div3A_1529, %add3A_1527 : vector<16xf32>
      %jit3A_1531 = arith.constant 9.99999974E-5 : f32
      %jit3A_1532 = arith.constant 0.999899983 : f32
      %max3A_1533 = vector.broadcast %jit3A_1531 : f32 to vector<16xf32>
      %max3A_1534 = arith.maximumf %max3A_1533, %div3A_1530 : vector<16xf32>
      %min3A_1535 = vector.broadcast %jit3A_1532 : f32 to vector<16xf32>
      %min3A_1536 = arith.minimumf %min3A_1535, %max3A_1534 : vector<16xf32>
      %add3A_1537 = arith.addf %convert_element_type3A_1500, %min3A_1518 : vector<16xf32>
      %add3A_1538 = arith.addf %convert_element_type3A_1477, %min3A_1536 : vector<16xf32>
      %get3A_1539 = arith.constant 304 : index
      %get3A_1540 = tpu.vector_load %arg17[%get3A_1539] {strides = array<i32>} : memref<512xf32, #tpu.memory_space<vmem>>, vector<16xf32>,
      %get3A_1541 = arith.constant 368 : index
      %get3A_1542 = tpu.vector_load %arg17[%get3A_1541] {strides = array<i32>} : memref<512xf32, #tpu.memory_space<vmem>>, vector<16xf32>,
      %get3A_1543 = arith.constant 432 : index
      %get3A_1544 = tpu.vector_load %arg17[%get3A_1543] {strides = array<i32>} : memref<512xf32, #tpu.memory_space<vmem>>, vector<16xf32>,
      %get3A_1545 = arith.constant 496 : index
      %get3A_1546 = tpu.vector_load %arg17[%get3A_1545] {strides = array<i32>} : memref<512xf32, #tpu.memory_space<vmem>>, vector<16xf32>,
      %get3A_1547 = arith.constant 176 : index
      %get3A_1548 = tpu.vector_load %arg17[%get3A_1547] {strides = array<i32>} : memref<512xf32, #tpu.memory_space<vmem>>, vector<16xf32>,
      %get3A_1549 = arith.constant 240 : index
      %get3A_1550 = tpu.vector_load %arg17[%get3A_1549] {strides = array<i32>} : memref<512xf32, #tpu.memory_space<vmem>>, vector<16xf32>,
      %mul3A_1551 = arith.constant 10 : i32
      %mul3A_1552 = vector.broadcast %mul3A_1551 : i32 to vector<16xi32>
      %mul3A_1553 = arith.muli %add3A_1384, %mul3A_1552 : vector<16xi32>
      %add3A_1554 = arith.constant 0 : i32
      %add3A_1555 = vector.broadcast %add3A_1554 : i32 to vector<16xi32>
      %add3A_1556 = arith.addi %mul3A_1553, %add3A_1555 : vector<16xi32>
      tpu.vector_store_idx %arg18[%add3A_1556], %get3A_1389 masked %lt3A_1387 : memref<512xf32, #tpu.memory_space<vmem>>[vector<16xi32>], vector<16xf32>, vector<16xi1>
      %mul3A_1557 = arith.constant 10 : i32
      %mul3A_1558 = vector.broadcast %mul3A_1557 : i32 to vector<16xi32>
      %mul3A_1559 = arith.muli %add3A_1384, %mul3A_1558 : vector<16xi32>
      %add3A_1560 = arith.constant 1 : i32
      %add3A_1561 = vector.broadcast %add3A_1560 : i32 to vector<16xi32>
      %add3A_1562 = arith.addi %mul3A_1559, %add3A_1561 : vector<16xi32>
      tpu.vector_store_idx %arg18[%add3A_1562], %add3A_1537 masked %lt3A_1387 : memref<512xf32, #tpu.memory_space<vmem>>[vector<16xi32>], vector<16xf32>, vector<16xi1>
      %mul3A_1563 = arith.constant 10 : i32
      %mul3A_1564 = vector.broadcast %mul3A_1563 : i32 to vector<16xi32>
      %mul3A_1565 = arith.muli %add3A_1384, %mul3A_1564 : vector<16xi32>
      %add3A_1566 = arith.constant 2 : i32
      %add3A_1567 = vector.broadcast %add3A_1566 : i32 to vector<16xi32>
      %add3A_1568 = arith.addi %mul3A_1565, %add3A_1567 : vector<16xi32>
      tpu.vector_store_idx %arg18[%add3A_1568], %add3A_1538 masked %lt3A_1387 : memref<512xf32, #tpu.memory_space<vmem>>[vector<16xi32>], vector<16xf32>, vector<16xi1>
      %mul3A_1569 = arith.constant 10 : i32
      %mul3A_1570 = vector.broadcast %mul3A_1569 : i32 to vector<16xi32>
      %mul3A_1571 = arith.muli %add3A_1384, %mul3A_1570 : vector<16xi32>
      %add3A_1572 = arith.constant 3 : i32
      %add3A_1573 = vector.broadcast %add3A_1572 : i32 to vector<16xi32>
      %add3A_1574 = arith.addi %mul3A_1571, %add3A_1573 : vector<16xi32>
      tpu.vector_store_idx %arg18[%add3A_1574], %get3A_1540 masked %lt3A_1387 : memref<512xf32, #tpu.memory_space<vmem>>[vector<16xi32>], vector<16xf32>, vector<16xi1>
      %mul3A_1575 = arith.constant 10 : i32
      %mul3A_1576 = vector.broadcast %mul3A_1575 : i32 to vector<16xi32>
      %mul3A_1577 = arith.muli %add3A_1384, %mul3A_1576 : vector<16xi32>
      %add3A_1578 = arith.constant 4 : i32
      %add3A_1579 = vector.broadcast %add3A_1578 : i32 to vector<16xi32>
      %add3A_1580 = arith.addi %mul3A_1577, %add3A_1579 : vector<16xi32>
      tpu.vector_store_idx %arg18[%add3A_1580], %get3A_1542 masked %lt3A_1387 : memref<512xf32, #tpu.memory_space<vmem>>[vector<16xi32>], vector<16xf32>, vector<16xi1>
      %mul3A_1581 = arith.constant 10 : i32
      %mul3A_1582 = vector.broadcast %mul3A_1581 : i32 to vector<16xi32>
      %mul3A_1583 = arith.muli %add3A_1384, %mul3A_1582 : vector<16xi32>
      %add3A_1584 = arith.constant 5 : i32
      %add3A_1585 = vector.broadcast %add3A_1584 : i32 to vector<16xi32>
      %add3A_1586 = arith.addi %mul3A_1583, %add3A_1585 : vector<16xi32>
      tpu.vector_store_idx %arg18[%add3A_1586], %get3A_1544 masked %lt3A_1387 : memref<512xf32, #tpu.memory_space<vmem>>[vector<16xi32>], vector<16xf32>, vector<16xi1>
      %mul3A_1587 = arith.constant 10 : i32
      %mul3A_1588 = vector.broadcast %mul3A_1587 : i32 to vector<16xi32>
      %mul3A_1589 = arith.muli %add3A_1384, %mul3A_1588 : vector<16xi32>
      %add3A_1590 = arith.constant 6 : i32
      %add3A_1591 = vector.broadcast %add3A_1590 : i32 to vector<16xi32>
      %add3A_1592 = arith.addi %mul3A_1589, %add3A_1591 : vector<16xi32>
      tpu.vector_store_idx %arg18[%add3A_1592], %get3A_1546 masked %lt3A_1387 : memref<512xf32, #tpu.memory_space<vmem>>[vector<16xi32>], vector<16xf32>, vector<16xi1>
      %mul3A_1593 = arith.constant 10 : i32
      %mul3A_1594 = vector.broadcast %mul3A_1593 : i32 to vector<16xi32>
      %mul3A_1595 = arith.muli %add3A_1384, %mul3A_1594 : vector<16xi32>
      %add3A_1596 = arith.constant 7 : i32
      %add3A_1597 = vector.broadcast %add3A_1596 : i32 to vector<16xi32>
      %add3A_1598 = arith.addi %mul3A_1595, %add3A_1597 : vector<16xi32>
      tpu.vector_store_idx %arg18[%add3A_1598], %get3A_1548 masked %lt3A_1387 : memref<512xf32, #tpu.memory_space<vmem>>[vector<16xi32>], vector<16xf32>, vector<16xi1>
      %mul3A_1599 = arith.constant 10 : i32
      %mul3A_1600 = vector.broadcast %mul3A_1599 : i32 to vector<16xi32>
      %mul3A_1601 = arith.muli %add3A_1384, %mul3A_1600 : vector<16xi32>
      %add3A_1602 = arith.constant 8 : i32
      %add3A_1603 = vector.broadcast %add3A_1602 : i32 to vector<16xi32>
      %add3A_1604 = arith.addi %mul3A_1601, %add3A_1603 : vector<16xi32>
      tpu.vector_store_idx %arg18[%add3A_1604], %get3A_1550 masked %lt3A_1387 : memref<512xf32, #tpu.memory_space<vmem>>[vector<16xi32>], vector<16xf32>, vector<16xi1>
      %mul3A_1605 = arith.constant 10 : i32
      %mul3A_1606 = vector.broadcast %mul3A_1605 : i32 to vector<16xi32>
      %mul3A_1607 = arith.muli %add3A_1384, %mul3A_1606 : vector<16xi32>
      %add3A_1608 = arith.constant 9 : i32
      %add3A_1609 = vector.broadcast %add3A_1608 : i32 to vector<16xi32>
      %add3A_1610 = arith.addi %mul3A_1607, %add3A_1609 : vector<16xi32>
      tpu.vector_store_idx %arg18[%add3A_1610], %convert_element_type3A_1423 masked %lt3A_1387 : memref<512xf32, #tpu.memory_space<vmem>>[vector<16xi32>], vector<16xf32>, vector<16xi1>
      %mul3A_1611 = arith.constant 512 : i32
      %mul3A_1612 = arith.muli %add3A, %mul3A_1611 : i32
      "tpu.region"() ({
        %run_scoped3A = tpu.sem_alloc : memref<!tpu.dma_semaphore, #tpu.memory_space<semaphore_mem>>
        %dma_start3A_1613 = tpu.memref_slice %arg7[%mul3A_1612] : memref<4096xf32, #tpu.memory_space<hbm>> -> memref<512xf32, #tpu.memory_space<hbm>>
        %dma_start3A_1614 = tpu.memref_slice %arg7[%mul3A_1612] : memref<4096xf32, #tpu.memory_space<hbm>> -> memref<512xf32, #tpu.memory_space<hbm>>
        tpu.enqueue_dma source(%arg18 : memref<512xf32, #tpu.memory_space<vmem>>) target(%dma_start3A_1614 : memref<512xf32, #tpu.memory_space<hbm>>) target_semaphore(%run_scoped3A : memref<!tpu.dma_semaphore, #tpu.memory_space<semaphore_mem>>)
        %dma_wait3A_1615 = tpu.memref_slice %arg7[%mul3A_1612] : memref<4096xf32, #tpu.memory_space<hbm>> -> memref<512xf32, #tpu.memory_space<hbm>>
        %dma_wait3A_1616 = tpu.memref_slice %arg7[%mul3A_1612] : memref<4096xf32, #tpu.memory_space<hbm>> -> memref<512xf32, #tpu.memory_space<hbm>>
        tpu.wait_dma2 semaphore(%run_scoped3A : memref<!tpu.dma_semaphore, #tpu.memory_space<semaphore_mem>>) src(%arg18 : memref<512xf32, #tpu.memory_space<vmem>>) dst(%dma_wait3A_1616 : memref<512xf32, #tpu.memory_space<hbm>>)
        tpu.yield
      }) : () -> ()
    } else {
    }
    return
  }
}

module attributes {stable_mosaic.version = 14 : i64} {
  func.func @_nms_body(%arg0: i32, %arg1: memref<8x3x152x152xf32, #tpu.memory_space<vmem>>, %arg2: memref<8x3x152x152xf32, #tpu.memory_space<vmem>>) attributes {dimension_semantics = [#tpu.dimension_semantics<arbitrary>], iteration_bounds = array<i64: 1>, scalar_prefetch = 0 : i64, scratch_operands = 0 : i64, tpu.core_type = #tpu.core_type<tc>, window_params = [{pipeline_mode = #tpu.pipeline_mode<synchronous>, transform_indices = @transform_0, window_bounds = array<i64: 8, 3, 152, 152>}, {pipeline_mode = #tpu.pipeline_mode<synchronous>, transform_indices = @transform_1, window_bounds = array<i64: 8, 3, 152, 152>}]} {
    %get3A = arith.constant 0 : index
    %get3A_0 = arith.constant 0 : index
    %get3A_1 = arith.constant 0 : index
    %get3A_2 = arith.constant 0 : index
    %get3A_3 = vector.load %arg1[%get3A, %get3A_0, %get3A_1, %get3A_2] : memref<8x3x152x152xf32, #tpu.memory_space<vmem>>, vector<8x3x152x152xf32>
    %neg3A = arith.constant 0.000000e+00 : f32
    %neg3A_4 = vector.broadcast %neg3A : f32 to vector<8x3x152x152xf32>
    %neg3A_5 = arith.subf %neg3A_4, %get3A_3 : vector<8x3x152x152xf32>
    %exp3A = math.exp %neg3A_5 : vector<8x3x152x152xf32>
    %add3A = arith.constant 1.000000e+00 : f32
    %add3A_6 = vector.broadcast %add3A : f32 to vector<8x3x152x152xf32>
    %add3A_7 = arith.addf %add3A_6, %exp3A : vector<8x3x152x152xf32>
    %div3A = arith.constant 1.000000e+00 : f32
    %div3A_8 = vector.broadcast %div3A : f32 to vector<8x3x152x152xf32>
    %div3A_9 = arith.divf %div3A_8, %add3A_7 : vector<8x3x152x152xf32>
    %jit3A = arith.constant 9.99999974E-5 : f32
    %jit3A_10 = arith.constant 0.999899983 : f32
    %max3A = vector.broadcast %jit3A : f32 to vector<8x3x152x152xf32>
    %max3A_11 = arith.maximumf %max3A, %div3A_9 : vector<8x3x152x152xf32>
    %min3A = vector.broadcast %jit3A_10 : f32 to vector<8x3x152x152xf32>
    %min3A_12 = arith.minimumf %min3A, %max3A_11 : vector<8x3x152x152xf32>
    %broadcast_in_dim3A = arith.constant -1.000000e+00 : f32
    %broadcast_in_dim3A_13 = vector.broadcast %broadcast_in_dim3A : f32 to vector<8x3x1x152xf32>
    %slice3A = vector.extract_strided_slice %min3A_12 {offsets = [0, 0, 1, 0], sizes = [8, 3, 151, 152], strides = [1, 1, 1, 1]} : vector<8x3x152x152xf32> to vector<8x3x151x152xf32>
    %concatenate3A = tpu.concatenate %slice3A, %broadcast_in_dim3A_13 in 2 : vector<8x3x151x152xf32>, vector<8x3x1x152xf32> -> vector<8x3x152x152xf32>
    %slice3A_14 = vector.extract_strided_slice %min3A_12 {offsets = [0, 0, 0, 0], sizes = [8, 3, 151, 152], strides = [1, 1, 1, 1]} : vector<8x3x152x152xf32> to vector<8x3x151x152xf32>
    %concatenate3A_15 = tpu.concatenate %broadcast_in_dim3A_13, %slice3A_14 in 2 : vector<8x3x1x152xf32>, vector<8x3x151x152xf32> -> vector<8x3x152x152xf32>
    %max3A_16 = arith.maximumf %min3A_12, %concatenate3A : vector<8x3x152x152xf32>
    %max3A_17 = arith.maximumf %max3A_16, %concatenate3A_15 : vector<8x3x152x152xf32>
    %broadcast_in_dim3A_18 = arith.constant -1.000000e+00 : f32
    %broadcast_in_dim3A_19 = vector.broadcast %broadcast_in_dim3A_18 : f32 to vector<8x3x152x1xf32>
    %slice3A_20 = vector.extract_strided_slice %max3A_17 {offsets = [0, 0, 0, 1], sizes = [8, 3, 152, 151], strides = [1, 1, 1, 1]} : vector<8x3x152x152xf32> to vector<8x3x152x151xf32>
    %concatenate3A_21 = tpu.concatenate %slice3A_20, %broadcast_in_dim3A_19 in 3 : vector<8x3x152x151xf32>, vector<8x3x152x1xf32> -> vector<8x3x152x152xf32>
    %slice3A_22 = vector.extract_strided_slice %max3A_17 {offsets = [0, 0, 0, 0], sizes = [8, 3, 152, 151], strides = [1, 1, 1, 1]} : vector<8x3x152x152xf32> to vector<8x3x152x151xf32>
    %concatenate3A_23 = tpu.concatenate %broadcast_in_dim3A_19, %slice3A_22 in 3 : vector<8x3x152x1xf32>, vector<8x3x152x151xf32> -> vector<8x3x152x152xf32>
    %max3A_24 = arith.maximumf %max3A_17, %concatenate3A_21 : vector<8x3x152x152xf32>
    %max3A_25 = arith.maximumf %max3A_24, %concatenate3A_23 : vector<8x3x152x152xf32>
    %eq3A = arith.cmpf oeq, %max3A_25, %min3A_12 : vector<8x3x152x152xf32>
    %jit3A_26 = arith.constant 0.000000e+00 : f32
    %broadcast_in_dim3A_27 = vector.broadcast %jit3A_26 : f32 to vector<8x3x152x152xf32>
    %select_n3A = arith.select %eq3A, %min3A_12, %broadcast_in_dim3A_27 : vector<8x3x152x152xi1>, vector<8x3x152x152xf32>
    %swap3A = arith.constant 0 : index
    %swap3A_28 = arith.constant 0 : index
    %swap3A_29 = arith.constant 0 : index
    %swap3A_30 = arith.constant 0 : index
    %swap3A_31 = vector.load %arg2[%swap3A, %swap3A_28, %swap3A_29, %swap3A_30] : memref<8x3x152x152xf32, #tpu.memory_space<vmem>>, vector<8x3x152x152xf32>
    tpu.vector_store %arg2[%swap3A, %swap3A_28, %swap3A_29, %swap3A_30], %select_n3A {strides = array<i32>} : memref<8x3x152x152xf32, #tpu.memory_space<vmem>>, vector<8x3x152x152xf32>,
    return
  }
  func.func @transform_0(%arg0: i32) -> (i32, i32, i32, i32) {
    %c0_i32 = arith.constant 0 : i32
    %c0_i32_0 = arith.constant 0 : i32
    %c0_i32_1 = arith.constant 0 : i32
    %c0_i32_2 = arith.constant 0 : i32
    %c0_i32_3 = arith.constant 0 : i32
    return %c0_i32, %c0_i32_0, %c0_i32_1, %c0_i32_2 : i32, i32, i32, i32
  }
  func.func @transform_1(%arg0: i32) -> (i32, i32, i32, i32) {
    %c0_i32 = arith.constant 0 : i32
    %c0_i32_0 = arith.constant 0 : i32
    %c0_i32_1 = arith.constant 0 : i32
    %c0_i32_2 = arith.constant 0 : i32
    %c0_i32_3 = arith.constant 0 : i32
    return %c0_i32, %c0_i32_0, %c0_i32_1, %c0_i32_2 : i32, i32, i32, i32
  }
}

</mosaic_0001>

<sc_bundles>
// kernel: kernel.4.cloned.1.call-start
scs
__scs_entry_jumppad:
0x0: {  	(pc) =	sbr.rel $0x88, $3  }
0x1: {  	(tag) =	ssettag $0x0;
	lr =	simm.s32 $0x1  }
0x2: {  	[smem:$0x3F9B] =	sst lr;
	_ =	strace $0xD0000000  }
0x3: {  	_ = 	snop  }
0x4: {  	_ = 	snop  }
0x5: {  	_ = 	snop  }
0x6: {  	_ = 	snop  }
0x7: {  	_ = 	snop  }
__scs_overlays_trampoline_lowered:
0x8: {  	[smem:$0x3FAA] =	sst s0  }
0x9: {  	[smem:$0x3FAB] =	sst s1  }
0xa: {  	[smem:$0x3FAC] =	sst s2  }
0xb: {  	[smem:$0x3FAD] =	sst s3  }
0xc: {  	[smem:$0x3FAE] =	sst s4  }
0xd: {  	[smem:$0x3FAF] =	sst s5  }
0xe: {  	[smem:$0x3FB0] =	sst s6  }
0xf: {  	[smem:$0x3FB1] =	sst s7  }
0x10: {  	[smem:$0x3FB2] =	sst s8  }
0x11: {  	[smem:$0x3FB3] =	sst s9;
	s0 =	simm.s32 @!p0 $0x0  }
0x12: {  	s1 =	sld [smem:$0x3F99];
	s0 =	simm.s32 @p0 $0x1  }
0x13: {  	[smem:$0x3FB4] =	sst s0;
	s0 =	simm.s32 @!p1 $0x0  }
0x14: {  	s2 =	sld [smem:$0x3F98];
	s0 =	simm.s32 @p1 $0x1  }
0x15: {  	[smem:$0x3FB5] =	sst s0;
	s0 =	simm.s32 @!p2 $0x0  }
0x16: {  	s3 =	sld [smem:$0x3FDB];
	s0 =	simm.s32 @p2 $0x1  }
0x17: {  	s4 =	simm.s32 $0x1BF5;
	[smem:$0x3FB7] =	sst s0  }
0x18: {  	s0 =	sld [smem:$0x3F9A];
	_ =	swait.ge [sflag:s4], $0x0  }
0x19: {  	s7 =	sld [smem:$0x3F9B]  }
0x1a: {  	s8 =	sadd.s32 $0xFFFFE003, lr  }
0x1b: {  	s9 =	sadd.s32 $0xFFFFFEF7, lr;
	s5 =	simm.s32 $0xFFFFFFFF;
	p2 =	slt.u32 s8, $0xFFFFF086  }
0x1c: {  	p1 =	slt.u32 s9, $0xF7A;
	s5 =	simm.s32 @!p2 $0x0  }
0x1d: {  	s5 =	simm.s32 @p1 $0x1;
	p0 =	seq.s32 s7, s2  }
0x1e: {  	s7 =	smul.u32 @!p0 $0xF7A, s2;
	p2 =	seq.s32 @!p0 s5, $0x0  }
0x1f: {  	s9 =	smul.u32 $0xF7A, s1;
	s8 =	simm.s32 @!p0 $0x1BF5;
	p2 =	por !p2, p0  }
0x20: {  	[sflag:s8] =	ssyncset.s32 @!p0 $0xFFFFF086;
	s6 =	sadd.s32 @!p0 s3, s7;
	s7 =	simm.s32 @!p0 $0x108  }
0x21: {  	s3 =	sadd.s32 s3, s9;
	s6 =	sadd.s32 @!p0 $0x88, s6;
	s7 =	simm.s32 @p2 $0x1082  }
0x22: {  	[simem:s7], [sflag:s8] =	dma.local @!p0 [hbm:s6], $0xF7A  }
0x23: {  	s9 =	sor.u32 $0xD0000000, s2;
	s6 =	simm.s32 $0x108;
	_ =	swait.ge @!p0 [sflag:s8], $0x0  }
0x24: {  	s3 =	sadd.s32 $0x88, s3;
	s6 =	simm.s32 @!p1 $0x1082;
	[sflag:s4] =	ssyncset.s32 $0xFFFFF086  }
0x25: {  	[simem:s6], [sflag:s4] =	dma.local [hbm:s3], $0xF7A  }
0x26: {  	[smem:$0x3F9B] =	sst s1;
	(tag) =	ssettag s2;
	_ =	strace s9  }
0x27: {  	s1 =	sld [smem:$0x3FAB]  }
0x28: {  	s2 =	sld [smem:$0x3FAC]  }
0x29: {  	s4 =	sld [smem:$0x3FAE]  }
0x2a: {  	p0 =	seq.s32 s5, $0x0;
	s5 =	sld [smem:$0x3FAF]  }
0x2b: {  	s6 =	sld [smem:$0x3FB0]  }
0x2c: {  	s7 =	sld [smem:$0x3FB1]  }
0x2d: {  	s3 =	simm.s32 $0x108;
	s8 =	sld [smem:$0x3FB2]  }
0x2e: {  	s3 =	simm.s32 @!p0 $0x1082;
	s9 =	sld [smem:$0x3FB3]  }
0x2f: {  	lr =	sadd.s32 s0, s3;
	s0 =	sld [smem:$0x3FAA]  }
0x30: {  	s3 =	sld [smem:$0x3FAD]  }
0x31: {  	[smem:$0x3FB6] =	sst s10  }
0x32: {  	s10 =	sld [smem:$0x3FB4];
	_ =	sdelay $0x3  }
0x33: {  	p0 =	seq.s32 s10, $0x1;
	s10 =	sld [smem:$0x3FB6];
	_ =	sdelay $0x3  }
0x34: {  	[smem:$0x3FB6] =	sst s10  }
0x35: {  	s10 =	sld [smem:$0x3FB5];
	_ =	sdelay $0x3  }
0x36: {  	p1 =	seq.s32 s10, $0x1;
	s10 =	sld [smem:$0x3FB6];
	_ =	sdelay $0x3  }
0x37: {  	[smem:$0x3FB6] =	sst s10  }
0x38: {  	s10 =	sld [smem:$0x3FB7]  }
0x39: {  	_ = 	snop;
	(pc) =	sbr.ind lr, $3  }
0x3a: {  	_ = 	snop  }
0x3b: {  	_ = 	snop  }
0x3c: {  	p2 =	seq.s32 s10, $0x1;
	s10 =	sld [smem:$0x3FB6]  }
0x3d: {  	_ =	shalt  }
0x3e: {  	_ =	shalt  }
0x3f: {  	_ =	shalt  }
0x40: {  	_ =	shalt  }
0x41: {  	_ =	shalt  }
0x42: {  	_ =	shalt  }
0x43: {  	_ =	shalt  }
0x44: {  	_ =	shalt  }
0x45: {  	_ =	shalt  }
0x46: {  	_ =	shalt  }
0x47: {  	_ =	shalt  }
0x48: {  	_ =	shalt  }
0x49: {  	_ =	shalt  }
0x4a: {  	_ =	shalt  }
0x4b: {  	_ =	shalt  }
0x4c: {  	_ =	shalt  }
0x4d: {  	_ =	shalt  }
0x4e: {  	_ =	shalt  }
0x4f: {  	_ =	shalt  }
0x50: {  	_ =	shalt  }
0x51: {  	_ =	shalt  }
0x52: {  	_ =	shalt  }
0x53: {  	_ =	shalt  }
0x54: {  	_ =	shalt  }
0x55: {  	_ =	shalt  }
0x56: {  	_ =	shalt  }
0x57: {  	_ =	shalt  }
0x58: {  	_ =	shalt  }
0x59: {  	_ =	shalt  }
0x5a: {  	_ =	shalt  }
0x5b: {  	_ =	shalt  }
0x5c: {  	_ =	shalt  }
0x5d: {  	_ =	shalt  }
0x5e: {  	_ =	shalt  }
0x5f: {  	_ =	shalt  }
0x60: {  	_ =	shalt  }
0x61: {  	_ =	shalt  }
0x62: {  	_ =	shalt  }
0x63: {  	_ =	shalt  }
0x64: {  	_ =	shalt  }
0x65: {  	_ =	shalt  }
0x66: {  	_ =	shalt  }
0x67: {  	_ =	shalt  }
0x68: {  	_ =	shalt  }
0x69: {  	_ =	shalt  }
0x6a: {  	_ =	shalt  }
0x6b: {  	_ =	shalt  }
0x6c: {  	_ =	shalt  }
0x6d: {  	_ =	shalt  }
0x6e: {  	_ =	shalt  }
0x6f: {  	_ =	shalt  }
0x70: {  	_ =	shalt  }
0x71: {  	_ =	shalt  }
0x72: {  	_ =	shalt  }
0x73: {  	_ =	shalt  }
0x74: {  	_ =	shalt  }
0x75: {  	_ =	shalt  }
0x76: {  	_ =	shalt  }
0x77: {  	_ =	shalt  }
0x78: {  	_ =	shalt  }
0x79: {  	_ =	shalt  }
0x7a: {  	_ =	shalt  }
0x7b: {  	_ =	shalt  }
0x7c: {  	_ =	shalt  }
0x7d: {  	_ =	shalt  }
0x7e: {  	_ =	shalt  }
0x7f: {  	_ =	shalt  }
0x80: {  	_ =	shalt  }
0x81: {  	_ =	shalt  }
0x82: {  	_ =	shalt  }
0x83: {  	_ =	shalt  }
0x84: {  	_ =	shalt  }
0x85: {  	_ =	shalt  }
0x86: {  	_ =	shalt  }
0x87: {  	_ =	shalt  }
.Lfunc_end0:
.L_simem_size_0:
called_computation_lowered:
.L_overlay_start_0:
0x88: {  	s2 =	sld [smem:$0x3FD9]  }
0x89: {  	s3 =	sld [smem:$0x3FFE];
	_ =	sdelay $0x1  }
0x8a: {  	s1 =	srdreg.scid  }
0x8b: {  	s0 =	sand.u32 $0x1, s1  }
0x8c: {  	s17 =	sshll.u32 s0, $0xA;
	s2 =	sadd.s32 s3, s2  }
0x8d: {  	s2 =	sadd.s32 s2, s17  }
0x8e: {  	[smem:$0x3FC2] =	sst s2  }
0x8f: {  	_ = 	snop  }
0x90: {  	s2 =	sld [smem:$0x3FD0];
	(tm) =	ssettm $0x1  }
0x91: {  	s18 =	sld [smem:$0x3FFB];
	_ =	sdelay $0x3  }
0x92: {  	_ =	strace s18  }
0x93: {  	s3 =	sld [smem:$0x3FFC];
	_ =	sdelay $0x3  }
0x94: {  	_ =	strace s3  }
0x95: {  	s3 =	sld [smem:$0x3FFD];
	_ =	sdelay $0x3  }
0x96: {  	_ =	strace s3  }
0x97: {  	_ =	strace $0x8FFFFFFF  }
0x98: {  	s19 =	sld [smem:$0x3FDB];
	_ =	sdelay $0x1  }
0x99: {  	s4 =	simm.s32 $_scs_section_size  }
0x9a: {  	s5 =	simm.s32 $_size__tile_overlayer_lowered;
	s6 =	simm.s32 $_tile_overlayer_lowered  }
0x9b: {  	s22 =	simm.s32 $0x1BFF;
	s21 =	sshll.u32 s6, $0x1;
	s3 =	sadd.s32 s4, s19  }
0x9c: {  	s7 =	simm.s32 $0x0;
	s20 =	sshll.u32 s5, $0x1;
	s5 =	sadd.s32 s21, s3  }
0x9d: {  	[timem:s7], [sflag:s22] =	dma.local [hbm:s5], s20  }
0x9e: {  	_ =	swait.ge [sflag:s22], s20  }
0x9f: {  	s4 =	ssub.s32 $0x0, s20;
	[sflag:s22] =	ssyncset.done $0x0  }
0xa0: {  	[sflag:s22] =	ssyncadd.s32 s4;
	_ =	sdelay $0x1  }
0xa1: {  	s23 =	simm.s32 $0x1B8B  }
0xa2: {  	_ =	swait.ge [sflag:s23], $0x1  }
0xa3: {  	[sflag:s23] =	ssyncset.done $0x0  }
0xa4: {  	s25 =	simm.s32 $0x1B8E;
	s24 =	sld [smem:$0x3FFE];
	[sflag:s23] =	ssyncadd.s32 $0xFFFFFFFF  }
0xa5: {  	s26 =	simm.s32 $execute0_lowered;
	[smem:$0x3FD2] =	sst s25  }
0xa6: {  	s5 =	sshll.u32 s26, $0x1;
	_ =	strace $0x80000046;
	[dreg:$0x1] =	wrdreg $0xFFFFFFFF  }
0xa7: {  	s28 =	simm.s32 $_size_execute0_lowered;
	s3 =	sadd.s32 s3, s5;
	[dreg:$0x0] =	wrdreg $0x0  }
0xa8: {  	s5 =	sshll.u32 s28, $0x1;
	[dreg:$0x2] =	wrdreg s3  }
0xa9: {  	[dreg:$0x3] =	wrdreg s5  }
0xaa: {  	[dreg:$0x4] =	wrdreg $0xC0  }
0xab: {  	_ =	task [dreg:s7], $0x5FFFF  }
0xac: {  	[dreg:$0x1] =	wrdreg $0xFFFFFFFF  }
0xad: {  	[dreg:$0x0] =	wrdreg $0x60  }
0xae: {  	[dreg:$0x2] =	wrdreg s24  }
0xaf: {  	[dreg:$0x3] =	wrdreg s2  }
0xb0: {  	[dreg:$0x4] =	wrdreg $0x49800  }
0xb1: {  	[dreg:$0x5] =	wrdreg $0x49C00  }
0xb2: {  	[dreg:$0x6] =	wrdreg $0x9  }
0xb3: {  	_ =	task.clear_ibuf [dreg:s7], $0x7FFFF;
	_ =	strace $0x90000046  }
0xb4: {  	s29 =	simm.s32 $0x9;
	_ =	strace $0x80000048  }
0xb5: {  	_ =	swait.ge [sflag:s29], $0x1  }
0xb6: {  	[sflag:s29] =	ssyncadd.s32 $0xFFFFFFFF  }
0xb7: {  	_ =	strace $0x90000048  }
0xb8: {  	_ =	sfence  }
0xb9: {  	s30 =	sld [smem:$0x0];
	_ =	sdelay $0x2  }
0xba: {  	s31 =	sshll.u32 s1, $0xD;
	s1 =	sshrl.u32 s1, $0x2  }
0xbb: {  	s3 =	sand.u32 $0x4000, s31;
	s1 =	sadd.s32 s1, s30  }
0xbc: {  	s0 =	sor.u32 s3, s0;
	s1 =	sshll.u32 s1, $0x11  }
0xbd: {  	s0 =	sor.u32 s1, s0  }
0xbe: {  	s0 =	sadd.s32 $0x8F2B, s0  }
0xbf: {  	[sflag:s0] =	ssyncadd.remote.s32 $0x1  }
0xc0: {  	_ =	sfence.sel $0xFFFF  }
0xc1: {  	[dreg:$0x0] =	wrdreg $0xFFFFFFFF;
	(pc) =	sbr.abs _section_cstart, $3  }
0xc2: {  	[dreg:$0x1] =	wrdreg $0xFFFFFFFF  }
0xc3: {  	_ =	task.clear_ibuf [dreg:s7], $0x2FFFF;
	_ =	strace $0x9FFFFFFF  }
0xc4: {  	(tm) =	ssettm $0x7FFFFFFF  }
0xc5: {  	_ =	shalt  }
tec
execute0_lowered:
.L_overlay_start_1:
0x0: {  	(tag) =	ssettag $0x1  }
0x1: {  	v3 =	vlaneseq.u32;
	v9 =	vimm.s32 $0x0;
	v37 =	vimm.f32 $-1.000000000e+00  }
0x2: {  	v41 =	vimm.s32 $0x430;
	vm0 =	vcmask $0x300;
	vm1 =	vcmask $0x704  }
0x3: {  	s0 =	srdreg.scid;
	v42 =	vimm.s32 $0xC0000000;
	vm2 =	vcmask $0xB08;
	vm3 =	vmmov $0xf  }
0x4: {  	s10 =	stileid.u32;
	vm4 =	vcmask $0x3F10;
	v46 =	vimm.s32 $0xECA86420;
	vm6 =	vcmask $0xB08;
	s4 =	sand.u32 $0x1, s0  }
0x5: {  	s17 =	rddreg [dreg:$0x0];
	vm7 =	vcmask $0x1310;
	s2 =	sshrl.u32 s10, $0x2;
	v6 =	vmul.u32 $0x43B, v3;
	v42 =	vsel vm0, $0x80000040, v42;
	s1 =	sshll.u32 s4, $0x2  }
0x6: {  	s18 =	rddreg [dreg:$0x1];
	v33 =	vmul.u32 $0x10, v3;
	v41 =	vsel vm0, $0x400, v41;
	v42 =	vsel vm1, $0x80000041, v42;
	s1 =	sor.u32 s2, s1  }
0x7: {  	s8 =	rddreg [dreg:$0x2];
	vm0 =	vcmask $0xF0C;
	v43 =	vor.u32 $0x80000030, v3;
	v42 =	vsel vm2, $0x80000042, v42;
	s2 =	smul.u32 $0xB480, s1  }
0x8: {  	s9 =	rddreg [dreg:$0x3];
	v44 =	vor.u32 $0x80000020, v3;
	v25 =	vadd.s32 $0x434, v6;
	v42 =	vsel vm0, $0x80000043, v42  }
0x9: {  	s19 =	sadd.s32 $0x22E00, s17;
	[tilespmem:$0x1FED0] =	vst v25;
	vm0 =	vmmov $0xff;
	v25 =	vimm.s32 $0x0;
	s3 =	sadd.s32 $0x5A40, s2;
	v1 =	vmov s2;
	s2 =	simm.s32 $0x0  }
0xa: {  	s20 =	sadd.s32 $0x2E400, s17;
	s21 =	sadd.s32 $0x39A00, s17;
	v45 =	vor.u32 $0x80000010, v3;
	v48 =	vunpack.c.l.s4.s8 v46;
	v25 =	vsel vm0, $0xFFFFFFFF, v25;
	[smem:$0x7FF] =	sst s2  }
0xb: {  	s14 =	sand.u32 $0x3, s10;
	s23 =	sshll.u32 s10, $0x6;
	v46 =	vor.u32 $0x80000000, v3;
	v47 =	vmul.u32 $0x40, v3;
	v26 =	vadd.s32 $0x430, v6;
	_ =	strace $0x80000047;
	[tilespmem:$0x1FEE0] =	vst v25  }
0xc: {  	v49 =	vmul.u32 $0x2, v3;
	v50 =	vmul.u32 $0xA, v3;
	s5 =	smul.u32 $0x43B0, s14;
	s4 =	ssub.s32 $0x2, s4;
	s11 =	sadd.s32 s23, s8;
	v27 =	vadd.s32 $0x431, v6;
	[tilespmem:$0x1FFC0] =	vst v26  }
0xd: {  	s24 =	sor.u32 $0x40, s23;
	s12 =	sadd.s32 s23, s9;
	s26 =	sor.u32 $0x80, s23;
	v41 =	vsel vm1, $0x410, v41;
	v10 =	vadd.s32 $0x1, v6;
	v28 =	vadd.s32 $0x432, v6;
	[tilespmem:$0x1FFD0] =	vst v27  }
0xe: {  	s29 =	sor.u32 $0xC0, s23;
	v11 =	vadd.s32 $0x2, v6;
	v12 =	vadd.s32 $0x3, v6;
	v29 =	vadd.s32 $0x433, v6;
	s7 =	smul.u32 $0x5A40, s1;
	[dreg:$0x5] =	wrdreg s19;
	[tilespmem:$0x1FFE0] =	vst v28  }
0xf: {  	p0 =	sne.s32 s14, $0x0;
	s23 =	simm.s32 $0x4B00;
	v13 =	vadd.s32 $0x4, v6;
	v14 =	vadd.s32 $0x5, v6;
	[dreg:$0x6] =	wrdreg s20;
	v25 =	vor.u32 $0x1, v50;
	[tilespmem:$0x1FFF0] =	vst v29  }
0x10: {  	v15 =	vadd.s32 $0x6, v6;
	s22 =	sshrl.u32 s4, $0x1;
	v4 =	vmov s7;
	s7 =	sadd.s32 $0x11E00, s17;
	[dreg:$0x7] =	wrdreg s21;
	[tilespmem:$0x1FEF0] =	vst v25;
	v25 =	vadd.s32 $0x2, v50  }
0x11: {  	v16 =	vadd.s32 $0x7, v6;
	v17 =	vadd.s32 $0x8, v6;
	s25 =	sadd.s32 s24, s8;
	s28 =	sadd.s32 s26, s8;
	[dreg:$0x8] =	wrdreg s7;
	[tilespmem:$0x1FF00] =	vst v25;
	v25 =	vadd.s32 $0x3, v50  }
0x12: {  	v18 =	vadd.s32 $0x9, v6;
	v19 =	vadd.s32 $0xA, v6;
	s30 =	sadd.s32 s26, s9;
	s31 =	sadd.s32 s29, s8;
	[dreg:$0xc] =	wrdreg s25;
	[tilespmem:$0x1FF10] =	vst v25;
	v25 =	vadd.s32 $0x4, v50  }
0x13: {  	v20 =	vadd.s32 $0xB, v6;
	v21 =	vadd.s32 $0xC, v6;
	s6 =	smul.u32 $0x10EC0, s1;
	s4 =	ssub.s32 s4, s22;
	[dreg:$0xe] =	wrdreg s28;
	[tilespmem:$0x1FF20] =	vst v25;
	v25 =	vadd.s32 $0x5, v50  }
0x14: {  	v22 =	vadd.s32 $0xD, v6;
	v23 =	vadd.s32 $0xE, v6;
	s1 =	sshll.u32 s1, $0x6;
	s22 =	simm.s32 $0x4A00;
	[dreg:$0xf] =	wrdreg s30;
	[tilespmem:$0x1FF30] =	vst v25;
	v25 =	vadd.s32 $0x6, v50  }
0x15: {  	v24 =	vadd.s32 $0xF, v6;
	v30 =	vadd.s32 $0x435, v6;
	s1 =	sadd.s32 s18, s1;
	s4 =	smax.u32 s4, $0x1;
	[dreg:$0x10] =	wrdreg s31;
	[tilespmem:$0x1FF40] =	vst v25;
	v25 =	vadd.s32 $0x7, v50  }
0x16: {  	v31 =	vadd.s32 $0x436, v6;
	v0 =	vmov s5;
	s15 =	sadd.s32 $0x5A40, s6;
	s5 =	sadd.s32 s5, s6;
	[dreg:$0x12] =	wrdreg s1;
	[tilespmem:$0x1FF50] =	vst v25;
	v25 =	vadd.s32 $0x8, v50  }
0x17: {  	v32 =	vadd.s32 $0x437, v6;
	v34 =	vadd.s32 $0x438, v6;
	s16 =	sadd.s32 $0xB480, s6;
	s5 =	sshrl.u32 s5, $0x3;
	[dreg:$0xa] =	wrdreg s11;
	[tilespmem:$0x1FF60] =	vst v25;
	v25 =	vadd.s32 $0x9, v50  }
.Ltmp0:
0x18: {  	v35 =	vadd.s32 $0x439, v6;
	v36 =	vadd.s32 $0x43A, v6;
	s5 =	sadd.s32 s5, s17;
	[dreg:$0xb] =	wrdreg s12;
	[tilespmem:$0x1FF70] =	vst v25;
	v25 =	vadd.s32 $0xA0, v50;
	(pc) =	sbr.rel .LBB2_1-.Ltmp0, $4  }
0x19: {  	v38 =	vor.u32 $0x100, v33;
	v39 =	vor.u32 $0x200, v33;
	[dreg:$0x13] =	wrdreg s4;
	s10 =	sadd.s32 $0xE00, s5;
	s5 =	sadd.s32 s24, s9;
	[tilespmem:$0x1FF80] =	vst v25;
	v25 =	vadd.s32 $0xA1, v50  }
0x1a: {  	v40 =	vor.u32 $0x300, v33;
	v5 =	vmov s6;
	s6 =	simm.s32 $0x2;
	s19 =	simm.s32 $0x4400;
	[dreg:$0xd] =	wrdreg s5;
	[tilespmem:$0x1FF90] =	vst v25;
	v25 =	vadd.s32 $0xA2, v50  }
0x1b: {  	v41 =	vsel vm2, $0x420, v41;
	v48 =	vunpack.c.0.s8.s32 v48;
	s20 =	simm.s32 $0x4880;
	s5 =	sadd.s32 s29, s9;
	[dreg:$0x9] =	wrdreg s10;
	[tilespmem:$0x1FFA0] =	vst v25;
	v25 =	vadd.s32 $0xA3, v50  }
0x1c: {  	v2 =	vmov s3;
	v7 =	vmov s15;
	v8 =	vmov s16;
	s21 =	simm.s32 $0x4900;
	s7 =	simm.s32 $0x0;
	[dreg:$0x11] =	wrdreg s5;
	[tilespmem:$0x1FFB0] =	vst v25  }
.LBB2_8:
0x1d: {  	vm0 =	vlt.s32 v55, $0xFF  }
0x1e: {  	v25 =	vnsel vm0, $0xFF, v55;
	_ =	sdelay $0x2  }
0x1f: {  	[tilespmem:v54+s20+$0x0] =	vst.idx.msk $0x1, v52  }
0x20: {  	[tilespmem:v54+s21+$0x0] =	vst.idx.msk $0x1, v53  }
0x21: {  	v25 =	vld.idx.msk [tilespmem:v25+s22+$0x0], $0xffff;
	_ =	sdelay $0x4  }
0x22: {  	v25 =	vnsel vm3, $0xBF800000, v25  }
0x23: {  	(xrf0) =	vmax.scan.msk.f32 $0xffff, v25;
	_ =	sdelay $0x5  }
0x24: {  	v56, _, _ =	vpop (xrf0)  }
0x25: {  	v52 =	vbroadcast v56, $0xF;
	_ =	sdelay $0x1  }
0x26: {  	vm0 =	veq.f32 v25, v52  }
0x27: {  	v25 =	vnsel vm0, $0xC0000000, v46  }
0x28: {  	(xrf0) =	vmin.scan.msk.u32 $0xffff, v25;
	_ =	sdelay $0x5  }
0x29: {  	v25, _, _ =	vpop (xrf0)  }
0x2a: {  	(v2sf) =	vpush v25, $0xF;
	_ =	sdelay $0xe  }
0x2b: {  	s0 =	spop (v2sf)  }
0x2c: {  	s0 =	sxor.u32 $0x80000000, s0  }
0x2d: {  	v25 =	vmov s0  }
0x2e: {  	v51 =	vxor.u32 $0x80000000, v51;
	vm0 =	veq.s32 v25, v3  }
0x2f: {  	v51 =	vnsel vm0, $0xC0000000, v51  }
0x30: {  	(xrf0) =	vmin.scan.msk.u32 $0xffff, v51;
	_ =	sdelay $0x5  }
0x31: {  	v51, _, _ =	vpop (xrf0)  }
0x32: {  	(v2sf) =	vpush v51, $0xF;
	_ =	sdelay $0xe  }
0x33: {  	s14 =	spop (v2sf)  }
0x34: {  	v25 =	vshll.u32 v25, $0x6;
	s0 =	sxor.u32 $0x80000000, s14  }
0x35: {  	v25 =	vadd.s32 s0, v25;
	_ =	sdelay $0x3  }
0x36: {  	v57 =	vmov s5  }
0x37: {  	v25 =	vld.idx.msk [tilespmem:v25+s23+$0x0], $0xffff;
	_ =	sdelay $0x3  }
0x38: {  	[tilespmem:v57+s20+$0x0] =	vst.idx.msk $0x1, v52  }
0x39: {  	[tilespmem:v57+s21+$0x0] =	vst.idx.msk $0x1, v25  }
0x3a: {  	v52 =	vld [tilespmem:$0x4900];
	_ =	sdelay $0x4  }
0x3b: {  	(v2sf) =	vpush v52, $0xD;
	_ =	sdelay $0x1  }
0x3c: {  	(v2sf) =	vpush v52, $0xC;
	_ =	sdelay $0x1  }
0x3d: {  	(v2sf) =	vpush v52, $0xE;
	_ =	sdelay $0x1  }
0x3e: {  	(v2sf) =	vpush v52, $0xF  }
0x3f: {  	(v2sf) =	vpush v52, $0x9;
	_ =	sdelay $0x2  }
0x40: {  	(v2sf) =	vpush v52, $0x8;
	_ =	sdelay $0x1  }
0x41: {  	(v2sf) =	vpush v52, $0xA;
	_ =	sdelay $0x1  }
0x42: {  	(v2sf) =	vpush v52, $0xB  }
0x43: {  	s15 =	spop (v2sf)  }
0x44: {  	(v2sf) =	vpush v52, $0x0;
	s1 =	smulhi.u32 $0x5AC5242B, s15;
	s0 =	sshra.s32 s15, $0x1F  }
0x45: {  	s3 =	spop (v2sf);
	s0 =	smul.u32 $0x5AC5242B, s0  }
0x46: {  	(v2sf) =	vpush v52, $0x1;
	s4 =	smulhi.u32 $0x5AC5242B, s3;
	s3 =	sshra.s32 s3, $0x1F  }
0x47: {  	s17 =	spop (v2sf);
	s16 =	smul.u32 $0x5AC5242B, s3  }
0x48: {  	(v2sf) =	vpush v52, $0x2;
	s6 =	smulhi.u32 $0x5AC5242B, s17;
	s3 =	sshra.s32 s17, $0x1F  }
0x49: {  	s8 =	spop (v2sf);
	s7 =	smul.u32 $0x5AC5242B, s3;
	s18 =	sadd.s32 s0, s1  }
0x4a: {  	(v2sf) =	vpush v52, $0x3;
	s24 =	smulhi.u32 $0x5AC5242B, s8;
	s25 =	sshra.s32 s8, $0x1F;
	s26 =	spop (v2sf)  }
0x4b: {  	[smem:$0x7BC] =	sst s18;
	s8 =	smul.u32 $0x5AC5242B, s25  }
0x4c: {  	(v2sf) =	vpush v52, $0x4;
	s9 =	sshrl.u32 s18, $0x1F;
	s28 =	smulhi.u32 $0x5AC5242B, s26;
	s1 =	sshra.s32 s26, $0x1F  }
0x4d: {  	(v2sf) =	vpush v52, $0x5;
	s5 =	sadd.s32 s16, s4;
	s12 =	spop (v2sf);
	s11 =	smul.u32 $0x5AC5242B, s1  }
0x4e: {  	s10 =	sshrl.u32 s5, $0x1F;
	s30 =	smulhi.u32 $0x5AC5242B, s12;
	s31 =	sshra.s32 s12, $0x1F  }
0x4f: {  	(v2sf) =	vpush v52, $0x6;
	s29 =	sadd.s32 s7, s6;
	s13 =	spop (v2sf);
	s7 =	smul.u32 $0x5AC5242B, s31  }
0x50: {  	(v2sf) =	vpush v52, $0x7;
	[smem:$0x7BD] =	sst s29;
	s0 =	smulhi.u32 $0x5AC5242B, s13;
	s13 =	sshra.s32 s13, $0x1F  }
0x51: {  	s12 =	sshrl.u32 s29, $0x1F;
	s15 =	spop (v2sf);
	s13 =	smul.u32 $0x5AC5242B, s13  }
0x52: {  	s3 =	sadd.s32 s8, s24;
	s1 =	smulhi.u32 $0x5AC5242B, s15;
	s15 =	sshra.s32 s15, $0x1F  }
0x53: {  	s14 =	sshrl.u32 s3, $0x1F;
	s17 =	spop (v2sf);
	s15 =	smul.u32 $0x5AC5242B, s15  }
0x54: {  	s6 =	sadd.s32 s7, s30;
	s18 =	smulhi.u32 $0x5AC5242B, s17;
	s30 =	sshra.s32 s17, $0x1F  }
0x55: {  	s4 =	sadd.s32 s11, s28;
	s24 =	smul.u32 $0x5AC5242B, s30;
	s31 =	spop (v2sf)  }
0x56: {  	s16 =	sshrl.u32 s4, $0x1F;
	s25 =	smulhi.u32 $0x5AC5242B, s31;
	s26 =	sshra.s32 s31, $0x1F  }
0x57: {  	s7 =	sadd.s32 s13, s0;
	s28 =	spop (v2sf);
	s13 =	smul.u32 $0x5AC5242B, s26  }
0x58: {  	s17 =	sshrl.u32 s6, $0x1F;
	s29 =	smulhi.u32 $0x5AC5242B, s28;
	s28 =	sshra.s32 s28, $0x1F  }
0x59: {  	s8 =	sadd.s32 s15, s1;
	s0 =	spop (v2sf);
	s11 =	smul.u32 $0x5AC5242B, s28  }
0x5a: {  	v25 =	vmov s10;
	s18 =	sadd.s32 s24, s18;
	s28 =	smulhi.u32 $0x5AC5242B, s0;
	s26 =	sshra.s32 s0, $0x1F  }
0x5b: {  	v25 =	vsel vm6, s9, v25;
	s30 =	spop (v2sf);
	s0 =	sshrl.u32 s7, $0x1F;
	s24 =	smul.u32 $0x5AC5242B, s26  }
0x5c: {  	v25 =	vsel vm7, s12, v25;
	s15 =	spop (v2sf);
	s13 =	sadd.s32 s13, s25;
	s12 =	smulhi.u32 $0x5AC5242B, s30  }
0x5d: {  	s30 =	sshra.s32 s30, $0x1F;
	s10 =	sadd.s32 s11, s29;
	s11 =	sshrl.u32 s18, $0x1F  }
0x5e: {  	vm10 =	vcmask $0x300;
	v58 =	vmov s17;
	s31 =	spop (v2sf);
	s29 =	sshrl.u32 s13, $0x1F;
	s17 =	smul.u32 $0x5AC5242B, s30;
	v60 =	vmov s11  }
0x5f: {  	v51 =	vsel vm6, s16, v58;
	s1 =	spop (v2sf);
	s24 =	sadd.s32 s24, s28;
	s28 =	sshrl.u32 s10, $0x1F;
	v54 =	vnsel vm10, $0x0, v60  }
0x60: {  	vm4 =	vcmask $0x1B18;
	v51 =	vsel vm7, s0, v51;
	s25 =	smulhi.u32 $0x5AC5242B, s1;
	s26 =	sshra.s32 s1, $0x1F;
	s1 =	sshrl.u32 s8, $0x1F;
	v54 =	vsel vm6, s29, v54  }
0x61: {  	v25 =	vsel vm4, s14, v25;
	s14 =	sshrl.u32 s24, $0x1F;
	s0 =	sadd.s32 s17, s12;
	v51 =	vsel vm4, s1, v51;
	v61 =	vsel vm7, s28, v54  }
0x62: {  	vm14 =	vcmask $0x2320;
	s16 =	sshrl.u32 s0, $0x1F;
	v25 =	vcombine.low v51, v25;
	v51 =	vsel vm4, s14, v61  }
0x63: {  	v62 =	vsel vm14, s16, v51;
	v51 =	vld [tilespmem:$0x4910];
	_ =	sdelay $0x3  }
0x64: {  	s26 =	smul.u32 $0x5AC5242B, s26  }
0x65: {  	(v2sf) =	vpush v51, $0xD  }
0x66: {  	s9 =	sadd.s32 s26, s25  }
0x67: {  	s26 =	sshra.s32 s9, $0x1F;
	(v2sf) =	vpush v51, $0xC  }
0x68: {  	s30 =	sshra.s32 s18, $0xD;
	v59 =	vmov s26  }
0x69: {  	vm8 =	vcmask $0x704;
	s18 =	sshra.s32 s18, $0x1F;
	v53 =	vsel vm10, s30, v59;
	(v2sf) =	vpush v51, $0xE  }
0x6a: {  	s11 =	smulhi.u32 $0x5AC5242B, s15;
	s15 =	sshra.s32 s15, $0x1F;
	s26 =	sshra.s32 s13, $0xD;
	v53 =	vsel vm8, s18, v53  }
0x6b: {  	vm11 =	vcmask $0xF0C;
	s5 =	sshra.s32 s5, $0xD;
	s25 =	smul.u32 $0x5AC5242B, s15;
	s13 =	sshra.s32 s13, $0x1F;
	v53 =	vsel vm6, s26, v53;
	(v2sf) =	vpush v51, $0xF  }
0x6c: {  	vm15 =	vcmask $0x2B28;
	vm9 =	vcmask $0x3330;
	s6 =	sshra.s32 s6, $0xD;
	s29 =	smulhi.u32 $0x5AC5242B, s31;
	s15 =	sshra.s32 s10, $0xD;
	v53 =	vsel vm11, s13, v53  }
0x6d: {  	vm0 =	vcmask $0x1714;
	s10 =	sshra.s32 s10, $0x1F;
	s11 =	sadd.s32 s25, s11;
	s30 =	sshra.s32 s31, $0x1F;
	v53 =	vsel vm7, s15, v53;
	(v2sf) =	vpush v51, $0x9  }
0x6e: {  	vm13 =	vcmask $0x1F1C;
	v63 =	vmov s5;
	s25 =	sld [smem:$0x7BC];
	s31 =	smul.u32 $0x5AC5242B, s30;
	s18 =	sshra.s32 s24, $0xD;
	v53 =	vsel vm0, s10, v53  }
0x6f: {  	v56 =	vmov s6;
	s17 =	sshrl.u32 s11, $0x1F;
	s26 =	sshra.s32 s24, $0x1F;
	v53 =	vsel vm4, s18, v53;
	(v2sf) =	vpush v51, $0x8  }
0x70: {  	v54 =	vsel vm15, s17, v62;
	s30 =	sshra.s32 s0, $0xD;
	s1 =	sadd.s32 s31, s29;
	s29 =	sld [smem:$0x7BD];
	v53 =	vsel vm13, s26, v53;
	(v2sf) =	vpush v51, $0xA  }
0x71: {  	s0 =	sshra.s32 s0, $0x1F;
	s13 =	sshra.s32 s25, $0xD;
	s12 =	sshrl.u32 s1, $0x1F;
	vm0 =	vcmask $0x2724;
	v53 =	vsel vm14, s30, v53;
	(v2sf) =	vpush v51, $0xB  }
0x72: {  	s31 =	sshra.s32 s4, $0xD;
	s4 =	sshra.s32 s11, $0xD;
	v55 =	vsel vm6, s13, v63;
	v54 =	vsel vm9, s12, v54;
	v53 =	vsel vm0, s0, v53  }
0x73: {  	s5 =	sshra.s32 s7, $0xD;
	s6 =	sshra.s32 s11, $0x1F;
	s12 =	sshra.s32 s29, $0xD;
	vm0 =	vcmask $0x2F2C;
	v53 =	vsel vm15, s4, v53;
	(v2sf) =	vpush v51, $0x0  }
0x74: {  	s7 =	sshra.s32 s8, $0xD;
	s8 =	sshra.s32 s1, $0xD;
	v55 =	vsel vm7, s12, v55;
	v53 =	vsel vm0, s6, v53;
	s12 =	spop (v2sf)  }
0x75: {  	s10 =	sshra.s32 s1, $0x1F;
	vm0 =	vcmask $0x3734;
	v53 =	vsel vm9, s8, v53;
	(v2sf) =	vpush v51, $0x1;
	s25 =	smulhi.u32 $0x5AC5242B, s12;
	s0 =	sshra.s32 s12, $0x1F  }
0x76: {  	v53 =	vsel vm0, s10, v53;
	s13 =	spop (v2sf);
	s10 =	smul.u32 $0x5AC5242B, s0  }
0x77: {  	s16 =	smulhi.u32 $0x5AC5242B, s13;
	s1 =	sshra.s32 s13, $0x1F  }
0x78: {  	s3 =	sshra.s32 s3, $0xD;
	s14 =	spop (v2sf);
	s8 =	smul.u32 $0x5AC5242B, s1  }
0x79: {  	s28 =	sshrl.u32 s9, $0x1F;
	v56 =	vsel vm6, s31, v56;
	(v2sf) =	vpush v51, $0x2;
	s13 =	smulhi.u32 $0x5AC5242B, s14;
	s31 =	sshra.s32 s14, $0x1F  }
0x7a: {  	s11 =	sshra.s32 s9, $0xD;
	s15 =	spop (v2sf);
	s9 =	smul.u32 $0x5AC5242B, s31  }
0x7b: {  	v55 =	vsel vm4, s3, v55;
	s14 =	smulhi.u32 $0x5AC5242B, s15;
	s3 =	sshra.s32 s15, $0x1F  }
0x7c: {  	v26 =	vld [tilespmem:$0x1FEE0];
	v56 =	vsel vm7, s5, v56;
	s17 =	spop (v2sf);
	s24 =	smul.u32 $0x5AC5242B, s3  }
0x7d: {  	vm1 =	vcmask $0x3B38;
	v56 =	vsel vm4, s7, v56;
	(v2sf) =	vpush v51, $0x3;
	s15 =	smulhi.u32 $0x5AC5242B, s17;
	s4 =	sshra.s32 s17, $0x1F  }
0x7e: {  	v54 =	vsel vm1, s28, v54;
	v55 =	vcombine.low v56, v55;
	(v2sf) =	vpush v51, $0x4;
	s26 =	spop (v2sf);
	s6 =	smul.u32 $0x5AC5242B, s4  }
0x7f: {  	v25 =	vperm.xlane v25, v48;
	v54 =	vperm.xlane v54, v49;
	v53 =	vsel vm1, s11, v53;
	s28 =	spop (v2sf);
	s17 =	smulhi.u32 $0x5AC5242B, s26  }
0x80: {  	v55 =	vperm.xlane v55, v48;
	v53 =	vperm.xlane v53, v49;
	s5 =	sshra.s32 s26, $0x1F;
	s9 =	sadd.s32 s9, s13;
	s30 =	spop (v2sf)  }
0x81: {  	vm0 =	vnez.u8 v26;
	s26 =	smulhi.u32 $0x5AC5242B, s28;
	s7 =	sshra.s32 s28, $0x1F;
	[smem:$0x7DF] =	sst s9  }
0x82: {  	v25 =	vsel vm0, v54, v25;
	v53 =	vsel vm0, v53, v55;
	(v2sf) =	vpush v51, $0x5;
	s18 =	spop (v2sf);
	s7 =	smul.u32 $0x5AC5242B, s7  }
0x83: {  	v25 =	vadd.s32 v25, v53;
	v53 =	vld [tilespmem:$0x4920];
	s28 =	smulhi.u32 $0x5AC5242B, s30;
	s11 =	sshra.s32 s30, $0x1F;
	s15 =	sadd.s32 s6, s15  }
0x84: {  	(v2sf) =	vpush v51, $0x6;
	s30 =	smulhi.u32 $0x5AC5242B, s18;
	s0 =	sshra.s32 s18, $0x1F;
	s12 =	spop (v2sf)  }
0x85: {  	[smem:$0x7E1] =	sst s15;
	s0 =	smul.u32 $0x5AC5242B, s0;
	s26 =	sadd.s32 s7, s26  }
0x86: {  	(v2sf) =	vpush v51, $0x7;
	s18 =	smulhi.u32 $0x5AC5242B, s12;
	s1 =	sshra.s32 s12, $0x1F;
	[smem:$0x7E3] =	sst s26  }
0x87: {  	s31 =	smul.u32 $0x5AC5242B, s1;
	[smem:$0x7BE] =	sst s0  }
0x88: {  	(v2sf) =	vpush v53, $0xD;
	s1 =	spop (v2sf);
	[smem:$0x7BF] =	sst s18  }
0x89: {  	s4 =	smulhi.u32 $0x5AC5242B, s1;
	[smem:$0x7C0] =	sst s31  }
0x8a: {  	s29 =	smul.u32 $0x5AC5242B, s5;
	s3 =	sshra.s32 s1, $0x1F;
	s6 =	sld [smem:$0x7BE]  }
0x8b: {  	(v2sf) =	vpush v53, $0xC;
	s5 =	smul.u32 $0x5AC5242B, s3;
	[smem:$0x7C1] =	sst s4  }
0x8c: {  	s9 =	sld [smem:$0x7C0];
	s12 =	spop (v2sf)  }
0x8d: {  	(v2sf) =	vpush v53, $0xE;
	s18 =	smulhi.u32 $0x5AC5242B, s12;
	s31 =	spop (v2sf)  }
0x8e: {  	[smem:$0x7C2] =	sst s5;
	s1 =	smulhi.u32 $0x5AC5242B, s31  }
0x8f: {  	s4 =	sshra.s32 s12, $0x1F;
	[smem:$0x7C3] =	sst s18  }
0x90: {  	(v2sf) =	vpush v53, $0xF;
	s18 =	smul.u32 $0x5AC5242B, s4;
	s4 =	sshra.s32 s31, $0x1F;
	[smem:$0x7C4] =	sst s1  }
0x91: {  	s3 =	smul.u32 $0x5AC5242B, s4;
	s4 =	spop (v2sf)  }
0x92: {  	(v2sf) =	vpush v53, $0x9;
	s15 =	sld [smem:$0x7C3];
	s12 =	smulhi.u32 $0x5AC5242B, s4;
	s5 =	sshra.s32 s4, $0x1F  }
0x93: {  	s31 =	spop (v2sf);
	s4 =	smul.u32 $0x5AC5242B, s5  }
0x94: {  	[smem:$0x7C5] =	sst s3;
	s1 =	smulhi.u32 $0x5AC5242B, s31;
	s5 =	sshra.s32 s31, $0x1F  }
0x95: {  	s3 =	spop (v2sf);
	s31 =	smul.u32 $0x5AC5242B, s5  }
0x96: {  	[smem:$0x7C6] =	sst s12;
	s12 =	smulhi.u32 $0x5AC5242B, s3  }
0x97: {  	s5 =	sshra.s32 s3, $0x1F;
	s3 =	spop (v2sf);
	s26 =	sld [smem:$0x7C5]  }
0x98: {  	(v2sf) =	vpush v53, $0x8;
	[smem:$0x7C7] =	sst s1;
	s1 =	smul.u32 $0x5AC5242B, s5  }
0x99: {  	s5 =	smulhi.u32 $0x5AC5242B, s3;
	[smem:$0x7C8] =	sst s12  }
0x9a: {  	s12 =	sshra.s32 s3, $0x1F;
	s3 =	spop (v2sf);
	[smem:$0x7C9] =	sst s1  }
0x9b: {  	[smem:$0x7CA] =	sst s5;
	s1 =	smul.u32 $0x5AC5242B, s12  }
0x9c: {  	s5 =	smulhi.u32 $0x5AC5242B, s3;
	s12 =	sshra.s32 s3, $0x1F;
	s3 =	spop (v2sf)  }
0x9d: {  	[smem:$0x7CB] =	sst s1;
	s1 =	smul.u32 $0x5AC5242B, s12  }
0x9e: {  	(v2sf) =	vpush v53, $0xA;
	[smem:$0x7CC] =	sst s5;
	s5 =	smulhi.u32 $0x5AC5242B, s3  }
0x9f: {  	s12 =	sshra.s32 s3, $0x1F;
	s3 =	spop (v2sf);
	[smem:$0x7CD] =	sst s1  }
0xa0: {  	(v2sf) =	vpush v53, $0xB;
	[smem:$0x7CE] =	sst s5;
	s1 =	smul.u32 $0x5AC5242B, s12  }
0xa1: {  	s5 =	smulhi.u32 $0x5AC5242B, s3;
	s12 =	sshra.s32 s3, $0x1F;
	s3 =	spop (v2sf)  }
0xa2: {  	[smem:$0x7CF] =	sst s1;
	s1 =	smul.u32 $0x5AC5242B, s12  }
0xa3: {  	(v2sf) =	vpush v53, $0x0;
	[smem:$0x7D0] =	sst s5;
	s5 =	smulhi.u32 $0x5AC5242B, s3  }
0xa4: {  	[smem:$0x7D1] =	sst s1  }
0xa5: {  	s12 =	sshra.s32 s3, $0x1F;
	[smem:$0x7D2] =	sst s5;
	s5 =	sadd.s32 s10, s25  }
0xa6: {  	s1 =	smul.u32 $0x5AC5242B, s12;
	s12 =	sadd.s32 s24, s14;
	[smem:$0x7DD] =	sst s5  }
0xa7: {  	(v2sf) =	vpush v53, $0x1;
	s3 =	spop (v2sf);
	s24 =	sadd.s32 s29, s17;
	[smem:$0x7E0] =	sst s12  }
0xa8: {  	s10 =	smulhi.u32 $0x5AC5242B, s3;
	[smem:$0x7E2] =	sst s24  }
0xa9: {  	(v2sf) =	vpush v53, $0x2;
	s25 =	sshra.s32 s3, $0x1F;
	[smem:$0x7D3] =	sst s1  }
0xaa: {  	s3 =	smul.u32 $0x5AC5242B, s25;
	[smem:$0x7D4] =	sst s10;
	s1 =	sadd.s32 s8, s16  }
0xab: {  	s11 =	smul.u32 $0x5AC5242B, s11;
	[smem:$0x7DE] =	sst s1  }
0xac: {  	[smem:$0x7D5] =	sst s3  }
0xad: {  	(v2sf) =	vpush v53, $0x3;
	s5 =	spop (v2sf);
	s3 =	sadd.s32 s11, s28;
	s11 =	sld [smem:$0x7C1]  }
0xae: {  	s10 =	smulhi.u32 $0x5AC5242B, s5;
	s28 =	sld [smem:$0x7C6]  }
0xaf: {  	(v2sf) =	vpush v53, $0x4;
	s8 =	sshra.s32 s5, $0x1F;
	s14 =	spop (v2sf);
	[smem:$0x7E4] =	sst s3  }
0xb0: {  	s13 =	smul.u32 $0x5AC5242B, s8;
	s8 =	sld [smem:$0x7BF]  }
0xb1: {  	s16 =	smulhi.u32 $0x5AC5242B, s14;
	[smem:$0x7D6] =	sst s10  }
0xb2: {  	s0 =	sshra.s32 s14, $0x1F;
	s25 =	spop (v2sf);
	[smem:$0x7D7] =	sst s13  }
0xb3: {  	(v2sf) =	vpush v53, $0x5;
	s0 =	smul.u32 $0x5AC5242B, s0;
	[smem:$0x7D8] =	sst s16  }
0xb4: {  	s29 =	smulhi.u32 $0x5AC5242B, s25;
	s13 =	sld [smem:$0x7C2]  }
0xb5: {  	[smem:$0x7D9] =	sst s0  }
0xb6: {  	s12 =	sadd.s32 s6, s30;
	s5 =	spop (v2sf);
	[smem:$0x7DA] =	sst s29  }
0xb7: {  	(v2sf) =	vpush v53, $0x6;
	s0 =	sshra.s32 s25, $0x1F;
	s7 =	smulhi.u32 $0x5AC5242B, s5;
	s25 =	sld [smem:$0x7C4]  }
0xb8: {  	s16 =	sadd.s32 s9, s8;
	s10 =	spop (v2sf);
	s9 =	sld [smem:$0x7C8]  }
0xb9: {  	s1 =	smul.u32 $0x5AC5242B, s0;
	s0 =	sshra.s32 s5, $0x1F;
	s5 =	sld [smem:$0x7CA]  }
0xba: {  	s24 =	sadd.s32 s18, s15;
	s14 =	smulhi.u32 $0x5AC5242B, s10;
	[smem:$0x7DB] =	sst s7  }
0xbb: {  	s3 =	smul.u32 $0x5AC5242B, s0;
	s17 =	sadd.s32 s13, s11;
	s7 =	sld [smem:$0x7C7]  }
0xbc: {  	(v2sf) =	vpush v53, $0x7;
	s0 =	sshra.s32 s10, $0x1F;
	s18 =	spop (v2sf);
	s10 =	sld [smem:$0x7C9]  }
0xbd: {  	[smem:$0x7DC] =	sst s14;
	s29 =	smul.u32 $0x5AC5242B, s0;
	s25 =	sadd.s32 s26, s25  }
0xbe: {  	s30 =	smulhi.u32 $0x5AC5242B, s18;
	s0 =	sshra.s32 s18, $0x1F;
	s6 =	spop (v2sf)  }
0xbf: {  	s15 =	smulhi.u32 $0x5AC5242B, s6;
	s8 =	sshra.s32 s6, $0x1F;
	s6 =	sld [smem:$0x7CB]  }
0xc0: {  	s18 =	smul.u32 $0x5AC5242B, s0;
	s31 =	sadd.s32 s31, s7;
	s7 =	sld [smem:$0x7CC]  }
0xc1: {  	s26 =	sadd.s32 s4, s28;
	s14 =	smul.u32 $0x5AC5242B, s8;
	s8 =	sld [smem:$0x7CD]  }
0xc2: {  	s11 =	spop (v2sf);
	s4 =	sadd.s32 s6, s5;
	s6 =	sld [smem:$0x7CE]  }
0xc3: {  	s13 =	smulhi.u32 $0x5AC5242B, s11;
	[smem:$0x7E5] =	sst s4  }
0xc4: {  	s0 =	sshra.s32 s11, $0x1F;
	s4 =	sadd.s32 s8, s7;
	s7 =	sld [smem:$0x7CF]  }
0xc5: {  	s11 =	smul.u32 $0x5AC5242B, s0;
	s8 =	sld [smem:$0x7D0]  }
0xc6: {  	s28 =	sadd.s32 s10, s9;
	[smem:$0x7E6] =	sst s4;
	s9 =	spop (v2sf)  }
0xc7: {  	v25 =	vmul.u32 $0x5A40, v25;
	s10 =	smulhi.u32 $0x5AC5242B, s9;
	s0 =	sshra.s32 s9, $0x1F;
	s9 =	sld [smem:$0x7D1]  }
0xc8: {  	s4 =	sadd.s32 s7, s6;
	s7 =	sld [smem:$0x7D2]  }
0xc9: {  	v25 =	vsub.s32 v52, v25;
	[smem:$0x7E8] =	sst s4  }
0xca: {  	vm0 =	vlt.s32 v25, $0x0;
	v52 =	vadd.s32 $0x5A40, v25;
	s4 =	sadd.s32 s9, s8;
	s8 =	sld [smem:$0x7D3]  }
0xcb: {  	v25 =	vsel vm0, v52, v25;
	s6 =	spop (v2sf)  }
0xcc: {  	v52 =	vadd.s32 v1, v25;
	s9 =	smul.u32 $0x5AC5242B, s0;
	s0 =	sshra.s32 s6, $0x1F;
	[smem:$0x7E9] =	sst s4  }
0xcd: {  	[tilespmem:$0x4C00] =	vst v52;
	s4 =	sadd.s32 s8, s7;
	s8 =	smulhi.u32 $0x5AC5242B, s6;
	s6 =	sld [smem:$0x7D4]  }
0xce: {  	[tilespmem:$0x4C80] =	vst v52;
	v52 =	vld [tilespmem:$0x4930];
	s7 =	sld [smem:$0x7D5]  }
0xcf: {  	s5 =	sld [smem:$0x7D6]  }
0xd0: {  	[smem:$0x7EA] =	sst s4  }
0xd1: {  	s4 =	sadd.s32 s7, s6;
	s6 =	sld [smem:$0x7D7];
	_ =	sdelay $0x1  }
0xd2: {  	(v2sf) =	vpush v52, $0xD;
	[smem:$0x7EB] =	sst s4  }
0xd3: {  	s4 =	sadd.s32 s6, s5;
	s5 =	sld [smem:$0x7D9]  }
0xd4: {  	[smem:$0x7EC] =	sst s4  }
0xd5: {  	(v2sf) =	vpush v52, $0xC;
	s4 =	sld [smem:$0x7D8];
	_ =	sdelay $0x1  }
0xd6: {  	(v2sf) =	vpush v52, $0xE  }
0xd7: {  	s4 =	sadd.s32 s5, s4  }
0xd8: {  	(v2sf) =	vpush v52, $0xF;
	[smem:$0x7ED] =	sst s4  }
0xd9: {  	s4 =	sld [smem:$0x7DA];
	_ =	sdelay $0x1  }
0xda: {  	s11 =	sadd.s32 s11, s13;
	s13 =	sld [smem:$0x7E1]  }
0xdb: {  	s9 =	sadd.s32 s9, s10;
	s10 =	sld [smem:$0x7E0];
	s1 =	sadd.s32 s1, s4  }
0xdc: {  	[smem:$0x7EE] =	sst s1  }
0xdd: {  	s1 =	sld [smem:$0x7DB]  }
0xde: {  	[dreg:$0x19] =	wrdreg s9  }
0xdf: {  	s7 =	smul.u32 $0x5AC5242B, s0;
	s0 =	spop (v2sf)  }
0xe0: {  	s6 =	smulhi.u32 $0x5AC5242B, s0;
	s0 =	sshra.s32 s0, $0x1F;
	s1 =	sadd.s32 s3, s1  }
0xe1: {  	s5 =	smul.u32 $0x5AC5242B, s0;
	[dreg:$0x1f] =	wrdreg s1  }
0xe2: {  	s18 =	sadd.s32 s18, s30;
	s0 =	spop (v2sf);
	s1 =	sld [smem:$0x7DC]  }
0xe3: {  	s9 =	sld [smem:$0x7DF];
	s4 =	smulhi.u32 $0x5AC5242B, s0;
	s0 =	sshra.s32 s0, $0x1F  }
0xe4: {  	s15 =	sadd.s32 s14, s15;
	s3 =	smul.u32 $0x5AC5242B, s0;
	s0 =	spop (v2sf)  }
0xe5: {  	s29 =	sadd.s32 s29, s1;
	s1 =	smulhi.u32 $0x5AC5242B, s0;
	s0 =	sshra.s32 s0, $0x1F  }
0xe6: {  	s5 =	sadd.s32 s5, s6;
	s30 =	smul.u32 $0x5AC5242B, s0;
	s0 =	spop (v2sf)  }
0xe7: {  	[dreg:$0x17] =	wrdreg s5;
	s14 =	smulhi.u32 $0x5AC5242B, s0;
	s0 =	sshra.s32 s0, $0x1F  }
0xe8: {  	s7 =	sadd.s32 s7, s8;
	s5 =	sld [smem:$0x7DE];
	s0 =	smul.u32 $0x5AC5242B, s0  }
0xe9: {  	s8 =	sshrl.u32 s9, $0x1F;
	[dreg:$0x1d] =	wrdreg s7  }
0xea: {  	s3 =	sadd.s32 s3, s4;
	s0 =	sadd.s32 s0, s14;
	s14 =	sld [smem:$0x7DD]  }
0xeb: {  	v57 =	vadd.s32 v2, v25;
	v58 =	vadd.s32 v4, v25;
	s6 =	sshrl.u32 s5, $0x1F;
	[dreg:$0x18] =	wrdreg s3;
	s1 =	sadd.s32 s30, s1  }
0xec: {  	v59 =	vadd.s32 v5, v25;
	v60 =	vadd.s32 v7, v25;
	v25 =	vadd.s32 v8, v25;
	s7 =	sshra.s32 s5, $0xD;
	s5 =	sshra.s32 s10, $0xD;
	[dreg:$0x16] =	wrdreg s1  }
0xed: {  	[tilespmem:$0x4DC0] =	vst v25;
	v25 =	vmov s6;
	s30 =	sshrl.u32 s14, $0x1F;
	s1 =	sshra.s32 s14, $0xD;
	s14 =	sld [smem:$0x7E2]  }
0xee: {  	s6 =	sshra.s32 s13, $0xD;
	s3 =	sshra.s32 s9, $0xD;
	v25 =	vsel vm6, s30, v25;
	s30 =	sld [smem:$0x7E3]  }
0xef: {  	s9 =	sshrl.u32 s10, $0x1F;
	s10 =	sshrl.u32 s13, $0x1F;
	[dreg:$0x15] =	wrdreg s0  }
0xf0: {  	[smem:$0x7E7] =	sst s1;
	s0 =	sshrl.u32 s14, $0x1F;
	s4 =	sshra.s32 s14, $0xD  }
0xf1: {  	v25 =	vsel vm7, s8, v25;
	s14 =	sshrl.u32 s12, $0x1F;
	s13 =	sshrl.u32 s30, $0x1F;
	s1 =	sshra.s32 s30, $0xD  }
0xf2: {  	v54 =	vsel vm4, s9, v25;
	s30 =	sshra.s32 s28, $0x1F;
	v25 =	vmov s14;
	s14 =	sld [smem:$0x7E4];
	v62 =	vmov s0;
	s0 =	sshra.s32 s16, $0x1F  }
0xf3: {  	[tilespmem:$0x4D00] =	vst v58;
	v58 =	vmov s4;
	s4 =	sld [smem:$0x7E9];
	v61 =	vmov s30;
	s30 =	sshra.s32 s12, $0xD;
	s12 =	sshra.s32 s12, $0x1F;
	v56 =	vsel vm6, s10, v62  }
0xf4: {  	s10 =	sld [smem:$0x7E6];
	v55 =	vsel vm10, s30, v61;
	s30 =	sshra.s32 s16, $0xD;
	v56 =	vsel vm7, s13, v56;
	s13 =	sshra.s32 s25, $0xD  }
0xf5: {  	v25 =	vnsel vm10, $0x0, v25;
	s9 =	sshrl.u32 s14, $0x1F;
	s8 =	sshra.s32 s14, $0xD;
	s14 =	sshrl.u32 s16, $0x1F;
	v55 =	vsel vm8, s12, v55  }
0xf6: {  	vm10 =	vmmov vm8;
	s16 =	sshrl.u32 s17, $0x1F;
	s12 =	sshra.s32 s25, $0x1F;
	v25 =	vsel vm6, s14, v25;
	s14 =	sshra.s32 s17, $0xD;
	v55 =	vsel vm6, s30, v55  }
0xf7: {  	s30 =	sshra.s32 s17, $0x1F;
	s17 =	sshrl.u32 s24, $0x1F;
	v56 =	vsel vm4, s9, v56;
	s9 =	sld [smem:$0x7E5];
	v25 =	vsel vm7, s16, v25;
	v55 =	vsel vm11, s0, v55  }
0xf8: {  	vm8 =	vcmask $0x1714;
	s16 =	sshra.s32 s24, $0xD;
	s0 =	sshra.s32 s24, $0x1F;
	s24 =	sshrl.u32 s25, $0x1F;
	v25 =	vsel vm4, s17, v25;
	v55 =	vsel vm7, s14, v55  }
0xf9: {  	(v2sf) =	vpush v52, $0x9;
	s25 =	sshrl.u32 s26, $0x1F;
	s17 =	sshra.s32 s26, $0xD;
	s14 =	sshra.s32 s26, $0x1F;
	v25 =	vsel vm14, s24, v25;
	v55 =	vsel vm8, s30, v55  }
0xfa: {  	s26 =	sshra.s32 s28, $0xD;
	s30 =	sshrl.u32 s31, $0x1F;
	v25 =	vsel vm15, s25, v25;
	s25 =	sshra.s32 s31, $0xD;
	v55 =	vsel vm4, s16, v55  }
0xfb: {  	vm0 =	vcmask $0x2724;
	s16 =	sshra.s32 s31, $0x1F;
	s31 =	sshrl.u32 s28, $0x1F;
	v25 =	vsel vm9, s30, v25;
	v55 =	vsel vm13, s0, v55;
	s30 =	sld [smem:$0x7E7]  }
0xfc: {  	(v2sf) =	vpush v52, $0x8;
	s24 =	sshra.s32 s9, $0xD;
	s28 =	sshrl.u32 s10, $0x1F;
	v25 =	vsel vm1, s31, v25;
	v55 =	vsel vm14, s13, v55;
	s31 =	sld [smem:$0x7E8]  }
0xfd: {  	vm12 =	vcmask $0x2F2C;
	[tilespmem:$0x4C40] =	vst v57;
	s0 =	sshrl.u32 s9, $0x1F;
	s9 =	sshra.s32 s10, $0xD;
	s10 =	sld [smem:$0x7EA];
	v55 =	vsel vm0, s12, v55  }
0xfe: {  	[tilespmem:$0x4CC0] =	vst v57;
	(v2sf) =	vpush v52, $0xA;
	v57 =	vmov s7;
	s12 =	sshrl.u32 s4, $0x1F;
	v55 =	vsel vm15, s17, v55;
	s17 =	sld [smem:$0x7EB]  }
0xff: {  	vm2 =	vcmask $0x3734;
	(v2sf) =	vpush v52, $0xB;
	v57 =	vsel vm6, s30, v57;
	s13 =	sshrl.u32 s31, $0x1F;
	s7 =	sshra.s32 s31, $0xD;
	s31 =	sld [smem:$0x7EC]  }
0x100: {  	[tilespmem:$0x4D40] =	vst v59;
	v58 =	vsel vm6, s6, v58;
	v59 =	vmov s28;
	s4 =	sshra.s32 s4, $0xD;
	s30 =	sshrl.u32 s10, $0x1F;
	v57 =	vsel vm7, s3, v57;
	s3 =	sld [smem:$0x7ED]  }
0x101: {  	v59 =	vsel vm6, s0, v59;
	s10 =	sshra.s32 s10, $0xD;
	v55 =	vsel vm12, s14, v55;
	v57 =	vsel vm4, s5, v57;
	s6 =	sshrl.u32 s17, $0x1F;
	s5 =	sshra.s32 s17, $0xD  }
0x102: {  	v58 =	vsel vm7, s1, v58;
	v55 =	vsel vm9, s25, v55;
	v59 =	vsel vm7, s13, v59;
	s14 =	sshrl.u32 s31, $0x1F;
	s1 =	sshra.s32 s31, $0xD;
	s31 =	sld [smem:$0x7EE]  }
0x103: {  	v55 =	vsel vm2, s16, v55;
	v59 =	vsel vm4, s12, v59;
	s12 =	sshrl.u32 s18, $0x1F;
	s17 =	sshrl.u32 s3, $0x1F;
	[smem:$0x7EF] =	sst s1  }
0x104: {  	(v2sf) =	vpush v52, $0x0;
	v55 =	vsel vm1, s26, v55;
	s26 =	sshrl.u32 s29, $0x1F;
	s1 =	sshra.s32 s3, $0xD;
	s3 =	rddreg [dreg:$0x1f]  }
0x105: {  	(v2sf) =	vpush v52, $0x1;
	[smem:$0x7F0] =	sst s1;
	s16 =	sshrl.u32 s3, $0x1F;
	s28 =	sshra.s32 s3, $0xD  }
0x106: {  	(v2sf) =	vpush v52, $0x2;
	v58 =	vsel vm4, s8, v58;
	s13 =	sshra.s32 s3, $0x1F;
	s3 =	sshra.s32 s29, $0x1F;
	s8 =	sshrl.u32 s31, $0x1F  }
0x107: {  	vm5 =	vcmask $0x300;
	[tilespmem:$0x4D80] =	vst v60;
	(v2sf) =	vpush v52, $0x3;
	s1 =	sshra.s32 s18, $0xD;
	s18 =	sshra.s32 s18, $0x1F;
	s25 =	sshra.s32 s31, $0xD;
	v60 =	vmov s8  }
0x108: {  	(v2sf) =	vpush v52, $0x4;
	s0 =	sshra.s32 s31, $0x1F;
	s31 =	sshra.s32 s29, $0xD;
	s8 =	spop (v2sf);
	v60 =	vnsel vm5, $0x0, v60  }
0x109: {  	(v2sf) =	vpush v52, $0x5;
	v61 =	vmov s6;
	s6 =	smulhi.u32 $0x5AC5242B, s8;
	v60 =	vsel vm6, s16, v60;
	s16 =	sshra.s32 s8, $0x1F;
	s8 =	rddreg [dreg:$0x1d]  }
0x10a: {  	(v2sf) =	vpush v52, $0x6;
	v61 =	vsel vm6, s30, v61;
	s29 =	sshrl.u32 s15, $0x1F;
	s30 =	sshra.s32 s8, $0x1F;
	v60 =	vsel vm7, s26, v60;
	s26 =	sshra.s32 s15, $0xD  }
0x10b: {  	(v2sf) =	vpush v52, $0x7;
	s15 =	sshra.s32 s15, $0x1F;
	s16 =	smul.u32 $0x5AC5242B, s16;
	v62 =	vmov s30;
	s30 =	spop (v2sf)  }
0x10c: {  	v61 =	vsel vm7, s14, v61;
	v60 =	vsel vm4, s12, v60;
	s12 =	sshrl.u32 s11, $0x1F;
	v62 =	vsel vm5, s25, v62;
	s25 =	sshra.s32 s11, $0xD;
	s14 =	smulhi.u32 $0x5AC5242B, s30  }
0x10d: {  	v63 =	vmov s9;
	v60 =	vsel vm14, s29, v60;
	s30 =	sshra.s32 s30, $0x1F;
	s29 =	rddreg [dreg:$0x19];
	v62 =	vsel vm10, s0, v62;
	s0 =	sshra.s32 s11, $0x1F  }
0x10e: {  	v61 =	vsel vm4, s17, v61;
	v60 =	vsel vm15, s12, v60;
	s17 =	smul.u32 $0x5AC5242B, s30;
	s12 =	sshrl.u32 s29, $0x1F;
	s30 =	spop (v2sf);
	v62 =	vsel vm6, s28, v62  }
0x10f: {  	v63 =	vsel vm6, s24, v63;
	s24 =	sshra.s32 s29, $0x1F;
	v60 =	vsel vm9, s12, v60;
	s12 =	smulhi.u32 $0x5AC5242B, s30;
	s30 =	sshra.s32 s30, $0x1F;
	v62 =	vsel vm11, s13, v62  }
0x110: {  	s13 =	sshra.s32 s29, $0xD;
	s28 =	smul.u32 $0x5AC5242B, s30;
	v62 =	vsel vm7, s31, v62;
	s31 =	spop (v2sf)  }
0x111: {  	v54 =	vcombine.low v56, v54;
	v56 =	vsel vm7, s7, v63;
	s30 =	sshrl.u32 s8, $0x1F;
	v63 =	vsel vm8, s3, v62;
	s29 =	smulhi.u32 $0x5AC5242B, s31;
	s11 =	rddreg [dreg:$0x17]  }
0x112: {  	v57 =	vcombine.low v58, v57;
	s9 =	sshra.s32 s31, $0x1F;
	s3 =	rddreg [dreg:$0x18];
	v62 =	vmov s5;
	s5 =	sadd.s32 s16, s6;
	v26 =	vld [tilespmem:$0x1FEE0];
	v58 =	vsel vm4, s1, v63  }
0x113: {  	s16 =	rddreg [dreg:$0x15];
	s1 =	sshra.s32 s8, $0xD;
	s31 =	smul.u32 $0x5AC5242B, s9;
	v58 =	vsel vm13, s18, v58  }
0x114: {  	s9 =	sshrl.u32 s11, $0x1F;
	s11 =	sshrl.u32 s3, $0x1F;
	s8 =	rddreg [dreg:$0x16];
	v58 =	vsel vm14, s26, v58  }
0x115: {  	v54 =	vperm.xlane v54, v48;
	v25 =	vperm.xlane v25, v49;
	s7 =	sshrl.u32 s8, $0x1F;
	s18 =	spop (v2sf);
	s8 =	sshrl.u32 s16, $0x1F;
	v58 =	vsel vm0, s15, v58  }
0x116: {  	v57 =	vperm.xlane v57, v48;
	v55 =	vperm.xlane v55, v49;
	s16 =	smulhi.u32 $0x5AC5242B, s18;
	s18 =	sshra.s32 s18, $0x1F;
	v63 =	vsel vm15, s25, v58;
	s25 =	sld [smem:$0x7EF]  }
0x117: {  	v56 =	vsel vm4, s4, v56;
	vm5 =	vmmov vm13;
	s3 =	sadd.s32 s17, s14;
	s26 =	spop (v2sf);
	s14 =	smul.u32 $0x5AC5242B, s18;
	vm13 =	vnez.u8 v26  }
0x118: {  	s6 =	sshrl.u32 s5, $0x1F;
	v62 =	vsel vm6, s10, v62;
	s15 =	spop (v2sf);
	s17 =	smulhi.u32 $0x5AC5242B, s26;
	v25 =	vsel vm13, v25, v54;
	v54 =	vsel vm13, v55, v57  }
0x119: {  	s26 =	sshra.s32 s26, $0x1F;
	s18 =	spop (v2sf);
	v25 =	vadd.s32 v25, v54;
	v54 =	vsel vm7, s25, v62;
	v62 =	vsel vm12, s0, v63;
	s25 =	sld [smem:$0x7F0]  }
0x11a: {  	v60 =	vsel vm1, s30, v60;
	s4 =	smul.u32 $0x5AC5242B, s26;
	s26 =	sshra.s32 s15, $0x1F;
	v63 =	vcombine.low v61, v59;
	v55 =	vsel vm9, s13, v62;
	s13 =	spop (v2sf)  }
0x11b: {  	vm14 =	vcmask $0x300;
	s30 =	sshra.s32 s18, $0x1F;
	v25 =	vmul.u32 $0x5A40, v25;
	v55 =	vsel vm2, s24, v55;
	s24 =	smulhi.u32 $0x5AC5242B, s15;
	s15 =	spop (v2sf)  }
0x11c: {  	s30 =	smul.u32 $0x5AC5242B, s30;
	s0 =	sadd.s32 s31, s29;
	v62 =	vperm.xlane v60, v49;
	v61 =	vperm.xlane v63, v48;
	v54 =	vsel vm4, s25, v54;
	s25 =	spop (v2sf)  }
0x11d: {  	v25 =	vsub.s32 v51, v25;
	v55 =	vsel vm1, s1, v55;
	s1 =	sadd.s32 s28, s12;
	s12 =	smul.u32 $0x5AC5242B, s26;
	v54 =	vcombine.low v54, v56;
	s29 =	spop (v2sf)  }
0x11e: {  	s14 =	sadd.s32 s14, s16;
	vm0 =	vlt.s32 v25, $0x0;
	v59 =	vadd.s32 $0x5A40, v25;
	v58 =	vperm.xlane v55, v49;
	s16 =	smulhi.u32 $0x5AC5242B, s29;
	s28 =	sshra.s32 s29, $0x1F  }
0x11f: {  	s5 =	sshra.s32 s5, $0xD;
	s10 =	sshrl.u32 s3, $0x1F;
	v25 =	vsel vm0, v59, v25;
	v60 =	vsel vm13, v62, v61;
	v63 =	vperm.xlane v54, v48;
	s31 =	smul.u32 $0x5AC5242B, s28  }
0x120: {  	s3 =	sshra.s32 s3, $0xD;
	s17 =	sadd.s32 s4, s17;
	s26 =	smulhi.u32 $0x5AC5242B, s18;
	v61 =	vmov s11;
	vm0 =	vcmask $0x2724;
	v55 =	vadd.s32 v2, v25  }
0x121: {  	s11 =	sshrl.u32 s17, $0x1F;
	s12 =	sadd.s32 s12, s24;
	v56 =	vadd.s32 v4, v25;
	v57 =	vadd.s32 v5, v25;
	v51 =	vsel vm13, v58, v63;
	s4 =	sadd.s32 s31, s16  }
0x122: {  	s29 =	sshrl.u32 s0, $0x1F;
	s18 =	sadd.s32 s30, s26;
	v54 =	vadd.s32 v1, v25;
	v58 =	vadd.s32 v7, v25;
	v51 =	vadd.s32 v60, v51;
	s26 =	sshra.s32 s4, $0x1F  }
0x123: {  	s30 =	sshra.s32 s14, $0xD;
	s28 =	sshrl.u32 s1, $0x1F;
	s24 =	sshrl.u32 s12, $0x1F;
	v63 =	vmov s3;
	v51 =	vmul.u32 $0x5A40, v51;
	v62 =	vmov s26  }
0x124: {  	s1 =	sshra.s32 s1, $0xD;
	v25 =	vadd.s32 v8, v25;
	s16 =	smulhi.u32 $0x5AC5242B, s15;
	s15 =	sshra.s32 s15, $0x1F;
	v63 =	vsel vm6, s5, v63;
	v59 =	vsel vm14, s30, v62  }
0x125: {  	s31 =	sshrl.u32 s14, $0x1F;
	s14 =	sshra.s32 s14, $0x1F;
	s15 =	smul.u32 $0x5AC5242B, s15;
	v62 =	vmov s10;
	v51 =	vsub.s32 v53, v51;
	v53 =	vsel vm6, s9, v61  }
0x126: {  	s9 =	smulhi.u32 $0x5AC5242B, s13;
	s13 =	sshra.s32 s13, $0x1F;
	v61 =	vmov s31;
	v59 =	vsel vm10, s14, v59;
	s31 =	sshra.s32 s17, $0xD;
	v62 =	vsel vm6, s6, v62  }
0x127: {  	s26 =	sshra.s32 s25, $0x1F;
	s17 =	sshra.s32 s17, $0x1F;
	vm9 =	vlt.s32 v51, $0x0;
	s13 =	smul.u32 $0x5AC5242B, s13;
	v60 =	vadd.s32 $0x5A40, v51;
	v59 =	vsel vm6, s31, v59  }
0x128: {  	s30 =	sshra.s32 s12, $0xD;
	s15 =	sadd.s32 s15, s16;
	s16 =	sshra.s32 s18, $0xD;
	v53 =	vsel vm7, s7, v53;
	v61 =	vnsel vm14, $0x0, v61;
	v59 =	vsel vm11, s17, v59  }
0x129: {  	s31 =	smul.u32 $0x5AC5242B, s26;
	v62 =	vsel vm7, s28, v62;
	v53 =	vsel vm4, s8, v53;
	s9 =	sadd.s32 s13, s9;
	v59 =	vsel vm7, s30, v59;
	s13 =	sshra.s32 s12, $0x1F  }
0x12a: {  	s7 =	sshrl.u32 s18, $0x1F;
	s28 =	rddreg [dreg:$0x18];
	v61 =	vsel vm6, s11, v61;
	s8 =	smulhi.u32 $0x5AC5242B, s25;
	v62 =	vsel vm4, s29, v62;
	v59 =	vsel vm8, s13, v59  }
0x12b: {  	vm11 =	vcmask $0x3330;
	s6 =	sshra.s32 s28, $0xD;
	s29 =	rddreg [dreg:$0x17];
	v61 =	vsel vm7, s24, v61;
	s24 =	sshra.s32 s18, $0x1F;
	v59 =	vsel vm4, s16, v59  }
0x12c: {  	v53 =	vcombine.low v62, v53;
	s10 =	sshra.s32 s29, $0xD;
	s14 =	sshrl.u32 s9, $0x1F;
	vm8 =	vcmask $0x2320;
	s26 =	sshra.s32 s9, $0xD;
	v59 =	vsel vm5, s24, v59  }
0x12d: {  	v62 =	vmov s6;
	v61 =	vsel vm4, s7, v61;
	s8 =	sadd.s32 s31, s8;
	s9 =	sshra.s32 s9, $0x1F;
	s31 =	rddreg [dreg:$0x16];
	v59 =	vsel vm8, s26, v59  }
0x12e: {  	[tilespmem:$0x4C10] =	vst v54;
	s17 =	sshrl.u32 s15, $0x1F;
	s30 =	sshra.s32 s15, $0xD;
	v62 =	vsel vm6, s10, v62;
	v61 =	vsel vm8, s14, v61;
	s6 =	sshra.s32 s31, $0xD;
	v59 =	vsel vm0, s9, v59  }
0x12f: {  	[tilespmem:$0x4C90] =	vst v54;
	s10 =	rddreg [dreg:$0x15];
	s25 =	sshrl.u32 s8, $0x1F;
	v61 =	vsel vm15, s17, v61;
	v54 =	vsel vm7, s6, v62;
	s9 =	sshra.s32 s15, $0x1F;
	v59 =	vsel vm15, s30, v59  }
0x130: {  	s0 =	sshra.s32 s0, $0xD;
	[tilespmem:$0x4C50] =	vst v55;
	s5 =	sshra.s32 s10, $0xD;
	s11 =	sshra.s32 s8, $0xD;
	v62 =	vsel vm7, s1, v63;
	v61 =	vsel vm11, s25, v61;
	v59 =	vsel vm12, s9, v59  }
0x131: {  	[tilespmem:$0x4CD0] =	vst v55;
	s12 =	sshrl.u32 s4, $0x1F;
	s13 =	sshra.s32 s8, $0x1F;
	v54 =	vsel vm4, s5, v54;
	v63 =	vsel vm4, s0, v62;
	v59 =	vsel vm11, s11, v59  }
0x132: {  	[tilespmem:$0x4D10] =	vst v56;
	s14 =	sshra.s32 s4, $0xD;
	v61 =	vsel vm1, s12, v61;
	v54 =	vcombine.low v63, v54;
	v62 =	vsel vm2, s13, v59  }
0x133: {  	[tilespmem:$0x4D50] =	vst v57;
	v53 =	vperm.xlane v53, v48;
	v56 =	vperm.xlane v61, v49;
	v55 =	vsel vm1, s14, v62  }
0x134: {  	[tilespmem:$0x4D90] =	vst v58;
	v51 =	vsel vm9, v60, v51;
	v54 =	vperm.xlane v54, v48;
	v55 =	vperm.xlane v55, v49  }
0x135: {  	[tilespmem:$0x4DD0] =	vst v25;
	v25 =	vadd.s32 v1, v51  }
0x136: {  	[tilespmem:$0x4C20] =	vst v25;
	v53 =	vsel vm13, v56, v53;
	v54 =	vsel vm13, v55, v54  }
0x137: {  	v58 =	vadd.s32 v4, v51;
	[tilespmem:$0x4CA0] =	vst v25;
	v53 =	vadd.s32 v53, v54  }
0x138: {  	v60 =	vadd.s32 v7, v51;
	[tilespmem:$0x4D20] =	vst v58;
	v25 =	vmul.u32 $0x5A40, v53  }
0x139: {  	[tilespmem:$0x4DA0] =	vst v60;
	v63 =	vadd.s32 v2, v51  }
0x13a: {  	[tilespmem:$0x4C60] =	vst v63;
	v25 =	vsub.s32 v52, v25  }
0x13b: {  	[tilespmem:$0x4CE0] =	vst v63;
	v59 =	vadd.s32 v5, v51;
	vm0 =	vlt.s32 v25, $0x0;
	v61 =	vadd.s32 $0x5A40, v25  }
0x13c: {  	v51 =	vadd.s32 v8, v51;
	[tilespmem:$0x4D60] =	vst v59;
	v25 =	vsel vm0, v61, v25  }
0x13d: {  	[tilespmem:$0x4DE0] =	vst v51;
	v62 =	vadd.s32 v1, v25  }
0x13e: {  	v63 =	vadd.s32 v2, v25;
	[tilespmem:$0x4C30] =	vst v62  }
0x13f: {  	[tilespmem:$0x4C70] =	vst v63  }
0x140: {  	[tilespmem:$0x4CB0] =	vst v62  }
0x141: {  	v54 =	vadd.s32 v4, v25;
	[tilespmem:$0x4CF0] =	vst v63  }
0x142: {  	v55 =	vadd.s32 v5, v25;
	[tilespmem:$0x4D30] =	vst v54  }
0x143: {  	v56 =	vadd.s32 v7, v25;
	[tilespmem:$0x4D70] =	vst v55  }
0x144: {  	s18 =	simm.s32 $0x4E00;
	v25 =	vadd.s32 v8, v25;
	[tilespmem:$0x4DB0] =	vst v56  }
0x145: {  	s16 =	simm.s32 $0x40;
	s17 =	simm.s32 $0x4C00;
	s15 =	rddreg [dreg:$0x5];
	[tilespmem:$0x4DF0] =	vst v25  }
0x146: {  	[tilespmem:s18], [sflag:$0x1] =	stream.indirect.gather [hbm4b:s15+s16], $0x1, s17, s16, $0xb8;
	[tilespmem:$0x5200] =	vst v63  }
0x147: {  	s24 =	simm.s32 $0x4C40;
	s25 =	simm.s32 $0x4E40  }
0x148: {  	[tilespmem:s25], [sflag:$0x1] =	stream.indirect.gather [hbm4b:s15+s16], $0x1, s24, s16, $0xb8;
	[tilespmem:$0x5200] =	vst v63  }
0x149: {  	s28 =	simm.s32 $0x4C80;
	s29 =	simm.s32 $0x4E80;
	s26 =	rddreg [dreg:$0x6]  }
0x14a: {  	[tilespmem:s29], [sflag:$0x1] =	stream.indirect.gather [hbm4b:s26+s16], $0x1, s28, s16, $0xb8;
	[tilespmem:$0x5200] =	vst v63  }
0x14b: {  	s31 =	simm.s32 $0x4EC0;
	s30 =	simm.s32 $0x4CC0  }
0x14c: {  	[tilespmem:s31], [sflag:$0x1] =	stream.indirect.gather [hbm4b:s26+s16], $0x1, s30, s16, $0xb8;
	[tilespmem:$0x5200] =	vst v63  }
0x14d: {  	s4 =	rddreg [dreg:$0x7];
	s6 =	simm.s32 $0x4F00;
	s5 =	simm.s32 $0x4D00  }
0x14e: {  	[tilespmem:s6], [sflag:$0x1] =	stream.indirect.gather [hbm4b:s4+s16], $0x1, s5, s16, $0xb8;
	[tilespmem:$0x5200] =	vst v63  }
0x14f: {  	s7 =	rddreg [dreg:$0x8];
	s8 =	simm.s32 $0x4D40;
	s9 =	simm.s32 $0x4F40  }
0x150: {  	[tilespmem:s9], [sflag:$0x1] =	stream.indirect.gather [hbm4b:s7+s16], $0x1, s8, s16, $0xb8;
	[tilespmem:$0x5200] =	vst v63  }
0x151: {  	s10 =	simm.s32 $0x4D80;
	s11 =	simm.s32 $0x4F80  }
0x152: {  	[tilespmem:s11], [sflag:$0x1] =	stream.indirect.gather [hbm4b:s7+s16], $0x1, s10, s16, $0xb8;
	[tilespmem:$0x5200] =	vst v63  }
0x153: {  	s12 =	simm.s32 $0x4DC0;
	s13 =	simm.s32 $0x4FC0;
	s14 =	simm.s32 $0x1  }
0x154: {  	[tilespmem:s13], [sflag:$0x1] =	stream.indirect.gather [hbm4b:s7+s16], $0x1, s12, s16, $0xb8;
	[tilespmem:$0x5200] =	vst v63  }
0x155: {  	_ =	swait.ge [sflag:s14], $0x40  }
0x156: {  	[sflag:s14] =	ssyncset.done $0x0  }
0x157: {  	[sflag:s14] =	ssyncadd.s32 $0xFFFFFFC0  }
0x158: {  	_ =	swait.ge [sflag:s14], $0x40  }
0x159: {  	[sflag:s14] =	ssyncset.done $0x0  }
0x15a: {  	[sflag:s14] =	ssyncadd.s32 $0xFFFFFFC0  }
0x15b: {  	_ =	swait.ge [sflag:s14], $0x40  }
0x15c: {  	[sflag:s14] =	ssyncset.done $0x0  }
0x15d: {  	[sflag:s14] =	ssyncadd.s32 $0xFFFFFFC0  }
0x15e: {  	_ =	swait.ge [sflag:s14], $0x40  }
0x15f: {  	[sflag:s14] =	ssyncset.done $0x0  }
0x160: {  	[sflag:s14] =	ssyncadd.s32 $0xFFFFFFC0  }
0x161: {  	_ =	swait.ge [sflag:s14], $0x40  }
0x162: {  	[sflag:s14] =	ssyncset.done $0x0  }
0x163: {  	[sflag:s14] =	ssyncadd.s32 $0xFFFFFFC0  }
0x164: {  	_ =	swait.ge [sflag:s14], $0x40  }
0x165: {  	[sflag:s14] =	ssyncset.done $0x0  }
0x166: {  	[sflag:s14] =	ssyncadd.s32 $0xFFFFFFC0  }
0x167: {  	_ =	swait.ge [sflag:s14], $0x40  }
0x168: {  	[sflag:s14] =	ssyncset.done $0x0  }
0x169: {  	[sflag:s14] =	ssyncadd.s32 $0xFFFFFFC0  }
0x16a: {  	_ =	swait.ge [sflag:s14], $0x40  }
0x16b: {  	[sflag:s14] =	ssyncset.done $0x0  }
0x16c: {  	[sflag:s14] =	ssyncadd.s32 $0xFFFFFFC0  }
0x16d: {  	v51 =	vld [tilespmem:$0x4900];
	_ =	sdelay $0x4  }
0x16e: {  	(v2sf) =	vpush v51, $0xD;
	_ =	sdelay $0x1  }
0x16f: {  	(v2sf) =	vpush v51, $0xC;
	_ =	sdelay $0x1  }
0x170: {  	(v2sf) =	vpush v51, $0xE;
	_ =	sdelay $0x1  }
0x171: {  	(v2sf) =	vpush v51, $0xF  }
0x172: {  	(v2sf) =	vpush v51, $0x9;
	_ =	sdelay $0x3  }
0x173: {  	(v2sf) =	vpush v51, $0x8;
	_ =	sdelay $0x1  }
0x174: {  	(v2sf) =	vpush v51, $0xA;
	_ =	sdelay $0x1  }
0x175: {  	(v2sf) =	vpush v51, $0xB;
	s15 =	spop (v2sf)  }
0x176: {  	(v2sf) =	vpush v51, $0x0;
	s16 =	smulhi.u32 $0x5AC5242B, s15;
	s0 =	sshra.s32 s15, $0x1F  }
0x177: {  	(v2sf) =	vpush v51, $0x1;
	s17 =	spop (v2sf);
	s0 =	smul.u32 $0x5AC5242B, s0  }
0x178: {  	(v2sf) =	vpush v51, $0x2;
	s18 =	smulhi.u32 $0x5AC5242B, s17;
	s3 =	sshra.s32 s17, $0x1F  }
0x179: {  	(v2sf) =	vpush v51, $0x3;
	s24 =	spop (v2sf);
	s3 =	smul.u32 $0x5AC5242B, s3  }
0x17a: {  	(v2sf) =	vpush v51, $0x4;
	s25 =	smulhi.u32 $0x5AC5242B, s24;
	s5 =	sshra.s32 s24, $0x1F  }
0x17b: {  	(v2sf) =	vpush v51, $0x5;
	s28 =	spop (v2sf);
	s26 =	smul.u32 $0x5AC5242B, s5;
	s29 =	sadd.s32 s0, s16  }
0x17c: {  	(v2sf) =	vpush v51, $0x6;
	s30 =	smulhi.u32 $0x5AC5242B, s28;
	s31 =	sshra.s32 s28, $0x1F;
	s1 =	spop (v2sf)  }
0x17d: {  	(v2sf) =	vpush v51, $0x7;
	[smem:$0x7F2] =	sst s29;
	s5 =	sshrl.u32 s29, $0x1F;
	s8 =	smul.u32 $0x5AC5242B, s31  }
0x17e: {  	s10 =	smulhi.u32 $0x5AC5242B, s1;
	s17 =	sshra.s32 s1, $0x1F;
	[smem:$0x7F1] =	sst s5  }
0x17f: {  	s5 =	sadd.s32 s3, s18;
	s9 =	smul.u32 $0x5AC5242B, s17;
	s24 =	sadd.s32 s26, s25  }
0x180: {  	s18 =	spop (v2sf);
	s14 =	sshrl.u32 s5, $0x1F;
	[smem:$0x7F3] =	sst s24  }
0x181: {  	s25 =	smulhi.u32 $0x5AC5242B, s18;
	s4 =	sshra.s32 s18, $0x1F;
	s12 =	sshrl.u32 s24, $0x1F  }
0x182: {  	s28 =	spop (v2sf);
	s5 =	sshra.s32 s5, $0xD;
	s26 =	smul.u32 $0x5AC5242B, s4  }
0x183: {  	s4 =	sadd.s32 s8, s30;
	s15 =	smulhi.u32 $0x5AC5242B, s28;
	s29 =	sshra.s32 s28, $0x1F  }
0x184: {  	s30 =	spop (v2sf);
	s3 =	sadd.s32 s9, s10;
	s16 =	smul.u32 $0x5AC5242B, s29  }
0x185: {  	s17 =	smulhi.u32 $0x5AC5242B, s30;
	s8 =	sshra.s32 s30, $0x1F;
	s31 =	spop (v2sf)  }
0x186: {  	s13 =	sshrl.u32 s4, $0x1F;
	s18 =	smul.u32 $0x5AC5242B, s8;
	s1 =	spop (v2sf)  }
0x187: {  	s24 =	smulhi.u32 $0x5AC5242B, s31;
	s0 =	sshra.s32 s31, $0x1F;
	s10 =	spop (v2sf)  }
0x188: {  	s8 =	sadd.s32 s26, s25;
	s7 =	smul.u32 $0x5AC5242B, s0;
	s25 =	spop (v2sf)  }
0x189: {  	s26 =	smulhi.u32 $0x5AC5242B, s1;
	s31 =	sshra.s32 s1, $0x1F;
	s30 =	spop (v2sf)  }
0x18a: {  	s9 =	sadd.s32 s16, s15;
	s29 =	smul.u32 $0x5AC5242B, s31;
	s1 =	spop (v2sf)  }
0x18b: {  	s31 =	smulhi.u32 $0x5AC5242B, s10;
	s6 =	sshra.s32 s10, $0x1F;
	s16 =	spop (v2sf)  }
0x18c: {  	s11 =	sshrl.u32 s3, $0x1F;
	s15 =	smul.u32 $0x5AC5242B, s6;
	s0 =	spop (v2sf)  }
0x18d: {  	s6 =	sadd.s32 s18, s17;
	s10 =	smulhi.u32 $0x5AC5242B, s0;
	s18 =	sshra.s32 s0, $0x1F  }
0x18e: {  	s3 =	sshra.s32 s3, $0xD;
	s28 =	sshrl.u32 s8, $0x1F;
	s18 =	smul.u32 $0x5AC5242B, s18  }
0x18f: {  	s8 =	sshra.s32 s8, $0xD;
	s24 =	sadd.s32 s7, s24;
	s26 =	sadd.s32 s29, s26  }
0x190: {  	s29 =	sshrl.u32 s9, $0x1F;
	s15 =	sadd.s32 s15, s31;
	s7 =	sadd.s32 s18, s10  }
0x191: {  	vm10 =	vcmask $0x704;
	vm9 =	vmmov vm13;
	s17 =	smulhi.u32 $0x5AC5242B, s25;
	s25 =	sshra.s32 s25, $0x1F;
	s0 =	sshra.s32 s7, $0x1F  }
0x192: {  	vm5 =	vmmov vm15;
	v59 =	vmov s28;
	s18 =	sshrl.u32 s24, $0x1F;
	s10 =	sshra.s32 s30, $0x1F;
	v25 =	vmov s0;
	s0 =	sshra.s32 s24, $0xD  }
0x193: {  	vm15 =	vmmov vm14;
	v54 =	vsel vm6, s11, v59;
	v25 =	vsel vm14, s0, v25;
	s0 =	smul.u32 $0x5AC5242B, s10;
	s10 =	sshra.s32 s24, $0x1F;
	s24 =	sld [smem:$0x7F1]  }
0x194: {  	vm12 =	vcmask $0x1F1C;
	v57 =	vmov s14;
	s31 =	sshrl.u32 s6, $0x1F;
	v54 =	vsel vm7, s29, v54;
	s14 =	sshrl.u32 s15, $0x1F;
	s25 =	smul.u32 $0x5AC5242B, s25  }
0x195: {  	vm2 =	vcmask $0x3734;
	v54 =	vsel vm4, s31, v54;
	s31 =	sld [smem:$0x7F2];
	v58 =	vmov s18;
	s18 =	smulhi.u32 $0x5AC5242B, s1;
	s1 =	sshra.s32 s1, $0x1F  }
0x196: {  	vm1 =	vcmask $0x2724;
	s17 =	sadd.s32 s25, s17;
	s1 =	smul.u32 $0x5AC5242B, s1;
	v25 =	vsel vm10, s10, v25;
	v52 =	vsel vm6, s24, v57;
	s24 =	sshra.s32 s26, $0xD  }
0x197: {  	vm13 =	vcmask $0xF0C;
	v60 =	vmov s5;
	s25 =	smulhi.u32 $0x5AC5242B, s30;
	s28 =	sshra.s32 s17, $0x1F;
	v25 =	vsel vm6, s24, v25;
	s24 =	sshra.s32 s26, $0x1F  }
0x198: {  	s30 =	sshrl.u32 s26, $0x1F;
	v53 =	vnsel vm14, $0x0, v58;
	s1 =	sadd.s32 s1, s18;
	v52 =	vsel vm7, s12, v52;
	s26 =	sshra.s32 s15, $0xD;
	v25 =	vsel vm13, s24, v25  }
0x199: {  	vm14 =	vcmask $0x1714;
	s15 =	sshra.s32 s15, $0x1F;
	v52 =	vsel vm4, s13, v52;
	s13 =	smulhi.u32 $0x5AC5242B, s16;
	s16 =	sshra.s32 s16, $0x1F;
	v25 =	vsel vm7, s26, v25  }
0x19a: {  	v61 =	vmov s8;
	v53 =	vsel vm6, s30, v53;
	s10 =	sshra.s32 s31, $0xD;
	s24 =	sshra.s32 s17, $0xD;
	s30 =	smul.u32 $0x5AC5242B, s16;
	v25 =	vsel vm14, s15, v25  }
0x19b: {  	v55 =	vsel vm6, s3, v61;
	v53 =	vsel vm7, s14, v53;
	s14 =	sshra.s32 s9, $0xD;
	s0 =	sadd.s32 s0, s25;
	s12 =	sshrl.u32 s17, $0x1F;
	v25 =	vsel vm4, s24, v25  }
0x19c: {  	v55 =	vsel vm7, s14, v55;
	v53 =	vsel vm4, s12, v53;
	s26 =	sadd.s32 s30, s13;
	s30 =	sshra.s32 s0, $0xD;
	s13 =	sld [smem:$0x7F3];
	v25 =	vsel vm12, s28, v25  }
0x19d: {  	s17 =	sshra.s32 s6, $0xD;
	s16 =	sshrl.u32 s0, $0x1F;
	v52 =	vcombine.low v54, v52;
	v54 =	vsel vm6, s10, v60;
	s0 =	sshra.s32 s0, $0x1F;
	v25 =	vsel vm8, s30, v25  }
0x19e: {  	s25 =	sshrl.u32 s1, $0x1F;
	s11 =	sshra.s32 s1, $0xD;
	v55 =	vsel vm4, s17, v55;
	v53 =	vsel vm8, s16, v53;
	v25 =	vsel vm1, s0, v25  }
0x19f: {  	s15 =	sshra.s32 s1, $0x1F;
	v53 =	vsel vm5, s25, v53;
	s29 =	sshrl.u32 s26, $0x1F;
	vm8 =	vcmask $0x2F2C;
	s5 =	sshra.s32 s13, $0xD;
	v25 =	vsel vm5, s11, v25  }
0x1a0: {  	s16 =	sshra.s32 s4, $0xD;
	s18 =	sshra.s32 s26, $0xD;
	v53 =	vsel vm11, s29, v53;
	v54 =	vsel vm7, s5, v54;
	v25 =	vsel vm8, s15, v25  }
0x1a1: {  	s24 =	sshrl.u32 s7, $0x1F;
	s25 =	sshra.s32 s26, $0x1F;
	vm5 =	vcmask $0x3B38;
	v54 =	vsel vm4, s16, v54;
	v25 =	vsel vm11, s18, v25  }
0x1a2: {  	s26 =	sshra.s32 s7, $0xD;
	v53 =	vsel vm5, s24, v53;
	v54 =	vcombine.low v55, v54;
	v25 =	vsel vm2, s25, v25  }
0x1a3: {  	v52 =	vperm.xlane v52, v48;
	v53 =	vperm.xlane v53, v49;
	v25 =	vsel vm5, s26, v25  }
0x1a4: {  	v54 =	vperm.xlane v54, v48;
	v25 =	vperm.xlane v25, v49;
	_ =	sdelay $0x1  }
0x1a5: {  	v52 =	vsel vm9, v53, v52;
	v25 =	vsel vm9, v25, v54  }
0x1a6: {  	v52 =	vadd.s32 v52, v25  }
0x1a7: {  	v25 =	vmul.u32 $0xFFFFA5C0, v52;
	_ =	sdelay $0x1  }
0x1a8: {  	v53 =	vadd.s32 v51, v25  }
0x1a9: {  	vm0 =	vlt.s32 v53, $0x0;
	v25 =	vadd.s32 $0x5A40, v53  }
0x1aa: {  	v54 =	vsel vm0, v25, v53  }
0x1ab: {  	(v2sf) =	vpush v54, $0xD;
	_ =	sdelay $0x1  }
0x1ac: {  	(v2sf) =	vpush v54, $0xC;
	_ =	sdelay $0x1  }
0x1ad: {  	(v2sf) =	vpush v54, $0xE;
	_ =	sdelay $0x1  }
0x1ae: {  	(v2sf) =	vpush v54, $0xF  }
0x1af: {  	(v2sf) =	vpush v54, $0x9;
	_ =	sdelay $0x2  }
0x1b0: {  	(v2sf) =	vpush v54, $0x8;
	_ =	sdelay $0x1  }
0x1b1: {  	(v2sf) =	vpush v54, $0xA;
	_ =	sdelay $0x1  }
0x1b2: {  	(v2sf) =	vpush v54, $0xB  }
0x1b3: {  	s28 =	spop (v2sf)  }
0x1b4: {  	(v2sf) =	vpush v54, $0x0;
	s29 =	smulhi.u32 $0x6BCA1AF3, s28;
	s0 =	sshra.s32 s28, $0x1F  }
0x1b5: {  	(v2sf) =	vpush v54, $0x1;
	s30 =	spop (v2sf);
	s0 =	smul.u32 $0x6BCA1AF3, s0  }
0x1b6: {  	(v2sf) =	vpush v54, $0x2;
	s31 =	smulhi.u32 $0x6BCA1AF3, s30;
	s3 =	sshra.s32 s30, $0x1F  }
0x1b7: {  	(v2sf) =	vpush v54, $0x3;
	s8 =	spop (v2sf);
	s7 =	smul.u32 $0x6BCA1AF3, s3  }
0x1b8: {  	(v2sf) =	vpush v54, $0x4;
	s9 =	smulhi.u32 $0x6BCA1AF3, s8;
	s1 =	sshra.s32 s8, $0x1F  }
0x1b9: {  	v25 =	vld [tilespmem:$0x4E00];
	(v2sf) =	vpush v54, $0x5;
	s11 =	spop (v2sf);
	s6 =	sadd.s32 s0, s29;
	s10 =	smul.u32 $0x6BCA1AF3, s1  }
0x1ba: {  	(v2sf) =	vpush v54, $0x6;
	s13 =	smulhi.u32 $0x6BCA1AF3, s11;
	s1 =	sshra.s32 s11, $0x1F;
	s15 =	spop (v2sf)  }
0x1bb: {  	(v2sf) =	vpush v54, $0x7;
	[dreg:$0x1a] =	wrdreg s6;
	s6 =	sshrl.u32 s6, $0x1F;
	s14 =	smul.u32 $0x6BCA1AF3, s1  }
0x1bc: {  	s12 =	sadd.s32 s7, s31;
	s16 =	smulhi.u32 $0x6BCA1AF3, s15;
	s1 =	sshra.s32 s15, $0x1F  }
0x1bd: {  	s18 =	spop (v2sf);
	s7 =	sshrl.u32 s12, $0x1F;
	s17 =	smul.u32 $0x6BCA1AF3, s1  }
0x1be: {  	v25 =	vsub.f32 $0.0e+00, v25;
	s10 =	sadd.s32 s10, s9;
	s24 =	smulhi.u32 $0x6BCA1AF3, s18;
	s1 =	sshra.s32 s18, $0x1F  }
0x1bf: {  	s26 =	spop (v2sf);
	s8 =	sshrl.u32 s10, $0x1F;
	s25 =	smul.u32 $0x6BCA1AF3, s1  }
0x1c0: {  	v25 =	vmul.f32 $1.442695020e+00, v25;
	s11 =	sadd.s32 s14, s13;
	s28 =	smulhi.u32 $0x6BCA1AF3, s26;
	s1 =	sshra.s32 s26, $0x1F  }
0x1c1: {  	s29 =	spop (v2sf);
	s9 =	sshrl.u32 s11, $0x1F;
	s1 =	smul.u32 $0x6BCA1AF3, s1  }
0x1c2: {  	(erf) = vpow2.f32 v25;
	s5 =	sadd.s32 s17, s16;
	s15 =	smulhi.u32 $0x6BCA1AF3, s29;
	s4 =	sshra.s32 s29, $0x1F  }
0x1c3: {  	s30 =	spop (v2sf);
	s3 =	sadd.s32 s25, s24;
	s4 =	smul.u32 $0x6BCA1AF3, s4  }
0x1c4: {  	s31 =	spop (v2sf);
	s24 =	smulhi.u32 $0x6BCA1AF3, s30;
	s16 =	sshra.s32 s30, $0x1F  }
0x1c5: {  	s13 =	sshrl.u32 s5, $0x1F;
	s0 =	spop (v2sf);
	s14 =	smul.u32 $0x6BCA1AF3, s16  }
0x1c6: {  	v25 =	vld [tilespmem:$0x4E40];
	s26 =	smulhi.u32 $0x6BCA1AF3, s31;
	s18 =	sshra.s32 s31, $0x1F;
	s16 =	spop (v2sf)  }
0x1c7: {  	s1 =	sadd.s32 s1, s28;
	s18 =	smul.u32 $0x6BCA1AF3, s18;
	s28 =	spop (v2sf)  }
0x1c8: {  	s31 =	smulhi.u32 $0x6BCA1AF3, s0;
	s25 =	sshra.s32 s0, $0x1F;
	s30 =	spop (v2sf)  }
0x1c9: {  	v62 =	vmov s7;
	s4 =	sadd.s32 s4, s15;
	s15 =	smul.u32 $0x6BCA1AF3, s25;
	s0 =	spop (v2sf)  }
0x1ca: {  	v55 =	vsel vm6, s6, v62;
	s17 =	sshrl.u32 s3, $0x1F;
	s6 =	smulhi.u32 $0x6BCA1AF3, s16;
	s25 =	spop (v2sf)  }
0x1cb: {  	v25 =	vsub.f32 $0.0e+00, v25;
	v61 =	vpop (erf);
	s14 =	sadd.s32 s14, s24;
	s24 =	smulhi.u32 $0x6BCA1AF3, s25;
	s25 =	sshra.s32 s25, $0x1F  }
0x1cc: {  	v58 =	vadd.f32 $1.000000000e+00, v61;
	s29 =	sshrl.u32 s1, $0x1F;
	v63 =	vmov s17;
	s16 =	sshra.s32 s16, $0x1F;
	s25 =	smul.u32 $0x6BCA1AF3, s25  }
0x1cd: {  	v25 =	vmul.f32 $1.442695020e+00, v25;
	v56 =	vsel vm6, s13, v63;
	s18 =	sadd.s32 s18, s26;
	s26 =	sshrl.u32 s4, $0x1F;
	s7 =	sshrl.u32 s14, $0x1F  }
0x1ce: {  	(erf) = vrcp.f32 v58;
	s16 =	smul.u32 $0x6BCA1AF3, s16;
	v56 =	vsel vm7, s29, v56;
	s15 =	sadd.s32 s15, s31;
	s24 =	sadd.s32 s25, s24  }
0x1cf: {  	(erf) = vpow2.f32 v25;
	v55 =	vsel vm7, s8, v55;
	s31 =	sshrl.u32 s18, $0x1F;
	v25 =	vsel vm4, s26, v56;
	s26 =	sshra.s32 s12, $0x6;
	s17 =	sshra.s32 s24, $0x1F  }
0x1d0: {  	v55 =	vsel vm4, s9, v55;
	s9 =	smulhi.u32 $0x6BCA1AF3, s28;
	s25 =	sshra.s32 s28, $0x1F;
	s28 =	sshra.s32 s14, $0x6;
	v60 =	vmov s17  }
0x1d1: {  	v62 =	vmov s7;
	s7 =	smulhi.u32 $0x6BCA1AF3, s30;
	s30 =	sshra.s32 s30, $0x1F;
	s14 =	sshra.s32 s14, $0x1F;
	v57 =	vsel vm15, s28, v60  }
0x1d2: {  	s6 =	sadd.s32 s16, s6;
	s16 =	smul.u32 $0x6BCA1AF3, s30;
	s17 =	sshra.s32 s18, $0x6;
	v57 =	vsel vm10, s14, v57  }
0x1d3: {  	v59 =	vnsel vm15, $0x0, v62;
	s29 =	smulhi.u32 $0x6BCA1AF3, s0;
	s0 =	sshra.s32 s0, $0x1F;
	s28 =	sshra.s32 s18, $0x1F;
	v57 =	vsel vm6, s17, v57  }
0x1d4: {  	s8 =	sshrl.u32 s15, $0x1F;
	v59 =	vsel vm6, s31, v59;
	s30 =	sshra.s32 s15, $0x6;
	s0 =	smul.u32 $0x6BCA1AF3, s0;
	v57 =	vsel vm13, s28, v57  }
0x1d5: {  	v25 =	vcombine.low v25, v55;
	v63 =	vsel vm7, s8, v59;
	s15 =	sshra.s32 s15, $0x1F;
	s13 =	smul.u32 $0x6BCA1AF3, s25;
	s25 =	sshrl.u32 s6, $0x1F;
	v57 =	vsel vm7, s30, v57  }
0x1d6: {  	s3 =	sshra.s32 s3, $0x6;
	s7 =	sadd.s32 s16, s7;
	s16 =	sshra.s32 s6, $0x6;
	v60 =	vsel vm4, s25, v63;
	v63 =	vmov s26;
	v57 =	vsel vm14, s15, v57  }
0x1d7: {  	s0 =	sadd.s32 s0, s29;
	s6 =	sshra.s32 s6, $0x1F;
	s31 =	sadd.s32 s13, s9;
	vm10 =	vmmov vm15;
	vm15 =	vcmask $0x2B28;
	v62 =	vsel vm4, s16, v57  }
0x1d8: {  	s29 =	rddreg [dreg:$0x1a];
	s13 =	sshrl.u32 s31, $0x1F;
	s25 =	sshra.s32 s31, $0x6;
	vm13 =	vmmov vm14;
	vm14 =	vcmask $0x2320;
	v56 =	vsel vm12, s6, v62  }
0x1d9: {  	s8 =	sshra.s32 s29, $0x6;
	s17 =	sshrl.u32 s7, $0x1F;
	s28 =	sshra.s32 s31, $0x1F;
	v61 =	vsel vm14, s13, v60;
	v60 =	vmov s3;
	v56 =	vsel vm14, s25, v56  }
0x1da: {  	s5 =	sshra.s32 s5, $0x6;
	s31 =	sshra.s32 s10, $0x6;
	s30 =	sshra.s32 s7, $0x6;
	v57 =	vsel vm6, s8, v63;
	v55 =	vsel vm15, s17, v61;
	v56 =	vsel vm1, s28, v56  }
0x1db: {  	s1 =	sshra.s32 s1, $0x6;
	s18 =	sshrl.u32 s0, $0x1F;
	s8 =	sshra.s32 s7, $0x1F;
	v58 =	vsel vm6, s5, v60;
	v57 =	vsel vm7, s31, v57;
	v56 =	vsel vm15, s30, v56  }
0x1dc: {  	s9 =	sshra.s32 s11, $0x6;
	s11 =	sshra.s32 s0, $0x6;
	s10 =	sshra.s32 s4, $0x6;
	v55 =	vsel vm11, s18, v55;
	v58 =	vsel vm7, s1, v58;
	v56 =	vsel vm8, s8, v56  }
0x1dd: {  	s12 =	sshrl.u32 s24, $0x1F;
	s0 =	sshra.s32 s0, $0x1F;
	v57 =	vsel vm4, s9, v57;
	v58 =	vsel vm4, s10, v58;
	v56 =	vsel vm11, s11, v56  }
0x1de: {  	s13 =	sshra.s32 s24, $0x6;
	v55 =	vsel vm5, s12, v55;
	v57 =	vcombine.low v58, v57;
	v56 =	vsel vm2, s0, v56  }
0x1df: {  	v25 =	vperm.xlane v25, v48;
	v55 =	vperm.xlane v55, v49;
	v56 =	vsel vm5, s13, v56  }
0x1e0: {  	v57 =	vperm.xlane v57, v48;
	v56 =	vperm.xlane v56, v49;
	_ =	sdelay $0x1  }
0x1e1: {  	v25 =	vsel vm9, v55, v25;
	v62 =	vsel vm9, v56, v57  }
0x1e2: {  	v59 =	vpop (erf);
	v25 =	vadd.s32 v25, v62  }
0x1e3: {  	v61 =	vpop (erf);
	v55 =	vmul.u32 $0xFFFFFF68, v25  }
0x1e4: {  	v58 =	vadd.f32 $1.000000000e+00, v61  }
0x1e5: {  	v26 =	vld [tilespmem:$0x1FEF0];
	v55 =	vadd.s32 v54, v55  }
0x1e6: {  	vm0 =	vlt.s32 v54, $0x1;
	v63 =	vld [tilespmem:$0x4EC0];
	(erf) = vrcp.f32 v58;
	vm1 =	vne.s32 v55, $0x0  }
0x1e7: {  	v56 =	vld [tilespmem:$0x4880];
	v57 =	vadd.s32 $0x98, v55;
	vm0 =	vmand vm0, vm1;
	vm1 =	vlt.s32 v55, $0x0  }
0x1e8: {  	v61 =	vld [tilespmem:$0x4FC0];
	v55 =	vsel vm1, v57, v55  }
0x1e9: {  	v59 =	vmax.f32 v59, $9.999999740e-05;
	v58 =	vld [tilespmem:$0x4F40];
	v55 =	vcvt.s32.f32 v55  }
0x1ea: {  	v59 =	vmin.f32 v59, $9.998999830e-01;
	v62 =	vld [tilespmem:$0x4E80]  }
0x1eb: {  	s14 =	simm.s32 $0x5000;
	v54 =	vld [tilespmem:$0x4F00];
	v55 =	vadd.f32 v55, v59  }
0x1ec: {  	v57 =	vld [tilespmem:$0x4F80];
	[tilespmem:v50+s14+$0x0] =	vst.idx.msk $0xffff, v56  }
0x1ed: {  	v60 =	vsel vm0, $0xFFFFFFFF, v9;
	[tilespmem:v26+s14+$0x0] =	vst.idx.msk $0xffff, v55;
	v26 =	vld [tilespmem:$0x1FF00];
	_ =	sdelay $0x2  }
0x1ee: {  	v25 =	vadd.s32 v60, v25;
	v60 =	vpop (erf)  }
0x1ef: {  	v25 =	vcvt.s32.f32 v25;
	v60 =	vmax.f32 v60, $9.999999740e-05  }
0x1f0: {  	v60 =	vmin.f32 v60, $9.998999830e-01  }
0x1f1: {  	v25 =	vadd.f32 v25, v60;
	_ =	sdelay $0x1  }
0x1f2: {  	[tilespmem:v26+s14+$0x0] =	vst.idx.msk $0xffff, v25;
	v25 =	vld [tilespmem:$0x1FF10];
	_ =	sdelay $0x7  }
0x1f3: {  	[tilespmem:v25+s14+$0x0] =	vst.idx.msk $0xffff, v54;
	v25 =	vld [tilespmem:$0x1FF20]  }
0x1f4: {  	v26 =	vld [tilespmem:$0x1FF30];
	_ =	sdelay $0x6  }
0x1f5: {  	[tilespmem:v25+s14+$0x0] =	vst.idx.msk $0xffff, v58  }
0x1f6: {  	[tilespmem:v26+s14+$0x0] =	vst.idx.msk $0xffff, v57;
	v26 =	vld [tilespmem:$0x1FF40];
	_ =	sdelay $0x7  }
0x1f7: {  	[tilespmem:v26+s14+$0x0] =	vst.idx.msk $0xffff, v61;
	v26 =	vld [tilespmem:$0x1FF50];
	_ =	sdelay $0x7  }
0x1f8: {  	[tilespmem:v26+s14+$0x0] =	vst.idx.msk $0xffff, v62;
	v26 =	vld [tilespmem:$0x1FF60];
	_ =	sdelay $0x7  }
0x1f9: {  	[tilespmem:v26+s14+$0x0] =	vst.idx.msk $0xffff, v63;
	v26 =	vld [tilespmem:$0x1FF70];
	_ =	sdelay $0x1  }
0x1fa: {  	vm0 =	vlt.s32 v51, $0x1;
	vm1 =	vne.s32 v53, $0x0  }
0x1fb: {  	vm0 =	vmand vm0, vm1  }
0x1fc: {  	v25 =	vsel vm0, $0xFFFFFFFF, v9  }
0x1fd: {  	v25 =	vadd.s32 v25, v52  }
0x1fe: {  	v25 =	vcvt.s32.f32 v25;
	_ =	sdelay $0x1  }
0x1ff: {  	[tilespmem:v26+s14+$0x0] =	vst.idx.msk $0xffff, v25  }
0x200: {  	v51 =	vld [tilespmem:$0x4910];
	_ =	sdelay $0x4  }
0x201: {  	(v2sf) =	vpush v51, $0xD;
	_ =	sdelay $0x1  }
0x202: {  	(v2sf) =	vpush v51, $0xC;
	_ =	sdelay $0x1  }
0x203: {  	(v2sf) =	vpush v51, $0xE;
	_ =	sdelay $0x1  }
0x204: {  	(v2sf) =	vpush v51, $0xF  }
0x205: {  	(v2sf) =	vpush v51, $0x9;
	_ =	sdelay $0x3  }
0x206: {  	(v2sf) =	vpush v51, $0x8;
	_ =	sdelay $0x1  }
0x207: {  	(v2sf) =	vpush v51, $0xA;
	_ =	sdelay $0x1  }
0x208: {  	(v2sf) =	vpush v51, $0xB;
	s15 =	spop (v2sf)  }
0x209: {  	(v2sf) =	vpush v51, $0x0;
	s16 =	smulhi.u32 $0x5AC5242B, s15;
	s0 =	sshra.s32 s15, $0x1F  }
0x20a: {  	(v2sf) =	vpush v51, $0x1;
	s17 =	spop (v2sf);
	s0 =	smul.u32 $0x5AC5242B, s0  }
0x20b: {  	(v2sf) =	vpush v51, $0x2;
	s18 =	smulhi.u32 $0x5AC5242B, s17;
	s3 =	sshra.s32 s17, $0x1F  }
0x20c: {  	(v2sf) =	vpush v51, $0x3;
	s24 =	spop (v2sf);
	s3 =	smul.u32 $0x5AC5242B, s3  }
0x20d: {  	(v2sf) =	vpush v51, $0x4;
	s25 =	smulhi.u32 $0x5AC5242B, s24;
	s5 =	sshra.s32 s24, $0x1F  }
0x20e: {  	(v2sf) =	vpush v51, $0x5;
	s28 =	spop (v2sf);
	s26 =	smul.u32 $0x5AC5242B, s5;
	s29 =	sadd.s32 s0, s16  }
0x20f: {  	(v2sf) =	vpush v51, $0x6;
	s30 =	smulhi.u32 $0x5AC5242B, s28;
	s31 =	sshra.s32 s28, $0x1F;
	s1 =	spop (v2sf)  }
0x210: {  	(v2sf) =	vpush v51, $0x7;
	[smem:$0x7F5] =	sst s29;
	s8 =	smul.u32 $0x5AC5242B, s31  }
0x211: {  	s5 =	sshrl.u32 s29, $0x1F;
	s10 =	smulhi.u32 $0x5AC5242B, s1;
	s17 =	sshra.s32 s1, $0x1F  }
0x212: {  	[smem:$0x7F4] =	sst s5;
	s5 =	sadd.s32 s3, s18;
	s9 =	smul.u32 $0x5AC5242B, s17  }
0x213: {  	s18 =	spop (v2sf);
	s24 =	sadd.s32 s26, s25;
	s14 =	sshrl.u32 s5, $0x1F  }
0x214: {  	[smem:$0x7F6] =	sst s24;
	s25 =	smulhi.u32 $0x5AC5242B, s18;
	s4 =	sshra.s32 s18, $0x1F  }
0x215: {  	s12 =	sshrl.u32 s24, $0x1F;
	s28 =	spop (v2sf);
	s26 =	smul.u32 $0x5AC5242B, s4  }
0x216: {  	s4 =	sadd.s32 s8, s30;
	s15 =	smulhi.u32 $0x5AC5242B, s28;
	s29 =	sshra.s32 s28, $0x1F  }
0x217: {  	s30 =	spop (v2sf);
	s3 =	sadd.s32 s9, s10;
	s16 =	smul.u32 $0x5AC5242B, s29  }
0x218: {  	s17 =	smulhi.u32 $0x5AC5242B, s30;
	s8 =	sshra.s32 s30, $0x1F;
	s31 =	spop (v2sf)  }
0x219: {  	s13 =	sshrl.u32 s4, $0x1F;
	s18 =	smul.u32 $0x5AC5242B, s8;
	s1 =	spop (v2sf)  }
0x21a: {  	s24 =	smulhi.u32 $0x5AC5242B, s31;
	s0 =	sshra.s32 s31, $0x1F;
	s10 =	spop (v2sf)  }
0x21b: {  	s8 =	sadd.s32 s26, s25;
	s7 =	smul.u32 $0x5AC5242B, s0;
	s25 =	spop (v2sf)  }
0x21c: {  	s26 =	smulhi.u32 $0x5AC5242B, s1;
	s31 =	sshra.s32 s1, $0x1F;
	s30 =	spop (v2sf)  }
0x21d: {  	s9 =	sadd.s32 s16, s15;
	s29 =	smul.u32 $0x5AC5242B, s31;
	s1 =	spop (v2sf)  }
0x21e: {  	s31 =	smulhi.u32 $0x5AC5242B, s10;
	s6 =	sshra.s32 s10, $0x1F;
	s16 =	spop (v2sf)  }
0x21f: {  	s11 =	sshrl.u32 s3, $0x1F;
	s15 =	smul.u32 $0x5AC5242B, s6;
	s0 =	spop (v2sf)  }
0x220: {  	s6 =	sadd.s32 s18, s17;
	s10 =	smulhi.u32 $0x5AC5242B, s0;
	s18 =	sshra.s32 s0, $0x1F  }
0x221: {  	s28 =	sshrl.u32 s8, $0x1F;
	s24 =	sadd.s32 s7, s24;
	s18 =	smul.u32 $0x5AC5242B, s18  }
0x222: {  	s26 =	sadd.s32 s29, s26;
	s29 =	sshrl.u32 s9, $0x1F;
	s15 =	sadd.s32 s15, s31  }
0x223: {  	s17 =	smulhi.u32 $0x5AC5242B, s25;
	s25 =	sshra.s32 s25, $0x1F;
	s7 =	sadd.s32 s18, s10  }
0x224: {  	v57 =	vmov s28;
	s31 =	sshrl.u32 s6, $0x1F;
	s25 =	smul.u32 $0x5AC5242B, s25;
	s0 =	sshra.s32 s7, $0x1F  }
0x225: {  	vm12 =	vmmov vm2;
	v54 =	vsel vm6, s11, v57;
	s18 =	sshrl.u32 s24, $0x1F;
	s10 =	sshra.s32 s30, $0x1F;
	v25 =	vmov s0;
	s0 =	sshra.s32 s24, $0xD  }
0x226: {  	vm8 =	vmmov vm11;
	v54 =	vsel vm7, s29, v54;
	v25 =	vsel vm10, s0, v25;
	s0 =	smul.u32 $0x5AC5242B, s10;
	s10 =	sshra.s32 s24, $0x1F;
	s24 =	sld [smem:$0x7F4]  }
0x227: {  	vm11 =	vcmask $0xF0C;
	v63 =	vmov s14;
	s8 =	sshra.s32 s8, $0xD;
	s14 =	sshrl.u32 s15, $0x1F;
	v54 =	vsel vm4, s31, v54;
	s31 =	sld [smem:$0x7F5]  }
0x228: {  	vm2 =	vcmask $0x3B38;
	vm0 =	vmmov vm10;
	s17 =	sadd.s32 s25, s17;
	s25 =	smulhi.u32 $0x5AC5242B, s30;
	s30 =	sshrl.u32 s26, $0x1F;
	vm10 =	vcmask $0x704  }
0x229: {  	v56 =	vmov s18;
	s18 =	smulhi.u32 $0x5AC5242B, s1;
	s1 =	sshra.s32 s1, $0x1F;
	v25 =	vsel vm10, s10, v25;
	v52 =	vsel vm6, s24, v63;
	s24 =	sshra.s32 s26, $0xD  }
0x22a: {  	v53 =	vnsel vm0, $0x0, v56;
	s1 =	smul.u32 $0x5AC5242B, s1;
	s0 =	sadd.s32 s0, s25;
	v52 =	vsel vm7, s12, v52;
	v25 =	vsel vm6, s24, v25;
	s24 =	sshra.s32 s26, $0x1F  }
0x22b: {  	v53 =	vsel vm6, s30, v53;
	s26 =	sshra.s32 s15, $0xD;
	v52 =	vsel vm4, s13, v52;
	s13 =	smulhi.u32 $0x5AC5242B, s16;
	s16 =	sshra.s32 s16, $0x1F;
	v25 =	vsel vm11, s24, v25  }
0x22c: {  	vm5 =	vcmask $0x2F2C;
	v53 =	vsel vm7, s14, v53;
	s12 =	sshrl.u32 s17, $0x1F;
	s15 =	sshra.s32 s15, $0x1F;
	s30 =	smul.u32 $0x5AC5242B, s16;
	v25 =	vsel vm7, s26, v25  }
0x22d: {  	vm1 =	vcmask $0x1F1C;
	s1 =	sadd.s32 s1, s18;
	v53 =	vsel vm4, s12, v53;
	s24 =	sshra.s32 s17, $0xD;
	s16 =	sshrl.u32 s0, $0x1F;
	v25 =	vsel vm13, s15, v25  }
0x22e: {  	v59 =	vmov s8;
	s28 =	sshra.s32 s17, $0x1F;
	s25 =	sshrl.u32 s1, $0x1F;
	v53 =	vsel vm14, s16, v53;
	s26 =	sadd.s32 s30, s13;
	v25 =	vsel vm4, s24, v25  }
0x22f: {  	vm0 =	vmmov vm8;
	v53 =	vsel vm15, s25, v53;
	s30 =	sshra.s32 s0, $0xD;
	s13 =	sld [smem:$0x7F6];
	s29 =	sshrl.u32 s26, $0x1F;
	v25 =	vsel vm1, s28, v25  }
0x230: {  	s5 =	sshra.s32 s5, $0xD;
	s3 =	sshra.s32 s3, $0xD;
	s0 =	sshra.s32 s0, $0x1F;
	v53 =	vsel vm8, s29, v53;
	v25 =	vsel vm14, s30, v25;
	vm8 =	vcmask $0x2724  }
0x231: {  	v58 =	vmov s5;
	v55 =	vsel vm6, s3, v59;
	s10 =	sshra.s32 s31, $0xD;
	s11 =	sshra.s32 s1, $0xD;
	v25 =	vsel vm8, s0, v25  }
0x232: {  	s14 =	sshra.s32 s9, $0xD;
	v52 =	vcombine.low v54, v52;
	v54 =	vsel vm6, s10, v58;
	s15 =	sshra.s32 s1, $0x1F;
	s5 =	sshra.s32 s13, $0xD;
	v25 =	vsel vm15, s11, v25  }
0x233: {  	v55 =	vsel vm7, s14, v55;
	s17 =	sshra.s32 s6, $0xD;
	s16 =	sshra.s32 s4, $0xD;
	s18 =	sshra.s32 s26, $0xD;
	v54 =	vsel vm7, s5, v54;
	v25 =	vsel vm5, s15, v25  }
0x234: {  	v55 =	vsel vm4, s17, v55;
	s24 =	sshrl.u32 s7, $0x1F;
	s25 =	sshra.s32 s26, $0x1F;
	v54 =	vsel vm4, s16, v54;
	v25 =	vsel vm0, s18, v25  }
0x235: {  	s26 =	sshra.s32 s7, $0xD;
	v53 =	vsel vm2, s24, v53;
	v54 =	vcombine.low v55, v54;
	v25 =	vsel vm12, s25, v25  }
0x236: {  	v52 =	vperm.xlane v52, v48;
	v53 =	vperm.xlane v53, v49;
	v25 =	vsel vm2, s26, v25  }
0x237: {  	v54 =	vperm.xlane v54, v48;
	v25 =	vperm.xlane v25, v49;
	_ =	sdelay $0x1  }
0x238: {  	v52 =	vsel vm9, v53, v52;
	v25 =	vsel vm9, v25, v54  }
0x239: {  	v52 =	vadd.s32 v52, v25  }
0x23a: {  	v25 =	vmul.u32 $0xFFFFA5C0, v52;
	_ =	sdelay $0x1  }
0x23b: {  	v53 =	vadd.s32 v51, v25  }
0x23c: {  	vm0 =	vlt.s32 v53, $0x0;
	v25 =	vadd.s32 $0x5A40, v53  }
0x23d: {  	v54 =	vsel vm0, v25, v53  }
0x23e: {  	(v2sf) =	vpush v54, $0xD;
	_ =	sdelay $0x1  }
0x23f: {  	(v2sf) =	vpush v54, $0xC;
	_ =	sdelay $0x1  }
0x240: {  	(v2sf) =	vpush v54, $0xE;
	_ =	sdelay $0x1  }
0x241: {  	(v2sf) =	vpush v54, $0xF  }
0x242: {  	(v2sf) =	vpush v54, $0x9;
	_ =	sdelay $0x2  }
0x243: {  	(v2sf) =	vpush v54, $0x8;
	_ =	sdelay $0x1  }
0x244: {  	(v2sf) =	vpush v54, $0xA;
	_ =	sdelay $0x1  }
0x245: {  	(v2sf) =	vpush v54, $0xB  }
0x246: {  	s28 =	spop (v2sf)  }
0x247: {  	(v2sf) =	vpush v54, $0x0;
	s29 =	smulhi.u32 $0x6BCA1AF3, s28;
	s0 =	sshra.s32 s28, $0x1F  }
0x248: {  	(v2sf) =	vpush v54, $0x1;
	s30 =	spop (v2sf);
	s0 =	smul.u32 $0x6BCA1AF3, s0  }
0x249: {  	s31 =	smulhi.u32 $0x6BCA1AF3, s30;
	s3 =	sshra.s32 s30, $0x1F  }
0x24a: {  	(v2sf) =	vpush v54, $0x2;
	s8 =	spop (v2sf);
	s7 =	smul.u32 $0x6BCA1AF3, s3  }
0x24b: {  	(v2sf) =	vpush v54, $0x3;
	s9 =	smulhi.u32 $0x6BCA1AF3, s8;
	s1 =	sshra.s32 s8, $0x1F  }
0x24c: {  	(v2sf) =	vpush v54, $0x4;
	s11 =	spop (v2sf);
	s6 =	sadd.s32 s0, s29;
	s10 =	smul.u32 $0x6BCA1AF3, s1  }
0x24d: {  	v25 =	vld [tilespmem:$0x4E10];
	(v2sf) =	vpush v54, $0x5;
	s13 =	smulhi.u32 $0x6BCA1AF3, s11;
	s1 =	sshra.s32 s11, $0x1F;
	s15 =	spop (v2sf)  }
0x24e: {  	(v2sf) =	vpush v54, $0x6;
	[dreg:$0x1b] =	wrdreg s6;
	s14 =	smul.u32 $0x6BCA1AF3, s1  }
0x24f: {  	(v2sf) =	vpush v54, $0x7;
	s6 =	sshrl.u32 s6, $0x1F;
	s16 =	smulhi.u32 $0x6BCA1AF3, s15;
	s1 =	sshra.s32 s15, $0x1F  }
0x250: {  	s12 =	sadd.s32 s7, s31;
	s18 =	spop (v2sf);
	s17 =	smul.u32 $0x6BCA1AF3, s1  }
0x251: {  	s7 =	sshrl.u32 s12, $0x1F;
	s24 =	smulhi.u32 $0x6BCA1AF3, s18;
	s1 =	sshra.s32 s18, $0x1F  }
0x252: {  	v25 =	vsub.f32 $0.0e+00, v25;
	s10 =	sadd.s32 s10, s9;
	s26 =	spop (v2sf);
	s25 =	smul.u32 $0x6BCA1AF3, s1  }
0x253: {  	s8 =	sshrl.u32 s10, $0x1F;
	s28 =	smulhi.u32 $0x6BCA1AF3, s26;
	s1 =	sshra.s32 s26, $0x1F  }
0x254: {  	v25 =	vmul.f32 $1.442695020e+00, v25;
	s11 =	sadd.s32 s14, s13;
	s29 =	spop (v2sf);
	s1 =	smul.u32 $0x6BCA1AF3, s1  }
0x255: {  	s9 =	sshrl.u32 s11, $0x1F;
	s5 =	sadd.s32 s17, s16;
	s15 =	smulhi.u32 $0x6BCA1AF3, s29  }
0x256: {  	(erf) = vpow2.f32 v25;
	s4 =	sshra.s32 s29, $0x1F;
	s30 =	spop (v2sf);
	s13 =	sshrl.u32 s5, $0x1F  }
0x257: {  	s3 =	sadd.s32 s25, s24;
	s4 =	smul.u32 $0x6BCA1AF3, s4;
	s31 =	spop (v2sf)  }
0x258: {  	s24 =	smulhi.u32 $0x6BCA1AF3, s30;
	s16 =	sshra.s32 s30, $0x1F;
	s5 =	sshra.s32 s5, $0x6  }
0x259: {  	s17 =	sshrl.u32 s3, $0x1F;
	s0 =	spop (v2sf);
	s14 =	smul.u32 $0x6BCA1AF3, s16  }
0x25a: {  	v25 =	vld [tilespmem:$0x4E50];
	s26 =	smulhi.u32 $0x6BCA1AF3, s31;
	s18 =	sshra.s32 s31, $0x1F;
	s16 =	spop (v2sf)  }
0x25b: {  	s1 =	sadd.s32 s1, s28;
	s18 =	smul.u32 $0x6BCA1AF3, s18;
	s28 =	spop (v2sf)  }
0x25c: {  	s31 =	smulhi.u32 $0x6BCA1AF3, s0;
	s25 =	sshra.s32 s0, $0x1F;
	s30 =	spop (v2sf)  }
0x25d: {  	v60 =	vmov s7;
	s4 =	sadd.s32 s4, s15;
	s15 =	smul.u32 $0x6BCA1AF3, s25;
	s0 =	spop (v2sf)  }
0x25e: {  	v55 =	vsel vm6, s6, v60;
	s3 =	sshra.s32 s3, $0x6;
	s6 =	smulhi.u32 $0x6BCA1AF3, s16;
	s25 =	spop (v2sf)  }
0x25f: {  	v25 =	vsub.f32 $0.0e+00, v25;
	v63 =	vpop (erf);
	s14 =	sadd.s32 s14, s24;
	s24 =	smulhi.u32 $0x6BCA1AF3, s25;
	s25 =	sshra.s32 s25, $0x1F  }
0x260: {  	v58 =	vadd.f32 $1.000000000e+00, v63;
	s29 =	sshrl.u32 s1, $0x1F;
	v61 =	vmov s17;
	s16 =	sshra.s32 s16, $0x1F;
	s25 =	smul.u32 $0x6BCA1AF3, s25  }
0x261: {  	v25 =	vmul.f32 $1.442695020e+00, v25;
	v56 =	vsel vm6, s13, v61;
	s18 =	sadd.s32 s18, s26;
	s26 =	sshrl.u32 s4, $0x1F;
	s7 =	sshrl.u32 s14, $0x1F  }
0x262: {  	(erf) = vrcp.f32 v58;
	s16 =	smul.u32 $0x6BCA1AF3, s16;
	v56 =	vsel vm7, s29, v56;
	s15 =	sadd.s32 s15, s31;
	s24 =	sadd.s32 s25, s24  }
0x263: {  	(erf) = vpow2.f32 v25;
	v55 =	vsel vm7, s8, v55;
	s31 =	sshrl.u32 s18, $0x1F;
	v25 =	vsel vm4, s26, v56;
	s26 =	sshra.s32 s12, $0x6;
	s17 =	sshra.s32 s24, $0x1F  }
0x264: {  	vm12 =	vcmask $0x300;
	v55 =	vsel vm4, s9, v55;
	s9 =	smulhi.u32 $0x6BCA1AF3, s28;
	s25 =	sshra.s32 s28, $0x1F;
	s28 =	sshra.s32 s14, $0x6;
	v62 =	vmov s17  }
0x265: {  	v60 =	vmov s7;
	s7 =	smulhi.u32 $0x6BCA1AF3, s30;
	s30 =	sshra.s32 s30, $0x1F;
	s14 =	sshra.s32 s14, $0x1F;
	v57 =	vsel vm12, s28, v62  }
0x266: {  	s6 =	sadd.s32 s16, s6;
	s16 =	smul.u32 $0x6BCA1AF3, s30;
	s17 =	sshra.s32 s18, $0x6;
	v57 =	vsel vm10, s14, v57  }
0x267: {  	s8 =	sshrl.u32 s15, $0x1F;
	v59 =	vnsel vm12, $0x0, v60;
	s29 =	smulhi.u32 $0x6BCA1AF3, s0;
	s28 =	sshra.s32 s18, $0x1F;
	v57 =	vsel vm6, s17, v57  }
0x268: {  	v59 =	vsel vm6, s31, v59;
	s0 =	sshra.s32 s0, $0x1F;
	s30 =	sshra.s32 s15, $0x6;
	s13 =	smul.u32 $0x6BCA1AF3, s25;
	v57 =	vsel vm11, s28, v57  }
0x269: {  	v61 =	vsel vm7, s8, v59;
	s15 =	sshra.s32 s15, $0x1F;
	s0 =	smul.u32 $0x6BCA1AF3, s0;
	s25 =	sshrl.u32 s6, $0x1F;
	v57 =	vsel vm7, s30, v57  }
0x26a: {  	v25 =	vcombine.low v25, v55;
	s7 =	sadd.s32 s16, s7;
	s16 =	sshra.s32 s6, $0x6;
	s31 =	sadd.s32 s13, s9;
	v62 =	vsel vm4, s25, v61;
	v57 =	vsel vm13, s15, v57  }
0x26b: {  	s0 =	sadd.s32 s0, s29;
	s6 =	sshra.s32 s6, $0x1F;
	v61 =	vmov s26;
	s13 =	sshrl.u32 s31, $0x1F;
	vm10 =	vmmov vm13;
	v60 =	vsel vm4, s16, v57  }
0x26c: {  	s29 =	rddreg [dreg:$0x1b];
	s25 =	sshra.s32 s31, $0x6;
	v63 =	vsel vm14, s13, v62;
	s17 =	sshrl.u32 s7, $0x1F;
	v62 =	vmov s3;
	v56 =	vsel vm1, s6, v60  }
0x26d: {  	s1 =	sshra.s32 s1, $0x6;
	s8 =	sshra.s32 s29, $0x6;
	v55 =	vsel vm15, s17, v63;
	s28 =	sshra.s32 s31, $0x1F;
	v58 =	vsel vm6, s5, v62;
	v56 =	vsel vm14, s25, v56  }
0x26e: {  	s31 =	sshra.s32 s10, $0x6;
	s10 =	sshra.s32 s4, $0x6;
	s30 =	sshra.s32 s7, $0x6;
	v58 =	vsel vm7, s1, v58;
	vm13 =	vcmask $0x3330;
	v56 =	vsel vm8, s28, v56  }
0x26f: {  	s18 =	sshrl.u32 s0, $0x1F;
	v58 =	vsel vm4, s10, v58;
	v57 =	vsel vm6, s8, v61;
	s8 =	sshra.s32 s7, $0x1F;
	v56 =	vsel vm15, s30, v56  }
0x270: {  	s9 =	sshra.s32 s11, $0x6;
	s11 =	sshra.s32 s0, $0x6;
	v55 =	vsel vm13, s18, v55;
	v57 =	vsel vm7, s31, v57;
	v56 =	vsel vm5, s8, v56  }
0x271: {  	s12 =	sshrl.u32 s24, $0x1F;
	s0 =	sshra.s32 s0, $0x1F;
	v57 =	vsel vm4, s9, v57;
	vm8 =	vcmask $0x3734;
	v56 =	vsel vm13, s11, v56  }
0x272: {  	s13 =	sshra.s32 s24, $0x6;
	v55 =	vsel vm2, s12, v55;
	v57 =	vcombine.low v58, v57;
	v56 =	vsel vm8, s0, v56  }
0x273: {  	v25 =	vperm.xlane v25, v48;
	v55 =	vperm.xlane v55, v49;
	v56 =	vsel vm2, s13, v56  }
0x274: {  	v57 =	vperm.xlane v57, v48;
	v56 =	vperm.xlane v56, v49;
	_ =	sdelay $0x1  }
0x275: {  	v25 =	vsel vm9, v55, v25;
	v57 =	vsel vm9, v56, v57  }
0x276: {  	v25 =	vadd.s32 v25, v57  }
0x277: {  	v55 =	vmul.u32 $0xFFFFFF68, v25  }
0x278: {  	v26 =	vld [tilespmem:$0x1FF80];
	v59 =	vpop (erf)  }
0x279: {  	v62 =	vld [tilespmem:$0x4E90];
	v63 =	vpop (erf);
	v55 =	vadd.s32 v54, v55  }
0x27a: {  	vm0 =	vlt.s32 v54, $0x1;
	v61 =	vld [tilespmem:$0x4FD0];
	v58 =	vadd.f32 $1.000000000e+00, v63;
	vm1 =	vne.s32 v55, $0x0  }
0x27b: {  	v56 =	vld [tilespmem:$0x4890];
	v57 =	vadd.s32 $0x98, v55;
	vm0 =	vmand vm0, vm1;
	vm1 =	vlt.s32 v55, $0x0  }
0x27c: {  	(erf) = vrcp.f32 v58;
	v58 =	vld [tilespmem:$0x4F50];
	v55 =	vsel vm1, v57, v55  }
0x27d: {  	v59 =	vmax.f32 v59, $9.999999740e-05;
	v54 =	vld [tilespmem:$0x4F10];
	v55 =	vcvt.s32.f32 v55  }
0x27e: {  	v59 =	vmin.f32 v59, $9.998999830e-01;
	v57 =	vld [tilespmem:$0x4F90]  }
0x27f: {  	s14 =	simm.s32 $0x5000;
	v55 =	vadd.f32 v55, v59;
	v59 =	vld [tilespmem:$0x4ED0]  }
0x280: {  	[tilespmem:v26+s14+$0x0] =	vst.idx.msk $0xffff, v56;
	v26 =	vld [tilespmem:$0x1FF90];
	_ =	sdelay $0x7  }
0x281: {  	v60 =	vsel vm0, $0xFFFFFFFF, v9;
	[tilespmem:v26+s14+$0x0] =	vst.idx.msk $0xffff, v55;
	v26 =	vld [tilespmem:$0x1FFA0];
	_ =	sdelay $0x2  }
0x282: {  	v25 =	vadd.s32 v60, v25;
	v60 =	vpop (erf)  }
0x283: {  	v25 =	vcvt.s32.f32 v25;
	v60 =	vmax.f32 v60, $9.999999740e-05  }
0x284: {  	v60 =	vmin.f32 v60, $9.998999830e-01  }
0x285: {  	v25 =	vadd.f32 v25, v60;
	_ =	sdelay $0x1  }
0x286: {  	[tilespmem:v26+s14+$0x0] =	vst.idx.msk $0xffff, v25;
	v26 =	vld [tilespmem:$0x1FFB0];
	_ =	sdelay $0x3  }
0x287: {  	v63 =	vadd.s32 $0xA4, v50  }
0x288: {  	v56 =	vadd.s32 $0xA5, v50  }
0x289: {  	v55 =	vadd.s32 $0xA6, v50  }
0x28a: {  	v25 =	vadd.s32 $0xA7, v50  }
0x28b: {  	vm0 =	vlt.s32 v51, $0x1;
	vm1 =	vne.s32 v53, $0x0;
	v51 =	vadd.s32 $0xA8, v50;
	[tilespmem:v26+s14+$0x0] =	vst.idx.msk $0xffff, v54  }
0x28c: {  	vm0 =	vmand vm0, vm1;
	[tilespmem:v63+s14+$0x0] =	vst.idx.msk $0xffff, v58;
	v58 =	vadd.s32 $0xA9, v50  }
0x28d: {  	v60 =	vsel vm0, $0xFFFFFFFF, v9;
	[tilespmem:v56+s14+$0x0] =	vst.idx.msk $0xffff, v57  }
0x28e: {  	v52 =	vadd.s32 v60, v52;
	[tilespmem:v55+s14+$0x0] =	vst.idx.msk $0xffff, v61  }
0x28f: {  	v52 =	vcvt.s32.f32 v52;
	[tilespmem:v25+s14+$0x0] =	vst.idx.msk $0xffff, v62  }
0x290: {  	[tilespmem:v51+s14+$0x0] =	vst.idx.msk $0xffff, v59  }
0x291: {  	[tilespmem:v58+s14+$0x0] =	vst.idx.msk $0xffff, v52  }
0x292: {  	v51 =	vld [tilespmem:$0x4920];
	_ =	sdelay $0x4  }
0x293: {  	(v2sf) =	vpush v51, $0xD;
	_ =	sdelay $0x1  }
0x294: {  	(v2sf) =	vpush v51, $0xC;
	_ =	sdelay $0x1  }
0x295: {  	(v2sf) =	vpush v51, $0xE;
	_ =	sdelay $0x1  }
0x296: {  	(v2sf) =	vpush v51, $0xF  }
0x297: {  	(v2sf) =	vpush v51, $0x9;
	_ =	sdelay $0x3  }
0x298: {  	(v2sf) =	vpush v51, $0x8;
	_ =	sdelay $0x1  }
0x299: {  	(v2sf) =	vpush v51, $0xA;
	_ =	sdelay $0x1  }
0x29a: {  	(v2sf) =	vpush v51, $0xB;
	s15 =	spop (v2sf)  }
0x29b: {  	(v2sf) =	vpush v51, $0x0;
	s16 =	smulhi.u32 $0x5AC5242B, s15;
	s0 =	sshra.s32 s15, $0x1F  }
0x29c: {  	(v2sf) =	vpush v51, $0x1;
	s17 =	spop (v2sf);
	s0 =	smul.u32 $0x5AC5242B, s0  }
0x29d: {  	(v2sf) =	vpush v51, $0x2;
	s18 =	smulhi.u32 $0x5AC5242B, s17;
	s3 =	sshra.s32 s17, $0x1F  }
0x29e: {  	(v2sf) =	vpush v51, $0x3;
	s24 =	spop (v2sf);
	s3 =	smul.u32 $0x5AC5242B, s3  }
0x29f: {  	(v2sf) =	vpush v51, $0x4;
	s25 =	smulhi.u32 $0x5AC5242B, s24;
	s5 =	sshra.s32 s24, $0x1F  }
0x2a0: {  	(v2sf) =	vpush v51, $0x5;
	s28 =	spop (v2sf);
	s26 =	smul.u32 $0x5AC5242B, s5;
	s29 =	sadd.s32 s0, s16  }
0x2a1: {  	(v2sf) =	vpush v51, $0x6;
	s30 =	smulhi.u32 $0x5AC5242B, s28;
	s31 =	sshra.s32 s28, $0x1F;
	s1 =	spop (v2sf)  }
0x2a2: {  	(v2sf) =	vpush v51, $0x7;
	[smem:$0x7F8] =	sst s29;
	s8 =	smul.u32 $0x5AC5242B, s31  }
0x2a3: {  	s5 =	sshrl.u32 s29, $0x1F;
	s10 =	smulhi.u32 $0x5AC5242B, s1;
	s17 =	sshra.s32 s1, $0x1F  }
0x2a4: {  	[smem:$0x7F7] =	sst s5;
	s5 =	sadd.s32 s3, s18;
	s9 =	smul.u32 $0x5AC5242B, s17  }
0x2a5: {  	s18 =	spop (v2sf);
	s24 =	sadd.s32 s26, s25;
	s14 =	sshrl.u32 s5, $0x1F  }
0x2a6: {  	[smem:$0x7F9] =	sst s24;
	s25 =	smulhi.u32 $0x5AC5242B, s18;
	s4 =	sshra.s32 s18, $0x1F  }
0x2a7: {  	s12 =	sshrl.u32 s24, $0x1F;
	s28 =	spop (v2sf);
	s26 =	smul.u32 $0x5AC5242B, s4  }
0x2a8: {  	s5 =	sshra.s32 s5, $0xD;
	s15 =	smulhi.u32 $0x5AC5242B, s28;
	s29 =	sshra.s32 s28, $0x1F  }
0x2a9: {  	s4 =	sadd.s32 s8, s30;
	s30 =	spop (v2sf);
	s16 =	smul.u32 $0x5AC5242B, s29  }
0x2aa: {  	s17 =	smulhi.u32 $0x5AC5242B, s30;
	s8 =	sshra.s32 s30, $0x1F;
	s31 =	spop (v2sf)  }
0x2ab: {  	s3 =	sadd.s32 s9, s10;
	s18 =	smul.u32 $0x5AC5242B, s8;
	s1 =	spop (v2sf)  }
0x2ac: {  	s24 =	smulhi.u32 $0x5AC5242B, s31;
	s0 =	sshra.s32 s31, $0x1F;
	s10 =	spop (v2sf)  }
0x2ad: {  	s8 =	sadd.s32 s26, s25;
	s7 =	smul.u32 $0x5AC5242B, s0;
	s25 =	spop (v2sf)  }
0x2ae: {  	s26 =	smulhi.u32 $0x5AC5242B, s1;
	s31 =	sshra.s32 s1, $0x1F;
	s30 =	spop (v2sf)  }
0x2af: {  	s9 =	sadd.s32 s16, s15;
	s29 =	smul.u32 $0x5AC5242B, s31;
	s1 =	spop (v2sf)  }
0x2b0: {  	s31 =	smulhi.u32 $0x5AC5242B, s10;
	s6 =	sshra.s32 s10, $0x1F;
	s16 =	spop (v2sf)  }
0x2b1: {  	s13 =	sshrl.u32 s4, $0x1F;
	s15 =	smul.u32 $0x5AC5242B, s6;
	s0 =	spop (v2sf)  }
0x2b2: {  	s6 =	sadd.s32 s18, s17;
	s10 =	smulhi.u32 $0x5AC5242B, s0;
	s18 =	sshra.s32 s0, $0x1F  }
0x2b3: {  	s11 =	sshrl.u32 s3, $0x1F;
	s3 =	sshra.s32 s3, $0xD;
	s18 =	smul.u32 $0x5AC5242B, s18  }
0x2b4: {  	s28 =	sshrl.u32 s8, $0x1F;
	s24 =	sadd.s32 s7, s24;
	s26 =	sadd.s32 s29, s26  }
0x2b5: {  	s17 =	smulhi.u32 $0x5AC5242B, s25;
	s25 =	sshra.s32 s25, $0x1F;
	s7 =	sadd.s32 s18, s10  }
0x2b6: {  	s29 =	sshrl.u32 s9, $0x1F;
	s25 =	smul.u32 $0x5AC5242B, s25;
	s0 =	sshra.s32 s7, $0x1F  }
0x2b7: {  	v57 =	vmov s28;
	s18 =	sshrl.u32 s24, $0x1F;
	s10 =	sshra.s32 s30, $0x1F;
	v25 =	vmov s0;
	s0 =	sshra.s32 s24, $0xD  }
0x2b8: {  	v54 =	vsel vm6, s11, v57;
	v25 =	vsel vm12, s0, v25;
	s0 =	smul.u32 $0x5AC5242B, s10;
	s10 =	sshra.s32 s24, $0x1F;
	s24 =	sld [smem:$0x7F7]  }
0x2b9: {  	vm11 =	vcmask $0x704;
	s8 =	sshra.s32 s8, $0xD;
	s15 =	sadd.s32 s15, s31;
	s31 =	sshrl.u32 s6, $0x1F;
	v54 =	vsel vm7, s29, v54  }
0x2ba: {  	vm5 =	vcmask $0x1F1C;
	v63 =	vmov s14;
	s14 =	sshrl.u32 s15, $0x1F;
	v54 =	vsel vm4, s31, v54;
	s31 =	sld [smem:$0x7F8];
	s17 =	sadd.s32 s25, s17  }
0x2bb: {  	vm1 =	vcmask $0xF0C;
	s25 =	smulhi.u32 $0x5AC5242B, s30;
	s28 =	sshra.s32 s17, $0x1F;
	v25 =	vsel vm11, s10, v25;
	v52 =	vsel vm6, s24, v63;
	s24 =	sshra.s32 s26, $0xD  }
0x2bc: {  	vm0 =	vmmov vm13;
	v56 =	vmov s18;
	s18 =	smulhi.u32 $0x5AC5242B, s1;
	s1 =	sshra.s32 s1, $0x1F;
	v25 =	vsel vm6, s24, v25;
	s24 =	sshra.s32 s26, $0x1F  }
0x2bd: {  	v58 =	vmov s5;
	s30 =	sshrl.u32 s26, $0x1F;
	s1 =	smul.u32 $0x5AC5242B, s1;
	v52 =	vsel vm7, s12, v52;
	s26 =	sshra.s32 s15, $0xD;
	v25 =	vsel vm1, s24, v25  }
0x2be: {  	v53 =	vnsel vm12, $0x0, v56;
	s15 =	sshra.s32 s15, $0x1F;
	v52 =	vsel vm4, s13, v52;
	s13 =	smulhi.u32 $0x5AC5242B, s16;
	s16 =	sshra.s32 s16, $0x1F;
	v25 =	vsel vm7, s26, v25  }
0x2bf: {  	v59 =	vmov s8;
	v53 =	vsel vm6, s30, v53;
	s0 =	sadd.s32 s0, s25;
	s24 =	sshra.s32 s17, $0xD;
	s30 =	smul.u32 $0x5AC5242B, s16;
	v25 =	vsel vm10, s15, v25  }
0x2c0: {  	v55 =	vsel vm6, s3, v59;
	v53 =	vsel vm7, s14, v53;
	s1 =	sadd.s32 s1, s18;
	s12 =	sshrl.u32 s17, $0x1F;
	s16 =	sshrl.u32 s0, $0x1F;
	v25 =	vsel vm4, s24, v25  }
0x2c1: {  	v53 =	vsel vm4, s12, v53;
	v52 =	vcombine.low v54, v52;
	s26 =	sadd.s32 s30, s13;
	s30 =	sshra.s32 s0, $0xD;
	s13 =	sld [smem:$0x7F9];
	v25 =	vsel vm5, s28, v25  }
0x2c2: {  	s10 =	sshra.s32 s31, $0xD;
	s25 =	sshrl.u32 s1, $0x1F;
	v53 =	vsel vm14, s16, v53;
	s0 =	sshra.s32 s0, $0x1F;
	v25 =	vsel vm14, s30, v25;
	vm14 =	vcmask $0x2724  }
0x2c3: {  	s11 =	sshra.s32 s1, $0xD;
	v54 =	vsel vm6, s10, v58;
	v53 =	vsel vm15, s25, v53;
	s29 =	sshrl.u32 s26, $0x1F;
	v25 =	vsel vm14, s0, v25  }
0x2c4: {  	s14 =	sshra.s32 s9, $0xD;
	s15 =	sshra.s32 s1, $0x1F;
	v53 =	vsel vm13, s29, v53;
	vm13 =	vcmask $0x2F2C;
	s5 =	sshra.s32 s13, $0xD;
	v25 =	vsel vm15, s11, v25  }
0x2c5: {  	v55 =	vsel vm7, s14, v55;
	s17 =	sshra.s32 s6, $0xD;
	s16 =	sshra.s32 s4, $0xD;
	s18 =	sshra.s32 s26, $0xD;
	v54 =	vsel vm7, s5, v54;
	v25 =	vsel vm13, s15, v25  }
0x2c6: {  	v55 =	vsel vm4, s17, v55;
	s24 =	sshrl.u32 s7, $0x1F;
	s25 =	sshra.s32 s26, $0x1F;
	v54 =	vsel vm4, s16, v54;
	v25 =	vsel vm0, s18, v25  }
0x2c7: {  	s26 =	sshra.s32 s7, $0xD;
	v53 =	vsel vm2, s24, v53;
	v54 =	vcombine.low v55, v54;
	v25 =	vsel vm8, s25, v25  }
0x2c8: {  	v52 =	vperm.xlane v52, v48;
	v53 =	vperm.xlane v53, v49;
	v25 =	vsel vm2, s26, v25  }
0x2c9: {  	v54 =	vperm.xlane v54, v48;
	v25 =	vperm.xlane v25, v49;
	_ =	sdelay $0x1  }
0x2ca: {  	v52 =	vsel vm9, v53, v52;
	v25 =	vsel vm9, v25, v54  }
0x2cb: {  	v52 =	vadd.s32 v52, v25  }
0x2cc: {  	v25 =	vmul.u32 $0xFFFFA5C0, v52;
	_ =	sdelay $0x1  }
0x2cd: {  	v53 =	vadd.s32 v51, v25  }
0x2ce: {  	vm0 =	vlt.s32 v53, $0x0;
	v25 =	vadd.s32 $0x5A40, v53  }
0x2cf: {  	v54 =	vsel vm0, v25, v53  }
0x2d0: {  	(v2sf) =	vpush v54, $0xD;
	_ =	sdelay $0x1  }
0x2d1: {  	(v2sf) =	vpush v54, $0xC;
	_ =	sdelay $0x1  }
0x2d2: {  	(v2sf) =	vpush v54, $0xE  }
0x2d3: {  	(v2sf) =	vpush v54, $0xF;
	_ =	sdelay $0x1  }
0x2d4: {  	(v2sf) =	vpush v54, $0x9;
	_ =	sdelay $0x1  }
0x2d5: {  	(v2sf) =	vpush v54, $0x8;
	_ =	sdelay $0x1  }
0x2d6: {  	(v2sf) =	vpush v54, $0xA;
	_ =	sdelay $0x1  }
0x2d7: {  	(v2sf) =	vpush v54, $0xB;
	_ =	sdelay $0x1  }
0x2d8: {  	(v2sf) =	vpush v54, $0x0;
	s28 =	spop (v2sf)  }
0x2d9: {  	s29 =	smulhi.u32 $0x6BCA1AF3, s28;
	s0 =	sshra.s32 s28, $0x1F  }
0x2da: {  	(v2sf) =	vpush v54, $0x1;
	s30 =	spop (v2sf);
	s0 =	smul.u32 $0x6BCA1AF3, s0  }
0x2db: {  	s31 =	smulhi.u32 $0x6BCA1AF3, s30;
	s3 =	sshra.s32 s30, $0x1F  }
0x2dc: {  	s7 =	spop (v2sf);
	s6 =	smul.u32 $0x6BCA1AF3, s3  }
0x2dd: {  	s8 =	smulhi.u32 $0x6BCA1AF3, s7;
	s11 =	spop (v2sf)  }
0x2de: {  	(v2sf) =	vpush v54, $0x2;
	s1 =	sadd.s32 s0, s29;
	s13 =	smulhi.u32 $0x6BCA1AF3, s11  }
0x2df: {  	(v2sf) =	vpush v54, $0x3;
	s15 =	spop (v2sf);
	[dreg:$0x1c] =	wrdreg s1  }
0x2e0: {  	(v2sf) =	vpush v54, $0x4;
	s10 =	sshrl.u32 s1, $0x1F;
	s1 =	sshra.s32 s7, $0x1F;
	s16 =	smulhi.u32 $0x6BCA1AF3, s15  }
0x2e1: {  	(v2sf) =	vpush v54, $0x5;
	s18 =	spop (v2sf);
	s9 =	smul.u32 $0x6BCA1AF3, s1  }
0x2e2: {  	(v2sf) =	vpush v54, $0x6;
	s1 =	sshra.s32 s11, $0x1F;
	s24 =	smulhi.u32 $0x6BCA1AF3, s18  }
0x2e3: {  	v25 =	vld [tilespmem:$0x4E20];
	(v2sf) =	vpush v54, $0x7;
	s26 =	spop (v2sf);
	s14 =	smul.u32 $0x6BCA1AF3, s1  }
0x2e4: {  	s12 =	sadd.s32 s6, s31;
	s1 =	sshra.s32 s15, $0x1F;
	s28 =	smulhi.u32 $0x6BCA1AF3, s26  }
0x2e5: {  	s6 =	sshrl.u32 s12, $0x1F;
	s29 =	spop (v2sf);
	s17 =	smul.u32 $0x6BCA1AF3, s1  }
0x2e6: {  	s3 =	sadd.s32 s9, s8;
	s1 =	sshra.s32 s18, $0x1F;
	s15 =	smulhi.u32 $0x6BCA1AF3, s29  }
0x2e7: {  	s4 =	sshra.s32 s29, $0x1F;
	s30 =	spop (v2sf);
	s25 =	smul.u32 $0x6BCA1AF3, s1  }
0x2e8: {  	v25 =	vsub.f32 $0.0e+00, v25;
	[dreg:$0x1e] =	wrdreg s3;
	s1 =	sshra.s32 s26, $0x1F;
	s4 =	smul.u32 $0x6BCA1AF3, s4  }
0x2e9: {  	s8 =	sshrl.u32 s3, $0x1F;
	s31 =	spop (v2sf);
	s1 =	smul.u32 $0x6BCA1AF3, s1  }
0x2ea: {  	v25 =	vmul.f32 $1.442695020e+00, v25;
	s11 =	sadd.s32 s14, s13;
	s7 =	sadd.s32 s17, s16;
	s26 =	smulhi.u32 $0x6BCA1AF3, s31  }
0x2eb: {  	s16 =	sshra.s32 s30, $0x1F;
	s5 =	sadd.s32 s25, s24;
	s24 =	smulhi.u32 $0x6BCA1AF3, s30  }
0x2ec: {  	(erf) = vpow2.f32 v25;
	s9 =	sshrl.u32 s11, $0x1F;
	s18 =	sshra.s32 s31, $0x1F;
	s14 =	smul.u32 $0x6BCA1AF3, s16  }
0x2ed: {  	s0 =	spop (v2sf);
	s13 =	sshrl.u32 s7, $0x1F;
	s18 =	smul.u32 $0x6BCA1AF3, s18  }
0x2ee: {  	s16 =	spop (v2sf);
	s31 =	smulhi.u32 $0x6BCA1AF3, s0;
	s25 =	sshra.s32 s0, $0x1F  }
0x2ef: {  	s4 =	sadd.s32 s4, s15;
	s3 =	sadd.s32 s1, s28;
	s28 =	spop (v2sf)  }
0x2f0: {  	v55 =	vld [tilespmem:$0x4E60];
	s7 =	sshra.s32 s7, $0x6;
	s17 =	sshrl.u32 s5, $0x1F;
	s30 =	spop (v2sf)  }
0x2f1: {  	s15 =	smul.u32 $0x6BCA1AF3, s25;
	s5 =	sshra.s32 s5, $0x6;
	s0 =	spop (v2sf)  }
0x2f2: {  	s29 =	sshrl.u32 s3, $0x1F;
	s14 =	sadd.s32 s14, s24;
	s1 =	spop (v2sf)  }
0x2f3: {  	s18 =	sadd.s32 s18, s26;
	s24 =	smulhi.u32 $0x6BCA1AF3, s1;
	s25 =	sshra.s32 s1, $0x1F  }
0x2f4: {  	v25 =	vmov s6;
	s26 =	sshrl.u32 s4, $0x1F;
	v60 =	vmov s17;
	s15 =	sadd.s32 s15, s31;
	s25 =	smul.u32 $0x6BCA1AF3, s25  }
0x2f5: {  	v55 =	vsub.f32 $0.0e+00, v55;
	v63 =	vpop (erf);
	v25 =	vsel vm6, s10, v25;
	s3 =	sshra.s32 s3, $0x6;
	s31 =	sshrl.u32 s14, $0x1F;
	v56 =	vsel vm6, s13, v60;
	s10 =	sshrl.u32 s15, $0x1F  }
0x2f6: {  	v59 =	vadd.f32 $1.000000000e+00, v63;
	v25 =	vsel vm7, s8, v25;
	v56 =	vsel vm7, s29, v56;
	s29 =	sshra.s32 s18, $0x1F;
	s8 =	smulhi.u32 $0x6BCA1AF3, s28;
	s6 =	sadd.s32 s25, s24  }
0x2f7: {  	v55 =	vmul.f32 $1.442695020e+00, v55;
	s24 =	smulhi.u32 $0x6BCA1AF3, s16;
	s16 =	sshra.s32 s16, $0x1F;
	s25 =	sshra.s32 s6, $0x1F  }
0x2f8: {  	vm15 =	vmmov vm2;
	(erf) = vrcp.f32 v59;
	s17 =	sshra.s32 s28, $0x1F;
	s28 =	sshra.s32 s14, $0x6;
	s16 =	smul.u32 $0x6BCA1AF3, s16;
	v61 =	vmov s25  }
0x2f9: {  	vm2 =	vmmov vm11;
	(erf) = vpow2.f32 v55;
	s14 =	sshra.s32 s14, $0x1F;
	s13 =	smul.u32 $0x6BCA1AF3, s17;
	s25 =	sshra.s32 s30, $0x1F;
	v57 =	vsel vm12, s28, v61  }
0x2fa: {  	v25 =	vsel vm4, s9, v25;
	v62 =	vmov s31;
	s9 =	sadd.s32 s16, s24;
	s16 =	smulhi.u32 $0x6BCA1AF3, s30;
	s28 =	sshra.s32 s18, $0x6;
	v57 =	vsel vm11, s14, v57  }
0x2fb: {  	v63 =	vmov s5;
	s31 =	sshra.s32 s15, $0x6;
	v58 =	vnsel vm12, $0x0, v62;
	s1 =	sshrl.u32 s18, $0x1F;
	s17 =	smul.u32 $0x6BCA1AF3, s25;
	v57 =	vsel vm6, s28, v57  }
0x2fc: {  	v56 =	vsel vm4, s26, v56;
	s8 =	sadd.s32 s13, s8;
	v58 =	vsel vm6, s1, v58;
	s30 =	smulhi.u32 $0x6BCA1AF3, s0;
	s0 =	sshra.s32 s0, $0x1F;
	v57 =	vsel vm1, s29, v57  }
0x2fd: {  	v25 =	vcombine.low v56, v25;
	v58 =	vsel vm7, s10, v58;
	s24 =	sshrl.u32 s9, $0x1F;
	s0 =	smul.u32 $0x6BCA1AF3, s0;
	s14 =	sshra.s32 s15, $0x1F;
	v57 =	vsel vm7, s31, v57  }
0x2fe: {  	s13 =	sshrl.u32 s8, $0x1F;
	v58 =	vsel vm4, s24, v58;
	s15 =	sadd.s32 s17, s16;
	s16 =	sshra.s32 s9, $0x6;
	vm1 =	vcmask $0x2320;
	v57 =	vsel vm10, s14, v57  }
0x2ff: {  	vm12 =	vcmask $0x2B28;
	s18 =	sshra.s32 s9, $0x1F;
	s17 =	sshrl.u32 s15, $0x1F;
	s0 =	sadd.s32 s0, s30;
	v58 =	vsel vm1, s13, v58;
	v57 =	vsel vm4, s16, v57  }
0x300: {  	s26 =	sshra.s32 s12, $0x6;
	s25 =	sshra.s32 s8, $0x6;
	vm11 =	vcmask $0x3330;
	s24 =	sshrl.u32 s0, $0x1F;
	v58 =	vsel vm12, s17, v58;
	v57 =	vsel vm5, s18, v57  }
0x301: {  	s10 =	sshra.s32 s4, $0x6;
	s28 =	sshra.s32 s8, $0x1F;
	s29 =	rddreg [dreg:$0x1c];
	v60 =	vsel vm11, s24, v58;
	v58 =	vsel vm6, s7, v63;
	v61 =	vsel vm1, s25, v57  }
0x302: {  	v62 =	vmov s26;
	s30 =	sshra.s32 s15, $0x6;
	s8 =	sshra.s32 s29, $0x6;
	s31 =	rddreg [dreg:$0x1e];
	v58 =	vsel vm7, s3, v58;
	v56 =	vsel vm14, s28, v61  }
0x303: {  	s5 =	sshra.s32 s31, $0x6;
	v57 =	vsel vm6, s8, v62;
	s8 =	sshra.s32 s15, $0x1F;
	v58 =	vsel vm4, s10, v58;
	v56 =	vsel vm12, s30, v56  }
0x304: {  	s9 =	sshra.s32 s11, $0x6;
	s11 =	sshra.s32 s0, $0x6;
	v57 =	vsel vm7, s5, v57;
	v56 =	vsel vm13, s8, v56  }
0x305: {  	s12 =	sshrl.u32 s6, $0x1F;
	s0 =	sshra.s32 s0, $0x1F;
	v57 =	vsel vm4, s9, v57;
	v56 =	vsel vm11, s11, v56  }
0x306: {  	s13 =	sshra.s32 s6, $0x6;
	v55 =	vsel vm15, s12, v60;
	v57 =	vcombine.low v58, v57;
	v58 =	vpop (erf);
	v56 =	vsel vm8, s0, v56  }
0x307: {  	v25 =	vperm.xlane v25, v48;
	v55 =	vperm.xlane v55, v49;
	v60 =	vpop (erf);
	v56 =	vsel vm15, s13, v56  }
0x308: {  	v57 =	vperm.xlane v57, v48;
	v62 =	vadd.f32 $1.000000000e+00, v60;
	v56 =	vperm.xlane v56, v49;
	_ =	sdelay $0x1  }
0x309: {  	v25 =	vsel vm9, v55, v25;
	(erf) = vrcp.f32 v62;
	v61 =	vsel vm9, v56, v57  }
0x30a: {  	v25 =	vadd.s32 v25, v61  }
0x30b: {  	v55 =	vmul.u32 $0xFFFFFF68, v25;
	_ =	sdelay $0x1  }
0x30c: {  	v55 =	vadd.s32 v54, v55  }
0x30d: {  	vm0 =	vlt.s32 v54, $0x1;
	vm1 =	vne.s32 v55, $0x0  }
0x30e: {  	v28 =	vadd.s32 $0x143, v50;
	v27 =	vld [tilespmem:$0x4EA0];
	v60 =	vadd.s32 $0x140, v50;
	vm0 =	vmand vm0, vm1  }
0x30f: {  	v54 =	vld [tilespmem:$0x48A0];
	v57 =	vadd.s32 $0x98, v55;
	v63 =	vsel vm0, $0xFFFFFFFF, v9;
	vm0 =	vlt.s32 v55, $0x0  }
0x310: {  	v26 =	vadd.s32 $0x142, v50;
	v59 =	vld [tilespmem:$0x4F60];
	v61 =	vadd.s32 $0x141, v50;
	v55 =	vsel vm0, v57, v55  }
0x311: {  	v58 =	vmax.f32 v58, $9.999999740e-05;
	v56 =	vld [tilespmem:$0x4F20];
	v62 =	vpop (erf);
	v25 =	vadd.s32 v63, v25;
	v55 =	vcvt.s32.f32 v55  }
0x312: {  	v58 =	vmin.f32 v58, $9.998999830e-01;
	v57 =	vld [tilespmem:$0x4FA0];
	v62 =	vmax.f32 v62, $9.999999740e-05;
	v25 =	vcvt.s32.f32 v25  }
0x313: {  	v29 =	vadd.s32 $0x144, v50;
	s14 =	simm.s32 $0x5000;
	v63 =	vld [tilespmem:$0x4FE0];
	v62 =	vmin.f32 v62, $9.998999830e-01;
	v55 =	vadd.f32 v55, v58  }
0x314: {  	v58 =	vld [tilespmem:$0x4EE0];
	v25 =	vadd.f32 v25, v62;
	[tilespmem:v60+s14+$0x0] =	vst.idx.msk $0xffff, v54;
	v60 =	vadd.s32 $0x145, v50  }
0x315: {  	v62 =	vadd.s32 $0x146, v50;
	[tilespmem:v61+s14+$0x0] =	vst.idx.msk $0xffff, v55  }
0x316: {  	[tilespmem:v26+s14+$0x0] =	vst.idx.msk $0xffff, v25;
	v25 =	vadd.s32 $0x147, v50  }
0x317: {  	vm1 =	vne.s32 v53, $0x0;
	vm0 =	vlt.s32 v51, $0x1;
	v26 =	vadd.s32 $0x148, v50;
	[tilespmem:v28+s14+$0x0] =	vst.idx.msk $0xffff, v56  }
0x318: {  	vm0 =	vmand vm0, vm1;
	v28 =	vadd.s32 $0x149, v50;
	[tilespmem:v29+s14+$0x0] =	vst.idx.msk $0xffff, v59  }
0x319: {  	v29 =	vsel vm0, $0xFFFFFFFF, v9;
	[tilespmem:v60+s14+$0x0] =	vst.idx.msk $0xffff, v57  }
0x31a: {  	v29 =	vadd.s32 v29, v52;
	[tilespmem:v62+s14+$0x0] =	vst.idx.msk $0xffff, v63  }
0x31b: {  	v29 =	vcvt.s32.f32 v29;
	[tilespmem:v25+s14+$0x0] =	vst.idx.msk $0xffff, v27  }
0x31c: {  	[tilespmem:v26+s14+$0x0] =	vst.idx.msk $0xffff, v58  }
0x31d: {  	[tilespmem:v28+s14+$0x0] =	vst.idx.msk $0xffff, v29  }
0x31e: {  	v51 =	vld [tilespmem:$0x4930];
	_ =	sdelay $0x4  }
0x31f: {  	(v2sf) =	vpush v51, $0xD;
	_ =	sdelay $0x1  }
0x320: {  	(v2sf) =	vpush v51, $0xC;
	_ =	sdelay $0x1  }
0x321: {  	(v2sf) =	vpush v51, $0xE;
	_ =	sdelay $0x1  }
0x322: {  	(v2sf) =	vpush v51, $0xF  }
0x323: {  	(v2sf) =	vpush v51, $0x9;
	_ =	sdelay $0x2  }
0x324: {  	(v2sf) =	vpush v51, $0x8;
	_ =	sdelay $0x1  }
0x325: {  	(v2sf) =	vpush v51, $0xA;
	_ =	sdelay $0x1  }
0x326: {  	(v2sf) =	vpush v51, $0xB  }
0x327: {  	s15 =	spop (v2sf)  }
0x328: {  	(v2sf) =	vpush v51, $0x0;
	s16 =	smulhi.u32 $0x5AC5242B, s15;
	s0 =	sshra.s32 s15, $0x1F  }
0x329: {  	(v2sf) =	vpush v51, $0x1;
	s17 =	spop (v2sf);
	s0 =	smul.u32 $0x5AC5242B, s0  }
0x32a: {  	(v2sf) =	vpush v51, $0x2;
	s18 =	smulhi.u32 $0x5AC5242B, s17;
	s3 =	sshra.s32 s17, $0x1F  }
0x32b: {  	(v2sf) =	vpush v51, $0x3;
	s24 =	spop (v2sf);
	s3 =	smul.u32 $0x5AC5242B, s3  }
0x32c: {  	(v2sf) =	vpush v51, $0x4;
	s25 =	smulhi.u32 $0x5AC5242B, s24;
	s5 =	sshra.s32 s24, $0x1F  }
0x32d: {  	s28 =	spop (v2sf);
	(v2sf) =	vpush v51, $0x5;
	s26 =	smul.u32 $0x5AC5242B, s5;
	s29 =	sadd.s32 s0, s16  }
0x32e: {  	s30 =	smulhi.u32 $0x5AC5242B, s28;
	s31 =	sshra.s32 s28, $0x1F;
	(v2sf) =	vpush v51, $0x6;
	s1 =	spop (v2sf)  }
0x32f: {  	[smem:$0x7FB] =	sst s29;
	s5 =	sshrl.u32 s29, $0x1F;
	s8 =	smul.u32 $0x5AC5242B, s31;
	(v2sf) =	vpush v51, $0x7  }
0x330: {  	s10 =	smulhi.u32 $0x5AC5242B, s1;
	s17 =	sshra.s32 s1, $0x1F;
	[smem:$0x7FA] =	sst s5  }
0x331: {  	s5 =	sadd.s32 s3, s18;
	s9 =	smul.u32 $0x5AC5242B, s17;
	s18 =	spop (v2sf)  }
0x332: {  	s24 =	sadd.s32 s26, s25;
	s25 =	smulhi.u32 $0x5AC5242B, s18;
	s4 =	sshra.s32 s18, $0x1F  }
0x333: {  	s14 =	sshrl.u32 s5, $0x1F;
	s28 =	spop (v2sf);
	s26 =	smul.u32 $0x5AC5242B, s4  }
0x334: {  	[smem:$0x7FC] =	sst s24;
	s15 =	smulhi.u32 $0x5AC5242B, s28;
	s29 =	sshra.s32 s28, $0x1F  }
0x335: {  	s4 =	sadd.s32 s8, s30;
	s30 =	spop (v2sf);
	s16 =	smul.u32 $0x5AC5242B, s29  }
0x336: {  	s12 =	sshrl.u32 s24, $0x1F;
	s17 =	smulhi.u32 $0x5AC5242B, s30;
	s8 =	sshra.s32 s30, $0x1F  }
0x337: {  	s3 =	sadd.s32 s9, s10;
	s31 =	spop (v2sf);
	s18 =	smul.u32 $0x5AC5242B, s8  }
0x338: {  	s24 =	smulhi.u32 $0x5AC5242B, s31;
	s0 =	sshra.s32 s31, $0x1F;
	s1 =	spop (v2sf)  }
0x339: {  	s8 =	sadd.s32 s26, s25;
	s7 =	smul.u32 $0x5AC5242B, s0;
	s10 =	spop (v2sf)  }
0x33a: {  	s26 =	smulhi.u32 $0x5AC5242B, s1;
	s31 =	sshra.s32 s1, $0x1F;
	s25 =	spop (v2sf)  }
0x33b: {  	s13 =	sshrl.u32 s4, $0x1F;
	s29 =	smul.u32 $0x5AC5242B, s31;
	s30 =	spop (v2sf)  }
0x33c: {  	s31 =	smulhi.u32 $0x5AC5242B, s10;
	s6 =	sshra.s32 s10, $0x1F;
	s1 =	spop (v2sf)  }
0x33d: {  	s9 =	sadd.s32 s16, s15;
	s15 =	smul.u32 $0x5AC5242B, s6;
	s16 =	spop (v2sf)  }
0x33e: {  	s6 =	sadd.s32 s18, s17;
	s17 =	smulhi.u32 $0x5AC5242B, s25;
	s0 =	spop (v2sf)  }
0x33f: {  	s11 =	sshrl.u32 s3, $0x1F;
	s10 =	smulhi.u32 $0x5AC5242B, s0;
	s18 =	sshra.s32 s0, $0x1F  }
0x340: {  	s3 =	sshra.s32 s3, $0xD;
	s25 =	sshra.s32 s25, $0x1F;
	s18 =	smul.u32 $0x5AC5242B, s18  }
0x341: {  	s28 =	sshrl.u32 s8, $0x1F;
	s8 =	sshra.s32 s8, $0xD;
	s25 =	smul.u32 $0x5AC5242B, s25  }
0x342: {  	s24 =	sadd.s32 s7, s24;
	s26 =	sadd.s32 s29, s26;
	s7 =	sadd.s32 s18, s10  }
0x343: {  	s17 =	sadd.s32 s25, s17;
	s25 =	smulhi.u32 $0x5AC5242B, s30;
	s0 =	sshra.s32 s7, $0x1F  }
0x344: {  	vm10 =	vcmask $0x1714;
	vm0 =	vcmask $0x300;
	s18 =	sshrl.u32 s24, $0x1F;
	s10 =	sshra.s32 s30, $0x1F;
	v25 =	vmov s0;
	s0 =	sshra.s32 s24, $0xD  }
0x345: {  	vm5 =	vmmov vm15;
	vm14 =	vcmask $0x2320;
	v25 =	vsel vm0, s0, v25;
	s0 =	smul.u32 $0x5AC5242B, s10;
	s10 =	sshra.s32 s24, $0x1F;
	s24 =	sld [smem:$0x7FA]  }
0x346: {  	vm15 =	vmmov vm12;
	vm1 =	vcmask $0xF0C;
	s15 =	sadd.s32 s15, s31;
	v27 =	vmov s18;
	s18 =	smulhi.u32 $0x5AC5242B, s1;
	s1 =	sshra.s32 s1, $0x1F  }
0x347: {  	v26 =	vmov s14;
	v28 =	vmov s28;
	v29 =	vmov s8;
	s29 =	sshrl.u32 s9, $0x1F;
	s14 =	sshrl.u32 s15, $0x1F;
	s1 =	smul.u32 $0x5AC5242B, s1  }
0x348: {  	s30 =	sshrl.u32 s26, $0x1F;
	v27 =	vnsel vm0, $0x0, v27;
	v25 =	vsel vm2, s10, v25;
	s10 =	sshrl.u32 s17, $0x1F;
	v26 =	vsel vm6, s24, v26;
	s24 =	sshra.s32 s26, $0xD  }
0x349: {  	v27 =	vsel vm6, s30, v27;
	s1 =	sadd.s32 s1, s18;
	s0 =	sadd.s32 s0, s25;
	v26 =	vsel vm7, s12, v26;
	v25 =	vsel vm6, s24, v25;
	s24 =	sshra.s32 s26, $0x1F  }
0x34a: {  	v27 =	vsel vm7, s14, v27;
	s26 =	sshra.s32 s15, $0xD;
	v26 =	vsel vm4, s13, v26;
	s13 =	smulhi.u32 $0x5AC5242B, s16;
	s16 =	sshra.s32 s16, $0x1F;
	v25 =	vsel vm1, s24, v25  }
0x34b: {  	v28 =	vsel vm6, s11, v28;
	v27 =	vsel vm4, s10, v27;
	s15 =	sshra.s32 s15, $0x1F;
	s30 =	smul.u32 $0x5AC5242B, s16;
	v25 =	vsel vm7, s26, v25;
	s16 =	sshrl.u32 s0, $0x1F  }
0x34c: {  	v28 =	vsel vm7, s29, v28;
	s31 =	sshrl.u32 s6, $0x1F;
	s18 =	sshra.s32 s17, $0xD;
	s24 =	sshrl.u32 s1, $0x1F;
	v25 =	vsel vm10, s15, v25;
	v27 =	vsel vm14, s16, v27  }
0x34d: {  	s26 =	sshra.s32 s17, $0x1F;
	s25 =	sadd.s32 s30, s13;
	v25 =	vsel vm4, s18, v25;
	v27 =	vsel vm12, s24, v27;
	vm12 =	vcmask $0x1F1C;
	s30 =	sld [smem:$0x7FB]  }
0x34e: {  	s8 =	sld [smem:$0x7FC];
	v29 =	vsel vm6, s3, v29;
	v28 =	vsel vm4, s31, v28;
	s29 =	sshra.s32 s0, $0xD;
	v25 =	vsel vm12, s26, v25  }
0x34f: {  	s5 =	sshra.s32 s5, $0xD;
	vm2 =	vmmov vm0;
	vm0 =	vcmask $0x2724;
	s0 =	sshra.s32 s0, $0x1F;
	v25 =	vsel vm14, s29, v25  }
0x350: {  	s9 =	sshra.s32 s9, $0xD;
	s31 =	sshra.s32 s1, $0xD;
	v26 =	vcombine.low v28, v26;
	v28 =	vmov s5;
	s10 =	sshra.s32 s30, $0xD;
	v25 =	vsel vm0, s0, v25  }
0x351: {  	v29 =	vsel vm7, s9, v29;
	s5 =	sshra.s32 s8, $0xD;
	s13 =	sshra.s32 s6, $0xD;
	v28 =	vsel vm6, s10, v28;
	v25 =	vsel vm15, s31, v25;
	s10 =	sshra.s32 s1, $0x1F  }
0x352: {  	s11 =	sshra.s32 s4, $0xD;
	s28 =	sshrl.u32 s25, $0x1F;
	s14 =	sshra.s32 s25, $0xD;
	v29 =	vsel vm4, s13, v29;
	v28 =	vsel vm7, s5, v28;
	v25 =	vsel vm13, s10, v25  }
0x353: {  	s15 =	sshrl.u32 s7, $0x1F;
	s16 =	sshra.s32 s25, $0x1F;
	v27 =	vsel vm11, s28, v27;
	v28 =	vsel vm4, s11, v28;
	v25 =	vsel vm11, s14, v25  }
0x354: {  	s17 =	sshra.s32 s7, $0xD;
	v27 =	vsel vm5, s15, v27;
	v28 =	vcombine.low v29, v28;
	v25 =	vsel vm8, s16, v25  }
0x355: {  	v26 =	vperm.xlane v26, v48;
	v27 =	vperm.xlane v27, v49;
	v25 =	vsel vm5, s17, v25  }
0x356: {  	v28 =	vperm.xlane v28, v48;
	v25 =	vperm.xlane v25, v49;
	_ =	sdelay $0x1  }
0x357: {  	v26 =	vsel vm9, v27, v26;
	v25 =	vsel vm9, v25, v28  }
0x358: {  	v52 =	vadd.s32 v26, v25  }
0x359: {  	v25 =	vmul.u32 $0xFFFFA5C0, v52;
	_ =	sdelay $0x1  }
0x35a: {  	v53 =	vadd.s32 v51, v25  }
0x35b: {  	vm0 =	vlt.s32 v53, $0x0;
	v25 =	vadd.s32 $0x5A40, v53  }
0x35c: {  	v57 =	vsel vm0, v25, v53  }
0x35d: {  	(v2sf) =	vpush v57, $0xD;
	_ =	sdelay $0x1  }
0x35e: {  	(v2sf) =	vpush v57, $0xC;
	_ =	sdelay $0x1  }
0x35f: {  	(v2sf) =	vpush v57, $0xE;
	_ =	sdelay $0x1  }
0x360: {  	(v2sf) =	vpush v57, $0xF;
	_ =	sdelay $0x1  }
0x361: {  	(v2sf) =	vpush v57, $0x9;
	_ =	sdelay $0x1  }
0x362: {  	(v2sf) =	vpush v57, $0x8;
	_ =	sdelay $0x1  }
0x363: {  	(v2sf) =	vpush v57, $0xA;
	_ =	sdelay $0x1  }
0x364: {  	(v2sf) =	vpush v57, $0xB  }
0x365: {  	s18 =	spop (v2sf)  }
0x366: {  	(v2sf) =	vpush v57, $0x0;
	s1 =	smulhi.u32 $0x6BCA1AF3, s18;
	s0 =	sshra.s32 s18, $0x1F  }
0x367: {  	s24 =	spop (v2sf);
	s0 =	smul.u32 $0x6BCA1AF3, s0  }
0x368: {  	(v2sf) =	vpush v57, $0x1;
	s4 =	smulhi.u32 $0x6BCA1AF3, s24;
	s3 =	sshra.s32 s24, $0x1F  }
0x369: {  	s25 =	spop (v2sf);
	s3 =	smul.u32 $0x6BCA1AF3, s3  }
0x36a: {  	(v2sf) =	vpush v57, $0x2;
	s8 =	smulhi.u32 $0x6BCA1AF3, s25;
	s5 =	sshra.s32 s25, $0x1F  }
0x36b: {  	(v2sf) =	vpush v57, $0x3;
	s26 =	spop (v2sf);
	s5 =	smul.u32 $0x6BCA1AF3, s5  }
0x36c: {  	(v2sf) =	vpush v57, $0x4;
	s12 =	smulhi.u32 $0x6BCA1AF3, s26;
	s6 =	sshra.s32 s26, $0x1F  }
0x36d: {  	(v2sf) =	vpush v57, $0x5;
	s28 =	spop (v2sf);
	s6 =	smul.u32 $0x6BCA1AF3, s6  }
0x36e: {  	(v2sf) =	vpush v57, $0x6;
	s13 =	smulhi.u32 $0x6BCA1AF3, s28;
	s7 =	sshra.s32 s28, $0x1F  }
0x36f: {  	(v2sf) =	vpush v57, $0x7;
	s29 =	spop (v2sf);
	s16 =	smul.u32 $0x6BCA1AF3, s7  }
0x370: {  	s18 =	smulhi.u32 $0x6BCA1AF3, s29;
	s29 =	sshra.s32 s29, $0x1F  }
0x371: {  	s0 =	sadd.s32 s0, s1;
	s30 =	spop (v2sf);
	s24 =	smul.u32 $0x6BCA1AF3, s29  }
0x372: {  	[smem:$0x7FD] =	sst s0;
	s26 =	smulhi.u32 $0x6BCA1AF3, s30;
	s30 =	sshra.s32 s30, $0x1F  }
0x373: {  	v25 =	vld [tilespmem:$0x4E30];
	s7 =	sadd.s32 s3, s4;
	s31 =	spop (v2sf);
	s29 =	smul.u32 $0x6BCA1AF3, s30  }
0x374: {  	s3 =	sadd.s32 s5, s8;
	s30 =	smulhi.u32 $0x6BCA1AF3, s31;
	s31 =	sshra.s32 s31, $0x1F  }
0x375: {  	s12 =	sadd.s32 s6, s12;
	s15 =	spop (v2sf);
	s14 =	smul.u32 $0x6BCA1AF3, s31  }
0x376: {  	s13 =	sadd.s32 s16, s13;
	s31 =	smulhi.u32 $0x6BCA1AF3, s15;
	s4 =	sshra.s32 s15, $0x1F  }
0x377: {  	s17 =	spop (v2sf);
	s15 =	sshrl.u32 s0, $0x1F;
	s1 =	smul.u32 $0x6BCA1AF3, s4  }
0x378: {  	v25 =	vsub.f32 $0.0e+00, v25;
	s0 =	sshrl.u32 s7, $0x1F;
	s8 =	smulhi.u32 $0x6BCA1AF3, s17;
	s5 =	sshra.s32 s17, $0x1F  }
0x379: {  	s9 =	spop (v2sf);
	s17 =	sshrl.u32 s3, $0x1F;
	s4 =	smul.u32 $0x6BCA1AF3, s5  }
0x37a: {  	v25 =	vmul.f32 $1.442695020e+00, v25;
	s25 =	spop (v2sf);
	s16 =	smulhi.u32 $0x6BCA1AF3, s9;
	s6 =	sshra.s32 s9, $0x1F  }
0x37b: {  	s9 =	sadd.s32 s24, s18;
	s18 =	sshrl.u32 s12, $0x1F;
	s28 =	spop (v2sf)  }
0x37c: {  	(erf) = vpow2.f32 v25;
	s5 =	sadd.s32 s29, s26;
	s24 =	smul.u32 $0x6BCA1AF3, s6;
	s11 =	spop (v2sf)  }
0x37d: {  	s26 =	smulhi.u32 $0x6BCA1AF3, s25;
	s25 =	sshra.s32 s25, $0x1F;
	s10 =	spop (v2sf)  }
0x37e: {  	s6 =	sadd.s32 s14, s30;
	s14 =	smul.u32 $0x6BCA1AF3, s25;
	s30 =	spop (v2sf)  }
0x37f: {  	v26 =	vld [tilespmem:$0x4E70];
	v25 =	vmov s0;
	s1 =	sadd.s32 s1, s31;
	s31 =	smulhi.u32 $0x6BCA1AF3, s30;
	s25 =	sshra.s32 s30, $0x1F  }
0x380: {  	v25 =	vsel vm6, s15, v25;
	s29 =	sshrl.u32 s9, $0x1F;
	s15 =	sshrl.u32 s5, $0x1F;
	s25 =	smul.u32 $0x6BCA1AF3, s25  }
0x381: {  	s9 =	sshra.s32 s9, $0x6;
	s4 =	sadd.s32 s4, s8;
	v27 =	vmov s29;
	s29 =	sshra.s32 s1, $0x6  }
0x382: {  	s16 =	sadd.s32 s24, s16;
	s24 =	smulhi.u32 $0x6BCA1AF3, s28;
	s8 =	sadd.s32 s25, s31  }
0x383: {  	vm0 =	vcmask $0x704;
	s28 =	sshra.s32 s28, $0x1F;
	s14 =	sadd.s32 s14, s26;
	s31 =	sshra.s32 s8, $0x1F  }
0x384: {  	v26 =	vsub.f32 $0.0e+00, v26;
	v25 =	vsel vm7, s17, v25;
	s26 =	sshrl.u32 s16, $0x1F;
	s30 =	sshrl.u32 s13, $0x1F;
	s25 =	smul.u32 $0x6BCA1AF3, s28;
	v28 =	vmov s31  }
0x385: {  	v58 =	vpop (erf);
	v25 =	vsel vm4, s18, v25;
	s18 =	sshra.s32 s16, $0x1F;
	v27 =	vsel vm6, s30, v27;
	s30 =	sshrl.u32 s1, $0x1F;
	s1 =	sshra.s32 s1, $0x1F;
	v28 =	vsel vm2, s29, v28  }
0x386: {  	v55 =	vadd.f32 $1.000000000e+00, v58;
	v27 =	vsel vm7, s15, v27;
	s15 =	smulhi.u32 $0x6BCA1AF3, s11;
	s0 =	sadd.s32 s25, s24;
	s25 =	sshra.s32 s4, $0x6;
	v28 =	vsel vm0, s1, v28  }
0x387: {  	v26 =	vmul.f32 $1.442695020e+00, v26;
	v29 =	vmov s30;
	s11 =	sshra.s32 s11, $0x1F;
	s31 =	sshrl.u32 s4, $0x1F;
	s4 =	sshra.s32 s4, $0x1F;
	v28 =	vsel vm6, s25, v28  }
0x388: {  	(erf) = vrcp.f32 v55;
	s28 =	sshrl.u32 s6, $0x1F;
	v29 =	vnsel vm2, $0x0, v29;
	s11 =	smul.u32 $0x6BCA1AF3, s11;
	s29 =	sshra.s32 s16, $0x6;
	v28 =	vsel vm1, s4, v28  }
0x389: {  	s30 =	sshrl.u32 s14, $0x1F;
	v27 =	vsel vm4, s28, v27;
	s28 =	smulhi.u32 $0x6BCA1AF3, s10;
	s10 =	sshra.s32 s10, $0x1F;
	v29 =	vsel vm6, s31, v29;
	v28 =	vsel vm7, s29, v28  }
0x38a: {  	(erf) = vpow2.f32 v26;
	s24 =	sadd.s32 s11, s15;
	s31 =	smul.u32 $0x6BCA1AF3, s10;
	v29 =	vsel vm7, s26, v29;
	s26 =	sshra.s32 s14, $0x6;
	v28 =	vsel vm10, s18, v28  }
0x38b: {  	v59 =	vmov s9;
	v29 =	vsel vm4, s30, v29;
	s25 =	sshrl.u32 s0, $0x1F;
	s29 =	sshra.s32 s14, $0x1F;
	s14 =	sld [smem:$0x7FD];
	v28 =	vsel vm4, s26, v28  }
0x38c: {  	v25 =	vcombine.low v27, v25;
	v29 =	vsel vm14, s25, v29;
	s4 =	sadd.s32 s31, s28;
	s28 =	sshrl.u32 s24, $0x1F;
	s31 =	sshra.s32 s0, $0x6;
	v28 =	vsel vm12, s29, v28  }
0x38d: {  	s7 =	sshra.s32 s7, $0x6;
	vm0 =	vcmask $0x2724;
	s0 =	sshra.s32 s0, $0x1F;
	v29 =	vsel vm15, s28, v29;
	s30 =	sshrl.u32 s4, $0x1F;
	v28 =	vsel vm14, s31, v28  }
0x38e: {  	s15 =	sshra.s32 s13, $0x6;
	s16 =	sshra.s32 s24, $0x6;
	v26 =	vsel vm11, s30, v29;
	v29 =	vmov s7;
	s7 =	sshra.s32 s14, $0x6;
	v28 =	vsel vm0, s0, v28  }
0x38f: {  	s3 =	sshra.s32 s3, $0x6;
	v55 =	vsel vm6, s15, v59;
	s1 =	sshra.s32 s24, $0x1F;
	s18 =	sshra.s32 s5, $0x6;
	v29 =	vsel vm6, s7, v29;
	v28 =	vsel vm15, s16, v28  }
0x390: {  	s17 =	sshra.s32 s12, $0x6;
	s24 =	sshra.s32 s6, $0x6;
	s25 =	sshra.s32 s4, $0x6;
	v55 =	vsel vm7, s18, v55;
	v29 =	vsel vm7, s3, v29;
	v28 =	vsel vm13, s1, v28  }
0x391: {  	s28 =	sshra.s32 s4, $0x1F;
	s26 =	sshrl.u32 s8, $0x1F;
	v55 =	vsel vm4, s24, v55;
	v29 =	vsel vm4, s17, v29;
	v27 =	vsel vm11, s25, v28  }
0x392: {  	v26 =	vsel vm5, s26, v26;
	s29 =	sshra.s32 s8, $0x6;
	v28 =	vcombine.low v55, v29;
	v27 =	vsel vm8, s28, v27  }
0x393: {  	v25 =	vperm.xlane v25, v48;
	v26 =	vperm.xlane v26, v49;
	v27 =	vsel vm5, s29, v27  }
0x394: {  	v29 =	vpop (erf);
	v28 =	vperm.xlane v28, v48;
	v27 =	vperm.xlane v27, v49  }
0x395: {  	v60 =	vpop (erf)  }
0x396: {  	v25 =	vsel vm9, v26, v25;
	v26 =	vsel vm9, v27, v28;
	v27 =	vadd.f32 $1.000000000e+00, v60;
	_ =	sdelay $0x1  }
0x397: {  	(erf) = vrcp.f32 v27  }
0x398: {  	v25 =	vadd.s32 v25, v26  }
0x399: {  	v26 =	vmul.u32 $0xFFFFFF68, v25;
	_ =	sdelay $0x1  }
0x39a: {  	v26 =	vadd.s32 v57, v26  }
0x39b: {  	vm0 =	vlt.s32 v57, $0x1;
	vm1 =	vne.s32 v26, $0x0  }
0x39c: {  	v56 =	vadd.s32 $0x1E0, v50;
	v62 =	vadd.s32 $0x1E3, v50;
	v54 =	vld [tilespmem:$0x4FB0];
	vm0 =	vmand vm0, vm1  }
0x39d: {  	v27 =	vld [tilespmem:$0x48B0];
	v61 =	vadd.s32 $0x98, v26;
	v28 =	vsel vm0, $0xFFFFFFFF, v9;
	vm0 =	vlt.s32 v26, $0x0  }
0x39e: {  	v59 =	vld [tilespmem:$0x4FF0];
	v29 =	vmax.f32 v29, $9.999999740e-05;
	v57 =	vadd.s32 $0x1E1, v50;
	v26 =	vsel vm0, v61, v26  }
0x39f: {  	v55 =	vld [tilespmem:$0x4F70];
	v60 =	vadd.s32 $0x1E2, v50;
	v25 =	vadd.s32 v28, v25;
	v26 =	vcvt.s32.f32 v26;
	v58 =	vpop (erf)  }
0x3a0: {  	v29 =	vmin.f32 v29, $9.998999830e-01;
	v28 =	vld [tilespmem:$0x4F30];
	v25 =	vcvt.s32.f32 v25;
	v58 =	vmax.f32 v58, $9.999999740e-05  }
0x3a1: {  	v63 =	vadd.s32 $0x1E4, v50;
	s30 =	simm.s32 $0x5000;
	v61 =	vld [tilespmem:$0x4EB0];
	v26 =	vadd.f32 v26, v29;
	v58 =	vmin.f32 v58, $9.998999830e-01  }
0x3a2: {  	v29 =	vld [tilespmem:$0x4EF0];
	[tilespmem:v56+s30+$0x0] =	vst.idx.msk $0x3, v27;
	v27 =	vadd.s32 $0x1E5, v50;
	v25 =	vadd.f32 v25, v58  }
0x3a3: {  	[tilespmem:v57+s30+$0x0] =	vst.idx.msk $0x3, v26;
	v26 =	vadd.s32 $0x1E6, v50  }
0x3a4: {  	[tilespmem:v60+s30+$0x0] =	vst.idx.msk $0x3, v25;
	v25 =	vadd.s32 $0x1E7, v50  }
0x3a5: {  	vm1 =	vne.s32 v53, $0x0;
	vm0 =	vlt.s32 v51, $0x1;
	[tilespmem:v62+s30+$0x0] =	vst.idx.msk $0x3, v28;
	v28 =	vadd.s32 $0x1E8, v50  }
0x3a6: {  	vm0 =	vmand vm0, vm1;
	v62 =	vadd.s32 $0x1E9, v50;
	[tilespmem:v63+s30+$0x0] =	vst.idx.msk $0x3, v55  }
0x3a7: {  	v63 =	vsel vm0, $0xFFFFFFFF, v9;
	[tilespmem:v27+s30+$0x0] =	vst.idx.msk $0x3, v54  }
0x3a8: {  	v27 =	vadd.s32 v63, v52;
	[tilespmem:v26+s30+$0x0] =	vst.idx.msk $0x3, v59  }
0x3a9: {  	v26 =	vcvt.s32.f32 v27;
	[tilespmem:v25+s30+$0x0] =	vst.idx.msk $0x3, v61  }
0x3aa: {  	[tilespmem:v28+s30+$0x0] =	vst.idx.msk $0x3, v29  }
0x3ab: {  	s6 =	simm.s32 $0x2;
	s31 =	rddreg [dreg:$0x12];
	[tilespmem:v62+s30+$0x0] =	vst.idx.msk $0x3, v26  }
0x3ac: {  	[hbm4b:s31+s2] =	stream.linear.scatter [tilespmem:s30], [sflag:$0x2], $0x200, $0x38;
	[tilespmem:$0x5200] =	vst v63  }
0x3ad: {  	_ =	swait.ge [sflag:s6], $0x200  }
0x3ae: {  	s10 =	rddreg [dreg:$0x9]  }
0x3af: {  	v26 =	vld [tilespmem:$0x1FFC0];
	s11 =	rddreg [dreg:$0xa]  }
0x3b0: {  	v27 =	vld [tilespmem:$0x1FFD0];
	s12 =	rddreg [dreg:$0xb]  }
0x3b1: {  	[sflag:s6] =	ssyncset.done $0x0;
	v28 =	vld [tilespmem:$0x1FFE0];
	s4 =	rddreg [dreg:$0x13]  }
0x3b2: {  	vm4 =	vcmask $0x3F10;
	v29 =	vld [tilespmem:$0x1FFF0];
	s7 =	rddreg [dreg:$0x14];
	[sflag:s6] =	ssyncadd.s32 $0xFFFFFE00  }
.LBB2_9:
0x3b3: {  	s7 =	sadd.s32 $0x1, s7  }
0x3b4: {  	p1 =	sne.s32 s7, s4  }
.Ltmp1:
0x3b5: {  	_ = 	snop;
	(pc) =	sbr.rel @!p1 .LBB2_10-.Ltmp1, $1  }
0x3b6: {  	_ =	sdelay $0x3  }
.LBB2_1:
0x3b7: {  	[tilespmem:s2], [sflag:$0x2] =	stream.linear.gather [hbm4b:s10+s2], $0x43B0, $0x38;
	[tilespmem:$0x5200] =	vst v63  }
0x3b8: {  	_ =	swait.ge [sflag:s6], $0x43B0  }
0x3b9: {  	[sflag:s6] =	ssyncset.done $0x0  }
0x3ba: {  	[sflag:s6] =	ssyncadd.s32 $0xFFFFBC50  }
0x3bb: {  	[tilespmem:$0x4880] =	vst v37  }
0x3bc: {  	[tilespmem:$0x4900] =	vst v9  }
0x3bd: {  	[tilespmem:$0x4890] =	vst v37  }
0x3be: {  	v51 =	vadd.s32 s2, v6;
	[tilespmem:$0x4910] =	vst v9  }
0x3bf: {  	v52 =	vadd.s32 s2, v10;
	[tilespmem:$0x48A0] =	vst v37  }
0x3c0: {  	v53 =	vadd.s32 s2, v11;
	[tilespmem:$0x4920] =	vst v9  }
0x3c1: {  	v54 =	vadd.s32 s2, v12;
	[tilespmem:$0x48B0] =	vst v37  }
0x3c2: {  	v55 =	vadd.s32 s2, v13;
	[tilespmem:$0x4930] =	vst v9  }
0x3c3: {  	v56 =	vadd.s32 s2, v14;
	v51 =	vld.idx.msk [tilespmem:v51+s2+$0x0], $0xffff  }
0x3c4: {  	v57 =	vadd.s32 s2, v15;
	v52 =	vld.idx.msk [tilespmem:v52+s2+$0x0], $0xffff  }
0x3c5: {  	v58 =	vadd.s32 s2, v16;
	v53 =	vld.idx.msk [tilespmem:v53+s2+$0x0], $0xffff  }
0x3c6: {  	v59 =	vadd.s32 s2, v17;
	v54 =	vld.idx.msk [tilespmem:v54+s2+$0x0], $0xffff  }
0x3c7: {  	v60 =	vadd.s32 s2, v18;
	v55 =	vld.idx.msk [tilespmem:v55+s2+$0x0], $0xffff  }
0x3c8: {  	v61 =	vadd.s32 s2, v19;
	v56 =	vld.idx.msk [tilespmem:v56+s2+$0x0], $0xffff;
	v51 =	vmax.f32 v51, $-1.000000000e+00  }
0x3c9: {  	v62 =	vadd.s32 s2, v20;
	v57 =	vld.idx.msk [tilespmem:v57+s2+$0x0], $0xffff;
	v51 =	vmax.f32 v51, v52  }
0x3ca: {  	v52 =	vld.idx.msk [tilespmem:v58+s2+$0x0], $0xffff;
	v58 =	vadd.s32 s2, v21;
	v51 =	vmax.f32 v51, v53  }
0x3cb: {  	v53 =	vld.idx.msk [tilespmem:v59+s2+$0x0], $0xffff;
	v59 =	vadd.s32 s2, v22;
	v51 =	vmax.f32 v51, v54  }
0x3cc: {  	v54 =	vld.idx.msk [tilespmem:v60+s2+$0x0], $0xffff;
	v60 =	vadd.s32 s2, v23;
	v51 =	vmax.f32 v51, v55  }
0x3cd: {  	v55 =	vld.idx.msk [tilespmem:v61+s2+$0x0], $0xffff;
	v61 =	vadd.s32 s2, v24;
	v51 =	vmax.f32 v51, v56  }
0x3ce: {  	v62 =	vld.idx.msk [tilespmem:v62+s2+$0x0], $0xffff;
	v51 =	vmax.f32 v51, v57  }
0x3cf: {  	v63 =	vld.idx.msk [tilespmem:v58+s2+$0x0], $0xffff;
	v51 =	vmax.f32 v51, v52  }
0x3d0: {  	v52 =	vld.idx.msk [tilespmem:v59+s2+$0x0], $0xffff;
	v51 =	vmax.f32 v51, v53  }
0x3d1: {  	v53 =	vld.idx.msk [tilespmem:v60+s2+$0x0], $0xffff;
	v51 =	vmax.f32 v51, v54  }
0x3d2: {  	v54 =	vld.idx.msk [tilespmem:v61+s2+$0x0], $0xffff;
	v51 =	vmax.f32 v51, v55  }
0x3d3: {  	s0 =	simm.s32 $0x10;
	v51 =	vmax.f32 v51, v62  }
0x3d4: {  	v62 =	vadd.s32 s0, v6;
	v51 =	vmax.f32 v51, v63  }
0x3d5: {  	v63 =	vadd.s32 s0, v10;
	v51 =	vmax.f32 v51, v52  }
0x3d6: {  	v60 =	vadd.s32 s0, v11;
	v51 =	vmax.f32 v51, v53  }
0x3d7: {  	v61 =	vadd.s32 s0, v12;
	v51 =	vmax.f32 v51, v54  }
0x3d8: {  	v54 =	vadd.s32 s0, v13;
	[tilespmem:s19+$0x0] =	vst v51  }
0x3d9: {  	v57 =	vadd.s32 s0, v14;
	v55 =	vld.idx.msk [tilespmem:v62+s2+$0x0], $0xffff  }
0x3da: {  	v58 =	vadd.s32 s0, v15;
	v56 =	vld.idx.msk [tilespmem:v63+s2+$0x0], $0xffff  }
0x3db: {  	v59 =	vadd.s32 s0, v16;
	v52 =	vld.idx.msk [tilespmem:v60+s2+$0x0], $0xffff  }
0x3dc: {  	v53 =	vld.idx.msk [tilespmem:v61+s2+$0x0], $0xffff;
	v60 =	vadd.s32 s0, v17  }
0x3dd: {  	v61 =	vadd.s32 s0, v18;
	v54 =	vld.idx.msk [tilespmem:v54+s2+$0x0], $0xffff  }
0x3de: {  	v57 =	vld.idx.msk [tilespmem:v57+s2+$0x0], $0xffff;
	v55 =	vmax.f32 v55, $-1.000000000e+00  }
0x3df: {  	v62 =	vadd.s32 s0, v19;
	v58 =	vld.idx.msk [tilespmem:v58+s2+$0x0], $0xffff;
	v55 =	vmax.f32 v55, v56  }
0x3e0: {  	v63 =	vadd.s32 s0, v20;
	v56 =	vld.idx.msk [tilespmem:v59+s2+$0x0], $0xffff;
	v52 =	vmax.f32 v55, v52  }
0x3e1: {  	v59 =	vadd.s32 s0, v21;
	v55 =	vld.idx.msk [tilespmem:v60+s2+$0x0], $0xffff;
	v52 =	vmax.f32 v52, v53  }
0x3e2: {  	v53 =	vld.idx.msk [tilespmem:v61+s2+$0x0], $0xffff;
	v52 =	vmax.f32 v52, v54;
	v54 =	vadd.s32 s0, v22  }
0x3e3: {  	v52 =	vmax.f32 v52, v57;
	v57 =	vadd.s32 s0, v23  }
0x3e4: {  	v60 =	vld.idx.msk [tilespmem:v62+s2+$0x0], $0xffff;
	v62 =	vadd.s32 s0, v24;
	v52 =	vmax.f32 v52, v58  }
0x3e5: {  	v61 =	vld.idx.msk [tilespmem:v63+s2+$0x0], $0xffff;
	v52 =	vmax.f32 v52, v56  }
0x3e6: {  	v59 =	vld.idx.msk [tilespmem:v59+s2+$0x0], $0xffff;
	v52 =	vmax.f32 v52, v55  }
0x3e7: {  	v52 =	vmax.f32 v52, v53;
	v53 =	vld.idx.msk [tilespmem:v54+s2+$0x0], $0xffff  }
0x3e8: {  	v54 =	vld.idx.msk [tilespmem:v57+s2+$0x0], $0xffff  }
0x3e9: {  	v55 =	vld.idx.msk [tilespmem:v62+s2+$0x0], $0xffff;
	v52 =	vmax.f32 v52, v60  }
0x3ea: {  	s5 =	simm.s32 $0x20;
	v63 =	vmax.f32 v52, v61  }
0x3eb: {  	s1 =	simm.s32 $0x30;
	v51 =	vmax.f32 v37, v51;
	s0 =	simm.s32 $0x4400;
	v52 =	vadd.s32 s5, v6;
	v56 =	vmax.f32 v63, v59  }
.LBB2_2:
0x3ec: {  	p1 =	sne.s32 s1, $0x420;
	v57 =	vadd.s32 s5, v10;
	v53 =	vmax.f32 v56, v53  }
0x3ed: {  	v56 =	vadd.s32 s5, v11;
	v53 =	vmax.f32 v53, v54  }
0x3ee: {  	s0 =	sadd.s32 $0x10, s0;
	v54 =	vadd.s32 s5, v12;
	v53 =	vmax.f32 v53, v55  }
0x3ef: {  	v55 =	vadd.s32 s5, v13;
	[tilespmem:s0+$0x0] =	vst v53;
	v51 =	vmax.f32 v51, v53  }
0x3f0: {  	v53 =	vadd.s32 s5, v14;
	v52 =	vld.idx.msk [tilespmem:v52+s2+$0x0], $0xffff  }
0x3f1: {  	v58 =	vadd.s32 s5, v15;
	v57 =	vld.idx.msk [tilespmem:v57+s2+$0x0], $0xffff  }
0x3f2: {  	v59 =	vadd.s32 s5, v16;
	v56 =	vld.idx.msk [tilespmem:v56+s2+$0x0], $0xffff  }
0x3f3: {  	v60 =	vadd.s32 s5, v17;
	v54 =	vld.idx.msk [tilespmem:v54+s2+$0x0], $0xffff  }
0x3f4: {  	v61 =	vadd.s32 s5, v18;
	v55 =	vld.idx.msk [tilespmem:v55+s2+$0x0], $0xffff  }
0x3f5: {  	v62 =	vadd.s32 s5, v19;
	v53 =	vld.idx.msk [tilespmem:v53+s2+$0x0], $0xffff  }
0x3f6: {  	v63 =	vadd.s32 s5, v20;
	v52 =	vmax.f32 v52, $-1.000000000e+00;
	v58 =	vld.idx.msk [tilespmem:v58+s2+$0x0], $0xffff  }
0x3f7: {  	v52 =	vmax.f32 v52, v57;
	v57 =	vld.idx.msk [tilespmem:v59+s2+$0x0], $0xffff;
	v59 =	vadd.s32 s5, v21  }
0x3f8: {  	v52 =	vmax.f32 v52, v56;
	v56 =	vld.idx.msk [tilespmem:v60+s2+$0x0], $0xffff;
	v60 =	vadd.s32 s5, v22  }
0x3f9: {  	v52 =	vmax.f32 v52, v54;
	v54 =	vadd.s32 s5, v23;
	v61 =	vld.idx.msk [tilespmem:v61+s2+$0x0], $0xffff  }
0x3fa: {  	v52 =	vmax.f32 v52, v55;
	v55 =	vadd.s32 s5, v24;
	s5 =	smov.u32 s1;
	v62 =	vld.idx.msk [tilespmem:v62+s2+$0x0], $0xffff  }
0x3fb: {  	v52 =	vmax.f32 v52, v53;
	v63 =	vld.idx.msk [tilespmem:v63+s2+$0x0], $0xffff  }
0x3fc: {  	v52 =	vmax.f32 v52, v58;
	v58 =	vld.idx.msk [tilespmem:v59+s2+$0x0], $0xffff  }
0x3fd: {  	v52 =	vmax.f32 v52, v57;
	v53 =	vld.idx.msk [tilespmem:v60+s2+$0x0], $0xffff  }
.Ltmp2:
0x3fe: {  	v52 =	vmax.f32 v52, v56;
	v54 =	vld.idx.msk [tilespmem:v54+s2+$0x0], $0xffff;
	(pc) =	sbr.rel @p1 .LBB2_2-.Ltmp2, $4  }
0x3ff: {  	v52 =	vmax.f32 v52, v61;
	v55 =	vld.idx.msk [tilespmem:v55+s2+$0x0], $0xffff  }
0x400: {  	v52 =	vmax.f32 v52, v62  }
0x401: {  	v56 =	vmax.f32 v52, v63  }
0x402: {  	s1 =	sadd.s32 $0x10, s1;
	v52 =	vadd.s32 s5, v6;
	v56 =	vmax.f32 v56, v58  }
0x403: {  	v57 =	vadd.s32 s5, v10;
	v53 =	vmax.f32 v56, v53  }
0x404: {  	v60 =	vadd.s32 s5, v11;
	v53 =	vmax.f32 v53, v54  }
0x405: {  	s0 =	sadd.s32 $0x10, s0;
	v54 =	vadd.s32 s5, v12;
	v53 =	vmax.f32 v53, v55  }
0x406: {  	v55 =	vadd.s32 s5, v13;
	[tilespmem:s0+$0x0] =	vst v53  }
0x407: {  	v58 =	vadd.s32 s5, v14;
	v52 =	vld.idx.msk [tilespmem:v52+s2+$0x0], $0xffff  }
0x408: {  	v59 =	vadd.s32 s5, v15;
	v57 =	vld.idx.msk [tilespmem:v57+s2+$0x0], $0xffff  }
0x409: {  	v56 =	vld.idx.msk [tilespmem:v60+s2+$0x0], $0xffff;
	v60 =	vadd.s32 s5, v16  }
0x40a: {  	v61 =	vadd.s32 s5, v17;
	v54 =	vld.idx.msk [tilespmem:v54+s2+$0x0], $0xffff  }
0x40b: {  	v62 =	vadd.s32 s5, v18;
	v55 =	vld.idx.msk [tilespmem:v55+s2+$0x0], $0xffff  }
0x40c: {  	v63 =	vadd.s32 s5, v19;
	v58 =	vld.idx.msk [tilespmem:v58+s2+$0x0], $0xffff;
	v52 =	vmax.f32 v52, $-1.000000000e+00  }
0x40d: {  	v59 =	vld.idx.msk [tilespmem:v59+s2+$0x0], $0xffff;
	v52 =	vmax.f32 v52, v57;
	v57 =	vadd.s32 s5, v20  }
0x40e: {  	v60 =	vld.idx.msk [tilespmem:v60+s2+$0x0], $0xffff;
	v52 =	vmax.f32 v52, v56;
	v56 =	vadd.s32 s5, v21  }
0x40f: {  	v61 =	vld.idx.msk [tilespmem:v61+s2+$0x0], $0xffff;
	v52 =	vmax.f32 v52, v54;
	v54 =	vadd.s32 s5, v22  }
0x410: {  	v62 =	vld.idx.msk [tilespmem:v62+s2+$0x0], $0xffff;
	v52 =	vmax.f32 v52, v55;
	v55 =	vadd.s32 s5, v23  }
0x411: {  	v63 =	vld.idx.msk [tilespmem:v63+s2+$0x0], $0xffff;
	v52 =	vmax.f32 v52, v58;
	v58 =	vadd.s32 s5, v24  }
0x412: {  	v57 =	vld.idx.msk [tilespmem:v57+s2+$0x0], $0xffff;
	v52 =	vmax.f32 v52, v59  }
0x413: {  	v56 =	vld.idx.msk [tilespmem:v56+s2+$0x0], $0xffff;
	v52 =	vmax.f32 v52, v60  }
0x414: {  	v54 =	vld.idx.msk [tilespmem:v54+s2+$0x0], $0xffff;
	v52 =	vmax.f32 v52, v61  }
0x415: {  	v55 =	vld.idx.msk [tilespmem:v55+s2+$0x0], $0xffff;
	v52 =	vmax.f32 v52, v62  }
0x416: {  	v58 =	vld.idx.msk [tilespmem:v58+s2+$0x0], $0xffff;
	v52 =	vmax.f32 v52, v63  }
0x417: {  	v52 =	vmax.f32 v52, v57  }
0x418: {  	v52 =	vmax.f32 v52, v56  }
0x419: {  	v25 =	vld [tilespmem:$0x1FED0];
	v52 =	vmax.f32 v52, v54  }
0x41a: {  	v52 =	vmax.f32 v52, v55  }
0x41b: {  	s0 =	sadd.s32 $0x10, s0;
	v52 =	vmax.f32 v52, v58  }
0x41c: {  	s3 =	simm.s32 $0x0;
	[tilespmem:s0+$0x0] =	vst v52  }
0x41d: {  	v61 =	vld.idx.msk [tilespmem:v26+s3+$0x0], $0xffff  }
0x41e: {  	v55 =	vld.idx.msk [tilespmem:v27+s3+$0x0], $0xffff  }
0x41f: {  	v62 =	vld.idx.msk [tilespmem:v28+s3+$0x0], $0xffff  }
0x420: {  	v63 =	vld.idx.msk [tilespmem:v29+s3+$0x0], $0xffff  }
0x421: {  	v60 =	vld.idx.msk [tilespmem:v25+s3+$0x0], $0xffff  }
0x422: {  	v54 =	vmax.f32 v61, $-1.000000000e+00;
	v61 =	vld.idx.msk [tilespmem:v30+s3+$0x0], $0xffff  }
0x423: {  	v54 =	vmax.f32 v54, v55;
	v55 =	vld.idx.msk [tilespmem:v31+s3+$0x0], $0xffff  }
0x424: {  	v54 =	vmax.f32 v54, v62;
	v62 =	vld.idx.msk [tilespmem:v32+s3+$0x0], $0xffff  }
0x425: {  	v54 =	vmax.f32 v54, v63;
	v63 =	vld.idx.msk [tilespmem:v34+s3+$0x0], $0xffff  }
0x426: {  	v54 =	vmax.f32 v54, v60;
	v60 =	vld.idx.msk [tilespmem:v35+s3+$0x0], $0xffff  }
0x427: {  	v54 =	vmax.f32 v54, v61;
	v61 =	vld.idx.msk [tilespmem:v36+s3+$0x0], $0xffff  }
0x428: {  	v54 =	vmax.f32 v54, v55  }
0x429: {  	v54 =	vmax.f32 v54, v62  }
0x42a: {  	v54 =	vmax.f32 v54, v63  }
0x42b: {  	v51 =	vmax.f32 v51, v53;
	v62 =	vmax.f32 v54, v60  }
0x42c: {  	v51 =	vmax.f32 v51, v52;
	v63 =	vmax.f32 v62, v61  }
0x42d: {  	[tilespmem:$0x4830] =	vst v63;
	v51 =	vmax.f32 v51, v63  }
.LBB2_4:
0x42e: {  	(xrf0) =	vmax.scan.msk.f32 $0xffff, v51;
	_ =	sdelay $0x5  }
0x42f: {  	v52, _, _ =	vpop (xrf0)  }
0x430: {  	v52 =	vbroadcast v52, $0xF;
	_ =	sdelay $0x1  }
0x431: {  	vm1 =	veq.f32 v51, v52  }
0x432: {  	v53 =	vmctz.xlane vm1;
	_ =	sdelay $0x1  }
0x433: {  	v54 =	vadd.s32 v41, v53  }
0x434: {  	v55 =	vadd.s32 v40, v53  }
0x435: {  	v56 =	vadd.s32 v39, v53  }
0x436: {  	v57 =	vadd.s32 v38, v53  }
0x437: {  	v58 =	vadd.s32 v33, v53  }
0x438: {  	v54 =	vld.idx.msk [tilespmem:v54+s19+$0x0], $0xffff  }
0x439: {  	v55 =	vld.idx.msk [tilespmem:v55+s19+$0x0], $0xffff  }
0x43a: {  	v56 =	vld.idx.msk [tilespmem:v56+s19+$0x0], $0xffff  }
0x43b: {  	v57 =	vld.idx.msk [tilespmem:v57+s19+$0x0], $0xffff  }
0x43c: {  	v58 =	vld.idx.msk [tilespmem:v58+s19+$0x0], $0xffff  }
0x43d: {  	vm13 =	veq.f32 v54, v52  }
0x43e: {  	vm14 =	veq.f32 v55, v52;
	v59 =	vnsel vm13, $0xC0000000, v42  }
0x43f: {  	vm15 =	veq.f32 v56, v52;
	v59 =	vsel vm14, v43, v59  }
0x440: {  	vm5 =	veq.f32 v57, v52;
	v59 =	vsel vm15, v44, v59  }
0x441: {  	vm1 =	veq.f32 v58, v52;
	v59 =	vsel vm5, v45, v59  }
0x442: {  	v59 =	vsel vm1, v46, v59  }
0x443: {  	(xrf0) =	vmin.scan.msk.u32 $0xffff, v59;
	_ =	sdelay $0x5  }
0x444: {  	v59, _, _ =	vpop (xrf0)  }
0x445: {  	(v2sf) =	vpush v59, $0xF;
	_ =	sdelay $0xe  }
0x446: {  	s0 =	spop (v2sf)  }
0x447: {  	v59 =	vmul.u32 $0x43B, v53;
	s0 =	sshll.u32 s0, $0x4  }
0x448: {  	v60 =	vor.u32 s0, v3  }
0x449: {  	v61 =	vadd.s32 v59, v60  }
0x44a: {  	vm0 =	vlt.s32 v61, $0x43AF  }
0x44b: {  	v61 =	vnsel vm0, $0x43AF, v61;
	_ =	sdelay $0x4  }
0x44c: {  	v62 =	vld.idx.msk [tilespmem:v61+s2+$0x0], $0xffff;
	_ =	sdelay $0x2  }
0x44d: {  	v63 =	vsel vm1, $0x1, v9;
	v25 =	vsel vm5, $0x1, v9  }
0x44e: {  	vm9 =	vmand vm13, vm3;
	v25 =	vadd.s32 v63, v25  }
0x44f: {  	v63 =	vsel vm15, $0x1, v9;
	vm8 =	vlt.s32 v60, $0x43B;
	vm0 =	veq.f32 v62, v52  }
0x450: {  	v25 =	vadd.s32 v63, v25;
	v60 =	vsel vm14, $0x1, v9;
	vm0 =	vmand vm0, vm8  }
0x451: {  	v25 =	vadd.s32 v60, v25;
	v62 =	vsel vm9, $0x1, v9;
	v60 =	vmctz.xlane vm0  }
0x452: {  	v25 =	vadd.s32 v62, v25;
	v62 =	vmov s3  }
0x453: {  	(xrf0) =	vadd.scan.msk.s32 $0xffff, v25;
	v25 =	vadd.s32 v59, v60  }
0x454: {  	v25 =	vadd.s32 s0, v25;
	_ =	sdelay $0x2  }
0x455: {  	[tilespmem:v62+s20+$0x0] =	vst.idx.msk $0x1, v52;
	v60 =	vadd.s32 v0, v25  }
0x456: {  	[tilespmem:v62+s21+$0x0] =	vst.idx.msk $0x1, v60  }
0x457: {  	[tilespmem:v25+s2+$0x0] =	vst.idx.msk $0x1, v37;
	v25, _, _ =	vpop (xrf0)  }
0x458: {  	(v2sf) =	vpush v25, $0xF;
	v25 =	vld.idx.msk [tilespmem:v61+s2+$0x0], $0xffff  }
0x459: {  	v58 =	vmax.f32 v58, $-1.000000000e+00  }
0x45a: {  	v58 =	vsel vm1, $0xBF800000, v58;
	v57 =	vsel vm5, $0xBF800000, v57  }
0x45b: {  	v56 =	vsel vm15, $0xBF800000, v56;
	v57 =	vmax.f32 v58, v57  }
0x45c: {  	v55 =	vsel vm14, $0xBF800000, v55;
	v56 =	vmax.f32 v57, v56;
	vm0 =	vmor vm13, vm4  }
0x45d: {  	v55 =	vmax.f32 v56, v55;
	v54 =	vsel vm0, $0xBF800000, v54;
	v25 =	vnsel vm8, $0xBF800000, v25  }
0x45e: {  	v54 =	vmax.f32 v55, v54;
	(xrf0) =	vmax.scan.msk.f32 $0xffff, v25  }
0x45f: {  	(xrf0) =	vmax.scan.msk.f32 $0xffff, v54;
	_ =	sdelay $0x4  }
0x460: {  	v25, _, _ =	vpop (xrf0)  }
0x461: {  	v63, _, _ =	vpop (xrf0)  }
0x462: {  	v55 =	vmax.f32 v63, v25  }
0x463: {  	s31 =	spop (v2sf);
	v55 =	vbroadcast v55, $0xF  }
0x464: {  	p1 =	sgt.s32 s31, $0x1  }
0x465: {  	v62 =	vadd.s32 s0, v53;
	v52 =	vpsel p1, v52, v55;
	p1 =	sne.s32 s3, $0x31  }
.Ltmp3:
0x466: {  	_ = 	snop;
	(pc) =	sbr.rel @p1 .LBB2_4-.Ltmp3, $4  }
0x467: {  	_ = 	snop  }
0x468: {  	v25 =	vbroadcast v25, $0xF  }
0x469: {  	vm0 =	veq.s32 v53, v3  }
0x46a: {  	[tilespmem:v62+s19+$0x0] =	vst.idx.msk $0x1, v25;
	s3 =	sadd.s32 $0x1, s3;
	v51 =	vsel vm0, v52, v51  }
0x46b: {  	[spmem:s11] =	stream.linear.scatter [tilespmem:s20], [sflag:$0x2], $0x40, $0x38;
	[tilespmem:$0x5200] =	vst v63  }
0x46c: {  	_ =	swait.ge [sflag:s6], $0x40  }
0x46d: {  	[sflag:s6] =	ssyncset.done $0x0  }
0x46e: {  	[sflag:s6] =	ssyncadd.s32 $0xFFFFFFC0  }
0x46f: {  	[spmem:s12] =	stream.linear.scatter [tilespmem:s21], [sflag:$0x2], $0x40, $0x38;
	[tilespmem:$0x5200] =	vst v63  }
.Ltmp4:
0x470: {  	_ =	swait.ge [sflag:s6], $0x40;
	(pc) =	sbr.rel @p0 .LBB2_9-.Ltmp4, $3  }
0x471: {  	[sflag:s6] =	ssyncset.done $0x0  }
0x472: {  	[sflag:s6] =	ssyncadd.s32 $0xFFFFFFC0  }
0x473: {  	[bflag:$0x0] =	sbarrier.arrive $0xFFFF;
	_ =	sdelay $0x1  }
0x474: {  	[dreg:$0x14] =	wrdreg s7  }
0x475: {  	[tilespmem:s22], [sflag:$0x2] =	stream.linear.gather [spmem:s11], $0x40, $0x38;
	[tilespmem:$0x5200] =	vst v63  }
0x476: {  	_ =	swait.ge [sflag:s6], $0x40  }
0x477: {  	[sflag:s6] =	ssyncset.done $0x0  }
0x478: {  	[sflag:s6] =	ssyncadd.s32 $0xFFFFFFC0  }
0x479: {  	[tilespmem:s23], [sflag:$0x2] =	stream.linear.gather [spmem:s12], $0x40, $0x38;
	[tilespmem:$0x5200] =	vst v63  }
0x47a: {  	_ =	swait.ge [sflag:s6], $0x40  }
0x47b: {  	[sflag:s6] =	ssyncset.done $0x0  }
0x47c: {  	s1 =	simm.s32 $0x4A40;
	s0 =	rddreg [dreg:$0xc];
	[sflag:s6] =	ssyncadd.s32 $0xFFFFFFC0  }
0x47d: {  	[tilespmem:s1], [sflag:$0x2] =	stream.linear.gather [spmem:s0], $0x40, $0x38;
	[tilespmem:$0x5200] =	vst v63  }
0x47e: {  	_ =	swait.ge [sflag:s6], $0x40  }
0x47f: {  	[sflag:s6] =	ssyncset.done $0x0  }
0x480: {  	s14 =	simm.s32 $0x4B40;
	s13 =	rddreg [dreg:$0xd];
	[sflag:s6] =	ssyncadd.s32 $0xFFFFFFC0  }
0x481: {  	[tilespmem:s14], [sflag:$0x2] =	stream.linear.gather [spmem:s13], $0x40, $0x38;
	[tilespmem:$0x5200] =	vst v63  }
0x482: {  	_ =	swait.ge [sflag:s6], $0x40  }
0x483: {  	[sflag:s6] =	ssyncset.done $0x0  }
0x484: {  	s16 =	simm.s32 $0x4A80;
	s15 =	rddreg [dreg:$0xe];
	[sflag:s6] =	ssyncadd.s32 $0xFFFFFFC0  }
0x485: {  	[tilespmem:s16], [sflag:$0x2] =	stream.linear.gather [spmem:s15], $0x40, $0x38;
	[tilespmem:$0x5200] =	vst v63  }
0x486: {  	_ =	swait.ge [sflag:s6], $0x40  }
0x487: {  	[sflag:s6] =	ssyncset.done $0x0  }
0x488: {  	s18 =	simm.s32 $0x4B80;
	s17 =	rddreg [dreg:$0xf];
	[sflag:s6] =	ssyncadd.s32 $0xFFFFFFC0  }
0x489: {  	[tilespmem:s18], [sflag:$0x2] =	stream.linear.gather [spmem:s17], $0x40, $0x38;
	[tilespmem:$0x5200] =	vst v63  }
0x48a: {  	_ =	swait.ge [sflag:s6], $0x40  }
0x48b: {  	[sflag:s6] =	ssyncset.done $0x0  }
0x48c: {  	s25 =	simm.s32 $0x4AC0;
	s24 =	rddreg [dreg:$0x10];
	[sflag:s6] =	ssyncadd.s32 $0xFFFFFFC0  }
0x48d: {  	v25 =	vimm.s32 $0x0;
	[tilespmem:s25], [sflag:$0x2] =	stream.linear.gather [spmem:s24], $0x40, $0x38;
	[tilespmem:$0x5200] =	vst v63  }
0x48e: {  	v51 =	vadd.s32 v47, v25;
	_ =	swait.ge [sflag:s6], $0x40  }
0x48f: {  	vm0 =	vlt.s32 v51, $0xFF;
	[sflag:s6] =	ssyncset.done $0x0  }
0x490: {  	s28 =	simm.s32 $0x4BC0;
	v51 =	vnsel vm0, $0xFF, v51;
	s26 =	rddreg [dreg:$0x11];
	[sflag:s6] =	ssyncadd.s32 $0xFFFFFFC0  }
0x491: {  	[tilespmem:s28], [sflag:$0x2] =	stream.linear.gather [spmem:s26], $0x40, $0x38;
	[tilespmem:$0x5200] =	vst v63  }
0x492: {  	_ =	swait.ge [sflag:s6], $0x40  }
0x493: {  	[sflag:s6] =	ssyncset.done $0x0  }
0x494: {  	[sflag:s6] =	ssyncadd.s32 $0xFFFFFFC0  }
0x495: {  	v51 =	vld.idx.msk [tilespmem:v51+s22+$0x0], $0xffff;
	_ =	sdelay $0x4  }
0x496: {  	v51 =	vnsel vm3, $0xBF800000, v51  }
0x497: {  	(xrf0) =	vmax.scan.msk.f32 $0xffff, v51;
	_ =	sdelay $0x5  }
0x498: {  	v52, _, _ =	vpop (xrf0)  }
0x499: {  	v52 =	vbroadcast v52, $0xF;
	_ =	sdelay $0x1  }
0x49a: {  	vm0 =	veq.f32 v51, v52  }
0x49b: {  	v51 =	vnsel vm0, $0xC0000000, v46  }
0x49c: {  	(xrf0) =	vmin.scan.msk.u32 $0xffff, v51;
	_ =	sdelay $0x5  }
0x49d: {  	v51, _, _ =	vpop (xrf0)  }
0x49e: {  	(v2sf) =	vpush v51, $0xF;
	_ =	sdelay $0xe  }
0x49f: {  	s29 =	spop (v2sf)  }
0x4a0: {  	s0 =	sxor.u32 $0x80000000, s29  }
0x4a1: {  	v61 =	vmov s0  }
0x4a2: {  	v53 =	vxor.u32 $0x80000000, v25;
	vm0 =	veq.s32 v61, v3  }
0x4a3: {  	v53 =	vnsel vm0, $0xC0000000, v53  }
0x4a4: {  	(xrf0) =	vmin.scan.msk.u32 $0xffff, v53;
	_ =	sdelay $0x5  }
0x4a5: {  	v53, _, _ =	vpop (xrf0)  }
0x4a6: {  	(v2sf) =	vpush v53, $0xF;
	_ =	sdelay $0xe  }
0x4a7: {  	s30 =	spop (v2sf)  }
0x4a8: {  	v51 =	vshll.u32 v61, $0x6;
	s0 =	sxor.u32 $0x80000000, s30  }
0x4a9: {  	v62 =	vadd.s32 s0, v51;
	_ =	sdelay $0x2  }
0x4aa: {  	v63 =	vsel vm0, $0x1, v9  }
0x4ab: {  	s31 =	simm.s32 $0x0;
	v51 =	vadd.s32 v63, v25  }
0x4ac: {  	s5 =	simm.s32 $0x1;
	s3 =	simm.s32 $0x2;
	v54 =	vmov s31;
	v55 =	vadd.s32 v47, v51;
	v53 =	vld.idx.msk [tilespmem:v62+s23+$0x0], $0xffff  }
.LBB2_7:
0x4ad: {  	p1 =	sne.s32 s3, $0x31;
	vm0 =	vlt.s32 v55, $0xFF  }
0x4ae: {  	v25 =	vnsel vm0, $0xFF, v55;
	_ =	sdelay $0x2  }
0x4af: {  	[tilespmem:v54+s20+$0x0] =	vst.idx.msk $0x1, v52  }
0x4b0: {  	[tilespmem:v54+s21+$0x0] =	vst.idx.msk $0x1, v53  }
0x4b1: {  	v25 =	vld.idx.msk [tilespmem:v25+s22+$0x0], $0xffff;
	_ =	sdelay $0x5  }
0x4b2: {  	v25 =	vnsel vm3, $0xBF800000, v25  }
0x4b3: {  	(xrf0) =	vmax.scan.msk.f32 $0xffff, v25;
	_ =	sdelay $0x5  }
0x4b4: {  	v52, _, _ =	vpop (xrf0)  }
0x4b5: {  	v52 =	vbroadcast v52, $0xF;
	_ =	sdelay $0x1  }
0x4b6: {  	vm0 =	veq.f32 v25, v52  }
0x4b7: {  	v25 =	vnsel vm0, $0xC0000000, v46  }
0x4b8: {  	(xrf0) =	vmin.scan.msk.u32 $0xffff, v25;
	_ =	sdelay $0x5  }
0x4b9: {  	v25, _, _ =	vpop (xrf0)  }
0x4ba: {  	(v2sf) =	vpush v25, $0xF;
	_ =	sdelay $0xe  }
0x4bb: {  	s0 =	spop (v2sf)  }
0x4bc: {  	s0 =	sxor.u32 $0x80000000, s0  }
0x4bd: {  	v25 =	vmov s0  }
0x4be: {  	v53 =	vxor.u32 $0x80000000, v51;
	vm0 =	veq.s32 v25, v3;
	v25 =	vshll.u32 v25, $0x6  }
0x4bf: {  	v53 =	vnsel vm0, $0xC0000000, v53;
	v54 =	vsel vm0, $0x1, v9  }
0x4c0: {  	v51 =	vadd.s32 v54, v51;
	(xrf0) =	vmin.scan.msk.u32 $0xffff, v53;
	_ =	sdelay $0x5  }
0x4c1: {  	v53, _, _ =	vpop (xrf0)  }
0x4c2: {  	(v2sf) =	vpush v53, $0xF;
	_ =	sdelay $0xe  }
0x4c3: {  	s0 =	spop (v2sf)  }
0x4c4: {  	s0 =	sxor.u32 $0x80000000, s0  }
0x4c5: {  	v25 =	vadd.s32 s0, v25  }
.Ltmp5:
0x4c6: {  	(pc) =	sbr.rel @p1 .LBB2_7-.Ltmp5, $2  }
0x4c7: {  	_ =	sdelay $0x2  }
0x4c8: {  	v54 =	vmov s5;
	s5 =	smov.u32 s3;
	s3 =	sadd.s32 $0x1, s3;
	v55 =	vadd.s32 v47, v51;
	v53 =	vld.idx.msk [tilespmem:v25+s23+$0x0], $0xffff  }
.Ltmp6:
0x4c9: {  	_ = 	snop;
	(pc) =	sbr.rel .LBB2_8-.Ltmp6, $1  }
0x4ca: {  	_ =	sdelay $0x3  }
.LBB2_10:
0x4cb: {  	_ =	sfence.sel $0x180000  }
0x4cc: {  	[bflag:$0x0] =	sbarrier.arrive $0xFFFF  }
0x4cd: {  	_ =	strace $0x90000047  }
0x4ce: {  	s0 =	stileid.u32;
	[bflag:$0x2] =	sbarrier.arrive $0xFFFF  }
0x4cf: {  	p0 =	sne.s32 s0, $0x0;
	s0 =	rddreg [dreg:$0x4]  }
0x4d0: {  	s0 =	sadd.s32 @!p0 $0x100000, s0  }
0x4d1: {  	[sflag:s0] =	ssyncadd.tile.s32 @!p0 $0x1;
	_ =	shalt  }
.Lfunc_end2:
_tile_overlayer_lowered:
.L_overlay_start_2:
0x4d2: {  	(tag) =	ssettag $0x2  }
0x4d3: {  	s0 =	rddreg [dreg:$0x0];
	s2 =	stileid.u32  }
0x4d4: {  	s1 =	rddreg [dreg:$0x1];
	p0 =	sne.s32 s2, $0x0  }
0x4d5: {  	s3 =	rddreg [dreg:$0x2];
	[bflag:$0x3] =	sbarrier.arrive $0xFFFF;
	s2 =	simm.s32 @!p0 $0x1C02  }
0x4d6: {  	[timem:s3], [sflag:s2] =	dma.local @!p0 [hbm:s0], s1  }
0x4d7: {  	s0 =	simm.s32 @!p0 $0x2  }
0x4d8: {  	_ =	swait.ge @!p0 [sflag:s0], s1  }
0x4d9: {  	s1 =	ssub.s32 @!p0 $0x0, s1;
	[sflag:s0] =	ssyncset.done @!p0 $0x0  }
0x4da: {  	[sflag:s0] =	ssyncadd.s32 @!p0 s1  }
0x4db: {  	[bflag:$0x3] =	sbarrier.arrive $0xFFFF  }
0x4dc: {  	_ =	shalt  }

</sc_bundles>
